<compile_context>
chip_gen: v7x
topology: tpu7x:2x2x1
jax: 0.10.2.dev20260603
libtpu: 0.0.44.dev20260713+nightly
codegen_flags: <defaults>
</compile_context>

<pallas_src>
import functools

import jax
import jax.numpy as jnp
from jax import lax
from jax.experimental import pallas as pl
from jax.experimental.pallas import tpu as pltpu
from jax.experimental.pallas import tpu_sc as plsc

_GAMMA = 24.0
_NC = 2
_NS = 16
_NW = _NC * _NS
_L = 16
_B = 4096
_NNEG = 128
_D = 64
_BW = _B // _NW
_NBUF = 4

_NE = 1000000
_CW = 256
_NCHUNK = _NE // _CW
_NTAIL = _NE - _NCHUNK * _CW
_TRIPS = 123


def _tr_body(src, tail, out, bufs, sts, tailbuf, in_sems, out_sems):
    wid = lax.axis_index("s") * _NC + lax.axis_index("c")
    iota = lax.iota(jnp.int32, _L)

    def chunk_of(it):
        c = wid + it * _NW
        return jnp.where(c < _NCHUNK, c, wid)

    def in_copy(it, k):
        c = chunk_of(it)
        return pltpu.make_async_copy(src.at[:, pl.ds(c * _CW, _CW)], bufs[k],
                                     in_sems[k])

    def out_copy(it, k):
        c = chunk_of(it)
        return pltpu.make_async_copy(sts[k],
                                     out.at[pl.ds(c * _CW * _D, _CW * _D)],
                                     out_sems[k])

    for k in range(3):
        in_copy(k, k).start()

    grp_e = [g * _L + iota for g in range(_CW // _L)]
    grp_base = [jax.lax.shift_left(e, 6) for e in grp_e]

    def transpose(k):
        def tbody(t, _):
            dvec = jnp.bitwise_and(t + iota, _D - 1)
            for g in range(_CW // _L):
                val = plsc.load_gather(bufs[k], [dvec, grp_e[g]])
                plsc.store_scatter(sts[k], [grp_base[g] + dvec], val)
            return 0
        lax.fori_loop(0, _D, tbody, 0, unroll=2)

    def step(j, _):
        for k in range(3):
            it = 3 * j + k
            in_copy(it, k).wait()

            @pl.when(j > 0)
            def _():
                out_copy(it - 3, k).wait()

            transpose(k)
            out_copy(it, k).start()

            @pl.when(it + 3 < _TRIPS)
            def _():
                in_copy(it + 3, k).start()
        return 0

    lax.fori_loop(0, _TRIPS // 3, step, 0)
    for k in range(3):
        out_copy(_TRIPS - 3 + k, k).wait()

    @pl.when(wid == 0)
    def _():
        pltpu.sync_copy(tail, tailbuf)
        pltpu.sync_copy(tailbuf,
                        out.at[pl.ds(_NCHUNK * _CW * _D, _NTAIL * _D)])


@functools.cache
def _build_tr():
    mesh = plsc.VectorSubcoreMesh(core_axis_name="c", subcore_axis_name="s")
    scratch = [
        [pltpu.VMEM((_D, _CW), jnp.float32) for _ in range(3)],
        [pltpu.VMEM((_CW * _D,), jnp.float32) for _ in range(3)],
        pltpu.VMEM((_NTAIL * _D,), jnp.float32),
        [pltpu.SemaphoreType.DMA for _ in range(3)],
        [pltpu.SemaphoreType.DMA for _ in range(3)],
    ]
    return pl.kernel(
        _tr_body,
        out_type=jax.ShapeDtypeStruct((_NE * _D,), jnp.float32),
        mesh=mesh,
        scratch_types=scratch,
        compiler_params=pltpu.CompilerParams(needs_layout_passes=False),
    )


def _gqe_body(ent, rel, pos_i, neg_i, qe_i, qr_i,
              pos_out, neg_out,
              qe_v, qr_v, pos_idx_v, neg_idx_v,
              q_rows, r_rows, pos_rows,
              bufs, out_pos_v, out_neg_v,
              sem_q, sem_r, sem_p, neg_sems):
    wid = lax.axis_index("s") * _NC + lax.axis_index("c")
    base = wid * _BW
    iota = lax.iota(jnp.int32, _L)

    pltpu.sync_copy(qe_i.at[pl.ds(base, _BW)], qe_v)
    pltpu.sync_copy(qr_i.at[pl.ds(base, _BW)], qr_v)
    pltpu.sync_copy(pos_i.at[pl.ds(base, _BW)], pos_idx_v)
    pltpu.sync_copy(neg_i.at[pl.ds(base, _BW)], neg_idx_v)

    cq = pltpu.make_async_copy(ent.at[qe_v], q_rows, sem_q)
    cr = pltpu.make_async_copy(rel.at[qr_v], r_rows, sem_r)
    cp = pltpu.make_async_copy(ent.at[pos_idx_v], pos_rows, sem_p)
    cq.start()
    cr.start()
    cp.start()

    def neg_copy(b, k):
        return pltpu.make_async_copy(ent.at[neg_idx_v.at[b]], bufs[k],
                                     neg_sems[k])

    for k in range(_NBUF):
        neg_copy(k, k).start()

    cq.wait()
    cr.wait()
    cp.wait()

    def add_rel(b, _):
        for s in range(_D // _L):
            sl = pl.ds(s * _L, _L)
            q_rows[b, sl] = q_rows[b, sl] + r_rows[b, sl]
        return 0
    lax.fori_loop(0, _BW, add_rel, 0)


    for g in range(_BW // _L):
        b_ids = g * _L + iota

        def pbody(d, acc):
            col = jnp.bitwise_and(d + iota, _D - 1)
            vals = plsc.load_gather(pos_rows, [b_ids, col])
            qv = plsc.load_gather(q_rows, [b_ids, col])
            return acc + jnp.abs(vals - qv)

        acc = lax.fori_loop(0, _D, pbody, jnp.zeros((_L,), jnp.float32),
                            unroll=4)
        out_pos_v[pl.ds(g * _L, _L)] = _GAMMA - acc

    n_grp = _NNEG // _L
    grp_rows = [g * _L + iota for g in range(n_grp)]

    def compute_batch(b, buf):
        bb = jnp.full((_L,), b, jnp.int32)

        def nbody(d, accs):
            col = jnp.bitwise_and(d + iota, _D - 1)
            qb = plsc.load_gather(q_rows, [bb, col])
            out = []
            for g in range(n_grp):
                vals = plsc.load_gather(buf, [grp_rows[g], col])
                out.append(accs[g] + jnp.abs(vals - qb))
            return tuple(out)

        accs = lax.fori_loop(
            0, _D, nbody,
            tuple(jnp.zeros((_L,), jnp.float32) for _ in range(n_grp)),
            unroll=2)
        for g in range(n_grp):
            out_neg_v[b, pl.ds(g * _L, _L)] = _GAMMA - accs[g]

    def outer(it, _):
        for k in range(_NBUF):
            b = it * _NBUF + k
            neg_copy(b, k).wait()
            compute_batch(b, bufs[k])

            @pl.when(b + _NBUF < _BW)
            def _():
                neg_copy(b + _NBUF, k).start()
        return 0

    lax.fori_loop(0, _BW // _NBUF, outer, 0)

    pltpu.sync_copy(out_pos_v, pos_out.at[pl.ds(base, _BW)])
    pltpu.sync_copy(out_neg_v, neg_out.at[pl.ds(base, _BW)])


@functools.cache
def _build():
    mesh = plsc.VectorSubcoreMesh(core_axis_name="c", subcore_axis_name="s")
    scratch = [
        pltpu.VMEM((_BW,), jnp.int32),
        pltpu.VMEM((_BW,), jnp.int32),
        pltpu.VMEM((_BW,), jnp.int32),
        pltpu.VMEM((_BW, _NNEG), jnp.int32),
        pltpu.VMEM((_BW, _D), jnp.float32),
        pltpu.VMEM((_BW, _D), jnp.float32),
        pltpu.VMEM((_BW, _D), jnp.float32),
        [pltpu.VMEM((_NNEG, _D), jnp.float32) for _ in range(_NBUF)],
        pltpu.VMEM((_BW,), jnp.float32),
        pltpu.VMEM((_BW, _NNEG), jnp.float32),
        pltpu.SemaphoreType.DMA,
        pltpu.SemaphoreType.DMA,
        pltpu.SemaphoreType.DMA,
        [pltpu.SemaphoreType.DMA for _ in range(_NBUF)],
    ]
    return pl.kernel(
        _gqe_body,
        out_type=(
            jax.ShapeDtypeStruct((_B,), jnp.float32),
            jax.ShapeDtypeStruct((_B, _NNEG), jnp.float32),
        ),
        mesh=mesh,
        scratch_types=scratch,
        compiler_params=pltpu.CompilerParams(needs_layout_passes=False,
                                             use_tc_tiling_on_sc=False),
    )


def kernel(entity_table, relation_table, positive_sample, negative_sample,
           q_entity, q_relation):
    tail = jnp.reshape(entity_table[_NCHUNK * _CW:], (_NTAIL * _D,))
    ent_flat = _build_tr()(entity_table.T, tail)
    ent_lin = jnp.reshape(ent_flat, (_NE, _D))
    return _build()(ent_lin, relation_table, positive_sample,
                    negative_sample, q_entity, q_relation)

# --- scband reference (transcript-rebuilt; emitter-appended) ---
"""Pipeline reference for scband-gqe-8014408975083 (READ-ONLY COPY).

The authoritative reference and input builder live on the scoring server;
editing this copy changes nothing except your own understanding.
"""

import jax, jax.numpy as jnp
import numpy as np

GAMMA = 24.0
NUM_ENTITIES = 1000000
NUM_RELATIONS = 1000
EMBED_DIM = 64
BATCH = 4096
N_NEG = 128


def setup_inputs(seed: int = 0) -> dict:
    key = jax.random.key(seed)
    k1, k2, k3, k4, k5, k6 = jax.random.split(key, 6)
    entity_table = jax.random.normal(k1, (NUM_ENTITIES, EMBED_DIM), dtype=jnp.float32) * 0.05
    relation_table = jax.random.normal(k2, (NUM_RELATIONS, EMBED_DIM), dtype=jnp.float32) * 0.05
    positive_sample = jax.random.randint(k3, (BATCH,), 0, NUM_ENTITIES, dtype=jnp.int32)
    negative_sample = jax.random.randint(k4, (BATCH, N_NEG), 0, NUM_ENTITIES, dtype=jnp.int32)
    q_entity = jax.random.randint(k5, (BATCH,), 0, NUM_ENTITIES, dtype=jnp.int32)
    q_relation = jax.random.randint(k6, (BATCH,), 0, NUM_RELATIONS, dtype=jnp.int32)
    return {
        "entity_table": entity_table,
        "relation_table": relation_table,
        "positive_sample": positive_sample,
        "negative_sample": negative_sample,
        "q_entity": q_entity,
        "q_relation": q_relation,
    }


def reference(entity_table, relation_table, positive_sample, negative_sample, q_entity, q_relation):
    # embed_query_vec for the 1p structure ('e', ('r',)):
    # query embedding = entity_embedding[anchor] + relation_embedding[rel]
    q = jnp.take(entity_table, q_entity, axis=0) + jnp.take(relation_table, q_relation, axis=0)  # (B, d)

    # logit(entity_emb, query_emb) = gamma - ||entity_emb - query_emb||_1
    pos_emb = jnp.take(entity_table, positive_sample, axis=0)  # (B, d)
    positive_logit = GAMMA - jnp.sum(jnp.abs(pos_emb - q), axis=-1)  # (B,)

    neg_flat = jnp.take(entity_table, negative_sample.reshape(-1), axis=0)
    neg_emb = neg_flat.reshape(negative_sample.shape[0], negative_sample.shape[1], -1)  # (B, Nneg, d)
    negative_logit = GAMMA - jnp.sum(jnp.abs(neg_emb - q[:, None, :]), axis=-1)  # (B, Nneg)

    return (positive_logit, negative_logit)

if __name__ == "__main__":
    import jax
    _d = setup_inputs()
    print(jax.jit(kernel)(*tuple(_d.values())))

</pallas_src>

<mosaic_0001>
#map = affine_map<(d0, d1) -> (0, 0)>
#map1 = affine_map<(d0, d1) -> (0)>
module attributes {stable_mosaic.version = 14 : i64} {
  func.func @_tr_body(%arg0: i32, %arg1: i32, %arg2: memref<64x1000000xf32, #tpu.memory_space<hbm>>, %arg3: memref<4096xf32, #tpu.memory_space<hbm>>, %arg4: memref<64000000xf32, #tpu.memory_space<hbm>>, %arg5: memref<64x256xf32, #tpu.memory_space<vmem>>, %arg6: memref<64x256xf32, #tpu.memory_space<vmem>>, %arg7: memref<64x256xf32, #tpu.memory_space<vmem>>, %arg8: memref<16384xf32, #tpu.memory_space<vmem>>, %arg9: memref<16384xf32, #tpu.memory_space<vmem>>, %arg10: memref<16384xf32, #tpu.memory_space<vmem>>, %arg11: memref<4096xf32, #tpu.memory_space<vmem>>, %arg12: memref<!tpu.dma_semaphore, #tpu.memory_space<semaphore_mem>>, %arg13: memref<!tpu.dma_semaphore, #tpu.memory_space<semaphore_mem>>, %arg14: memref<!tpu.dma_semaphore, #tpu.memory_space<semaphore_mem>>, %arg15: memref<!tpu.dma_semaphore, #tpu.memory_space<semaphore_mem>>, %arg16: memref<!tpu.dma_semaphore, #tpu.memory_space<semaphore_mem>>, %arg17: memref<!tpu.dma_semaphore, #tpu.memory_space<semaphore_mem>>) attributes {dimension_semantics = [#tpu.dimension_semantics<core_parallel>, #tpu.dimension_semantics<subcore_parallel>], iteration_bounds = array<i64: 2, 16>, scalar_prefetch = 0 : i64, scratch_operands = 13 : i64, tpu.core_type = #tpu.core_type<sc_vector_subcore>, window_params = [{transform_indices = #map}, {transform_indices = #map1}, {transform_indices = #map1}]} {
    %mul3A = arith.constant 2 : i32
    %mul3A_0 = arith.muli %arg1, %mul3A : i32
    %add3A = arith.addi %mul3A_0, %arg0 : i32
    %iota3A = tpu.iota {dimensions = array<i32: 0>} : vector<16xi32>
    %add3A_1 = arith.constant 0 : i32
    %add3A_2 = arith.addi %add3A, %add3A_1 : i32
    %lt3A = arith.constant 3906 : i32
    %lt3A_3 = arith.cmpi slt, %add3A_2, %lt3A : i32
    %select_n3A = arith.select %lt3A_3, %add3A_2, %add3A : i32
    %mul3A_4 = arith.constant 256 : i32
    %mul3A_5 = arith.muli %select_n3A, %mul3A_4 : i32
    %dma_start3A = arith.constant 0 : i32
    %dma_start3A_6 = tpu.memref_slice %arg2[%dma_start3A, %mul3A_5] : memref<64x1000000xf32, #tpu.memory_space<hbm>> -> memref<64x256xf32, #tpu.memory_space<hbm>>
    %dma_start3A_7 = arith.constant 0 : i32
    %dma_start3A_8 = tpu.memref_slice %arg2[%dma_start3A_7, %mul3A_5] : memref<64x1000000xf32, #tpu.memory_space<hbm>> -> memref<64x256xf32, #tpu.memory_space<hbm>>
    tpu.enqueue_dma source(%dma_start3A_8 : memref<64x256xf32, #tpu.memory_space<hbm>>) target(%arg5 : memref<64x256xf32, #tpu.memory_space<vmem>>) target_semaphore(%arg12 : memref<!tpu.dma_semaphore, #tpu.memory_space<semaphore_mem>>)
    %add3A_9 = arith.constant 32 : i32
    %add3A_10 = arith.addi %add3A, %add3A_9 : i32
    %lt3A_11 = arith.constant 3906 : i32
    %lt3A_12 = arith.cmpi slt, %add3A_10, %lt3A_11 : i32
    %select_n3A_13 = arith.select %lt3A_12, %add3A_10, %add3A : i32
    %mul3A_14 = arith.constant 256 : i32
    %mul3A_15 = arith.muli %select_n3A_13, %mul3A_14 : i32
    %dma_start3A_16 = arith.constant 0 : i32
    %dma_start3A_17 = tpu.memref_slice %arg2[%dma_start3A_16, %mul3A_15] : memref<64x1000000xf32, #tpu.memory_space<hbm>> -> memref<64x256xf32, #tpu.memory_space<hbm>>
    %dma_start3A_18 = arith.constant 0 : i32
    %dma_start3A_19 = tpu.memref_slice %arg2[%dma_start3A_18, %mul3A_15] : memref<64x1000000xf32, #tpu.memory_space<hbm>> -> memref<64x256xf32, #tpu.memory_space<hbm>>
    tpu.enqueue_dma source(%dma_start3A_19 : memref<64x256xf32, #tpu.memory_space<hbm>>) target(%arg6 : memref<64x256xf32, #tpu.memory_space<vmem>>) target_semaphore(%arg13 : memref<!tpu.dma_semaphore, #tpu.memory_space<semaphore_mem>>)
    %add3A_20 = arith.constant 64 : i32
    %add3A_21 = arith.addi %add3A, %add3A_20 : i32
    %lt3A_22 = arith.constant 3906 : i32
    %lt3A_23 = arith.cmpi slt, %add3A_21, %lt3A_22 : i32
    %select_n3A_24 = arith.select %lt3A_23, %add3A_21, %add3A : i32
    %mul3A_25 = arith.constant 256 : i32
    %mul3A_26 = arith.muli %select_n3A_24, %mul3A_25 : i32
    %dma_start3A_27 = arith.constant 0 : i32
    %dma_start3A_28 = tpu.memref_slice %arg2[%dma_start3A_27, %mul3A_26] : memref<64x1000000xf32, #tpu.memory_space<hbm>> -> memref<64x256xf32, #tpu.memory_space<hbm>>
    %dma_start3A_29 = arith.constant 0 : i32
    %dma_start3A_30 = tpu.memref_slice %arg2[%dma_start3A_29, %mul3A_26] : memref<64x1000000xf32, #tpu.memory_space<hbm>> -> memref<64x256xf32, #tpu.memory_space<hbm>>
    tpu.enqueue_dma source(%dma_start3A_30 : memref<64x256xf32, #tpu.memory_space<hbm>>) target(%arg7 : memref<64x256xf32, #tpu.memory_space<vmem>>) target_semaphore(%arg14 : memref<!tpu.dma_semaphore, #tpu.memory_space<semaphore_mem>>)
    %add3A_31 = arith.constant 0 : i32
    %add3A_32 = vector.broadcast %add3A_31 : i32 to vector<16xi32>
    %add3A_33 = arith.addi %add3A_32, %iota3A : vector<16xi32>
    %add3A_34 = arith.constant 16 : i32
    %add3A_35 = vector.broadcast %add3A_34 : i32 to vector<16xi32>
    %add3A_36 = arith.addi %add3A_35, %iota3A : vector<16xi32>
    %add3A_37 = arith.constant 32 : i32
    %add3A_38 = vector.broadcast %add3A_37 : i32 to vector<16xi32>
    %add3A_39 = arith.addi %add3A_38, %iota3A : vector<16xi32>
    %add3A_40 = arith.constant 48 : i32
    %add3A_41 = vector.broadcast %add3A_40 : i32 to vector<16xi32>
    %add3A_42 = arith.addi %add3A_41, %iota3A : vector<16xi32>
    %add3A_43 = arith.constant 64 : i32
    %add3A_44 = vector.broadcast %add3A_43 : i32 to vector<16xi32>
    %add3A_45 = arith.addi %add3A_44, %iota3A : vector<16xi32>
    %add3A_46 = arith.constant 80 : i32
    %add3A_47 = vector.broadcast %add3A_46 : i32 to vector<16xi32>
    %add3A_48 = arith.addi %add3A_47, %iota3A : vector<16xi32>
    %add3A_49 = arith.constant 96 : i32
    %add3A_50 = vector.broadcast %add3A_49 : i32 to vector<16xi32>
    %add3A_51 = arith.addi %add3A_50, %iota3A : vector<16xi32>
    %add3A_52 = arith.constant 112 : i32
    %add3A_53 = vector.broadcast %add3A_52 : i32 to vector<16xi32>
    %add3A_54 = arith.addi %add3A_53, %iota3A : vector<16xi32>
    %add3A_55 = arith.constant 128 : i32
    %add3A_56 = vector.broadcast %add3A_55 : i32 to vector<16xi32>
    %add3A_57 = arith.addi %add3A_56, %iota3A : vector<16xi32>
    %add3A_58 = arith.constant 144 : i32
    %add3A_59 = vector.broadcast %add3A_58 : i32 to vector<16xi32>
    %add3A_60 = arith.addi %add3A_59, %iota3A : vector<16xi32>
    %add3A_61 = arith.constant 160 : i32
    %add3A_62 = vector.broadcast %add3A_61 : i32 to vector<16xi32>
    %add3A_63 = arith.addi %add3A_62, %iota3A : vector<16xi32>
    %add3A_64 = arith.constant 176 : i32
    %add3A_65 = vector.broadcast %add3A_64 : i32 to vector<16xi32>
    %add3A_66 = arith.addi %add3A_65, %iota3A : vector<16xi32>
    %add3A_67 = arith.constant 192 : i32
    %add3A_68 = vector.broadcast %add3A_67 : i32 to vector<16xi32>
    %add3A_69 = arith.addi %add3A_68, %iota3A : vector<16xi32>
    %add3A_70 = arith.constant 208 : i32
    %add3A_71 = vector.broadcast %add3A_70 : i32 to vector<16xi32>
    %add3A_72 = arith.addi %add3A_71, %iota3A : vector<16xi32>
    %add3A_73 = arith.constant 224 : i32
    %add3A_74 = vector.broadcast %add3A_73 : i32 to vector<16xi32>
    %add3A_75 = arith.addi %add3A_74, %iota3A : vector<16xi32>
    %add3A_76 = arith.constant 240 : i32
    %add3A_77 = vector.broadcast %add3A_76 : i32 to vector<16xi32>
    %add3A_78 = arith.addi %add3A_77, %iota3A : vector<16xi32>
    %shift_left3A = arith.constant 6 : i32
    %shift_left3A_79 = vector.broadcast %shift_left3A : i32 to vector<16xi32>
    %shift_left3A_80 = arith.shli %add3A_33, %shift_left3A_79 : vector<16xi32>
    %shift_left3A_81 = arith.constant 6 : i32
    %shift_left3A_82 = vector.broadcast %shift_left3A_81 : i32 to vector<16xi32>
    %shift_left3A_83 = arith.shli %add3A_36, %shift_left3A_82 : vector<16xi32>
    %shift_left3A_84 = arith.constant 6 : i32
    %shift_left3A_85 = vector.broadcast %shift_left3A_84 : i32 to vector<16xi32>
    %shift_left3A_86 = arith.shli %add3A_39, %shift_left3A_85 : vector<16xi32>
    %shift_left3A_87 = arith.constant 6 : i32
    %shift_left3A_88 = vector.broadcast %shift_left3A_87 : i32 to vector<16xi32>
    %shift_left3A_89 = arith.shli %add3A_42, %shift_left3A_88 : vector<16xi32>
    %shift_left3A_90 = arith.constant 6 : i32
    %shift_left3A_91 = vector.broadcast %shift_left3A_90 : i32 to vector<16xi32>
    %shift_left3A_92 = arith.shli %add3A_45, %shift_left3A_91 : vector<16xi32>
    %shift_left3A_93 = arith.constant 6 : i32
    %shift_left3A_94 = vector.broadcast %shift_left3A_93 : i32 to vector<16xi32>
    %shift_left3A_95 = arith.shli %add3A_48, %shift_left3A_94 : vector<16xi32>
    %shift_left3A_96 = arith.constant 6 : i32
    %shift_left3A_97 = vector.broadcast %shift_left3A_96 : i32 to vector<16xi32>
    %shift_left3A_98 = arith.shli %add3A_51, %shift_left3A_97 : vector<16xi32>
    %shift_left3A_99 = arith.constant 6 : i32
    %shift_left3A_100 = vector.broadcast %shift_left3A_99 : i32 to vector<16xi32>
    %shift_left3A_101 = arith.shli %add3A_54, %shift_left3A_100 : vector<16xi32>
    %shift_left3A_102 = arith.constant 6 : i32
    %shift_left3A_103 = vector.broadcast %shift_left3A_102 : i32 to vector<16xi32>
    %shift_left3A_104 = arith.shli %add3A_57, %shift_left3A_103 : vector<16xi32>
    %shift_left3A_105 = arith.constant 6 : i32
    %shift_left3A_106 = vector.broadcast %shift_left3A_105 : i32 to vector<16xi32>
    %shift_left3A_107 = arith.shli %add3A_60, %shift_left3A_106 : vector<16xi32>
    %shift_left3A_108 = arith.constant 6 : i32
    %shift_left3A_109 = vector.broadcast %shift_left3A_108 : i32 to vector<16xi32>
    %shift_left3A_110 = arith.shli %add3A_63, %shift_left3A_109 : vector<16xi32>
    %shift_left3A_111 = arith.constant 6 : i32
    %shift_left3A_112 = vector.broadcast %shift_left3A_111 : i32 to vector<16xi32>
    %shift_left3A_113 = arith.shli %add3A_66, %shift_left3A_112 : vector<16xi32>
    %shift_left3A_114 = arith.constant 6 : i32
    %shift_left3A_115 = vector.broadcast %shift_left3A_114 : i32 to vector<16xi32>
    %shift_left3A_116 = arith.shli %add3A_69, %shift_left3A_115 : vector<16xi32>
    %shift_left3A_117 = arith.constant 6 : i32
    %shift_left3A_118 = vector.broadcast %shift_left3A_117 : i32 to vector<16xi32>
    %shift_left3A_119 = arith.shli %add3A_72, %shift_left3A_118 : vector<16xi32>
    %shift_left3A_120 = arith.constant 6 : i32
    %shift_left3A_121 = vector.broadcast %shift_left3A_120 : i32 to vector<16xi32>
    %shift_left3A_122 = arith.shli %add3A_75, %shift_left3A_121 : vector<16xi32>
    %shift_left3A_123 = arith.constant 6 : i32
    %shift_left3A_124 = vector.broadcast %shift_left3A_123 : i32 to vector<16xi32>
    %shift_left3A_125 = arith.shli %add3A_78, %shift_left3A_124 : vector<16xi32>
    %scan3A = arith.constant 0 : i32
    %scan3A_126 = arith.constant 0 : i32
    %scan3A_127 = arith.constant 41 : i32
    %scan3A_128 = arith.addi %scan3A_126, %scan3A_127 : i32
    %scan3A_129 = arith.constant 1 : i32
    %scan3A_130 = scf.for %scan3A_166 = %scan3A_126 to %scan3A_128 step %scan3A_129 iter_args(%scan3A_167 = %scan3A) -> (i32)  : i32 {
      %mul3A_168 = arith.constant 3 : i32
      %mul3A_169 = arith.muli %mul3A_168, %scan3A_166 : i32
      %add3A_170 = arith.constant 0 : i32
      %add3A_171 = arith.addi %mul3A_169, %add3A_170 : i32
      %mul3A_172 = arith.constant 32 : i32
      %mul3A_173 = arith.muli %add3A_171, %mul3A_172 : i32
      %add3A_174 = arith.addi %add3A, %mul3A_173 : i32
      %lt3A_175 = arith.constant 3906 : i32
      %lt3A_176 = arith.cmpi slt, %add3A_174, %lt3A_175 : i32
      %select_n3A_177 = arith.select %lt3A_176, %add3A_174, %add3A : i32
      %mul3A_178 = arith.constant 256 : i32
      %mul3A_179 = arith.muli %select_n3A_177, %mul3A_178 : i32
      %dma_wait3A_180 = arith.constant 0 : i32
      %dma_wait3A_181 = tpu.memref_slice %arg2[%dma_wait3A_180, %mul3A_179] : memref<64x1000000xf32, #tpu.memory_space<hbm>> -> memref<64x256xf32, #tpu.memory_space<hbm>>
      %dma_wait3A_182 = arith.constant 0 : i32
      %dma_wait3A_183 = tpu.memref_slice %arg2[%dma_wait3A_182, %mul3A_179] : memref<64x1000000xf32, #tpu.memory_space<hbm>> -> memref<64x256xf32, #tpu.memory_space<hbm>>
      tpu.wait_dma2 semaphore(%arg12 : memref<!tpu.dma_semaphore, #tpu.memory_space<semaphore_mem>>) src(%dma_wait3A_183 : memref<64x256xf32, #tpu.memory_space<hbm>>) dst(%arg5 : memref<64x256xf32, #tpu.memory_space<vmem>>)
      %gt3A = arith.constant 0 : i32
      %gt3A_184 = arith.cmpi sgt, %scan3A_166, %gt3A : i32
      %convert_element_type3A_185 = arith.extui %gt3A_184 : i1 to i32
      %cond3A_186 = arith.constant 0 : i32
      %cond3A_187 = arith.cmpi ne, %convert_element_type3A_185, %cond3A_186 : i32
      scf.if %cond3A_187 {
        %sub3A = arith.constant 3 : i32
        %sub3A_309 = arith.subi %add3A_171, %sub3A : i32
        %mul3A_310 = arith.constant 32 : i32
        %mul3A_311 = arith.muli %sub3A_309, %mul3A_310 : i32
        %add3A_312 = arith.addi %add3A, %mul3A_311 : i32
        %lt3A_313 = arith.constant 3906 : i32
        %lt3A_314 = arith.cmpi slt, %add3A_312, %lt3A_313 : i32
        %select_n3A_315 = arith.select %lt3A_314, %add3A_312, %add3A : i32
        %mul3A_316 = arith.constant 256 : i32
        %mul3A_317 = arith.muli %select_n3A_315, %mul3A_316 : i32
        %mul3A_318 = arith.constant 64 : i32
        %mul3A_319 = arith.muli %mul3A_317, %mul3A_318 : i32
        %dma_wait3A_320 = tpu.memref_slice %arg4[%mul3A_319] : memref<64000000xf32, #tpu.memory_space<hbm>> -> memref<16384xf32, #tpu.memory_space<hbm>>
        %dma_wait3A_321 = tpu.memref_slice %arg4[%mul3A_319] : memref<64000000xf32, #tpu.memory_space<hbm>> -> memref<16384xf32, #tpu.memory_space<hbm>>
        tpu.wait_dma2 semaphore(%arg15 : memref<!tpu.dma_semaphore, #tpu.memory_space<semaphore_mem>>) src(%arg8 : memref<16384xf32, #tpu.memory_space<vmem>>) dst(%dma_wait3A_321 : memref<16384xf32, #tpu.memory_space<hbm>>)
      } else {
      }
      %scan3A_188 = arith.constant 0 : i32
      %scan3A_189 = arith.constant 0 : i32
      %scan3A_190 = arith.constant 64 : i32
      %scan3A_191 = arith.addi %scan3A_189, %scan3A_190 : i32
      %scan3A_192 = arith.constant 2 : i32
      %scan3A_193 = scf.for %scan3A_309 = %scan3A_189 to %scan3A_191 step %scan3A_192 iter_args(%scan3A_310 = %scan3A_188) -> (i32)  : i32 {
        %add3A_311 = vector.broadcast %scan3A_309 : i32 to vector<16xi32>
        %add3A_312 = arith.addi %add3A_311, %iota3A : vector<16xi32>
        %and3A = arith.constant 63 : i32
        %and3A_313 = vector.broadcast %and3A : i32 to vector<16xi32>
        %and3A_314 = arith.andi %add3A_312, %and3A_313 : vector<16xi32>
        %gather3A = tpu.vector_load_idx %arg5[%and3A_314, %add3A_33] : memref<64x256xf32, #tpu.memory_space<vmem>>[vector<16xi32>, vector<16xi32>], vector<16xf32>,
        %add3A_315 = arith.addi %shift_left3A_80, %and3A_314 : vector<16xi32>
        tpu.vector_store_idx %arg8[%add3A_315], %gather3A : memref<16384xf32, #tpu.memory_space<vmem>>[vector<16xi32>], vector<16xf32>,
        %gather3A_316 = tpu.vector_load_idx %arg5[%and3A_314, %add3A_36] : memref<64x256xf32, #tpu.memory_space<vmem>>[vector<16xi32>, vector<16xi32>], vector<16xf32>,
        %add3A_317 = arith.addi %shift_left3A_83, %and3A_314 : vector<16xi32>
        tpu.vector_store_idx %arg8[%add3A_317], %gather3A_316 : memref<16384xf32, #tpu.memory_space<vmem>>[vector<16xi32>], vector<16xf32>,
        %gather3A_318 = tpu.vector_load_idx %arg5[%and3A_314, %add3A_39] : memref<64x256xf32, #tpu.memory_space<vmem>>[vector<16xi32>, vector<16xi32>], vector<16xf32>,
        %add3A_319 = arith.addi %shift_left3A_86, %and3A_314 : vector<16xi32>
        tpu.vector_store_idx %arg8[%add3A_319], %gather3A_318 : memref<16384xf32, #tpu.memory_space<vmem>>[vector<16xi32>], vector<16xf32>,
        %gather3A_320 = tpu.vector_load_idx %arg5[%and3A_314, %add3A_42] : memref<64x256xf32, #tpu.memory_space<vmem>>[vector<16xi32>, vector<16xi32>], vector<16xf32>,
        %add3A_321 = arith.addi %shift_left3A_89, %and3A_314 : vector<16xi32>
        tpu.vector_store_idx %arg8[%add3A_321], %gather3A_320 : memref<16384xf32, #tpu.memory_space<vmem>>[vector<16xi32>], vector<16xf32>,
        %gather3A_322 = tpu.vector_load_idx %arg5[%and3A_314, %add3A_45] : memref<64x256xf32, #tpu.memory_space<vmem>>[vector<16xi32>, vector<16xi32>], vector<16xf32>,
        %add3A_323 = arith.addi %shift_left3A_92, %and3A_314 : vector<16xi32>
        tpu.vector_store_idx %arg8[%add3A_323], %gather3A_322 : memref<16384xf32, #tpu.memory_space<vmem>>[vector<16xi32>], vector<16xf32>,
        %gather3A_324 = tpu.vector_load_idx %arg5[%and3A_314, %add3A_48] : memref<64x256xf32, #tpu.memory_space<vmem>>[vector<16xi32>, vector<16xi32>], vector<16xf32>,
        %add3A_325 = arith.addi %shift_left3A_95, %and3A_314 : vector<16xi32>
        tpu.vector_store_idx %arg8[%add3A_325], %gather3A_324 : memref<16384xf32, #tpu.memory_space<vmem>>[vector<16xi32>], vector<16xf32>,
        %gather3A_326 = tpu.vector_load_idx %arg5[%and3A_314, %add3A_51] : memref<64x256xf32, #tpu.memory_space<vmem>>[vector<16xi32>, vector<16xi32>], vector<16xf32>,
        %add3A_327 = arith.addi %shift_left3A_98, %and3A_314 : vector<16xi32>
        tpu.vector_store_idx %arg8[%add3A_327], %gather3A_326 : memref<16384xf32, #tpu.memory_space<vmem>>[vector<16xi32>], vector<16xf32>,
        %gather3A_328 = tpu.vector_load_idx %arg5[%and3A_314, %add3A_54] : memref<64x256xf32, #tpu.memory_space<vmem>>[vector<16xi32>, vector<16xi32>], vector<16xf32>,
        %add3A_329 = arith.addi %shift_left3A_101, %and3A_314 : vector<16xi32>
        tpu.vector_store_idx %arg8[%add3A_329], %gather3A_328 : memref<16384xf32, #tpu.memory_space<vmem>>[vector<16xi32>], vector<16xf32>,
        %gather3A_330 = tpu.vector_load_idx %arg5[%and3A_314, %add3A_57] : memref<64x256xf32, #tpu.memory_space<vmem>>[vector<16xi32>, vector<16xi32>], vector<16xf32>,
        %add3A_331 = arith.addi %shift_left3A_104, %and3A_314 : vector<16xi32>
        tpu.vector_store_idx %arg8[%add3A_331], %gather3A_330 : memref<16384xf32, #tpu.memory_space<vmem>>[vector<16xi32>], vector<16xf32>,
        %gather3A_332 = tpu.vector_load_idx %arg5[%and3A_314, %add3A_60] : memref<64x256xf32, #tpu.memory_space<vmem>>[vector<16xi32>, vector<16xi32>], vector<16xf32>,
        %add3A_333 = arith.addi %shift_left3A_107, %and3A_314 : vector<16xi32>
        tpu.vector_store_idx %arg8[%add3A_333], %gather3A_332 : memref<16384xf32, #tpu.memory_space<vmem>>[vector<16xi32>], vector<16xf32>,
        %gather3A_334 = tpu.vector_load_idx %arg5[%and3A_314, %add3A_63] : memref<64x256xf32, #tpu.memory_space<vmem>>[vector<16xi32>, vector<16xi32>], vector<16xf32>,
        %add3A_335 = arith.addi %shift_left3A_110, %and3A_314 : vector<16xi32>
        tpu.vector_store_idx %arg8[%add3A_335], %gather3A_334 : memref<16384xf32, #tpu.memory_space<vmem>>[vector<16xi32>], vector<16xf32>,
        %gather3A_336 = tpu.vector_load_idx %arg5[%and3A_314, %add3A_66] : memref<64x256xf32, #tpu.memory_space<vmem>>[vector<16xi32>, vector<16xi32>], vector<16xf32>,
        %add3A_337 = arith.addi %shift_left3A_113, %and3A_314 : vector<16xi32>
        tpu.vector_store_idx %arg8[%add3A_337], %gather3A_336 : memref<16384xf32, #tpu.memory_space<vmem>>[vector<16xi32>], vector<16xf32>,
        %gather3A_338 = tpu.vector_load_idx %arg5[%and3A_314, %add3A_69] : memref<64x256xf32, #tpu.memory_space<vmem>>[vector<16xi32>, vector<16xi32>], vector<16xf32>,
        %add3A_339 = arith.addi %shift_left3A_116, %and3A_314 : vector<16xi32>
        tpu.vector_store_idx %arg8[%add3A_339], %gather3A_338 : memref<16384xf32, #tpu.memory_space<vmem>>[vector<16xi32>], vector<16xf32>,
        %gather3A_340 = tpu.vector_load_idx %arg5[%and3A_314, %add3A_72] : memref<64x256xf32, #tpu.memory_space<vmem>>[vector<16xi32>, vector<16xi32>], vector<16xf32>,
        %add3A_341 = arith.addi %shift_left3A_119, %and3A_314 : vector<16xi32>
        tpu.vector_store_idx %arg8[%add3A_341], %gather3A_340 : memref<16384xf32, #tpu.memory_space<vmem>>[vector<16xi32>], vector<16xf32>,
        %gather3A_342 = tpu.vector_load_idx %arg5[%and3A_314, %add3A_75] : memref<64x256xf32, #tpu.memory_space<vmem>>[vector<16xi32>, vector<16xi32>], vector<16xf32>,
        %add3A_343 = arith.addi %shift_left3A_122, %and3A_314 : vector<16xi32>
        tpu.vector_store_idx %arg8[%add3A_343], %gather3A_342 : memref<16384xf32, #tpu.memory_space<vmem>>[vector<16xi32>], vector<16xf32>,
        %gather3A_344 = tpu.vector_load_idx %arg5[%and3A_314, %add3A_78] : memref<64x256xf32, #tpu.memory_space<vmem>>[vector<16xi32>, vector<16xi32>], vector<16xf32>,
        %add3A_345 = arith.addi %shift_left3A_125, %and3A_314 : vector<16xi32>
        tpu.vector_store_idx %arg8[%add3A_345], %gather3A_344 : memref<16384xf32, #tpu.memory_space<vmem>>[vector<16xi32>], vector<16xf32>,
        %scan3A_346 = arith.constant 0 : i32
        %scan3A_347 = arith.constant 1 : i32
        %scan3A_348 = arith.addi %scan3A_309, %scan3A_347 : i32
        %add3A_349 = vector.broadcast %scan3A_348 : i32 to vector<16xi32>
        %add3A_350 = arith.addi %add3A_349, %iota3A : vector<16xi32>
        %and3A_351 = arith.constant 63 : i32
        %and3A_352 = vector.broadcast %and3A_351 : i32 to vector<16xi32>
        %and3A_353 = arith.andi %add3A_350, %and3A_352 : vector<16xi32>
        %gather3A_354 = tpu.vector_load_idx %arg5[%and3A_353, %add3A_33] : memref<64x256xf32, #tpu.memory_space<vmem>>[vector<16xi32>, vector<16xi32>], vector<16xf32>,
        %add3A_355 = arith.addi %shift_left3A_80, %and3A_353 : vector<16xi32>
        tpu.vector_store_idx %arg8[%add3A_355], %gather3A_354 : memref<16384xf32, #tpu.memory_space<vmem>>[vector<16xi32>], vector<16xf32>,
        %gather3A_356 = tpu.vector_load_idx %arg5[%and3A_353, %add3A_36] : memref<64x256xf32, #tpu.memory_space<vmem>>[vector<16xi32>, vector<16xi32>], vector<16xf32>,
        %add3A_357 = arith.addi %shift_left3A_83, %and3A_353 : vector<16xi32>
        tpu.vector_store_idx %arg8[%add3A_357], %gather3A_356 : memref<16384xf32, #tpu.memory_space<vmem>>[vector<16xi32>], vector<16xf32>,
        %gather3A_358 = tpu.vector_load_idx %arg5[%and3A_353, %add3A_39] : memref<64x256xf32, #tpu.memory_space<vmem>>[vector<16xi32>, vector<16xi32>], vector<16xf32>,
        %add3A_359 = arith.addi %shift_left3A_86, %and3A_353 : vector<16xi32>
        tpu.vector_store_idx %arg8[%add3A_359], %gather3A_358 : memref<16384xf32, #tpu.memory_space<vmem>>[vector<16xi32>], vector<16xf32>,
        %gather3A_360 = tpu.vector_load_idx %arg5[%and3A_353, %add3A_42] : memref<64x256xf32, #tpu.memory_space<vmem>>[vector<16xi32>, vector<16xi32>], vector<16xf32>,
        %add3A_361 = arith.addi %shift_left3A_89, %and3A_353 : vector<16xi32>
        tpu.vector_store_idx %arg8[%add3A_361], %gather3A_360 : memref<16384xf32, #tpu.memory_space<vmem>>[vector<16xi32>], vector<16xf32>,
        %gather3A_362 = tpu.vector_load_idx %arg5[%and3A_353, %add3A_45] : memref<64x256xf32, #tpu.memory_space<vmem>>[vector<16xi32>, vector<16xi32>], vector<16xf32>,
        %add3A_363 = arith.addi %shift_left3A_92, %and3A_353 : vector<16xi32>
        tpu.vector_store_idx %arg8[%add3A_363], %gather3A_362 : memref<16384xf32, #tpu.memory_space<vmem>>[vector<16xi32>], vector<16xf32>,
        %gather3A_364 = tpu.vector_load_idx %arg5[%and3A_353, %add3A_48] : memref<64x256xf32, #tpu.memory_space<vmem>>[vector<16xi32>, vector<16xi32>], vector<16xf32>,
        %add3A_365 = arith.addi %shift_left3A_95, %and3A_353 : vector<16xi32>
        tpu.vector_store_idx %arg8[%add3A_365], %gather3A_364 : memref<16384xf32, #tpu.memory_space<vmem>>[vector<16xi32>], vector<16xf32>,
        %gather3A_366 = tpu.vector_load_idx %arg5[%and3A_353, %add3A_51] : memref<64x256xf32, #tpu.memory_space<vmem>>[vector<16xi32>, vector<16xi32>], vector<16xf32>,
        %add3A_367 = arith.addi %shift_left3A_98, %and3A_353 : vector<16xi32>
        tpu.vector_store_idx %arg8[%add3A_367], %gather3A_366 : memref<16384xf32, #tpu.memory_space<vmem>>[vector<16xi32>], vector<16xf32>,
        %gather3A_368 = tpu.vector_load_idx %arg5[%and3A_353, %add3A_54] : memref<64x256xf32, #tpu.memory_space<vmem>>[vector<16xi32>, vector<16xi32>], vector<16xf32>,
        %add3A_369 = arith.addi %shift_left3A_101, %and3A_353 : vector<16xi32>
        tpu.vector_store_idx %arg8[%add3A_369], %gather3A_368 : memref<16384xf32, #tpu.memory_space<vmem>>[vector<16xi32>], vector<16xf32>,
        %gather3A_370 = tpu.vector_load_idx %arg5[%and3A_353, %add3A_57] : memref<64x256xf32, #tpu.memory_space<vmem>>[vector<16xi32>, vector<16xi32>], vector<16xf32>,
        %add3A_371 = arith.addi %shift_left3A_104, %and3A_353 : vector<16xi32>
        tpu.vector_store_idx %arg8[%add3A_371], %gather3A_370 : memref<16384xf32, #tpu.memory_space<vmem>>[vector<16xi32>], vector<16xf32>,
        %gather3A_372 = tpu.vector_load_idx %arg5[%and3A_353, %add3A_60] : memref<64x256xf32, #tpu.memory_space<vmem>>[vector<16xi32>, vector<16xi32>], vector<16xf32>,
        %add3A_373 = arith.addi %shift_left3A_107, %and3A_353 : vector<16xi32>
        tpu.vector_store_idx %arg8[%add3A_373], %gather3A_372 : memref<16384xf32, #tpu.memory_space<vmem>>[vector<16xi32>], vector<16xf32>,
        %gather3A_374 = tpu.vector_load_idx %arg5[%and3A_353, %add3A_63] : memref<64x256xf32, #tpu.memory_space<vmem>>[vector<16xi32>, vector<16xi32>], vector<16xf32>,
        %add3A_375 = arith.addi %shift_left3A_110, %and3A_353 : vector<16xi32>
        tpu.vector_store_idx %arg8[%add3A_375], %gather3A_374 : memref<16384xf32, #tpu.memory_space<vmem>>[vector<16xi32>], vector<16xf32>,
        %gather3A_376 = tpu.vector_load_idx %arg5[%and3A_353, %add3A_66] : memref<64x256xf32, #tpu.memory_space<vmem>>[vector<16xi32>, vector<16xi32>], vector<16xf32>,
        %add3A_377 = arith.addi %shift_left3A_113, %and3A_353 : vector<16xi32>
        tpu.vector_store_idx %arg8[%add3A_377], %gather3A_376 : memref<16384xf32, #tpu.memory_space<vmem>>[vector<16xi32>], vector<16xf32>,
        %gather3A_378 = tpu.vector_load_idx %arg5[%and3A_353, %add3A_69] : memref<64x256xf32, #tpu.memory_space<vmem>>[vector<16xi32>, vector<16xi32>], vector<16xf32>,
        %add3A_379 = arith.addi %shift_left3A_116, %and3A_353 : vector<16xi32>
        tpu.vector_store_idx %arg8[%add3A_379], %gather3A_378 : memref<16384xf32, #tpu.memory_space<vmem>>[vector<16xi32>], vector<16xf32>,
        %gather3A_380 = tpu.vector_load_idx %arg5[%and3A_353, %add3A_72] : memref<64x256xf32, #tpu.memory_space<vmem>>[vector<16xi32>, vector<16xi32>], vector<16xf32>,
        %add3A_381 = arith.addi %shift_left3A_119, %and3A_353 : vector<16xi32>
        tpu.vector_store_idx %arg8[%add3A_381], %gather3A_380 : memref<16384xf32, #tpu.memory_space<vmem>>[vector<16xi32>], vector<16xf32>,
        %gather3A_382 = tpu.vector_load_idx %arg5[%and3A_353, %add3A_75] : memref<64x256xf32, #tpu.memory_space<vmem>>[vector<16xi32>, vector<16xi32>], vector<16xf32>,
        %add3A_383 = arith.addi %shift_left3A_122, %and3A_353 : vector<16xi32>
        tpu.vector_store_idx %arg8[%add3A_383], %gather3A_382 : memref<16384xf32, #tpu.memory_space<vmem>>[vector<16xi32>], vector<16xf32>,
        %gather3A_384 = tpu.vector_load_idx %arg5[%and3A_353, %add3A_78] : memref<64x256xf32, #tpu.memory_space<vmem>>[vector<16xi32>, vector<16xi32>], vector<16xf32>,
        %add3A_385 = arith.addi %shift_left3A_125, %and3A_353 : vector<16xi32>
        tpu.vector_store_idx %arg8[%add3A_385], %gather3A_384 : memref<16384xf32, #tpu.memory_space<vmem>>[vector<16xi32>], vector<16xf32>,
        %scan3A_386 = arith.constant 0 : i32
        scf.yield %scan3A_386 : i32
      }
      %scan3A_194 = arith.constant 64 : i32
      %mul3A_195 = arith.constant 32 : i32
      %mul3A_196 = arith.muli %add3A_171, %mul3A_195 : i32
      %add3A_197 = arith.addi %add3A, %mul3A_196 : i32
      %lt3A_198 = arith.constant 3906 : i32
      %lt3A_199 = arith.cmpi slt, %add3A_197, %lt3A_198 : i32
      %select_n3A_200 = arith.select %lt3A_199, %add3A_197, %add3A : i32
      %mul3A_201 = arith.constant 256 : i32
      %mul3A_202 = arith.muli %select_n3A_200, %mul3A_201 : i32
      %mul3A_203 = arith.constant 64 : i32
      %mul3A_204 = arith.muli %mul3A_202, %mul3A_203 : i32
      %dma_start3A_205 = tpu.memref_slice %arg4[%mul3A_204] : memref<64000000xf32, #tpu.memory_space<hbm>> -> memref<16384xf32, #tpu.memory_space<hbm>>
      %dma_start3A_206 = tpu.memref_slice %arg4[%mul3A_204] : memref<64000000xf32, #tpu.memory_space<hbm>> -> memref<16384xf32, #tpu.memory_space<hbm>>
      tpu.enqueue_dma source(%arg8 : memref<16384xf32, #tpu.memory_space<vmem>>) target(%dma_start3A_206 : memref<16384xf32, #tpu.memory_space<hbm>>) target_semaphore(%arg15 : memref<!tpu.dma_semaphore, #tpu.memory_space<semaphore_mem>>)
      %add3A_207 = arith.constant 3 : i32
      %add3A_208 = arith.addi %add3A_171, %add3A_207 : i32
      %lt3A_209 = arith.constant 123 : i32
      %lt3A_210 = arith.cmpi slt, %add3A_208, %lt3A_209 : i32
      %convert_element_type3A_211 = arith.extui %lt3A_210 : i1 to i32
      %cond3A_212 = arith.constant 0 : i32
      %cond3A_213 = arith.cmpi ne, %convert_element_type3A_211, %cond3A_212 : i32
      scf.if %cond3A_213 {
        %add3A_309 = arith.constant 3 : i32
        %add3A_310 = arith.addi %add3A_171, %add3A_309 : i32
        %mul3A_311 = arith.constant 32 : i32
        %mul3A_312 = arith.muli %add3A_310, %mul3A_311 : i32
        %add3A_313 = arith.addi %add3A, %mul3A_312 : i32
        %lt3A_314 = arith.constant 3906 : i32
        %lt3A_315 = arith.cmpi slt, %add3A_313, %lt3A_314 : i32
        %select_n3A_316 = arith.select %lt3A_315, %add3A_313, %add3A : i32
        %mul3A_317 = arith.constant 256 : i32
        %mul3A_318 = arith.muli %select_n3A_316, %mul3A_317 : i32
        %dma_start3A_319 = arith.constant 0 : i32
        %dma_start3A_320 = tpu.memref_slice %arg2[%dma_start3A_319, %mul3A_318] : memref<64x1000000xf32, #tpu.memory_space<hbm>> -> memref<64x256xf32, #tpu.memory_space<hbm>>
        %dma_start3A_321 = arith.constant 0 : i32
        %dma_start3A_322 = tpu.memref_slice %arg2[%dma_start3A_321, %mul3A_318] : memref<64x1000000xf32, #tpu.memory_space<hbm>> -> memref<64x256xf32, #tpu.memory_space<hbm>>
        tpu.enqueue_dma source(%dma_start3A_322 : memref<64x256xf32, #tpu.memory_space<hbm>>) target(%arg5 : memref<64x256xf32, #tpu.memory_space<vmem>>) target_semaphore(%arg12 : memref<!tpu.dma_semaphore, #tpu.memory_space<semaphore_mem>>)
      } else {
      }
      %mul3A_214 = arith.constant 3 : i32
      %mul3A_215 = arith.muli %mul3A_214, %scan3A_166 : i32
      %add3A_216 = arith.constant 1 : i32
      %add3A_217 = arith.addi %mul3A_215, %add3A_216 : i32
      %mul3A_218 = arith.constant 32 : i32
      %mul3A_219 = arith.muli %add3A_217, %mul3A_218 : i32
      %add3A_220 = arith.addi %add3A, %mul3A_219 : i32
      %lt3A_221 = arith.constant 3906 : i32
      %lt3A_222 = arith.cmpi slt, %add3A_220, %lt3A_221 : i32
      %select_n3A_223 = arith.select %lt3A_222, %add3A_220, %add3A : i32
      %mul3A_224 = arith.constant 256 : i32
      %mul3A_225 = arith.muli %select_n3A_223, %mul3A_224 : i32
      %dma_wait3A_226 = arith.constant 0 : i32
      %dma_wait3A_227 = tpu.memref_slice %arg2[%dma_wait3A_226, %mul3A_225] : memref<64x1000000xf32, #tpu.memory_space<hbm>> -> memref<64x256xf32, #tpu.memory_space<hbm>>
      %dma_wait3A_228 = arith.constant 0 : i32
      %dma_wait3A_229 = tpu.memref_slice %arg2[%dma_wait3A_228, %mul3A_225] : memref<64x1000000xf32, #tpu.memory_space<hbm>> -> memref<64x256xf32, #tpu.memory_space<hbm>>
      tpu.wait_dma2 semaphore(%arg13 : memref<!tpu.dma_semaphore, #tpu.memory_space<semaphore_mem>>) src(%dma_wait3A_229 : memref<64x256xf32, #tpu.memory_space<hbm>>) dst(%arg6 : memref<64x256xf32, #tpu.memory_space<vmem>>)
      %gt3A_230 = arith.constant 0 : i32
      %gt3A_231 = arith.cmpi sgt, %scan3A_166, %gt3A_230 : i32
      %convert_element_type3A_232 = arith.extui %gt3A_231 : i1 to i32
      %cond3A_233 = arith.constant 0 : i32
      %cond3A_234 = arith.cmpi ne, %convert_element_type3A_232, %cond3A_233 : i32
      scf.if %cond3A_234 {
        %sub3A = arith.constant 3 : i32
        %sub3A_309 = arith.subi %add3A_217, %sub3A : i32
        %mul3A_310 = arith.constant 32 : i32
        %mul3A_311 = arith.muli %sub3A_309, %mul3A_310 : i32
        %add3A_312 = arith.addi %add3A, %mul3A_311 : i32
        %lt3A_313 = arith.constant 3906 : i32
        %lt3A_314 = arith.cmpi slt, %add3A_312, %lt3A_313 : i32
        %select_n3A_315 = arith.select %lt3A_314, %add3A_312, %add3A : i32
        %mul3A_316 = arith.constant 256 : i32
        %mul3A_317 = arith.muli %select_n3A_315, %mul3A_316 : i32
        %mul3A_318 = arith.constant 64 : i32
        %mul3A_319 = arith.muli %mul3A_317, %mul3A_318 : i32
        %dma_wait3A_320 = tpu.memref_slice %arg4[%mul3A_319] : memref<64000000xf32, #tpu.memory_space<hbm>> -> memref<16384xf32, #tpu.memory_space<hbm>>
        %dma_wait3A_321 = tpu.memref_slice %arg4[%mul3A_319] : memref<64000000xf32, #tpu.memory_space<hbm>> -> memref<16384xf32, #tpu.memory_space<hbm>>
        tpu.wait_dma2 semaphore(%arg16 : memref<!tpu.dma_semaphore, #tpu.memory_space<semaphore_mem>>) src(%arg9 : memref<16384xf32, #tpu.memory_space<vmem>>) dst(%dma_wait3A_321 : memref<16384xf32, #tpu.memory_space<hbm>>)
      } else {
      }
      %scan3A_235 = arith.constant 0 : i32
      %scan3A_236 = arith.constant 0 : i32
      %scan3A_237 = arith.constant 64 : i32
      %scan3A_238 = arith.addi %scan3A_236, %scan3A_237 : i32
      %scan3A_239 = arith.constant 2 : i32
      %scan3A_240 = scf.for %scan3A_309 = %scan3A_236 to %scan3A_238 step %scan3A_239 iter_args(%scan3A_310 = %scan3A_235) -> (i32)  : i32 {
        %add3A_311 = vector.broadcast %scan3A_309 : i32 to vector<16xi32>
        %add3A_312 = arith.addi %add3A_311, %iota3A : vector<16xi32>
        %and3A = arith.constant 63 : i32
        %and3A_313 = vector.broadcast %and3A : i32 to vector<16xi32>
        %and3A_314 = arith.andi %add3A_312, %and3A_313 : vector<16xi32>
        %gather3A = tpu.vector_load_idx %arg6[%and3A_314, %add3A_33] : memref<64x256xf32, #tpu.memory_space<vmem>>[vector<16xi32>, vector<16xi32>], vector<16xf32>,
        %add3A_315 = arith.addi %shift_left3A_80, %and3A_314 : vector<16xi32>
        tpu.vector_store_idx %arg9[%add3A_315], %gather3A : memref<16384xf32, #tpu.memory_space<vmem>>[vector<16xi32>], vector<16xf32>,
        %gather3A_316 = tpu.vector_load_idx %arg6[%and3A_314, %add3A_36] : memref<64x256xf32, #tpu.memory_space<vmem>>[vector<16xi32>, vector<16xi32>], vector<16xf32>,
        %add3A_317 = arith.addi %shift_left3A_83, %and3A_314 : vector<16xi32>
        tpu.vector_store_idx %arg9[%add3A_317], %gather3A_316 : memref<16384xf32, #tpu.memory_space<vmem>>[vector<16xi32>], vector<16xf32>,
        %gather3A_318 = tpu.vector_load_idx %arg6[%and3A_314, %add3A_39] : memref<64x256xf32, #tpu.memory_space<vmem>>[vector<16xi32>, vector<16xi32>], vector<16xf32>,
        %add3A_319 = arith.addi %shift_left3A_86, %and3A_314 : vector<16xi32>
        tpu.vector_store_idx %arg9[%add3A_319], %gather3A_318 : memref<16384xf32, #tpu.memory_space<vmem>>[vector<16xi32>], vector<16xf32>,
        %gather3A_320 = tpu.vector_load_idx %arg6[%and3A_314, %add3A_42] : memref<64x256xf32, #tpu.memory_space<vmem>>[vector<16xi32>, vector<16xi32>], vector<16xf32>,
        %add3A_321 = arith.addi %shift_left3A_89, %and3A_314 : vector<16xi32>
        tpu.vector_store_idx %arg9[%add3A_321], %gather3A_320 : memref<16384xf32, #tpu.memory_space<vmem>>[vector<16xi32>], vector<16xf32>,
        %gather3A_322 = tpu.vector_load_idx %arg6[%and3A_314, %add3A_45] : memref<64x256xf32, #tpu.memory_space<vmem>>[vector<16xi32>, vector<16xi32>], vector<16xf32>,
        %add3A_323 = arith.addi %shift_left3A_92, %and3A_314 : vector<16xi32>
        tpu.vector_store_idx %arg9[%add3A_323], %gather3A_322 : memref<16384xf32, #tpu.memory_space<vmem>>[vector<16xi32>], vector<16xf32>,
        %gather3A_324 = tpu.vector_load_idx %arg6[%and3A_314, %add3A_48] : memref<64x256xf32, #tpu.memory_space<vmem>>[vector<16xi32>, vector<16xi32>], vector<16xf32>,
        %add3A_325 = arith.addi %shift_left3A_95, %and3A_314 : vector<16xi32>
        tpu.vector_store_idx %arg9[%add3A_325], %gather3A_324 : memref<16384xf32, #tpu.memory_space<vmem>>[vector<16xi32>], vector<16xf32>,
        %gather3A_326 = tpu.vector_load_idx %arg6[%and3A_314, %add3A_51] : memref<64x256xf32, #tpu.memory_space<vmem>>[vector<16xi32>, vector<16xi32>], vector<16xf32>,
        %add3A_327 = arith.addi %shift_left3A_98, %and3A_314 : vector<16xi32>
        tpu.vector_store_idx %arg9[%add3A_327], %gather3A_326 : memref<16384xf32, #tpu.memory_space<vmem>>[vector<16xi32>], vector<16xf32>,
        %gather3A_328 = tpu.vector_load_idx %arg6[%and3A_314, %add3A_54] : memref<64x256xf32, #tpu.memory_space<vmem>>[vector<16xi32>, vector<16xi32>], vector<16xf32>,
        %add3A_329 = arith.addi %shift_left3A_101, %and3A_314 : vector<16xi32>
        tpu.vector_store_idx %arg9[%add3A_329], %gather3A_328 : memref<16384xf32, #tpu.memory_space<vmem>>[vector<16xi32>], vector<16xf32>,
        %gather3A_330 = tpu.vector_load_idx %arg6[%and3A_314, %add3A_57] : memref<64x256xf32, #tpu.memory_space<vmem>>[vector<16xi32>, vector<16xi32>], vector<16xf32>,
        %add3A_331 = arith.addi %shift_left3A_104, %and3A_314 : vector<16xi32>
        tpu.vector_store_idx %arg9[%add3A_331], %gather3A_330 : memref<16384xf32, #tpu.memory_space<vmem>>[vector<16xi32>], vector<16xf32>,
        %gather3A_332 = tpu.vector_load_idx %arg6[%and3A_314, %add3A_60] : memref<64x256xf32, #tpu.memory_space<vmem>>[vector<16xi32>, vector<16xi32>], vector<16xf32>,
        %add3A_333 = arith.addi %shift_left3A_107, %and3A_314 : vector<16xi32>
        tpu.vector_store_idx %arg9[%add3A_333], %gather3A_332 : memref<16384xf32, #tpu.memory_space<vmem>>[vector<16xi32>], vector<16xf32>,
        %gather3A_334 = tpu.vector_load_idx %arg6[%and3A_314, %add3A_63] : memref<64x256xf32, #tpu.memory_space<vmem>>[vector<16xi32>, vector<16xi32>], vector<16xf32>,
        %add3A_335 = arith.addi %shift_left3A_110, %and3A_314 : vector<16xi32>
        tpu.vector_store_idx %arg9[%add3A_335], %gather3A_334 : memref<16384xf32, #tpu.memory_space<vmem>>[vector<16xi32>], vector<16xf32>,
        %gather3A_336 = tpu.vector_load_idx %arg6[%and3A_314, %add3A_66] : memref<64x256xf32, #tpu.memory_space<vmem>>[vector<16xi32>, vector<16xi32>], vector<16xf32>,
        %add3A_337 = arith.addi %shift_left3A_113, %and3A_314 : vector<16xi32>
        tpu.vector_store_idx %arg9[%add3A_337], %gather3A_336 : memref<16384xf32, #tpu.memory_space<vmem>>[vector<16xi32>], vector<16xf32>,
        %gather3A_338 = tpu.vector_load_idx %arg6[%and3A_314, %add3A_69] : memref<64x256xf32, #tpu.memory_space<vmem>>[vector<16xi32>, vector<16xi32>], vector<16xf32>,
        %add3A_339 = arith.addi %shift_left3A_116, %and3A_314 : vector<16xi32>
        tpu.vector_store_idx %arg9[%add3A_339], %gather3A_338 : memref<16384xf32, #tpu.memory_space<vmem>>[vector<16xi32>], vector<16xf32>,
        %gather3A_340 = tpu.vector_load_idx %arg6[%and3A_314, %add3A_72] : memref<64x256xf32, #tpu.memory_space<vmem>>[vector<16xi32>, vector<16xi32>], vector<16xf32>,
        %add3A_341 = arith.addi %shift_left3A_119, %and3A_314 : vector<16xi32>
        tpu.vector_store_idx %arg9[%add3A_341], %gather3A_340 : memref<16384xf32, #tpu.memory_space<vmem>>[vector<16xi32>], vector<16xf32>,
        %gather3A_342 = tpu.vector_load_idx %arg6[%and3A_314, %add3A_75] : memref<64x256xf32, #tpu.memory_space<vmem>>[vector<16xi32>, vector<16xi32>], vector<16xf32>,
        %add3A_343 = arith.addi %shift_left3A_122, %and3A_314 : vector<16xi32>
        tpu.vector_store_idx %arg9[%add3A_343], %gather3A_342 : memref<16384xf32, #tpu.memory_space<vmem>>[vector<16xi32>], vector<16xf32>,
        %gather3A_344 = tpu.vector_load_idx %arg6[%and3A_314, %add3A_78] : memref<64x256xf32, #tpu.memory_space<vmem>>[vector<16xi32>, vector<16xi32>], vector<16xf32>,
        %add3A_345 = arith.addi %shift_left3A_125, %and3A_314 : vector<16xi32>
        tpu.vector_store_idx %arg9[%add3A_345], %gather3A_344 : memref<16384xf32, #tpu.memory_space<vmem>>[vector<16xi32>], vector<16xf32>,
        %scan3A_346 = arith.constant 0 : i32
        %scan3A_347 = arith.constant 1 : i32
        %scan3A_348 = arith.addi %scan3A_309, %scan3A_347 : i32
        %add3A_349 = vector.broadcast %scan3A_348 : i32 to vector<16xi32>
        %add3A_350 = arith.addi %add3A_349, %iota3A : vector<16xi32>
        %and3A_351 = arith.constant 63 : i32
        %and3A_352 = vector.broadcast %and3A_351 : i32 to vector<16xi32>
        %and3A_353 = arith.andi %add3A_350, %and3A_352 : vector<16xi32>
        %gather3A_354 = tpu.vector_load_idx %arg6[%and3A_353, %add3A_33] : memref<64x256xf32, #tpu.memory_space<vmem>>[vector<16xi32>, vector<16xi32>], vector<16xf32>,
        %add3A_355 = arith.addi %shift_left3A_80, %and3A_353 : vector<16xi32>
        tpu.vector_store_idx %arg9[%add3A_355], %gather3A_354 : memref<16384xf32, #tpu.memory_space<vmem>>[vector<16xi32>], vector<16xf32>,
        %gather3A_356 = tpu.vector_load_idx %arg6[%and3A_353, %add3A_36] : memref<64x256xf32, #tpu.memory_space<vmem>>[vector<16xi32>, vector<16xi32>], vector<16xf32>,
        %add3A_357 = arith.addi %shift_left3A_83, %and3A_353 : vector<16xi32>
        tpu.vector_store_idx %arg9[%add3A_357], %gather3A_356 : memref<16384xf32, #tpu.memory_space<vmem>>[vector<16xi32>], vector<16xf32>,
        %gather3A_358 = tpu.vector_load_idx %arg6[%and3A_353, %add3A_39] : memref<64x256xf32, #tpu.memory_space<vmem>>[vector<16xi32>, vector<16xi32>], vector<16xf32>,
        %add3A_359 = arith.addi %shift_left3A_86, %and3A_353 : vector<16xi32>
        tpu.vector_store_idx %arg9[%add3A_359], %gather3A_358 : memref<16384xf32, #tpu.memory_space<vmem>>[vector<16xi32>], vector<16xf32>,
        %gather3A_360 = tpu.vector_load_idx %arg6[%and3A_353, %add3A_42] : memref<64x256xf32, #tpu.memory_space<vmem>>[vector<16xi32>, vector<16xi32>], vector<16xf32>,
        %add3A_361 = arith.addi %shift_left3A_89, %and3A_353 : vector<16xi32>
        tpu.vector_store_idx %arg9[%add3A_361], %gather3A_360 : memref<16384xf32, #tpu.memory_space<vmem>>[vector<16xi32>], vector<16xf32>,
        %gather3A_362 = tpu.vector_load_idx %arg6[%and3A_353, %add3A_45] : memref<64x256xf32, #tpu.memory_space<vmem>>[vector<16xi32>, vector<16xi32>], vector<16xf32>,
        %add3A_363 = arith.addi %shift_left3A_92, %and3A_353 : vector<16xi32>
        tpu.vector_store_idx %arg9[%add3A_363], %gather3A_362 : memref<16384xf32, #tpu.memory_space<vmem>>[vector<16xi32>], vector<16xf32>,
        %gather3A_364 = tpu.vector_load_idx %arg6[%and3A_353, %add3A_48] : memref<64x256xf32, #tpu.memory_space<vmem>>[vector<16xi32>, vector<16xi32>], vector<16xf32>,
        %add3A_365 = arith.addi %shift_left3A_95, %and3A_353 : vector<16xi32>
        tpu.vector_store_idx %arg9[%add3A_365], %gather3A_364 : memref<16384xf32, #tpu.memory_space<vmem>>[vector<16xi32>], vector<16xf32>,
        %gather3A_366 = tpu.vector_load_idx %arg6[%and3A_353, %add3A_51] : memref<64x256xf32, #tpu.memory_space<vmem>>[vector<16xi32>, vector<16xi32>], vector<16xf32>,
        %add3A_367 = arith.addi %shift_left3A_98, %and3A_353 : vector<16xi32>
        tpu.vector_store_idx %arg9[%add3A_367], %gather3A_366 : memref<16384xf32, #tpu.memory_space<vmem>>[vector<16xi32>], vector<16xf32>,
        %gather3A_368 = tpu.vector_load_idx %arg6[%and3A_353, %add3A_54] : memref<64x256xf32, #tpu.memory_space<vmem>>[vector<16xi32>, vector<16xi32>], vector<16xf32>,
        %add3A_369 = arith.addi %shift_left3A_101, %and3A_353 : vector<16xi32>
        tpu.vector_store_idx %arg9[%add3A_369], %gather3A_368 : memref<16384xf32, #tpu.memory_space<vmem>>[vector<16xi32>], vector<16xf32>,
        %gather3A_370 = tpu.vector_load_idx %arg6[%and3A_353, %add3A_57] : memref<64x256xf32, #tpu.memory_space<vmem>>[vector<16xi32>, vector<16xi32>], vector<16xf32>,
        %add3A_371 = arith.addi %shift_left3A_104, %and3A_353 : vector<16xi32>
        tpu.vector_store_idx %arg9[%add3A_371], %gather3A_370 : memref<16384xf32, #tpu.memory_space<vmem>>[vector<16xi32>], vector<16xf32>,
        %gather3A_372 = tpu.vector_load_idx %arg6[%and3A_353, %add3A_60] : memref<64x256xf32, #tpu.memory_space<vmem>>[vector<16xi32>, vector<16xi32>], vector<16xf32>,
        %add3A_373 = arith.addi %shift_left3A_107, %and3A_353 : vector<16xi32>
        tpu.vector_store_idx %arg9[%add3A_373], %gather3A_372 : memref<16384xf32, #tpu.memory_space<vmem>>[vector<16xi32>], vector<16xf32>,
        %gather3A_374 = tpu.vector_load_idx %arg6[%and3A_353, %add3A_63] : memref<64x256xf32, #tpu.memory_space<vmem>>[vector<16xi32>, vector<16xi32>], vector<16xf32>,
        %add3A_375 = arith.addi %shift_left3A_110, %and3A_353 : vector<16xi32>
        tpu.vector_store_idx %arg9[%add3A_375], %gather3A_374 : memref<16384xf32, #tpu.memory_space<vmem>>[vector<16xi32>], vector<16xf32>,
        %gather3A_376 = tpu.vector_load_idx %arg6[%and3A_353, %add3A_66] : memref<64x256xf32, #tpu.memory_space<vmem>>[vector<16xi32>, vector<16xi32>], vector<16xf32>,
        %add3A_377 = arith.addi %shift_left3A_113, %and3A_353 : vector<16xi32>
        tpu.vector_store_idx %arg9[%add3A_377], %gather3A_376 : memref<16384xf32, #tpu.memory_space<vmem>>[vector<16xi32>], vector<16xf32>,
        %gather3A_378 = tpu.vector_load_idx %arg6[%and3A_353, %add3A_69] : memref<64x256xf32, #tpu.memory_space<vmem>>[vector<16xi32>, vector<16xi32>], vector<16xf32>,
        %add3A_379 = arith.addi %shift_left3A_116, %and3A_353 : vector<16xi32>
        tpu.vector_store_idx %arg9[%add3A_379], %gather3A_378 : memref<16384xf32, #tpu.memory_space<vmem>>[vector<16xi32>], vector<16xf32>,
        %gather3A_380 = tpu.vector_load_idx %arg6[%and3A_353, %add3A_72] : memref<64x256xf32, #tpu.memory_space<vmem>>[vector<16xi32>, vector<16xi32>], vector<16xf32>,
        %add3A_381 = arith.addi %shift_left3A_119, %and3A_353 : vector<16xi32>
        tpu.vector_store_idx %arg9[%add3A_381], %gather3A_380 : memref<16384xf32, #tpu.memory_space<vmem>>[vector<16xi32>], vector<16xf32>,
        %gather3A_382 = tpu.vector_load_idx %arg6[%and3A_353, %add3A_75] : memref<64x256xf32, #tpu.memory_space<vmem>>[vector<16xi32>, vector<16xi32>], vector<16xf32>,
        %add3A_383 = arith.addi %shift_left3A_122, %and3A_353 : vector<16xi32>
        tpu.vector_store_idx %arg9[%add3A_383], %gather3A_382 : memref<16384xf32, #tpu.memory_space<vmem>>[vector<16xi32>], vector<16xf32>,
        %gather3A_384 = tpu.vector_load_idx %arg6[%and3A_353, %add3A_78] : memref<64x256xf32, #tpu.memory_space<vmem>>[vector<16xi32>, vector<16xi32>], vector<16xf32>,
        %add3A_385 = arith.addi %shift_left3A_125, %and3A_353 : vector<16xi32>
        tpu.vector_store_idx %arg9[%add3A_385], %gather3A_384 : memref<16384xf32, #tpu.memory_space<vmem>>[vector<16xi32>], vector<16xf32>,
        %scan3A_386 = arith.constant 0 : i32
        scf.yield %scan3A_386 : i32
      }
      %scan3A_241 = arith.constant 64 : i32
      %mul3A_242 = arith.constant 32 : i32
      %mul3A_243 = arith.muli %add3A_217, %mul3A_242 : i32
      %add3A_244 = arith.addi %add3A, %mul3A_243 : i32
      %lt3A_245 = arith.constant 3906 : i32
      %lt3A_246 = arith.cmpi slt, %add3A_244, %lt3A_245 : i32
      %select_n3A_247 = arith.select %lt3A_246, %add3A_244, %add3A : i32
      %mul3A_248 = arith.constant 256 : i32
      %mul3A_249 = arith.muli %select_n3A_247, %mul3A_248 : i32
      %mul3A_250 = arith.constant 64 : i32
      %mul3A_251 = arith.muli %mul3A_249, %mul3A_250 : i32
      %dma_start3A_252 = tpu.memref_slice %arg4[%mul3A_251] : memref<64000000xf32, #tpu.memory_space<hbm>> -> memref<16384xf32, #tpu.memory_space<hbm>>
      %dma_start3A_253 = tpu.memref_slice %arg4[%mul3A_251] : memref<64000000xf32, #tpu.memory_space<hbm>> -> memref<16384xf32, #tpu.memory_space<hbm>>
      tpu.enqueue_dma source(%arg9 : memref<16384xf32, #tpu.memory_space<vmem>>) target(%dma_start3A_253 : memref<16384xf32, #tpu.memory_space<hbm>>) target_semaphore(%arg16 : memref<!tpu.dma_semaphore, #tpu.memory_space<semaphore_mem>>)
      %add3A_254 = arith.constant 3 : i32
      %add3A_255 = arith.addi %add3A_217, %add3A_254 : i32
      %lt3A_256 = arith.constant 123 : i32
      %lt3A_257 = arith.cmpi slt, %add3A_255, %lt3A_256 : i32
      %convert_element_type3A_258 = arith.extui %lt3A_257 : i1 to i32
      %cond3A_259 = arith.constant 0 : i32
      %cond3A_260 = arith.cmpi ne, %convert_element_type3A_258, %cond3A_259 : i32
      scf.if %cond3A_260 {
        %add3A_309 = arith.constant 3 : i32
        %add3A_310 = arith.addi %add3A_217, %add3A_309 : i32
        %mul3A_311 = arith.constant 32 : i32
        %mul3A_312 = arith.muli %add3A_310, %mul3A_311 : i32
        %add3A_313 = arith.addi %add3A, %mul3A_312 : i32
        %lt3A_314 = arith.constant 3906 : i32
        %lt3A_315 = arith.cmpi slt, %add3A_313, %lt3A_314 : i32
        %select_n3A_316 = arith.select %lt3A_315, %add3A_313, %add3A : i32
        %mul3A_317 = arith.constant 256 : i32
        %mul3A_318 = arith.muli %select_n3A_316, %mul3A_317 : i32
        %dma_start3A_319 = arith.constant 0 : i32
        %dma_start3A_320 = tpu.memref_slice %arg2[%dma_start3A_319, %mul3A_318] : memref<64x1000000xf32, #tpu.memory_space<hbm>> -> memref<64x256xf32, #tpu.memory_space<hbm>>
        %dma_start3A_321 = arith.constant 0 : i32
        %dma_start3A_322 = tpu.memref_slice %arg2[%dma_start3A_321, %mul3A_318] : memref<64x1000000xf32, #tpu.memory_space<hbm>> -> memref<64x256xf32, #tpu.memory_space<hbm>>
        tpu.enqueue_dma source(%dma_start3A_322 : memref<64x256xf32, #tpu.memory_space<hbm>>) target(%arg6 : memref<64x256xf32, #tpu.memory_space<vmem>>) target_semaphore(%arg13 : memref<!tpu.dma_semaphore, #tpu.memory_space<semaphore_mem>>)
      } else {
      }
      %mul3A_261 = arith.constant 3 : i32
      %mul3A_262 = arith.muli %mul3A_261, %scan3A_166 : i32
      %add3A_263 = arith.constant 2 : i32
      %add3A_264 = arith.addi %mul3A_262, %add3A_263 : i32
      %mul3A_265 = arith.constant 32 : i32
      %mul3A_266 = arith.muli %add3A_264, %mul3A_265 : i32
      %add3A_267 = arith.addi %add3A, %mul3A_266 : i32
      %lt3A_268 = arith.constant 3906 : i32
      %lt3A_269 = arith.cmpi slt, %add3A_267, %lt3A_268 : i32
      %select_n3A_270 = arith.select %lt3A_269, %add3A_267, %add3A : i32
      %mul3A_271 = arith.constant 256 : i32
      %mul3A_272 = arith.muli %select_n3A_270, %mul3A_271 : i32
      %dma_wait3A_273 = arith.constant 0 : i32
      %dma_wait3A_274 = tpu.memref_slice %arg2[%dma_wait3A_273, %mul3A_272] : memref<64x1000000xf32, #tpu.memory_space<hbm>> -> memref<64x256xf32, #tpu.memory_space<hbm>>
      %dma_wait3A_275 = arith.constant 0 : i32
      %dma_wait3A_276 = tpu.memref_slice %arg2[%dma_wait3A_275, %mul3A_272] : memref<64x1000000xf32, #tpu.memory_space<hbm>> -> memref<64x256xf32, #tpu.memory_space<hbm>>
      tpu.wait_dma2 semaphore(%arg14 : memref<!tpu.dma_semaphore, #tpu.memory_space<semaphore_mem>>) src(%dma_wait3A_276 : memref<64x256xf32, #tpu.memory_space<hbm>>) dst(%arg7 : memref<64x256xf32, #tpu.memory_space<vmem>>)
      %gt3A_277 = arith.constant 0 : i32
      %gt3A_278 = arith.cmpi sgt, %scan3A_166, %gt3A_277 : i32
      %convert_element_type3A_279 = arith.extui %gt3A_278 : i1 to i32
      %cond3A_280 = arith.constant 0 : i32
      %cond3A_281 = arith.cmpi ne, %convert_element_type3A_279, %cond3A_280 : i32
      scf.if %cond3A_281 {
        %sub3A = arith.constant 3 : i32
        %sub3A_309 = arith.subi %add3A_264, %sub3A : i32
        %mul3A_310 = arith.constant 32 : i32
        %mul3A_311 = arith.muli %sub3A_309, %mul3A_310 : i32
        %add3A_312 = arith.addi %add3A, %mul3A_311 : i32
        %lt3A_313 = arith.constant 3906 : i32
        %lt3A_314 = arith.cmpi slt, %add3A_312, %lt3A_313 : i32
        %select_n3A_315 = arith.select %lt3A_314, %add3A_312, %add3A : i32
        %mul3A_316 = arith.constant 256 : i32
        %mul3A_317 = arith.muli %select_n3A_315, %mul3A_316 : i32
        %mul3A_318 = arith.constant 64 : i32
        %mul3A_319 = arith.muli %mul3A_317, %mul3A_318 : i32
        %dma_wait3A_320 = tpu.memref_slice %arg4[%mul3A_319] : memref<64000000xf32, #tpu.memory_space<hbm>> -> memref<16384xf32, #tpu.memory_space<hbm>>
        %dma_wait3A_321 = tpu.memref_slice %arg4[%mul3A_319] : memref<64000000xf32, #tpu.memory_space<hbm>> -> memref<16384xf32, #tpu.memory_space<hbm>>
        tpu.wait_dma2 semaphore(%arg17 : memref<!tpu.dma_semaphore, #tpu.memory_space<semaphore_mem>>) src(%arg10 : memref<16384xf32, #tpu.memory_space<vmem>>) dst(%dma_wait3A_321 : memref<16384xf32, #tpu.memory_space<hbm>>)
      } else {
      }
      %scan3A_282 = arith.constant 0 : i32
      %scan3A_283 = arith.constant 0 : i32
      %scan3A_284 = arith.constant 64 : i32
      %scan3A_285 = arith.addi %scan3A_283, %scan3A_284 : i32
      %scan3A_286 = arith.constant 2 : i32
      %scan3A_287 = scf.for %scan3A_309 = %scan3A_283 to %scan3A_285 step %scan3A_286 iter_args(%scan3A_310 = %scan3A_282) -> (i32)  : i32 {
        %add3A_311 = vector.broadcast %scan3A_309 : i32 to vector<16xi32>
        %add3A_312 = arith.addi %add3A_311, %iota3A : vector<16xi32>
        %and3A = arith.constant 63 : i32
        %and3A_313 = vector.broadcast %and3A : i32 to vector<16xi32>
        %and3A_314 = arith.andi %add3A_312, %and3A_313 : vector<16xi32>
        %gather3A = tpu.vector_load_idx %arg7[%and3A_314, %add3A_33] : memref<64x256xf32, #tpu.memory_space<vmem>>[vector<16xi32>, vector<16xi32>], vector<16xf32>,
        %add3A_315 = arith.addi %shift_left3A_80, %and3A_314 : vector<16xi32>
        tpu.vector_store_idx %arg10[%add3A_315], %gather3A : memref<16384xf32, #tpu.memory_space<vmem>>[vector<16xi32>], vector<16xf32>,
        %gather3A_316 = tpu.vector_load_idx %arg7[%and3A_314, %add3A_36] : memref<64x256xf32, #tpu.memory_space<vmem>>[vector<16xi32>, vector<16xi32>], vector<16xf32>,
        %add3A_317 = arith.addi %shift_left3A_83, %and3A_314 : vector<16xi32>
        tpu.vector_store_idx %arg10[%add3A_317], %gather3A_316 : memref<16384xf32, #tpu.memory_space<vmem>>[vector<16xi32>], vector<16xf32>,
        %gather3A_318 = tpu.vector_load_idx %arg7[%and3A_314, %add3A_39] : memref<64x256xf32, #tpu.memory_space<vmem>>[vector<16xi32>, vector<16xi32>], vector<16xf32>,
        %add3A_319 = arith.addi %shift_left3A_86, %and3A_314 : vector<16xi32>
        tpu.vector_store_idx %arg10[%add3A_319], %gather3A_318 : memref<16384xf32, #tpu.memory_space<vmem>>[vector<16xi32>], vector<16xf32>,
        %gather3A_320 = tpu.vector_load_idx %arg7[%and3A_314, %add3A_42] : memref<64x256xf32, #tpu.memory_space<vmem>>[vector<16xi32>, vector<16xi32>], vector<16xf32>,
        %add3A_321 = arith.addi %shift_left3A_89, %and3A_314 : vector<16xi32>
        tpu.vector_store_idx %arg10[%add3A_321], %gather3A_320 : memref<16384xf32, #tpu.memory_space<vmem>>[vector<16xi32>], vector<16xf32>,
        %gather3A_322 = tpu.vector_load_idx %arg7[%and3A_314, %add3A_45] : memref<64x256xf32, #tpu.memory_space<vmem>>[vector<16xi32>, vector<16xi32>], vector<16xf32>,
        %add3A_323 = arith.addi %shift_left3A_92, %and3A_314 : vector<16xi32>
        tpu.vector_store_idx %arg10[%add3A_323], %gather3A_322 : memref<16384xf32, #tpu.memory_space<vmem>>[vector<16xi32>], vector<16xf32>,
        %gather3A_324 = tpu.vector_load_idx %arg7[%and3A_314, %add3A_48] : memref<64x256xf32, #tpu.memory_space<vmem>>[vector<16xi32>, vector<16xi32>], vector<16xf32>,
        %add3A_325 = arith.addi %shift_left3A_95, %and3A_314 : vector<16xi32>
        tpu.vector_store_idx %arg10[%add3A_325], %gather3A_324 : memref<16384xf32, #tpu.memory_space<vmem>>[vector<16xi32>], vector<16xf32>,
        %gather3A_326 = tpu.vector_load_idx %arg7[%and3A_314, %add3A_51] : memref<64x256xf32, #tpu.memory_space<vmem>>[vector<16xi32>, vector<16xi32>], vector<16xf32>,
        %add3A_327 = arith.addi %shift_left3A_98, %and3A_314 : vector<16xi32>
        tpu.vector_store_idx %arg10[%add3A_327], %gather3A_326 : memref<16384xf32, #tpu.memory_space<vmem>>[vector<16xi32>], vector<16xf32>,
        %gather3A_328 = tpu.vector_load_idx %arg7[%and3A_314, %add3A_54] : memref<64x256xf32, #tpu.memory_space<vmem>>[vector<16xi32>, vector<16xi32>], vector<16xf32>,
        %add3A_329 = arith.addi %shift_left3A_101, %and3A_314 : vector<16xi32>
        tpu.vector_store_idx %arg10[%add3A_329], %gather3A_328 : memref<16384xf32, #tpu.memory_space<vmem>>[vector<16xi32>], vector<16xf32>,
        %gather3A_330 = tpu.vector_load_idx %arg7[%and3A_314, %add3A_57] : memref<64x256xf32, #tpu.memory_space<vmem>>[vector<16xi32>, vector<16xi32>], vector<16xf32>,
        %add3A_331 = arith.addi %shift_left3A_104, %and3A_314 : vector<16xi32>
        tpu.vector_store_idx %arg10[%add3A_331], %gather3A_330 : memref<16384xf32, #tpu.memory_space<vmem>>[vector<16xi32>], vector<16xf32>,
        %gather3A_332 = tpu.vector_load_idx %arg7[%and3A_314, %add3A_60] : memref<64x256xf32, #tpu.memory_space<vmem>>[vector<16xi32>, vector<16xi32>], vector<16xf32>,
        %add3A_333 = arith.addi %shift_left3A_107, %and3A_314 : vector<16xi32>
        tpu.vector_store_idx %arg10[%add3A_333], %gather3A_332 : memref<16384xf32, #tpu.memory_space<vmem>>[vector<16xi32>], vector<16xf32>,
        %gather3A_334 = tpu.vector_load_idx %arg7[%and3A_314, %add3A_63] : memref<64x256xf32, #tpu.memory_space<vmem>>[vector<16xi32>, vector<16xi32>], vector<16xf32>,
        %add3A_335 = arith.addi %shift_left3A_110, %and3A_314 : vector<16xi32>
        tpu.vector_store_idx %arg10[%add3A_335], %gather3A_334 : memref<16384xf32, #tpu.memory_space<vmem>>[vector<16xi32>], vector<16xf32>,
        %gather3A_336 = tpu.vector_load_idx %arg7[%and3A_314, %add3A_66] : memref<64x256xf32, #tpu.memory_space<vmem>>[vector<16xi32>, vector<16xi32>], vector<16xf32>,
        %add3A_337 = arith.addi %shift_left3A_113, %and3A_314 : vector<16xi32>
        tpu.vector_store_idx %arg10[%add3A_337], %gather3A_336 : memref<16384xf32, #tpu.memory_space<vmem>>[vector<16xi32>], vector<16xf32>,
        %gather3A_338 = tpu.vector_load_idx %arg7[%and3A_314, %add3A_69] : memref<64x256xf32, #tpu.memory_space<vmem>>[vector<16xi32>, vector<16xi32>], vector<16xf32>,
        %add3A_339 = arith.addi %shift_left3A_116, %and3A_314 : vector<16xi32>
        tpu.vector_store_idx %arg10[%add3A_339], %gather3A_338 : memref<16384xf32, #tpu.memory_space<vmem>>[vector<16xi32>], vector<16xf32>,
        %gather3A_340 = tpu.vector_load_idx %arg7[%and3A_314, %add3A_72] : memref<64x256xf32, #tpu.memory_space<vmem>>[vector<16xi32>, vector<16xi32>], vector<16xf32>,
        %add3A_341 = arith.addi %shift_left3A_119, %and3A_314 : vector<16xi32>
        tpu.vector_store_idx %arg10[%add3A_341], %gather3A_340 : memref<16384xf32, #tpu.memory_space<vmem>>[vector<16xi32>], vector<16xf32>,
        %gather3A_342 = tpu.vector_load_idx %arg7[%and3A_314, %add3A_75] : memref<64x256xf32, #tpu.memory_space<vmem>>[vector<16xi32>, vector<16xi32>], vector<16xf32>,
        %add3A_343 = arith.addi %shift_left3A_122, %and3A_314 : vector<16xi32>
        tpu.vector_store_idx %arg10[%add3A_343], %gather3A_342 : memref<16384xf32, #tpu.memory_space<vmem>>[vector<16xi32>], vector<16xf32>,
        %gather3A_344 = tpu.vector_load_idx %arg7[%and3A_314, %add3A_78] : memref<64x256xf32, #tpu.memory_space<vmem>>[vector<16xi32>, vector<16xi32>], vector<16xf32>,
        %add3A_345 = arith.addi %shift_left3A_125, %and3A_314 : vector<16xi32>
        tpu.vector_store_idx %arg10[%add3A_345], %gather3A_344 : memref<16384xf32, #tpu.memory_space<vmem>>[vector<16xi32>], vector<16xf32>,
        %scan3A_346 = arith.constant 0 : i32
        %scan3A_347 = arith.constant 1 : i32
        %scan3A_348 = arith.addi %scan3A_309, %scan3A_347 : i32
        %add3A_349 = vector.broadcast %scan3A_348 : i32 to vector<16xi32>
        %add3A_350 = arith.addi %add3A_349, %iota3A : vector<16xi32>
        %and3A_351 = arith.constant 63 : i32
        %and3A_352 = vector.broadcast %and3A_351 : i32 to vector<16xi32>
        %and3A_353 = arith.andi %add3A_350, %and3A_352 : vector<16xi32>
        %gather3A_354 = tpu.vector_load_idx %arg7[%and3A_353, %add3A_33] : memref<64x256xf32, #tpu.memory_space<vmem>>[vector<16xi32>, vector<16xi32>], vector<16xf32>,
        %add3A_355 = arith.addi %shift_left3A_80, %and3A_353 : vector<16xi32>
        tpu.vector_store_idx %arg10[%add3A_355], %gather3A_354 : memref<16384xf32, #tpu.memory_space<vmem>>[vector<16xi32>], vector<16xf32>,
        %gather3A_356 = tpu.vector_load_idx %arg7[%and3A_353, %add3A_36] : memref<64x256xf32, #tpu.memory_space<vmem>>[vector<16xi32>, vector<16xi32>], vector<16xf32>,
        %add3A_357 = arith.addi %shift_left3A_83, %and3A_353 : vector<16xi32>
        tpu.vector_store_idx %arg10[%add3A_357], %gather3A_356 : memref<16384xf32, #tpu.memory_space<vmem>>[vector<16xi32>], vector<16xf32>,
        %gather3A_358 = tpu.vector_load_idx %arg7[%and3A_353, %add3A_39] : memref<64x256xf32, #tpu.memory_space<vmem>>[vector<16xi32>, vector<16xi32>], vector<16xf32>,
        %add3A_359 = arith.addi %shift_left3A_86, %and3A_353 : vector<16xi32>
        tpu.vector_store_idx %arg10[%add3A_359], %gather3A_358 : memref<16384xf32, #tpu.memory_space<vmem>>[vector<16xi32>], vector<16xf32>,
        %gather3A_360 = tpu.vector_load_idx %arg7[%and3A_353, %add3A_42] : memref<64x256xf32, #tpu.memory_space<vmem>>[vector<16xi32>, vector<16xi32>], vector<16xf32>,
        %add3A_361 = arith.addi %shift_left3A_89, %and3A_353 : vector<16xi32>
        tpu.vector_store_idx %arg10[%add3A_361], %gather3A_360 : memref<16384xf32, #tpu.memory_space<vmem>>[vector<16xi32>], vector<16xf32>,
        %gather3A_362 = tpu.vector_load_idx %arg7[%and3A_353, %add3A_45] : memref<64x256xf32, #tpu.memory_space<vmem>>[vector<16xi32>, vector<16xi32>], vector<16xf32>,
        %add3A_363 = arith.addi %shift_left3A_92, %and3A_353 : vector<16xi32>
        tpu.vector_store_idx %arg10[%add3A_363], %gather3A_362 : memref<16384xf32, #tpu.memory_space<vmem>>[vector<16xi32>], vector<16xf32>,
        %gather3A_364 = tpu.vector_load_idx %arg7[%and3A_353, %add3A_48] : memref<64x256xf32, #tpu.memory_space<vmem>>[vector<16xi32>, vector<16xi32>], vector<16xf32>,
        %add3A_365 = arith.addi %shift_left3A_95, %and3A_353 : vector<16xi32>
        tpu.vector_store_idx %arg10[%add3A_365], %gather3A_364 : memref<16384xf32, #tpu.memory_space<vmem>>[vector<16xi32>], vector<16xf32>,
        %gather3A_366 = tpu.vector_load_idx %arg7[%and3A_353, %add3A_51] : memref<64x256xf32, #tpu.memory_space<vmem>>[vector<16xi32>, vector<16xi32>], vector<16xf32>,
        %add3A_367 = arith.addi %shift_left3A_98, %and3A_353 : vector<16xi32>
        tpu.vector_store_idx %arg10[%add3A_367], %gather3A_366 : memref<16384xf32, #tpu.memory_space<vmem>>[vector<16xi32>], vector<16xf32>,
        %gather3A_368 = tpu.vector_load_idx %arg7[%and3A_353, %add3A_54] : memref<64x256xf32, #tpu.memory_space<vmem>>[vector<16xi32>, vector<16xi32>], vector<16xf32>,
        %add3A_369 = arith.addi %shift_left3A_101, %and3A_353 : vector<16xi32>
        tpu.vector_store_idx %arg10[%add3A_369], %gather3A_368 : memref<16384xf32, #tpu.memory_space<vmem>>[vector<16xi32>], vector<16xf32>,
        %gather3A_370 = tpu.vector_load_idx %arg7[%and3A_353, %add3A_57] : memref<64x256xf32, #tpu.memory_space<vmem>>[vector<16xi32>, vector<16xi32>], vector<16xf32>,
        %add3A_371 = arith.addi %shift_left3A_104, %and3A_353 : vector<16xi32>
        tpu.vector_store_idx %arg10[%add3A_371], %gather3A_370 : memref<16384xf32, #tpu.memory_space<vmem>>[vector<16xi32>], vector<16xf32>,
        %gather3A_372 = tpu.vector_load_idx %arg7[%and3A_353, %add3A_60] : memref<64x256xf32, #tpu.memory_space<vmem>>[vector<16xi32>, vector<16xi32>], vector<16xf32>,
        %add3A_373 = arith.addi %shift_left3A_107, %and3A_353 : vector<16xi32>
        tpu.vector_store_idx %arg10[%add3A_373], %gather3A_372 : memref<16384xf32, #tpu.memory_space<vmem>>[vector<16xi32>], vector<16xf32>,
        %gather3A_374 = tpu.vector_load_idx %arg7[%and3A_353, %add3A_63] : memref<64x256xf32, #tpu.memory_space<vmem>>[vector<16xi32>, vector<16xi32>], vector<16xf32>,
        %add3A_375 = arith.addi %shift_left3A_110, %and3A_353 : vector<16xi32>
        tpu.vector_store_idx %arg10[%add3A_375], %gather3A_374 : memref<16384xf32, #tpu.memory_space<vmem>>[vector<16xi32>], vector<16xf32>,
        %gather3A_376 = tpu.vector_load_idx %arg7[%and3A_353, %add3A_66] : memref<64x256xf32, #tpu.memory_space<vmem>>[vector<16xi32>, vector<16xi32>], vector<16xf32>,
        %add3A_377 = arith.addi %shift_left3A_113, %and3A_353 : vector<16xi32>
        tpu.vector_store_idx %arg10[%add3A_377], %gather3A_376 : memref<16384xf32, #tpu.memory_space<vmem>>[vector<16xi32>], vector<16xf32>,
        %gather3A_378 = tpu.vector_load_idx %arg7[%and3A_353, %add3A_69] : memref<64x256xf32, #tpu.memory_space<vmem>>[vector<16xi32>, vector<16xi32>], vector<16xf32>,
        %add3A_379 = arith.addi %shift_left3A_116, %and3A_353 : vector<16xi32>
        tpu.vector_store_idx %arg10[%add3A_379], %gather3A_378 : memref<16384xf32, #tpu.memory_space<vmem>>[vector<16xi32>], vector<16xf32>,
        %gather3A_380 = tpu.vector_load_idx %arg7[%and3A_353, %add3A_72] : memref<64x256xf32, #tpu.memory_space<vmem>>[vector<16xi32>, vector<16xi32>], vector<16xf32>,
        %add3A_381 = arith.addi %shift_left3A_119, %and3A_353 : vector<16xi32>
        tpu.vector_store_idx %arg10[%add3A_381], %gather3A_380 : memref<16384xf32, #tpu.memory_space<vmem>>[vector<16xi32>], vector<16xf32>,
        %gather3A_382 = tpu.vector_load_idx %arg7[%and3A_353, %add3A_75] : memref<64x256xf32, #tpu.memory_space<vmem>>[vector<16xi32>, vector<16xi32>], vector<16xf32>,
        %add3A_383 = arith.addi %shift_left3A_122, %and3A_353 : vector<16xi32>
        tpu.vector_store_idx %arg10[%add3A_383], %gather3A_382 : memref<16384xf32, #tpu.memory_space<vmem>>[vector<16xi32>], vector<16xf32>,
        %gather3A_384 = tpu.vector_load_idx %arg7[%and3A_353, %add3A_78] : memref<64x256xf32, #tpu.memory_space<vmem>>[vector<16xi32>, vector<16xi32>], vector<16xf32>,
        %add3A_385 = arith.addi %shift_left3A_125, %and3A_353 : vector<16xi32>
        tpu.vector_store_idx %arg10[%add3A_385], %gather3A_384 : memref<16384xf32, #tpu.memory_space<vmem>>[vector<16xi32>], vector<16xf32>,
        %scan3A_386 = arith.constant 0 : i32
        scf.yield %scan3A_386 : i32
      }
      %scan3A_288 = arith.constant 64 : i32
      %mul3A_289 = arith.constant 32 : i32
      %mul3A_290 = arith.muli %add3A_264, %mul3A_289 : i32
      %add3A_291 = arith.addi %add3A, %mul3A_290 : i32
      %lt3A_292 = arith.constant 3906 : i32
      %lt3A_293 = arith.cmpi slt, %add3A_291, %lt3A_292 : i32
      %select_n3A_294 = arith.select %lt3A_293, %add3A_291, %add3A : i32
      %mul3A_295 = arith.constant 256 : i32
      %mul3A_296 = arith.muli %select_n3A_294, %mul3A_295 : i32
      %mul3A_297 = arith.constant 64 : i32
      %mul3A_298 = arith.muli %mul3A_296, %mul3A_297 : i32
      %dma_start3A_299 = tpu.memref_slice %arg4[%mul3A_298] : memref<64000000xf32, #tpu.memory_space<hbm>> -> memref<16384xf32, #tpu.memory_space<hbm>>
      %dma_start3A_300 = tpu.memref_slice %arg4[%mul3A_298] : memref<64000000xf32, #tpu.memory_space<hbm>> -> memref<16384xf32, #tpu.memory_space<hbm>>
      tpu.enqueue_dma source(%arg10 : memref<16384xf32, #tpu.memory_space<vmem>>) target(%dma_start3A_300 : memref<16384xf32, #tpu.memory_space<hbm>>) target_semaphore(%arg17 : memref<!tpu.dma_semaphore, #tpu.memory_space<semaphore_mem>>)
      %add3A_301 = arith.constant 3 : i32
      %add3A_302 = arith.addi %add3A_264, %add3A_301 : i32
      %lt3A_303 = arith.constant 123 : i32
      %lt3A_304 = arith.cmpi slt, %add3A_302, %lt3A_303 : i32
      %convert_element_type3A_305 = arith.extui %lt3A_304 : i1 to i32
      %cond3A_306 = arith.constant 0 : i32
      %cond3A_307 = arith.cmpi ne, %convert_element_type3A_305, %cond3A_306 : i32
      scf.if %cond3A_307 {
        %add3A_309 = arith.constant 3 : i32
        %add3A_310 = arith.addi %add3A_264, %add3A_309 : i32
        %mul3A_311 = arith.constant 32 : i32
        %mul3A_312 = arith.muli %add3A_310, %mul3A_311 : i32
        %add3A_313 = arith.addi %add3A, %mul3A_312 : i32
        %lt3A_314 = arith.constant 3906 : i32
        %lt3A_315 = arith.cmpi slt, %add3A_313, %lt3A_314 : i32
        %select_n3A_316 = arith.select %lt3A_315, %add3A_313, %add3A : i32
        %mul3A_317 = arith.constant 256 : i32
        %mul3A_318 = arith.muli %select_n3A_316, %mul3A_317 : i32
        %dma_start3A_319 = arith.constant 0 : i32
        %dma_start3A_320 = tpu.memref_slice %arg2[%dma_start3A_319, %mul3A_318] : memref<64x1000000xf32, #tpu.memory_space<hbm>> -> memref<64x256xf32, #tpu.memory_space<hbm>>
        %dma_start3A_321 = arith.constant 0 : i32
        %dma_start3A_322 = tpu.memref_slice %arg2[%dma_start3A_321, %mul3A_318] : memref<64x1000000xf32, #tpu.memory_space<hbm>> -> memref<64x256xf32, #tpu.memory_space<hbm>>
        tpu.enqueue_dma source(%dma_start3A_322 : memref<64x256xf32, #tpu.memory_space<hbm>>) target(%arg7 : memref<64x256xf32, #tpu.memory_space<vmem>>) target_semaphore(%arg14 : memref<!tpu.dma_semaphore, #tpu.memory_space<semaphore_mem>>)
      } else {
      }
      %scan3A_308 = arith.constant 0 : i32
      scf.yield %scan3A_308 : i32
    }
    %scan3A_131 = arith.constant 41 : i32
    %add3A_132 = arith.constant 3840 : i32
    %add3A_133 = arith.addi %add3A, %add3A_132 : i32
    %lt3A_134 = arith.constant 3906 : i32
    %lt3A_135 = arith.cmpi slt, %add3A_133, %lt3A_134 : i32
    %select_n3A_136 = arith.select %lt3A_135, %add3A_133, %add3A : i32
    %mul3A_137 = arith.constant 256 : i32
    %mul3A_138 = arith.muli %select_n3A_136, %mul3A_137 : i32
    %mul3A_139 = arith.constant 64 : i32
    %mul3A_140 = arith.muli %mul3A_138, %mul3A_139 : i32
    %dma_wait3A = tpu.memref_slice %arg4[%mul3A_140] : memref<64000000xf32, #tpu.memory_space<hbm>> -> memref<16384xf32, #tpu.memory_space<hbm>>
    %dma_wait3A_141 = tpu.memref_slice %arg4[%mul3A_140] : memref<64000000xf32, #tpu.memory_space<hbm>> -> memref<16384xf32, #tpu.memory_space<hbm>>
    tpu.wait_dma2 semaphore(%arg15 : memref<!tpu.dma_semaphore, #tpu.memory_space<semaphore_mem>>) src(%arg8 : memref<16384xf32, #tpu.memory_space<vmem>>) dst(%dma_wait3A_141 : memref<16384xf32, #tpu.memory_space<hbm>>)
    %add3A_142 = arith.constant 3872 : i32
    %add3A_143 = arith.addi %add3A, %add3A_142 : i32
    %lt3A_144 = arith.constant 3906 : i32
    %lt3A_145 = arith.cmpi slt, %add3A_143, %lt3A_144 : i32
    %select_n3A_146 = arith.select %lt3A_145, %add3A_143, %add3A : i32
    %mul3A_147 = arith.constant 256 : i32
    %mul3A_148 = arith.muli %select_n3A_146, %mul3A_147 : i32
    %mul3A_149 = arith.constant 64 : i32
    %mul3A_150 = arith.muli %mul3A_148, %mul3A_149 : i32
    %dma_wait3A_151 = tpu.memref_slice %arg4[%mul3A_150] : memref<64000000xf32, #tpu.memory_space<hbm>> -> memref<16384xf32, #tpu.memory_space<hbm>>
    %dma_wait3A_152 = tpu.memref_slice %arg4[%mul3A_150] : memref<64000000xf32, #tpu.memory_space<hbm>> -> memref<16384xf32, #tpu.memory_space<hbm>>
    tpu.wait_dma2 semaphore(%arg16 : memref<!tpu.dma_semaphore, #tpu.memory_space<semaphore_mem>>) src(%arg9 : memref<16384xf32, #tpu.memory_space<vmem>>) dst(%dma_wait3A_152 : memref<16384xf32, #tpu.memory_space<hbm>>)
    %add3A_153 = arith.constant 3904 : i32
    %add3A_154 = arith.addi %add3A, %add3A_153 : i32
    %lt3A_155 = arith.constant 3906 : i32
    %lt3A_156 = arith.cmpi slt, %add3A_154, %lt3A_155 : i32
    %select_n3A_157 = arith.select %lt3A_156, %add3A_154, %add3A : i32
    %mul3A_158 = arith.constant 256 : i32
    %mul3A_159 = arith.muli %select_n3A_157, %mul3A_158 : i32
    %mul3A_160 = arith.constant 64 : i32
    %mul3A_161 = arith.muli %mul3A_159, %mul3A_160 : i32
    %dma_wait3A_162 = tpu.memref_slice %arg4[%mul3A_161] : memref<64000000xf32, #tpu.memory_space<hbm>> -> memref<16384xf32, #tpu.memory_space<hbm>>
    %dma_wait3A_163 = tpu.memref_slice %arg4[%mul3A_161] : memref<64000000xf32, #tpu.memory_space<hbm>> -> memref<16384xf32, #tpu.memory_space<hbm>>
    tpu.wait_dma2 semaphore(%arg17 : memref<!tpu.dma_semaphore, #tpu.memory_space<semaphore_mem>>) src(%arg10 : memref<16384xf32, #tpu.memory_space<vmem>>) dst(%dma_wait3A_163 : memref<16384xf32, #tpu.memory_space<hbm>>)
    %eq3A = arith.constant 0 : i32
    %eq3A_164 = arith.cmpi eq, %add3A, %eq3A : i32
    %convert_element_type3A = arith.extui %eq3A_164 : i1 to i32
    %cond3A = arith.constant 0 : i32
    %cond3A_165 = arith.cmpi ne, %convert_element_type3A, %cond3A : i32
    scf.if %cond3A_165 {
      "tpu.region"() ({
        %run_scoped3A = tpu.sem_alloc : memref<!tpu.dma_semaphore, #tpu.memory_space<semaphore_mem>>
        tpu.enqueue_dma source(%arg3 : memref<4096xf32, #tpu.memory_space<hbm>>) target(%arg11 : memref<4096xf32, #tpu.memory_space<vmem>>) target_semaphore(%run_scoped3A : memref<!tpu.dma_semaphore, #tpu.memory_space<semaphore_mem>>)
        tpu.wait_dma2 semaphore(%run_scoped3A : memref<!tpu.dma_semaphore, #tpu.memory_space<semaphore_mem>>) src(%arg3 : memref<4096xf32, #tpu.memory_space<hbm>>) dst(%arg11 : memref<4096xf32, #tpu.memory_space<vmem>>)
        tpu.yield
      }) : () -> ()
      "tpu.region"() ({
        %run_scoped3A = tpu.sem_alloc : memref<!tpu.dma_semaphore, #tpu.memory_space<semaphore_mem>>
        %dma_start3A_166 = arith.constant 63995904 : i32
        %dma_start3A_167 = tpu.memref_slice %arg4[%dma_start3A_166] : memref<64000000xf32, #tpu.memory_space<hbm>> -> memref<4096xf32, #tpu.memory_space<hbm>>
        %dma_start3A_168 = arith.constant 63995904 : i32
        %dma_start3A_169 = tpu.memref_slice %arg4[%dma_start3A_168] : memref<64000000xf32, #tpu.memory_space<hbm>> -> memref<4096xf32, #tpu.memory_space<hbm>>
        tpu.enqueue_dma source(%arg11 : memref<4096xf32, #tpu.memory_space<vmem>>) target(%dma_start3A_169 : memref<4096xf32, #tpu.memory_space<hbm>>) target_semaphore(%run_scoped3A : memref<!tpu.dma_semaphore, #tpu.memory_space<semaphore_mem>>)
        %dma_wait3A_170 = arith.constant 63995904 : i32
        %dma_wait3A_171 = tpu.memref_slice %arg4[%dma_wait3A_170] : memref<64000000xf32, #tpu.memory_space<hbm>> -> memref<4096xf32, #tpu.memory_space<hbm>>
        %dma_wait3A_172 = arith.constant 63995904 : i32
        %dma_wait3A_173 = tpu.memref_slice %arg4[%dma_wait3A_172] : memref<64000000xf32, #tpu.memory_space<hbm>> -> memref<4096xf32, #tpu.memory_space<hbm>>
        tpu.wait_dma2 semaphore(%run_scoped3A : memref<!tpu.dma_semaphore, #tpu.memory_space<semaphore_mem>>) src(%arg11 : memref<4096xf32, #tpu.memory_space<vmem>>) dst(%dma_wait3A_173 : memref<4096xf32, #tpu.memory_space<hbm>>)
        tpu.yield
      }) : () -> ()
    } else {
    }
    return
  }
}

#map = affine_map<(d0, d1) -> (0, 0)>
#map1 = affine_map<(d0, d1) -> (0)>
module attributes {stable_mosaic.version = 14 : i64} {
  func.func @_gqe_body(%arg0: i32, %arg1: i32, %arg2: memref<1000000x64xf32, #tpu.memory_space<hbm>>, %arg3: memref<1000x64xf32, #tpu.memory_space<hbm>>, %arg4: memref<4096xi32, #tpu.memory_space<hbm>>, %arg5: memref<4096x128xi32, #tpu.memory_space<hbm>>, %arg6: memref<4096xi32, #tpu.memory_space<hbm>>, %arg7: memref<4096xi32, #tpu.memory_space<hbm>>, %arg8: memref<4096xf32, #tpu.memory_space<hbm>>, %arg9: memref<4096x128xf32, #tpu.memory_space<hbm>>, %arg10: memref<128xi32, #tpu.memory_space<vmem>>, %arg11: memref<128xi32, #tpu.memory_space<vmem>>, %arg12: memref<128xi32, #tpu.memory_space<vmem>>, %arg13: memref<128x128xi32, #tpu.memory_space<vmem>>, %arg14: memref<128x64xf32, #tpu.memory_space<vmem>>, %arg15: memref<128x64xf32, #tpu.memory_space<vmem>>, %arg16: memref<128x64xf32, #tpu.memory_space<vmem>>, %arg17: memref<128x64xf32, #tpu.memory_space<vmem>>, %arg18: memref<128x64xf32, #tpu.memory_space<vmem>>, %arg19: memref<128x64xf32, #tpu.memory_space<vmem>>, %arg20: memref<128x64xf32, #tpu.memory_space<vmem>>, %arg21: memref<128xf32, #tpu.memory_space<vmem>>, %arg22: memref<128x128xf32, #tpu.memory_space<vmem>>, %arg23: memref<!tpu.dma_semaphore, #tpu.memory_space<semaphore_mem>>, %arg24: memref<!tpu.dma_semaphore, #tpu.memory_space<semaphore_mem>>, %arg25: memref<!tpu.dma_semaphore, #tpu.memory_space<semaphore_mem>>, %arg26: memref<!tpu.dma_semaphore, #tpu.memory_space<semaphore_mem>>, %arg27: memref<!tpu.dma_semaphore, #tpu.memory_space<semaphore_mem>>, %arg28: memref<!tpu.dma_semaphore, #tpu.memory_space<semaphore_mem>>, %arg29: memref<!tpu.dma_semaphore, #tpu.memory_space<semaphore_mem>>) attributes {dimension_semantics = [#tpu.dimension_semantics<core_parallel>, #tpu.dimension_semantics<subcore_parallel>], iteration_bounds = array<i64: 2, 16>, scalar_prefetch = 0 : i64, scratch_operands = 20 : i64, tpu.core_type = #tpu.core_type<sc_vector_subcore>, window_params = [{transform_indices = #map}, {transform_indices = #map}, {transform_indices = #map1}, {transform_indices = #map}, {transform_indices = #map1}, {transform_indices = #map1}, {transform_indices = #map1}, {transform_indices = #map}]} {
    %mul3A = arith.constant 2 : i32
    %mul3A_0 = arith.muli %arg1, %mul3A : i32
    %add3A = arith.addi %mul3A_0, %arg0 : i32
    %mul3A_1 = arith.constant 128 : i32
    %mul3A_2 = arith.muli %add3A, %mul3A_1 : i32
    %iota3A = tpu.iota {dimensions = array<i32: 0>} : vector<16xi32>
    "tpu.region"() ({
      %run_scoped3A = tpu.sem_alloc : memref<!tpu.dma_semaphore, #tpu.memory_space<semaphore_mem>>
      %dma_start3A_209 = tpu.memref_slice %arg6[%mul3A_2] : memref<4096xi32, #tpu.memory_space<hbm>> -> memref<128xi32, #tpu.memory_space<hbm>>
      %dma_start3A_210 = tpu.memref_slice %arg6[%mul3A_2] : memref<4096xi32, #tpu.memory_space<hbm>> -> memref<128xi32, #tpu.memory_space<hbm>>
      tpu.enqueue_dma source(%dma_start3A_210 : memref<128xi32, #tpu.memory_space<hbm>>) target(%arg10 : memref<128xi32, #tpu.memory_space<vmem>>) target_semaphore(%run_scoped3A : memref<!tpu.dma_semaphore, #tpu.memory_space<semaphore_mem>>)
      %dma_wait3A_211 = tpu.memref_slice %arg6[%mul3A_2] : memref<4096xi32, #tpu.memory_space<hbm>> -> memref<128xi32, #tpu.memory_space<hbm>>
      %dma_wait3A_212 = tpu.memref_slice %arg6[%mul3A_2] : memref<4096xi32, #tpu.memory_space<hbm>> -> memref<128xi32, #tpu.memory_space<hbm>>
      tpu.wait_dma2 semaphore(%run_scoped3A : memref<!tpu.dma_semaphore, #tpu.memory_space<semaphore_mem>>) src(%dma_wait3A_212 : memref<128xi32, #tpu.memory_space<hbm>>) dst(%arg10 : memref<128xi32, #tpu.memory_space<vmem>>)
      tpu.yield
    }) : () -> ()
    "tpu.region"() ({
      %run_scoped3A = tpu.sem_alloc : memref<!tpu.dma_semaphore, #tpu.memory_space<semaphore_mem>>
      %dma_start3A_209 = tpu.memref_slice %arg7[%mul3A_2] : memref<4096xi32, #tpu.memory_space<hbm>> -> memref<128xi32, #tpu.memory_space<hbm>>
      %dma_start3A_210 = tpu.memref_slice %arg7[%mul3A_2] : memref<4096xi32, #tpu.memory_space<hbm>> -> memref<128xi32, #tpu.memory_space<hbm>>
      tpu.enqueue_dma source(%dma_start3A_210 : memref<128xi32, #tpu.memory_space<hbm>>) target(%arg11 : memref<128xi32, #tpu.memory_space<vmem>>) target_semaphore(%run_scoped3A : memref<!tpu.dma_semaphore, #tpu.memory_space<semaphore_mem>>)
      %dma_wait3A_211 = tpu.memref_slice %arg7[%mul3A_2] : memref<4096xi32, #tpu.memory_space<hbm>> -> memref<128xi32, #tpu.memory_space<hbm>>
      %dma_wait3A_212 = tpu.memref_slice %arg7[%mul3A_2] : memref<4096xi32, #tpu.memory_space<hbm>> -> memref<128xi32, #tpu.memory_space<hbm>>
      tpu.wait_dma2 semaphore(%run_scoped3A : memref<!tpu.dma_semaphore, #tpu.memory_space<semaphore_mem>>) src(%dma_wait3A_212 : memref<128xi32, #tpu.memory_space<hbm>>) dst(%arg11 : memref<128xi32, #tpu.memory_space<vmem>>)
      tpu.yield
    }) : () -> ()
    "tpu.region"() ({
      %run_scoped3A = tpu.sem_alloc : memref<!tpu.dma_semaphore, #tpu.memory_space<semaphore_mem>>
      %dma_start3A_209 = tpu.memref_slice %arg4[%mul3A_2] : memref<4096xi32, #tpu.memory_space<hbm>> -> memref<128xi32, #tpu.memory_space<hbm>>
      %dma_start3A_210 = tpu.memref_slice %arg4[%mul3A_2] : memref<4096xi32, #tpu.memory_space<hbm>> -> memref<128xi32, #tpu.memory_space<hbm>>
      tpu.enqueue_dma source(%dma_start3A_210 : memref<128xi32, #tpu.memory_space<hbm>>) target(%arg12 : memref<128xi32, #tpu.memory_space<vmem>>) target_semaphore(%run_scoped3A : memref<!tpu.dma_semaphore, #tpu.memory_space<semaphore_mem>>)
      %dma_wait3A_211 = tpu.memref_slice %arg4[%mul3A_2] : memref<4096xi32, #tpu.memory_space<hbm>> -> memref<128xi32, #tpu.memory_space<hbm>>
      %dma_wait3A_212 = tpu.memref_slice %arg4[%mul3A_2] : memref<4096xi32, #tpu.memory_space<hbm>> -> memref<128xi32, #tpu.memory_space<hbm>>
      tpu.wait_dma2 semaphore(%run_scoped3A : memref<!tpu.dma_semaphore, #tpu.memory_space<semaphore_mem>>) src(%dma_wait3A_212 : memref<128xi32, #tpu.memory_space<hbm>>) dst(%arg12 : memref<128xi32, #tpu.memory_space<vmem>>)
      tpu.yield
    }) : () -> ()
    "tpu.region"() ({
      %run_scoped3A = tpu.sem_alloc : memref<!tpu.dma_semaphore, #tpu.memory_space<semaphore_mem>>
      %dma_start3A_209 = arith.constant 0 : i32
      %dma_start3A_210 = tpu.memref_slice %arg5[%mul3A_2, %dma_start3A_209] : memref<4096x128xi32, #tpu.memory_space<hbm>> -> memref<128x128xi32, #tpu.memory_space<hbm>>
      %dma_start3A_211 = arith.constant 0 : i32
      %dma_start3A_212 = tpu.memref_slice %arg5[%mul3A_2, %dma_start3A_211] : memref<4096x128xi32, #tpu.memory_space<hbm>> -> memref<128x128xi32, #tpu.memory_space<hbm>>
      tpu.enqueue_dma source(%dma_start3A_212 : memref<128x128xi32, #tpu.memory_space<hbm>>) target(%arg13 : memref<128x128xi32, #tpu.memory_space<vmem>>) target_semaphore(%run_scoped3A : memref<!tpu.dma_semaphore, #tpu.memory_space<semaphore_mem>>)
      %dma_wait3A_213 = arith.constant 0 : i32
      %dma_wait3A_214 = tpu.memref_slice %arg5[%mul3A_2, %dma_wait3A_213] : memref<4096x128xi32, #tpu.memory_space<hbm>> -> memref<128x128xi32, #tpu.memory_space<hbm>>
      %dma_wait3A_215 = arith.constant 0 : i32
      %dma_wait3A_216 = tpu.memref_slice %arg5[%mul3A_2, %dma_wait3A_215] : memref<4096x128xi32, #tpu.memory_space<hbm>> -> memref<128x128xi32, #tpu.memory_space<hbm>>
      tpu.wait_dma2 semaphore(%run_scoped3A : memref<!tpu.dma_semaphore, #tpu.memory_space<semaphore_mem>>) src(%dma_wait3A_216 : memref<128x128xi32, #tpu.memory_space<hbm>>) dst(%arg13 : memref<128x128xi32, #tpu.memory_space<vmem>>)
      tpu.yield
    }) : () -> ()
    %dma_start3A = arith.constant 0 : i32
    %dma_start3A_3 = arith.constant 0 : i32
    %dma_start3A_4 = tpu.memref_slice %arg2[%dma_start3A, %dma_start3A_3] : memref<1000000x64xf32, #tpu.memory_space<hbm>> -> memref<1000000x64xf32, #tpu.memory_space<hbm>>
    tpu.enqueue_indirect_dma source(%dma_start3A_4 : memref<1000000x64xf32, #tpu.memory_space<hbm>>) target(%arg14 : memref<128x64xf32, #tpu.memory_space<vmem>>) offsets(%arg10 : memref<128xi32, #tpu.memory_space<vmem>>) semaphore(%arg23 : memref<!tpu.dma_semaphore, #tpu.memory_space<semaphore_mem>>)
    %dma_start3A_5 = arith.constant 0 : i32
    %dma_start3A_6 = arith.constant 0 : i32
    %dma_start3A_7 = tpu.memref_slice %arg3[%dma_start3A_5, %dma_start3A_6] : memref<1000x64xf32, #tpu.memory_space<hbm>> -> memref<1000x64xf32, #tpu.memory_space<hbm>>
    tpu.enqueue_indirect_dma source(%dma_start3A_7 : memref<1000x64xf32, #tpu.memory_space<hbm>>) target(%arg15 : memref<128x64xf32, #tpu.memory_space<vmem>>) offsets(%arg11 : memref<128xi32, #tpu.memory_space<vmem>>) semaphore(%arg24 : memref<!tpu.dma_semaphore, #tpu.memory_space<semaphore_mem>>)
    %dma_start3A_8 = arith.constant 0 : i32
    %dma_start3A_9 = arith.constant 0 : i32
    %dma_start3A_10 = tpu.memref_slice %arg2[%dma_start3A_8, %dma_start3A_9] : memref<1000000x64xf32, #tpu.memory_space<hbm>> -> memref<1000000x64xf32, #tpu.memory_space<hbm>>
    tpu.enqueue_indirect_dma source(%dma_start3A_10 : memref<1000000x64xf32, #tpu.memory_space<hbm>>) target(%arg16 : memref<128x64xf32, #tpu.memory_space<vmem>>) offsets(%arg12 : memref<128xi32, #tpu.memory_space<vmem>>) semaphore(%arg25 : memref<!tpu.dma_semaphore, #tpu.memory_space<semaphore_mem>>)
    %dma_start3A_11 = arith.constant 0 : i32
    %dma_start3A_12 = arith.constant 0 : i32
    %dma_start3A_13 = tpu.memref_slice %arg13[%dma_start3A_11, %dma_start3A_12] : memref<128x128xi32, #tpu.memory_space<vmem>> -> memref<1x128xi32, #tpu.memory_space<vmem>>
    %dma_start3A_14 = tpu.memref_squeeze %dma_start3A_13 : memref<1x128xi32, #tpu.memory_space<vmem>> -> memref<128xi32, #tpu.memory_space<vmem>>
    %dma_start3A_15 = arith.constant 0 : i32
    %dma_start3A_16 = arith.constant 0 : i32
    %dma_start3A_17 = tpu.memref_slice %arg2[%dma_start3A_15, %dma_start3A_16] : memref<1000000x64xf32, #tpu.memory_space<hbm>> -> memref<1000000x64xf32, #tpu.memory_space<hbm>>
    tpu.enqueue_indirect_dma source(%dma_start3A_17 : memref<1000000x64xf32, #tpu.memory_space<hbm>>) target(%arg17 : memref<128x64xf32, #tpu.memory_space<vmem>>) offsets(%dma_start3A_14 : memref<128xi32, #tpu.memory_space<vmem>>) semaphore(%arg26 : memref<!tpu.dma_semaphore, #tpu.memory_space<semaphore_mem>>)
    %dma_start3A_18 = arith.constant 1 : i32
    %dma_start3A_19 = arith.constant 0 : i32
    %dma_start3A_20 = tpu.memref_slice %arg13[%dma_start3A_18, %dma_start3A_19] : memref<128x128xi32, #tpu.memory_space<vmem>> -> memref<1x128xi32, #tpu.memory_space<vmem>>
    %dma_start3A_21 = tpu.memref_squeeze %dma_start3A_20 : memref<1x128xi32, #tpu.memory_space<vmem>> -> memref<128xi32, #tpu.memory_space<vmem>>
    %dma_start3A_22 = arith.constant 0 : i32
    %dma_start3A_23 = arith.constant 0 : i32
    %dma_start3A_24 = tpu.memref_slice %arg2[%dma_start3A_22, %dma_start3A_23] : memref<1000000x64xf32, #tpu.memory_space<hbm>> -> memref<1000000x64xf32, #tpu.memory_space<hbm>>
    tpu.enqueue_indirect_dma source(%dma_start3A_24 : memref<1000000x64xf32, #tpu.memory_space<hbm>>) target(%arg18 : memref<128x64xf32, #tpu.memory_space<vmem>>) offsets(%dma_start3A_21 : memref<128xi32, #tpu.memory_space<vmem>>) semaphore(%arg27 : memref<!tpu.dma_semaphore, #tpu.memory_space<semaphore_mem>>)
    %dma_start3A_25 = arith.constant 2 : i32
    %dma_start3A_26 = arith.constant 0 : i32
    %dma_start3A_27 = tpu.memref_slice %arg13[%dma_start3A_25, %dma_start3A_26] : memref<128x128xi32, #tpu.memory_space<vmem>> -> memref<1x128xi32, #tpu.memory_space<vmem>>
    %dma_start3A_28 = tpu.memref_squeeze %dma_start3A_27 : memref<1x128xi32, #tpu.memory_space<vmem>> -> memref<128xi32, #tpu.memory_space<vmem>>
    %dma_start3A_29 = arith.constant 0 : i32
    %dma_start3A_30 = arith.constant 0 : i32
    %dma_start3A_31 = tpu.memref_slice %arg2[%dma_start3A_29, %dma_start3A_30] : memref<1000000x64xf32, #tpu.memory_space<hbm>> -> memref<1000000x64xf32, #tpu.memory_space<hbm>>
    tpu.enqueue_indirect_dma source(%dma_start3A_31 : memref<1000000x64xf32, #tpu.memory_space<hbm>>) target(%arg19 : memref<128x64xf32, #tpu.memory_space<vmem>>) offsets(%dma_start3A_28 : memref<128xi32, #tpu.memory_space<vmem>>) semaphore(%arg28 : memref<!tpu.dma_semaphore, #tpu.memory_space<semaphore_mem>>)
    %dma_start3A_32 = arith.constant 3 : i32
    %dma_start3A_33 = arith.constant 0 : i32
    %dma_start3A_34 = tpu.memref_slice %arg13[%dma_start3A_32, %dma_start3A_33] : memref<128x128xi32, #tpu.memory_space<vmem>> -> memref<1x128xi32, #tpu.memory_space<vmem>>
    %dma_start3A_35 = tpu.memref_squeeze %dma_start3A_34 : memref<1x128xi32, #tpu.memory_space<vmem>> -> memref<128xi32, #tpu.memory_space<vmem>>
    %dma_start3A_36 = arith.constant 0 : i32
    %dma_start3A_37 = arith.constant 0 : i32
    %dma_start3A_38 = tpu.memref_slice %arg2[%dma_start3A_36, %dma_start3A_37] : memref<1000000x64xf32, #tpu.memory_space<hbm>> -> memref<1000000x64xf32, #tpu.memory_space<hbm>>
    tpu.enqueue_indirect_dma source(%dma_start3A_38 : memref<1000000x64xf32, #tpu.memory_space<hbm>>) target(%arg20 : memref<128x64xf32, #tpu.memory_space<vmem>>) offsets(%dma_start3A_35 : memref<128xi32, #tpu.memory_space<vmem>>) semaphore(%arg29 : memref<!tpu.dma_semaphore, #tpu.memory_space<semaphore_mem>>)
    %dma_wait3A = arith.constant 0 : i32
    %dma_wait3A_39 = arith.constant 0 : i32
    %dma_wait3A_40 = tpu.memref_slice %arg2[%dma_wait3A, %dma_wait3A_39] : memref<1000000x64xf32, #tpu.memory_space<hbm>> -> memref<1000000x64xf32, #tpu.memory_space<hbm>>
    tpu.wait_indirect_dma semaphore(%arg23 : memref<!tpu.dma_semaphore, #tpu.memory_space<semaphore_mem>>) src(%dma_wait3A_40 : memref<1000000x64xf32, #tpu.memory_space<hbm>>) dst(%arg14 : memref<128x64xf32, #tpu.memory_space<vmem>>)
    %dma_wait3A_41 = arith.constant 0 : i32
    %dma_wait3A_42 = arith.constant 0 : i32
    %dma_wait3A_43 = tpu.memref_slice %arg3[%dma_wait3A_41, %dma_wait3A_42] : memref<1000x64xf32, #tpu.memory_space<hbm>> -> memref<1000x64xf32, #tpu.memory_space<hbm>>
    tpu.wait_indirect_dma semaphore(%arg24 : memref<!tpu.dma_semaphore, #tpu.memory_space<semaphore_mem>>) src(%dma_wait3A_43 : memref<1000x64xf32, #tpu.memory_space<hbm>>) dst(%arg15 : memref<128x64xf32, #tpu.memory_space<vmem>>)
    %dma_wait3A_44 = arith.constant 0 : i32
    %dma_wait3A_45 = arith.constant 0 : i32
    %dma_wait3A_46 = tpu.memref_slice %arg2[%dma_wait3A_44, %dma_wait3A_45] : memref<1000000x64xf32, #tpu.memory_space<hbm>> -> memref<1000000x64xf32, #tpu.memory_space<hbm>>
    tpu.wait_indirect_dma semaphore(%arg25 : memref<!tpu.dma_semaphore, #tpu.memory_space<semaphore_mem>>) src(%dma_wait3A_46 : memref<1000000x64xf32, #tpu.memory_space<hbm>>) dst(%arg16 : memref<128x64xf32, #tpu.memory_space<vmem>>)
    %scan3A = arith.constant 0 : i32
    %scan3A_47 = arith.constant 0 : i32
    %scan3A_48 = arith.constant 128 : i32
    %scan3A_49 = arith.addi %scan3A_47, %scan3A_48 : i32
    %scan3A_50 = arith.constant 1 : i32
    %scan3A_51 = scf.for %scan3A_209 = %scan3A_47 to %scan3A_49 step %scan3A_50 iter_args(%scan3A_210 = %scan3A) -> (i32)  : i32 {
      %get3A = arith.index_cast %scan3A_209 : i32 to index
      %get3A_211 = arith.constant 0 : index
      %get3A_212 = tpu.vector_load %arg14[%get3A, %get3A_211] {strides = array<i32>} : memref<128x64xf32, #tpu.memory_space<vmem>>, vector<16xf32>,
      %get3A_213 = arith.index_cast %scan3A_209 : i32 to index
      %get3A_214 = arith.constant 0 : index
      %get3A_215 = tpu.vector_load %arg15[%get3A_213, %get3A_214] {strides = array<i32>} : memref<128x64xf32, #tpu.memory_space<vmem>>, vector<16xf32>,
      %add3A_216 = arith.addf %get3A_212, %get3A_215 : vector<16xf32>
      %swap3A_217 = arith.index_cast %scan3A_209 : i32 to index
      %swap3A_218 = arith.constant 0 : index
      %swap3A_219 = tpu.vector_load %arg14[%swap3A_217, %swap3A_218] {strides = array<i32>} : memref<128x64xf32, #tpu.memory_space<vmem>>, vector<16xf32>,
      tpu.vector_store %arg14[%swap3A_217, %swap3A_218], %add3A_216 {strides = array<i32>} : memref<128x64xf32, #tpu.memory_space<vmem>>, vector<16xf32>,
      %get3A_220 = arith.index_cast %scan3A_209 : i32 to index
      %get3A_221 = arith.constant 16 : index
      %get3A_222 = tpu.vector_load %arg14[%get3A_220, %get3A_221] {strides = array<i32>} : memref<128x64xf32, #tpu.memory_space<vmem>>, vector<16xf32>,
      %get3A_223 = arith.index_cast %scan3A_209 : i32 to index
      %get3A_224 = arith.constant 16 : index
      %get3A_225 = tpu.vector_load %arg15[%get3A_223, %get3A_224] {strides = array<i32>} : memref<128x64xf32, #tpu.memory_space<vmem>>, vector<16xf32>,
      %add3A_226 = arith.addf %get3A_222, %get3A_225 : vector<16xf32>
      %swap3A_227 = arith.index_cast %scan3A_209 : i32 to index
      %swap3A_228 = arith.constant 16 : index
      %swap3A_229 = tpu.vector_load %arg14[%swap3A_227, %swap3A_228] {strides = array<i32>} : memref<128x64xf32, #tpu.memory_space<vmem>>, vector<16xf32>,
      tpu.vector_store %arg14[%swap3A_227, %swap3A_228], %add3A_226 {strides = array<i32>} : memref<128x64xf32, #tpu.memory_space<vmem>>, vector<16xf32>,
      %get3A_230 = arith.index_cast %scan3A_209 : i32 to index
      %get3A_231 = arith.constant 32 : index
      %get3A_232 = tpu.vector_load %arg14[%get3A_230, %get3A_231] {strides = array<i32>} : memref<128x64xf32, #tpu.memory_space<vmem>>, vector<16xf32>,
      %get3A_233 = arith.index_cast %scan3A_209 : i32 to index
      %get3A_234 = arith.constant 32 : index
      %get3A_235 = tpu.vector_load %arg15[%get3A_233, %get3A_234] {strides = array<i32>} : memref<128x64xf32, #tpu.memory_space<vmem>>, vector<16xf32>,
      %add3A_236 = arith.addf %get3A_232, %get3A_235 : vector<16xf32>
      %swap3A_237 = arith.index_cast %scan3A_209 : i32 to index
      %swap3A_238 = arith.constant 32 : index
      %swap3A_239 = tpu.vector_load %arg14[%swap3A_237, %swap3A_238] {strides = array<i32>} : memref<128x64xf32, #tpu.memory_space<vmem>>, vector<16xf32>,
      tpu.vector_store %arg14[%swap3A_237, %swap3A_238], %add3A_236 {strides = array<i32>} : memref<128x64xf32, #tpu.memory_space<vmem>>, vector<16xf32>,
      %get3A_240 = arith.index_cast %scan3A_209 : i32 to index
      %get3A_241 = arith.constant 48 : index
      %get3A_242 = tpu.vector_load %arg14[%get3A_240, %get3A_241] {strides = array<i32>} : memref<128x64xf32, #tpu.memory_space<vmem>>, vector<16xf32>,
      %get3A_243 = arith.index_cast %scan3A_209 : i32 to index
      %get3A_244 = arith.constant 48 : index
      %get3A_245 = tpu.vector_load %arg15[%get3A_243, %get3A_244] {strides = array<i32>} : memref<128x64xf32, #tpu.memory_space<vmem>>, vector<16xf32>,
      %add3A_246 = arith.addf %get3A_242, %get3A_245 : vector<16xf32>
      %swap3A_247 = arith.index_cast %scan3A_209 : i32 to index
      %swap3A_248 = arith.constant 48 : index
      %swap3A_249 = tpu.vector_load %arg14[%swap3A_247, %swap3A_248] {strides = array<i32>} : memref<128x64xf32, #tpu.memory_space<vmem>>, vector<16xf32>,
      tpu.vector_store %arg14[%swap3A_247, %swap3A_248], %add3A_246 {strides = array<i32>} : memref<128x64xf32, #tpu.memory_space<vmem>>, vector<16xf32>,
      %scan3A_250 = arith.constant 0 : i32
      scf.yield %scan3A_250 : i32
    }
    %scan3A_52 = arith.constant 128 : i32
    %add3A_53 = arith.constant 0 : i32
    %add3A_54 = vector.broadcast %add3A_53 : i32 to vector<16xi32>
    %add3A_55 = arith.addi %add3A_54, %iota3A : vector<16xi32>
    %broadcast_in_dim3A = arith.constant 0.000000e+00 : f32
    %broadcast_in_dim3A_56 = vector.broadcast %broadcast_in_dim3A : f32 to vector<16xf32>
    %scan3A_57 = arith.constant 0 : i32
    %scan3A_58 = arith.constant 64 : i32
    %scan3A_59 = arith.addi %scan3A_57, %scan3A_58 : i32
    %scan3A_60 = arith.constant 4 : i32
    %scan3A_61 = scf.for %scan3A_209 = %scan3A_57 to %scan3A_59 step %scan3A_60 iter_args(%scan3A_210 = %broadcast_in_dim3A_56) -> (vector<16xf32>)  : i32 {
      %add3A_211 = vector.broadcast %scan3A_209 : i32 to vector<16xi32>
      %add3A_212 = arith.addi %add3A_211, %iota3A : vector<16xi32>
      %and3A = arith.constant 63 : i32
      %and3A_213 = vector.broadcast %and3A : i32 to vector<16xi32>
      %and3A_214 = arith.andi %add3A_212, %and3A_213 : vector<16xi32>
      %gather3A = tpu.vector_load_idx %arg16[%add3A_55, %and3A_214] : memref<128x64xf32, #tpu.memory_space<vmem>>[vector<16xi32>, vector<16xi32>], vector<16xf32>,
      %gather3A_215 = tpu.vector_load_idx %arg14[%add3A_55, %and3A_214] : memref<128x64xf32, #tpu.memory_space<vmem>>[vector<16xi32>, vector<16xi32>], vector<16xf32>,
      %sub3A_216 = arith.subf %gather3A, %gather3A_215 : vector<16xf32>
      %abs3A = math.absf %sub3A_216 : vector<16xf32>
      %add3A_217 = arith.addf %scan3A_210, %abs3A : vector<16xf32>
      %scan3A_218 = arith.constant 1 : i32
      %scan3A_219 = arith.addi %scan3A_209, %scan3A_218 : i32
      %add3A_220 = vector.broadcast %scan3A_219 : i32 to vector<16xi32>
      %add3A_221 = arith.addi %add3A_220, %iota3A : vector<16xi32>
      %and3A_222 = arith.constant 63 : i32
      %and3A_223 = vector.broadcast %and3A_222 : i32 to vector<16xi32>
      %and3A_224 = arith.andi %add3A_221, %and3A_223 : vector<16xi32>
      %gather3A_225 = tpu.vector_load_idx %arg16[%add3A_55, %and3A_224] : memref<128x64xf32, #tpu.memory_space<vmem>>[vector<16xi32>, vector<16xi32>], vector<16xf32>,
      %gather3A_226 = tpu.vector_load_idx %arg14[%add3A_55, %and3A_224] : memref<128x64xf32, #tpu.memory_space<vmem>>[vector<16xi32>, vector<16xi32>], vector<16xf32>,
      %sub3A_227 = arith.subf %gather3A_225, %gather3A_226 : vector<16xf32>
      %abs3A_228 = math.absf %sub3A_227 : vector<16xf32>
      %add3A_229 = arith.addf %add3A_217, %abs3A_228 : vector<16xf32>
      %scan3A_230 = arith.constant 2 : i32
      %scan3A_231 = arith.addi %scan3A_209, %scan3A_230 : i32
      %add3A_232 = vector.broadcast %scan3A_231 : i32 to vector<16xi32>
      %add3A_233 = arith.addi %add3A_232, %iota3A : vector<16xi32>
      %and3A_234 = arith.constant 63 : i32
      %and3A_235 = vector.broadcast %and3A_234 : i32 to vector<16xi32>
      %and3A_236 = arith.andi %add3A_233, %and3A_235 : vector<16xi32>
      %gather3A_237 = tpu.vector_load_idx %arg16[%add3A_55, %and3A_236] : memref<128x64xf32, #tpu.memory_space<vmem>>[vector<16xi32>, vector<16xi32>], vector<16xf32>,
      %gather3A_238 = tpu.vector_load_idx %arg14[%add3A_55, %and3A_236] : memref<128x64xf32, #tpu.memory_space<vmem>>[vector<16xi32>, vector<16xi32>], vector<16xf32>,
      %sub3A_239 = arith.subf %gather3A_237, %gather3A_238 : vector<16xf32>
      %abs3A_240 = math.absf %sub3A_239 : vector<16xf32>
      %add3A_241 = arith.addf %add3A_229, %abs3A_240 : vector<16xf32>
      %scan3A_242 = arith.constant 3 : i32
      %scan3A_243 = arith.addi %scan3A_209, %scan3A_242 : i32
      %add3A_244 = vector.broadcast %scan3A_243 : i32 to vector<16xi32>
      %add3A_245 = arith.addi %add3A_244, %iota3A : vector<16xi32>
      %and3A_246 = arith.constant 63 : i32
      %and3A_247 = vector.broadcast %and3A_246 : i32 to vector<16xi32>
      %and3A_248 = arith.andi %add3A_245, %and3A_247 : vector<16xi32>
      %gather3A_249 = tpu.vector_load_idx %arg16[%add3A_55, %and3A_248] : memref<128x64xf32, #tpu.memory_space<vmem>>[vector<16xi32>, vector<16xi32>], vector<16xf32>,
      %gather3A_250 = tpu.vector_load_idx %arg14[%add3A_55, %and3A_248] : memref<128x64xf32, #tpu.memory_space<vmem>>[vector<16xi32>, vector<16xi32>], vector<16xf32>,
      %sub3A_251 = arith.subf %gather3A_249, %gather3A_250 : vector<16xf32>
      %abs3A_252 = math.absf %sub3A_251 : vector<16xf32>
      %add3A_253 = arith.addf %add3A_241, %abs3A_252 : vector<16xf32>
      scf.yield %add3A_253 : vector<16xf32>
    }
    %scan3A_62 = arith.constant 64 : i32
    %sub3A = arith.constant 2.400000e+01 : f32
    %sub3A_63 = vector.broadcast %sub3A : f32 to vector<16xf32>
    %sub3A_64 = arith.subf %sub3A_63, %scan3A_61 : vector<16xf32>
    %swap3A = arith.constant 0 : index
    %swap3A_65 = tpu.vector_load %arg21[%swap3A] {strides = array<i32>} : memref<128xf32, #tpu.memory_space<vmem>>, vector<16xf32>,
    tpu.vector_store %arg21[%swap3A], %sub3A_64 {strides = array<i32>} : memref<128xf32, #tpu.memory_space<vmem>>, vector<16xf32>,
    %add3A_66 = arith.constant 16 : i32
    %add3A_67 = vector.broadcast %add3A_66 : i32 to vector<16xi32>
    %add3A_68 = arith.addi %add3A_67, %iota3A : vector<16xi32>
    %broadcast_in_dim3A_69 = arith.constant 0.000000e+00 : f32
    %broadcast_in_dim3A_70 = vector.broadcast %broadcast_in_dim3A_69 : f32 to vector<16xf32>
    %scan3A_71 = arith.constant 0 : i32
    %scan3A_72 = arith.constant 64 : i32
    %scan3A_73 = arith.addi %scan3A_71, %scan3A_72 : i32
    %scan3A_74 = arith.constant 4 : i32
    %scan3A_75 = scf.for %scan3A_209 = %scan3A_71 to %scan3A_73 step %scan3A_74 iter_args(%scan3A_210 = %broadcast_in_dim3A_70) -> (vector<16xf32>)  : i32 {
      %add3A_211 = vector.broadcast %scan3A_209 : i32 to vector<16xi32>
      %add3A_212 = arith.addi %add3A_211, %iota3A : vector<16xi32>
      %and3A = arith.constant 63 : i32
      %and3A_213 = vector.broadcast %and3A : i32 to vector<16xi32>
      %and3A_214 = arith.andi %add3A_212, %and3A_213 : vector<16xi32>
      %gather3A = tpu.vector_load_idx %arg16[%add3A_68, %and3A_214] : memref<128x64xf32, #tpu.memory_space<vmem>>[vector<16xi32>, vector<16xi32>], vector<16xf32>,
      %gather3A_215 = tpu.vector_load_idx %arg14[%add3A_68, %and3A_214] : memref<128x64xf32, #tpu.memory_space<vmem>>[vector<16xi32>, vector<16xi32>], vector<16xf32>,
      %sub3A_216 = arith.subf %gather3A, %gather3A_215 : vector<16xf32>
      %abs3A = math.absf %sub3A_216 : vector<16xf32>
      %add3A_217 = arith.addf %scan3A_210, %abs3A : vector<16xf32>
      %scan3A_218 = arith.constant 1 : i32
      %scan3A_219 = arith.addi %scan3A_209, %scan3A_218 : i32
      %add3A_220 = vector.broadcast %scan3A_219 : i32 to vector<16xi32>
      %add3A_221 = arith.addi %add3A_220, %iota3A : vector<16xi32>
      %and3A_222 = arith.constant 63 : i32
      %and3A_223 = vector.broadcast %and3A_222 : i32 to vector<16xi32>
      %and3A_224 = arith.andi %add3A_221, %and3A_223 : vector<16xi32>
      %gather3A_225 = tpu.vector_load_idx %arg16[%add3A_68, %and3A_224] : memref<128x64xf32, #tpu.memory_space<vmem>>[vector<16xi32>, vector<16xi32>], vector<16xf32>,
      %gather3A_226 = tpu.vector_load_idx %arg14[%add3A_68, %and3A_224] : memref<128x64xf32, #tpu.memory_space<vmem>>[vector<16xi32>, vector<16xi32>], vector<16xf32>,
      %sub3A_227 = arith.subf %gather3A_225, %gather3A_226 : vector<16xf32>
      %abs3A_228 = math.absf %sub3A_227 : vector<16xf32>
      %add3A_229 = arith.addf %add3A_217, %abs3A_228 : vector<16xf32>
      %scan3A_230 = arith.constant 2 : i32
      %scan3A_231 = arith.addi %scan3A_209, %scan3A_230 : i32
      %add3A_232 = vector.broadcast %scan3A_231 : i32 to vector<16xi32>
      %add3A_233 = arith.addi %add3A_232, %iota3A : vector<16xi32>
      %and3A_234 = arith.constant 63 : i32
      %and3A_235 = vector.broadcast %and3A_234 : i32 to vector<16xi32>
      %and3A_236 = arith.andi %add3A_233, %and3A_235 : vector<16xi32>
      %gather3A_237 = tpu.vector_load_idx %arg16[%add3A_68, %and3A_236] : memref<128x64xf32, #tpu.memory_space<vmem>>[vector<16xi32>, vector<16xi32>], vector<16xf32>,
      %gather3A_238 = tpu.vector_load_idx %arg14[%add3A_68, %and3A_236] : memref<128x64xf32, #tpu.memory_space<vmem>>[vector<16xi32>, vector<16xi32>], vector<16xf32>,
      %sub3A_239 = arith.subf %gather3A_237, %gather3A_238 : vector<16xf32>
      %abs3A_240 = math.absf %sub3A_239 : vector<16xf32>
      %add3A_241 = arith.addf %add3A_229, %abs3A_240 : vector<16xf32>
      %scan3A_242 = arith.constant 3 : i32
      %scan3A_243 = arith.addi %scan3A_209, %scan3A_242 : i32
      %add3A_244 = vector.broadcast %scan3A_243 : i32 to vector<16xi32>
      %add3A_245 = arith.addi %add3A_244, %iota3A : vector<16xi32>
      %and3A_246 = arith.constant 63 : i32
      %and3A_247 = vector.broadcast %and3A_246 : i32 to vector<16xi32>
      %and3A_248 = arith.andi %add3A_245, %and3A_247 : vector<16xi32>
      %gather3A_249 = tpu.vector_load_idx %arg16[%add3A_68, %and3A_248] : memref<128x64xf32, #tpu.memory_space<vmem>>[vector<16xi32>, vector<16xi32>], vector<16xf32>,
      %gather3A_250 = tpu.vector_load_idx %arg14[%add3A_68, %and3A_248] : memref<128x64xf32, #tpu.memory_space<vmem>>[vector<16xi32>, vector<16xi32>], vector<16xf32>,
      %sub3A_251 = arith.subf %gather3A_249, %gather3A_250 : vector<16xf32>
      %abs3A_252 = math.absf %sub3A_251 : vector<16xf32>
      %add3A_253 = arith.addf %add3A_241, %abs3A_252 : vector<16xf32>
      scf.yield %add3A_253 : vector<16xf32>
    }
    %scan3A_76 = arith.constant 64 : i32
    %sub3A_77 = arith.constant 2.400000e+01 : f32
    %sub3A_78 = vector.broadcast %sub3A_77 : f32 to vector<16xf32>
    %sub3A_79 = arith.subf %sub3A_78, %scan3A_75 : vector<16xf32>
    %swap3A_80 = arith.constant 16 : index
    %swap3A_81 = tpu.vector_load %arg21[%swap3A_80] {strides = array<i32>} : memref<128xf32, #tpu.memory_space<vmem>>, vector<16xf32>,
    tpu.vector_store %arg21[%swap3A_80], %sub3A_79 {strides = array<i32>} : memref<128xf32, #tpu.memory_space<vmem>>, vector<16xf32>,
    %add3A_82 = arith.constant 32 : i32
    %add3A_83 = vector.broadcast %add3A_82 : i32 to vector<16xi32>
    %add3A_84 = arith.addi %add3A_83, %iota3A : vector<16xi32>
    %broadcast_in_dim3A_85 = arith.constant 0.000000e+00 : f32
    %broadcast_in_dim3A_86 = vector.broadcast %broadcast_in_dim3A_85 : f32 to vector<16xf32>
    %scan3A_87 = arith.constant 0 : i32
    %scan3A_88 = arith.constant 64 : i32
    %scan3A_89 = arith.addi %scan3A_87, %scan3A_88 : i32
    %scan3A_90 = arith.constant 4 : i32
    %scan3A_91 = scf.for %scan3A_209 = %scan3A_87 to %scan3A_89 step %scan3A_90 iter_args(%scan3A_210 = %broadcast_in_dim3A_86) -> (vector<16xf32>)  : i32 {
      %add3A_211 = vector.broadcast %scan3A_209 : i32 to vector<16xi32>
      %add3A_212 = arith.addi %add3A_211, %iota3A : vector<16xi32>
      %and3A = arith.constant 63 : i32
      %and3A_213 = vector.broadcast %and3A : i32 to vector<16xi32>
      %and3A_214 = arith.andi %add3A_212, %and3A_213 : vector<16xi32>
      %gather3A = tpu.vector_load_idx %arg16[%add3A_84, %and3A_214] : memref<128x64xf32, #tpu.memory_space<vmem>>[vector<16xi32>, vector<16xi32>], vector<16xf32>,
      %gather3A_215 = tpu.vector_load_idx %arg14[%add3A_84, %and3A_214] : memref<128x64xf32, #tpu.memory_space<vmem>>[vector<16xi32>, vector<16xi32>], vector<16xf32>,
      %sub3A_216 = arith.subf %gather3A, %gather3A_215 : vector<16xf32>
      %abs3A = math.absf %sub3A_216 : vector<16xf32>
      %add3A_217 = arith.addf %scan3A_210, %abs3A : vector<16xf32>
      %scan3A_218 = arith.constant 1 : i32
      %scan3A_219 = arith.addi %scan3A_209, %scan3A_218 : i32
      %add3A_220 = vector.broadcast %scan3A_219 : i32 to vector<16xi32>
      %add3A_221 = arith.addi %add3A_220, %iota3A : vector<16xi32>
      %and3A_222 = arith.constant 63 : i32
      %and3A_223 = vector.broadcast %and3A_222 : i32 to vector<16xi32>
      %and3A_224 = arith.andi %add3A_221, %and3A_223 : vector<16xi32>
      %gather3A_225 = tpu.vector_load_idx %arg16[%add3A_84, %and3A_224] : memref<128x64xf32, #tpu.memory_space<vmem>>[vector<16xi32>, vector<16xi32>], vector<16xf32>,
      %gather3A_226 = tpu.vector_load_idx %arg14[%add3A_84, %and3A_224] : memref<128x64xf32, #tpu.memory_space<vmem>>[vector<16xi32>, vector<16xi32>], vector<16xf32>,
      %sub3A_227 = arith.subf %gather3A_225, %gather3A_226 : vector<16xf32>
      %abs3A_228 = math.absf %sub3A_227 : vector<16xf32>
      %add3A_229 = arith.addf %add3A_217, %abs3A_228 : vector<16xf32>
      %scan3A_230 = arith.constant 2 : i32
      %scan3A_231 = arith.addi %scan3A_209, %scan3A_230 : i32
      %add3A_232 = vector.broadcast %scan3A_231 : i32 to vector<16xi32>
      %add3A_233 = arith.addi %add3A_232, %iota3A : vector<16xi32>
      %and3A_234 = arith.constant 63 : i32
      %and3A_235 = vector.broadcast %and3A_234 : i32 to vector<16xi32>
      %and3A_236 = arith.andi %add3A_233, %and3A_235 : vector<16xi32>
      %gather3A_237 = tpu.vector_load_idx %arg16[%add3A_84, %and3A_236] : memref<128x64xf32, #tpu.memory_space<vmem>>[vector<16xi32>, vector<16xi32>], vector<16xf32>,
      %gather3A_238 = tpu.vector_load_idx %arg14[%add3A_84, %and3A_236] : memref<128x64xf32, #tpu.memory_space<vmem>>[vector<16xi32>, vector<16xi32>], vector<16xf32>,
      %sub3A_239 = arith.subf %gather3A_237, %gather3A_238 : vector<16xf32>
      %abs3A_240 = math.absf %sub3A_239 : vector<16xf32>
      %add3A_241 = arith.addf %add3A_229, %abs3A_240 : vector<16xf32>
      %scan3A_242 = arith.constant 3 : i32
      %scan3A_243 = arith.addi %scan3A_209, %scan3A_242 : i32
      %add3A_244 = vector.broadcast %scan3A_243 : i32 to vector<16xi32>
      %add3A_245 = arith.addi %add3A_244, %iota3A : vector<16xi32>
      %and3A_246 = arith.constant 63 : i32
      %and3A_247 = vector.broadcast %and3A_246 : i32 to vector<16xi32>
      %and3A_248 = arith.andi %add3A_245, %and3A_247 : vector<16xi32>
      %gather3A_249 = tpu.vector_load_idx %arg16[%add3A_84, %and3A_248] : memref<128x64xf32, #tpu.memory_space<vmem>>[vector<16xi32>, vector<16xi32>], vector<16xf32>,
      %gather3A_250 = tpu.vector_load_idx %arg14[%add3A_84, %and3A_248] : memref<128x64xf32, #tpu.memory_space<vmem>>[vector<16xi32>, vector<16xi32>], vector<16xf32>,
      %sub3A_251 = arith.subf %gather3A_249, %gather3A_250 : vector<16xf32>
      %abs3A_252 = math.absf %sub3A_251 : vector<16xf32>
      %add3A_253 = arith.addf %add3A_241, %abs3A_252 : vector<16xf32>
      scf.yield %add3A_253 : vector<16xf32>
    }
    %scan3A_92 = arith.constant 64 : i32
    %sub3A_93 = arith.constant 2.400000e+01 : f32
    %sub3A_94 = vector.broadcast %sub3A_93 : f32 to vector<16xf32>
    %sub3A_95 = arith.subf %sub3A_94, %scan3A_91 : vector<16xf32>
    %swap3A_96 = arith.constant 32 : index
    %swap3A_97 = tpu.vector_load %arg21[%swap3A_96] {strides = array<i32>} : memref<128xf32, #tpu.memory_space<vmem>>, vector<16xf32>,
    tpu.vector_store %arg21[%swap3A_96], %sub3A_95 {strides = array<i32>} : memref<128xf32, #tpu.memory_space<vmem>>, vector<16xf32>,
    %add3A_98 = arith.constant 48 : i32
    %add3A_99 = vector.broadcast %add3A_98 : i32 to vector<16xi32>
    %add3A_100 = arith.addi %add3A_99, %iota3A : vector<16xi32>
    %broadcast_in_dim3A_101 = arith.constant 0.000000e+00 : f32
    %broadcast_in_dim3A_102 = vector.broadcast %broadcast_in_dim3A_101 : f32 to vector<16xf32>
    %scan3A_103 = arith.constant 0 : i32
    %scan3A_104 = arith.constant 64 : i32
    %scan3A_105 = arith.addi %scan3A_103, %scan3A_104 : i32
    %scan3A_106 = arith.constant 4 : i32
    %scan3A_107 = scf.for %scan3A_209 = %scan3A_103 to %scan3A_105 step %scan3A_106 iter_args(%scan3A_210 = %broadcast_in_dim3A_102) -> (vector<16xf32>)  : i32 {
      %add3A_211 = vector.broadcast %scan3A_209 : i32 to vector<16xi32>
      %add3A_212 = arith.addi %add3A_211, %iota3A : vector<16xi32>
      %and3A = arith.constant 63 : i32
      %and3A_213 = vector.broadcast %and3A : i32 to vector<16xi32>
      %and3A_214 = arith.andi %add3A_212, %and3A_213 : vector<16xi32>
      %gather3A = tpu.vector_load_idx %arg16[%add3A_100, %and3A_214] : memref<128x64xf32, #tpu.memory_space<vmem>>[vector<16xi32>, vector<16xi32>], vector<16xf32>,
      %gather3A_215 = tpu.vector_load_idx %arg14[%add3A_100, %and3A_214] : memref<128x64xf32, #tpu.memory_space<vmem>>[vector<16xi32>, vector<16xi32>], vector<16xf32>,
      %sub3A_216 = arith.subf %gather3A, %gather3A_215 : vector<16xf32>
      %abs3A = math.absf %sub3A_216 : vector<16xf32>
      %add3A_217 = arith.addf %scan3A_210, %abs3A : vector<16xf32>
      %scan3A_218 = arith.constant 1 : i32
      %scan3A_219 = arith.addi %scan3A_209, %scan3A_218 : i32
      %add3A_220 = vector.broadcast %scan3A_219 : i32 to vector<16xi32>
      %add3A_221 = arith.addi %add3A_220, %iota3A : vector<16xi32>
      %and3A_222 = arith.constant 63 : i32
      %and3A_223 = vector.broadcast %and3A_222 : i32 to vector<16xi32>
      %and3A_224 = arith.andi %add3A_221, %and3A_223 : vector<16xi32>
      %gather3A_225 = tpu.vector_load_idx %arg16[%add3A_100, %and3A_224] : memref<128x64xf32, #tpu.memory_space<vmem>>[vector<16xi32>, vector<16xi32>], vector<16xf32>,
      %gather3A_226 = tpu.vector_load_idx %arg14[%add3A_100, %and3A_224] : memref<128x64xf32, #tpu.memory_space<vmem>>[vector<16xi32>, vector<16xi32>], vector<16xf32>,
      %sub3A_227 = arith.subf %gather3A_225, %gather3A_226 : vector<16xf32>
      %abs3A_228 = math.absf %sub3A_227 : vector<16xf32>
      %add3A_229 = arith.addf %add3A_217, %abs3A_228 : vector<16xf32>
      %scan3A_230 = arith.constant 2 : i32
      %scan3A_231 = arith.addi %scan3A_209, %scan3A_230 : i32
      %add3A_232 = vector.broadcast %scan3A_231 : i32 to vector<16xi32>
      %add3A_233 = arith.addi %add3A_232, %iota3A : vector<16xi32>
      %and3A_234 = arith.constant 63 : i32
      %and3A_235 = vector.broadcast %and3A_234 : i32 to vector<16xi32>
      %and3A_236 = arith.andi %add3A_233, %and3A_235 : vector<16xi32>
      %gather3A_237 = tpu.vector_load_idx %arg16[%add3A_100, %and3A_236] : memref<128x64xf32, #tpu.memory_space<vmem>>[vector<16xi32>, vector<16xi32>], vector<16xf32>,
      %gather3A_238 = tpu.vector_load_idx %arg14[%add3A_100, %and3A_236] : memref<128x64xf32, #tpu.memory_space<vmem>>[vector<16xi32>, vector<16xi32>], vector<16xf32>,
      %sub3A_239 = arith.subf %gather3A_237, %gather3A_238 : vector<16xf32>
      %abs3A_240 = math.absf %sub3A_239 : vector<16xf32>
      %add3A_241 = arith.addf %add3A_229, %abs3A_240 : vector<16xf32>
      %scan3A_242 = arith.constant 3 : i32
      %scan3A_243 = arith.addi %scan3A_209, %scan3A_242 : i32
      %add3A_244 = vector.broadcast %scan3A_243 : i32 to vector<16xi32>
      %add3A_245 = arith.addi %add3A_244, %iota3A : vector<16xi32>
      %and3A_246 = arith.constant 63 : i32
      %and3A_247 = vector.broadcast %and3A_246 : i32 to vector<16xi32>
      %and3A_248 = arith.andi %add3A_245, %and3A_247 : vector<16xi32>
      %gather3A_249 = tpu.vector_load_idx %arg16[%add3A_100, %and3A_248] : memref<128x64xf32, #tpu.memory_space<vmem>>[vector<16xi32>, vector<16xi32>], vector<16xf32>,
      %gather3A_250 = tpu.vector_load_idx %arg14[%add3A_100, %and3A_248] : memref<128x64xf32, #tpu.memory_space<vmem>>[vector<16xi32>, vector<16xi32>], vector<16xf32>,
      %sub3A_251 = arith.subf %gather3A_249, %gather3A_250 : vector<16xf32>
      %abs3A_252 = math.absf %sub3A_251 : vector<16xf32>
      %add3A_253 = arith.addf %add3A_241, %abs3A_252 : vector<16xf32>
      scf.yield %add3A_253 : vector<16xf32>
    }
    %scan3A_108 = arith.constant 64 : i32
    %sub3A_109 = arith.constant 2.400000e+01 : f32
    %sub3A_110 = vector.broadcast %sub3A_109 : f32 to vector<16xf32>
    %sub3A_111 = arith.subf %sub3A_110, %scan3A_107 : vector<16xf32>
    %swap3A_112 = arith.constant 48 : index
    %swap3A_113 = tpu.vector_load %arg21[%swap3A_112] {strides = array<i32>} : memref<128xf32, #tpu.memory_space<vmem>>, vector<16xf32>,
    tpu.vector_store %arg21[%swap3A_112], %sub3A_111 {strides = array<i32>} : memref<128xf32, #tpu.memory_space<vmem>>, vector<16xf32>,
    %add3A_114 = arith.constant 64 : i32
    %add3A_115 = vector.broadcast %add3A_114 : i32 to vector<16xi32>
    %add3A_116 = arith.addi %add3A_115, %iota3A : vector<16xi32>
    %broadcast_in_dim3A_117 = arith.constant 0.000000e+00 : f32
    %broadcast_in_dim3A_118 = vector.broadcast %broadcast_in_dim3A_117 : f32 to vector<16xf32>
    %scan3A_119 = arith.constant 0 : i32
    %scan3A_120 = arith.constant 64 : i32
    %scan3A_121 = arith.addi %scan3A_119, %scan3A_120 : i32
    %scan3A_122 = arith.constant 4 : i32
    %scan3A_123 = scf.for %scan3A_209 = %scan3A_119 to %scan3A_121 step %scan3A_122 iter_args(%scan3A_210 = %broadcast_in_dim3A_118) -> (vector<16xf32>)  : i32 {
      %add3A_211 = vector.broadcast %scan3A_209 : i32 to vector<16xi32>
      %add3A_212 = arith.addi %add3A_211, %iota3A : vector<16xi32>
      %and3A = arith.constant 63 : i32
      %and3A_213 = vector.broadcast %and3A : i32 to vector<16xi32>
      %and3A_214 = arith.andi %add3A_212, %and3A_213 : vector<16xi32>
      %gather3A = tpu.vector_load_idx %arg16[%add3A_116, %and3A_214] : memref<128x64xf32, #tpu.memory_space<vmem>>[vector<16xi32>, vector<16xi32>], vector<16xf32>,
      %gather3A_215 = tpu.vector_load_idx %arg14[%add3A_116, %and3A_214] : memref<128x64xf32, #tpu.memory_space<vmem>>[vector<16xi32>, vector<16xi32>], vector<16xf32>,
      %sub3A_216 = arith.subf %gather3A, %gather3A_215 : vector<16xf32>
      %abs3A = math.absf %sub3A_216 : vector<16xf32>
      %add3A_217 = arith.addf %scan3A_210, %abs3A : vector<16xf32>
      %scan3A_218 = arith.constant 1 : i32
      %scan3A_219 = arith.addi %scan3A_209, %scan3A_218 : i32
      %add3A_220 = vector.broadcast %scan3A_219 : i32 to vector<16xi32>
      %add3A_221 = arith.addi %add3A_220, %iota3A : vector<16xi32>
      %and3A_222 = arith.constant 63 : i32
      %and3A_223 = vector.broadcast %and3A_222 : i32 to vector<16xi32>
      %and3A_224 = arith.andi %add3A_221, %and3A_223 : vector<16xi32>
      %gather3A_225 = tpu.vector_load_idx %arg16[%add3A_116, %and3A_224] : memref<128x64xf32, #tpu.memory_space<vmem>>[vector<16xi32>, vector<16xi32>], vector<16xf32>,
      %gather3A_226 = tpu.vector_load_idx %arg14[%add3A_116, %and3A_224] : memref<128x64xf32, #tpu.memory_space<vmem>>[vector<16xi32>, vector<16xi32>], vector<16xf32>,
      %sub3A_227 = arith.subf %gather3A_225, %gather3A_226 : vector<16xf32>
      %abs3A_228 = math.absf %sub3A_227 : vector<16xf32>
      %add3A_229 = arith.addf %add3A_217, %abs3A_228 : vector<16xf32>
      %scan3A_230 = arith.constant 2 : i32
      %scan3A_231 = arith.addi %scan3A_209, %scan3A_230 : i32
      %add3A_232 = vector.broadcast %scan3A_231 : i32 to vector<16xi32>
      %add3A_233 = arith.addi %add3A_232, %iota3A : vector<16xi32>
      %and3A_234 = arith.constant 63 : i32
      %and3A_235 = vector.broadcast %and3A_234 : i32 to vector<16xi32>
      %and3A_236 = arith.andi %add3A_233, %and3A_235 : vector<16xi32>
      %gather3A_237 = tpu.vector_load_idx %arg16[%add3A_116, %and3A_236] : memref<128x64xf32, #tpu.memory_space<vmem>>[vector<16xi32>, vector<16xi32>], vector<16xf32>,
      %gather3A_238 = tpu.vector_load_idx %arg14[%add3A_116, %and3A_236] : memref<128x64xf32, #tpu.memory_space<vmem>>[vector<16xi32>, vector<16xi32>], vector<16xf32>,
      %sub3A_239 = arith.subf %gather3A_237, %gather3A_238 : vector<16xf32>
      %abs3A_240 = math.absf %sub3A_239 : vector<16xf32>
      %add3A_241 = arith.addf %add3A_229, %abs3A_240 : vector<16xf32>
      %scan3A_242 = arith.constant 3 : i32
      %scan3A_243 = arith.addi %scan3A_209, %scan3A_242 : i32
      %add3A_244 = vector.broadcast %scan3A_243 : i32 to vector<16xi32>
      %add3A_245 = arith.addi %add3A_244, %iota3A : vector<16xi32>
      %and3A_246 = arith.constant 63 : i32
      %and3A_247 = vector.broadcast %and3A_246 : i32 to vector<16xi32>
      %and3A_248 = arith.andi %add3A_245, %and3A_247 : vector<16xi32>
      %gather3A_249 = tpu.vector_load_idx %arg16[%add3A_116, %and3A_248] : memref<128x64xf32, #tpu.memory_space<vmem>>[vector<16xi32>, vector<16xi32>], vector<16xf32>,
      %gather3A_250 = tpu.vector_load_idx %arg14[%add3A_116, %and3A_248] : memref<128x64xf32, #tpu.memory_space<vmem>>[vector<16xi32>, vector<16xi32>], vector<16xf32>,
      %sub3A_251 = arith.subf %gather3A_249, %gather3A_250 : vector<16xf32>
      %abs3A_252 = math.absf %sub3A_251 : vector<16xf32>
      %add3A_253 = arith.addf %add3A_241, %abs3A_252 : vector<16xf32>
      scf.yield %add3A_253 : vector<16xf32>
    }
    %scan3A_124 = arith.constant 64 : i32
    %sub3A_125 = arith.constant 2.400000e+01 : f32
    %sub3A_126 = vector.broadcast %sub3A_125 : f32 to vector<16xf32>
    %sub3A_127 = arith.subf %sub3A_126, %scan3A_123 : vector<16xf32>
    %swap3A_128 = arith.constant 64 : index
    %swap3A_129 = tpu.vector_load %arg21[%swap3A_128] {strides = array<i32>} : memref<128xf32, #tpu.memory_space<vmem>>, vector<16xf32>,
    tpu.vector_store %arg21[%swap3A_128], %sub3A_127 {strides = array<i32>} : memref<128xf32, #tpu.memory_space<vmem>>, vector<16xf32>,
    %add3A_130 = arith.constant 80 : i32
    %add3A_131 = vector.broadcast %add3A_130 : i32 to vector<16xi32>
    %add3A_132 = arith.addi %add3A_131, %iota3A : vector<16xi32>
    %broadcast_in_dim3A_133 = arith.constant 0.000000e+00 : f32
    %broadcast_in_dim3A_134 = vector.broadcast %broadcast_in_dim3A_133 : f32 to vector<16xf32>
    %scan3A_135 = arith.constant 0 : i32
    %scan3A_136 = arith.constant 64 : i32
    %scan3A_137 = arith.addi %scan3A_135, %scan3A_136 : i32
    %scan3A_138 = arith.constant 4 : i32
    %scan3A_139 = scf.for %scan3A_209 = %scan3A_135 to %scan3A_137 step %scan3A_138 iter_args(%scan3A_210 = %broadcast_in_dim3A_134) -> (vector<16xf32>)  : i32 {
      %add3A_211 = vector.broadcast %scan3A_209 : i32 to vector<16xi32>
      %add3A_212 = arith.addi %add3A_211, %iota3A : vector<16xi32>
      %and3A = arith.constant 63 : i32
      %and3A_213 = vector.broadcast %and3A : i32 to vector<16xi32>
      %and3A_214 = arith.andi %add3A_212, %and3A_213 : vector<16xi32>
      %gather3A = tpu.vector_load_idx %arg16[%add3A_132, %and3A_214] : memref<128x64xf32, #tpu.memory_space<vmem>>[vector<16xi32>, vector<16xi32>], vector<16xf32>,
      %gather3A_215 = tpu.vector_load_idx %arg14[%add3A_132, %and3A_214] : memref<128x64xf32, #tpu.memory_space<vmem>>[vector<16xi32>, vector<16xi32>], vector<16xf32>,
      %sub3A_216 = arith.subf %gather3A, %gather3A_215 : vector<16xf32>
      %abs3A = math.absf %sub3A_216 : vector<16xf32>
      %add3A_217 = arith.addf %scan3A_210, %abs3A : vector<16xf32>
      %scan3A_218 = arith.constant 1 : i32
      %scan3A_219 = arith.addi %scan3A_209, %scan3A_218 : i32
      %add3A_220 = vector.broadcast %scan3A_219 : i32 to vector<16xi32>
      %add3A_221 = arith.addi %add3A_220, %iota3A : vector<16xi32>
      %and3A_222 = arith.constant 63 : i32
      %and3A_223 = vector.broadcast %and3A_222 : i32 to vector<16xi32>
      %and3A_224 = arith.andi %add3A_221, %and3A_223 : vector<16xi32>
      %gather3A_225 = tpu.vector_load_idx %arg16[%add3A_132, %and3A_224] : memref<128x64xf32, #tpu.memory_space<vmem>>[vector<16xi32>, vector<16xi32>], vector<16xf32>,
      %gather3A_226 = tpu.vector_load_idx %arg14[%add3A_132, %and3A_224] : memref<128x64xf32, #tpu.memory_space<vmem>>[vector<16xi32>, vector<16xi32>], vector<16xf32>,
      %sub3A_227 = arith.subf %gather3A_225, %gather3A_226 : vector<16xf32>
      %abs3A_228 = math.absf %sub3A_227 : vector<16xf32>
      %add3A_229 = arith.addf %add3A_217, %abs3A_228 : vector<16xf32>
      %scan3A_230 = arith.constant 2 : i32
      %scan3A_231 = arith.addi %scan3A_209, %scan3A_230 : i32
      %add3A_232 = vector.broadcast %scan3A_231 : i32 to vector<16xi32>
      %add3A_233 = arith.addi %add3A_232, %iota3A : vector<16xi32>
      %and3A_234 = arith.constant 63 : i32
      %and3A_235 = vector.broadcast %and3A_234 : i32 to vector<16xi32>
      %and3A_236 = arith.andi %add3A_233, %and3A_235 : vector<16xi32>
      %gather3A_237 = tpu.vector_load_idx %arg16[%add3A_132, %and3A_236] : memref<128x64xf32, #tpu.memory_space<vmem>>[vector<16xi32>, vector<16xi32>], vector<16xf32>,
      %gather3A_238 = tpu.vector_load_idx %arg14[%add3A_132, %and3A_236] : memref<128x64xf32, #tpu.memory_space<vmem>>[vector<16xi32>, vector<16xi32>], vector<16xf32>,
      %sub3A_239 = arith.subf %gather3A_237, %gather3A_238 : vector<16xf32>
      %abs3A_240 = math.absf %sub3A_239 : vector<16xf32>
      %add3A_241 = arith.addf %add3A_229, %abs3A_240 : vector<16xf32>
      %scan3A_242 = arith.constant 3 : i32
      %scan3A_243 = arith.addi %scan3A_209, %scan3A_242 : i32
      %add3A_244 = vector.broadcast %scan3A_243 : i32 to vector<16xi32>
      %add3A_245 = arith.addi %add3A_244, %iota3A : vector<16xi32>
      %and3A_246 = arith.constant 63 : i32
      %and3A_247 = vector.broadcast %and3A_246 : i32 to vector<16xi32>
      %and3A_248 = arith.andi %add3A_245, %and3A_247 : vector<16xi32>
      %gather3A_249 = tpu.vector_load_idx %arg16[%add3A_132, %and3A_248] : memref<128x64xf32, #tpu.memory_space<vmem>>[vector<16xi32>, vector<16xi32>], vector<16xf32>,
      %gather3A_250 = tpu.vector_load_idx %arg14[%add3A_132, %and3A_248] : memref<128x64xf32, #tpu.memory_space<vmem>>[vector<16xi32>, vector<16xi32>], vector<16xf32>,
      %sub3A_251 = arith.subf %gather3A_249, %gather3A_250 : vector<16xf32>
      %abs3A_252 = math.absf %sub3A_251 : vector<16xf32>
      %add3A_253 = arith.addf %add3A_241, %abs3A_252 : vector<16xf32>
      scf.yield %add3A_253 : vector<16xf32>
    }
    %scan3A_140 = arith.constant 64 : i32
    %sub3A_141 = arith.constant 2.400000e+01 : f32
    %sub3A_142 = vector.broadcast %sub3A_141 : f32 to vector<16xf32>
    %sub3A_143 = arith.subf %sub3A_142, %scan3A_139 : vector<16xf32>
    %swap3A_144 = arith.constant 80 : index
    %swap3A_145 = tpu.vector_load %arg21[%swap3A_144] {strides = array<i32>} : memref<128xf32, #tpu.memory_space<vmem>>, vector<16xf32>,
    tpu.vector_store %arg21[%swap3A_144], %sub3A_143 {strides = array<i32>} : memref<128xf32, #tpu.memory_space<vmem>>, vector<16xf32>,
    %add3A_146 = arith.constant 96 : i32
    %add3A_147 = vector.broadcast %add3A_146 : i32 to vector<16xi32>
    %add3A_148 = arith.addi %add3A_147, %iota3A : vector<16xi32>
    %broadcast_in_dim3A_149 = arith.constant 0.000000e+00 : f32
    %broadcast_in_dim3A_150 = vector.broadcast %broadcast_in_dim3A_149 : f32 to vector<16xf32>
    %scan3A_151 = arith.constant 0 : i32
    %scan3A_152 = arith.constant 64 : i32
    %scan3A_153 = arith.addi %scan3A_151, %scan3A_152 : i32
    %scan3A_154 = arith.constant 4 : i32
    %scan3A_155 = scf.for %scan3A_209 = %scan3A_151 to %scan3A_153 step %scan3A_154 iter_args(%scan3A_210 = %broadcast_in_dim3A_150) -> (vector<16xf32>)  : i32 {
      %add3A_211 = vector.broadcast %scan3A_209 : i32 to vector<16xi32>
      %add3A_212 = arith.addi %add3A_211, %iota3A : vector<16xi32>
      %and3A = arith.constant 63 : i32
      %and3A_213 = vector.broadcast %and3A : i32 to vector<16xi32>
      %and3A_214 = arith.andi %add3A_212, %and3A_213 : vector<16xi32>
      %gather3A = tpu.vector_load_idx %arg16[%add3A_148, %and3A_214] : memref<128x64xf32, #tpu.memory_space<vmem>>[vector<16xi32>, vector<16xi32>], vector<16xf32>,
      %gather3A_215 = tpu.vector_load_idx %arg14[%add3A_148, %and3A_214] : memref<128x64xf32, #tpu.memory_space<vmem>>[vector<16xi32>, vector<16xi32>], vector<16xf32>,
      %sub3A_216 = arith.subf %gather3A, %gather3A_215 : vector<16xf32>
      %abs3A = math.absf %sub3A_216 : vector<16xf32>
      %add3A_217 = arith.addf %scan3A_210, %abs3A : vector<16xf32>
      %scan3A_218 = arith.constant 1 : i32
      %scan3A_219 = arith.addi %scan3A_209, %scan3A_218 : i32
      %add3A_220 = vector.broadcast %scan3A_219 : i32 to vector<16xi32>
      %add3A_221 = arith.addi %add3A_220, %iota3A : vector<16xi32>
      %and3A_222 = arith.constant 63 : i32
      %and3A_223 = vector.broadcast %and3A_222 : i32 to vector<16xi32>
      %and3A_224 = arith.andi %add3A_221, %and3A_223 : vector<16xi32>
      %gather3A_225 = tpu.vector_load_idx %arg16[%add3A_148, %and3A_224] : memref<128x64xf32, #tpu.memory_space<vmem>>[vector<16xi32>, vector<16xi32>], vector<16xf32>,
      %gather3A_226 = tpu.vector_load_idx %arg14[%add3A_148, %and3A_224] : memref<128x64xf32, #tpu.memory_space<vmem>>[vector<16xi32>, vector<16xi32>], vector<16xf32>,
      %sub3A_227 = arith.subf %gather3A_225, %gather3A_226 : vector<16xf32>
      %abs3A_228 = math.absf %sub3A_227 : vector<16xf32>
      %add3A_229 = arith.addf %add3A_217, %abs3A_228 : vector<16xf32>
      %scan3A_230 = arith.constant 2 : i32
      %scan3A_231 = arith.addi %scan3A_209, %scan3A_230 : i32
      %add3A_232 = vector.broadcast %scan3A_231 : i32 to vector<16xi32>
      %add3A_233 = arith.addi %add3A_232, %iota3A : vector<16xi32>
      %and3A_234 = arith.constant 63 : i32
      %and3A_235 = vector.broadcast %and3A_234 : i32 to vector<16xi32>
      %and3A_236 = arith.andi %add3A_233, %and3A_235 : vector<16xi32>
      %gather3A_237 = tpu.vector_load_idx %arg16[%add3A_148, %and3A_236] : memref<128x64xf32, #tpu.memory_space<vmem>>[vector<16xi32>, vector<16xi32>], vector<16xf32>,
      %gather3A_238 = tpu.vector_load_idx %arg14[%add3A_148, %and3A_236] : memref<128x64xf32, #tpu.memory_space<vmem>>[vector<16xi32>, vector<16xi32>], vector<16xf32>,
      %sub3A_239 = arith.subf %gather3A_237, %gather3A_238 : vector<16xf32>
      %abs3A_240 = math.absf %sub3A_239 : vector<16xf32>
      %add3A_241 = arith.addf %add3A_229, %abs3A_240 : vector<16xf32>
      %scan3A_242 = arith.constant 3 : i32
      %scan3A_243 = arith.addi %scan3A_209, %scan3A_242 : i32
      %add3A_244 = vector.broadcast %scan3A_243 : i32 to vector<16xi32>
      %add3A_245 = arith.addi %add3A_244, %iota3A : vector<16xi32>
      %and3A_246 = arith.constant 63 : i32
      %and3A_247 = vector.broadcast %and3A_246 : i32 to vector<16xi32>
      %and3A_248 = arith.andi %add3A_245, %and3A_247 : vector<16xi32>
      %gather3A_249 = tpu.vector_load_idx %arg16[%add3A_148, %and3A_248] : memref<128x64xf32, #tpu.memory_space<vmem>>[vector<16xi32>, vector<16xi32>], vector<16xf32>,
      %gather3A_250 = tpu.vector_load_idx %arg14[%add3A_148, %and3A_248] : memref<128x64xf32, #tpu.memory_space<vmem>>[vector<16xi32>, vector<16xi32>], vector<16xf32>,
      %sub3A_251 = arith.subf %gather3A_249, %gather3A_250 : vector<16xf32>
      %abs3A_252 = math.absf %sub3A_251 : vector<16xf32>
      %add3A_253 = arith.addf %add3A_241, %abs3A_252 : vector<16xf32>
      scf.yield %add3A_253 : vector<16xf32>
    }
    %scan3A_156 = arith.constant 64 : i32
    %sub3A_157 = arith.constant 2.400000e+01 : f32
    %sub3A_158 = vector.broadcast %sub3A_157 : f32 to vector<16xf32>
    %sub3A_159 = arith.subf %sub3A_158, %scan3A_155 : vector<16xf32>
    %swap3A_160 = arith.constant 96 : index
    %swap3A_161 = tpu.vector_load %arg21[%swap3A_160] {strides = array<i32>} : memref<128xf32, #tpu.memory_space<vmem>>, vector<16xf32>,
    tpu.vector_store %arg21[%swap3A_160], %sub3A_159 {strides = array<i32>} : memref<128xf32, #tpu.memory_space<vmem>>, vector<16xf32>,
    %add3A_162 = arith.constant 112 : i32
    %add3A_163 = vector.broadcast %add3A_162 : i32 to vector<16xi32>
    %add3A_164 = arith.addi %add3A_163, %iota3A : vector<16xi32>
    %broadcast_in_dim3A_165 = arith.constant 0.000000e+00 : f32
    %broadcast_in_dim3A_166 = vector.broadcast %broadcast_in_dim3A_165 : f32 to vector<16xf32>
    %scan3A_167 = arith.constant 0 : i32
    %scan3A_168 = arith.constant 64 : i32
    %scan3A_169 = arith.addi %scan3A_167, %scan3A_168 : i32
    %scan3A_170 = arith.constant 4 : i32
    %scan3A_171 = scf.for %scan3A_209 = %scan3A_167 to %scan3A_169 step %scan3A_170 iter_args(%scan3A_210 = %broadcast_in_dim3A_166) -> (vector<16xf32>)  : i32 {
      %add3A_211 = vector.broadcast %scan3A_209 : i32 to vector<16xi32>
      %add3A_212 = arith.addi %add3A_211, %iota3A : vector<16xi32>
      %and3A = arith.constant 63 : i32
      %and3A_213 = vector.broadcast %and3A : i32 to vector<16xi32>
      %and3A_214 = arith.andi %add3A_212, %and3A_213 : vector<16xi32>
      %gather3A = tpu.vector_load_idx %arg16[%add3A_164, %and3A_214] : memref<128x64xf32, #tpu.memory_space<vmem>>[vector<16xi32>, vector<16xi32>], vector<16xf32>,
      %gather3A_215 = tpu.vector_load_idx %arg14[%add3A_164, %and3A_214] : memref<128x64xf32, #tpu.memory_space<vmem>>[vector<16xi32>, vector<16xi32>], vector<16xf32>,
      %sub3A_216 = arith.subf %gather3A, %gather3A_215 : vector<16xf32>
      %abs3A = math.absf %sub3A_216 : vector<16xf32>
      %add3A_217 = arith.addf %scan3A_210, %abs3A : vector<16xf32>
      %scan3A_218 = arith.constant 1 : i32
      %scan3A_219 = arith.addi %scan3A_209, %scan3A_218 : i32
      %add3A_220 = vector.broadcast %scan3A_219 : i32 to vector<16xi32>
      %add3A_221 = arith.addi %add3A_220, %iota3A : vector<16xi32>
      %and3A_222 = arith.constant 63 : i32
      %and3A_223 = vector.broadcast %and3A_222 : i32 to vector<16xi32>
      %and3A_224 = arith.andi %add3A_221, %and3A_223 : vector<16xi32>
      %gather3A_225 = tpu.vector_load_idx %arg16[%add3A_164, %and3A_224] : memref<128x64xf32, #tpu.memory_space<vmem>>[vector<16xi32>, vector<16xi32>], vector<16xf32>,
      %gather3A_226 = tpu.vector_load_idx %arg14[%add3A_164, %and3A_224] : memref<128x64xf32, #tpu.memory_space<vmem>>[vector<16xi32>, vector<16xi32>], vector<16xf32>,
      %sub3A_227 = arith.subf %gather3A_225, %gather3A_226 : vector<16xf32>
      %abs3A_228 = math.absf %sub3A_227 : vector<16xf32>
      %add3A_229 = arith.addf %add3A_217, %abs3A_228 : vector<16xf32>
      %scan3A_230 = arith.constant 2 : i32
      %scan3A_231 = arith.addi %scan3A_209, %scan3A_230 : i32
      %add3A_232 = vector.broadcast %scan3A_231 : i32 to vector<16xi32>
      %add3A_233 = arith.addi %add3A_232, %iota3A : vector<16xi32>
      %and3A_234 = arith.constant 63 : i32
      %and3A_235 = vector.broadcast %and3A_234 : i32 to vector<16xi32>
      %and3A_236 = arith.andi %add3A_233, %and3A_235 : vector<16xi32>
      %gather3A_237 = tpu.vector_load_idx %arg16[%add3A_164, %and3A_236] : memref<128x64xf32, #tpu.memory_space<vmem>>[vector<16xi32>, vector<16xi32>], vector<16xf32>,
      %gather3A_238 = tpu.vector_load_idx %arg14[%add3A_164, %and3A_236] : memref<128x64xf32, #tpu.memory_space<vmem>>[vector<16xi32>, vector<16xi32>], vector<16xf32>,
      %sub3A_239 = arith.subf %gather3A_237, %gather3A_238 : vector<16xf32>
      %abs3A_240 = math.absf %sub3A_239 : vector<16xf32>
      %add3A_241 = arith.addf %add3A_229, %abs3A_240 : vector<16xf32>
      %scan3A_242 = arith.constant 3 : i32
      %scan3A_243 = arith.addi %scan3A_209, %scan3A_242 : i32
      %add3A_244 = vector.broadcast %scan3A_243 : i32 to vector<16xi32>
      %add3A_245 = arith.addi %add3A_244, %iota3A : vector<16xi32>
      %and3A_246 = arith.constant 63 : i32
      %and3A_247 = vector.broadcast %and3A_246 : i32 to vector<16xi32>
      %and3A_248 = arith.andi %add3A_245, %and3A_247 : vector<16xi32>
      %gather3A_249 = tpu.vector_load_idx %arg16[%add3A_164, %and3A_248] : memref<128x64xf32, #tpu.memory_space<vmem>>[vector<16xi32>, vector<16xi32>], vector<16xf32>,
      %gather3A_250 = tpu.vector_load_idx %arg14[%add3A_164, %and3A_248] : memref<128x64xf32, #tpu.memory_space<vmem>>[vector<16xi32>, vector<16xi32>], vector<16xf32>,
      %sub3A_251 = arith.subf %gather3A_249, %gather3A_250 : vector<16xf32>
      %abs3A_252 = math.absf %sub3A_251 : vector<16xf32>
      %add3A_253 = arith.addf %add3A_241, %abs3A_252 : vector<16xf32>
      scf.yield %add3A_253 : vector<16xf32>
    }
    %scan3A_172 = arith.constant 64 : i32
    %sub3A_173 = arith.constant 2.400000e+01 : f32
    %sub3A_174 = vector.broadcast %sub3A_173 : f32 to vector<16xf32>
    %sub3A_175 = arith.subf %sub3A_174, %scan3A_171 : vector<16xf32>
    %swap3A_176 = arith.constant 112 : index
    %swap3A_177 = tpu.vector_load %arg21[%swap3A_176] {strides = array<i32>} : memref<128xf32, #tpu.memory_space<vmem>>, vector<16xf32>,
    tpu.vector_store %arg21[%swap3A_176], %sub3A_175 {strides = array<i32>} : memref<128xf32, #tpu.memory_space<vmem>>, vector<16xf32>,
    %add3A_178 = arith.constant 0 : i32
    %add3A_179 = vector.broadcast %add3A_178 : i32 to vector<16xi32>
    %add3A_180 = arith.addi %add3A_179, %iota3A : vector<16xi32>
    %add3A_181 = arith.constant 16 : i32
    %add3A_182 = vector.broadcast %add3A_181 : i32 to vector<16xi32>
    %add3A_183 = arith.addi %add3A_182, %iota3A : vector<16xi32>
    %add3A_184 = arith.constant 32 : i32
    %add3A_185 = vector.broadcast %add3A_184 : i32 to vector<16xi32>
    %add3A_186 = arith.addi %add3A_185, %iota3A : vector<16xi32>
    %add3A_187 = arith.constant 48 : i32
    %add3A_188 = vector.broadcast %add3A_187 : i32 to vector<16xi32>
    %add3A_189 = arith.addi %add3A_188, %iota3A : vector<16xi32>
    %add3A_190 = arith.constant 64 : i32
    %add3A_191 = vector.broadcast %add3A_190 : i32 to vector<16xi32>
    %add3A_192 = arith.addi %add3A_191, %iota3A : vector<16xi32>
    %add3A_193 = arith.constant 80 : i32
    %add3A_194 = vector.broadcast %add3A_193 : i32 to vector<16xi32>
    %add3A_195 = arith.addi %add3A_194, %iota3A : vector<16xi32>
    %add3A_196 = arith.constant 96 : i32
    %add3A_197 = vector.broadcast %add3A_196 : i32 to vector<16xi32>
    %add3A_198 = arith.addi %add3A_197, %iota3A : vector<16xi32>
    %add3A_199 = arith.constant 112 : i32
    %add3A_200 = vector.broadcast %add3A_199 : i32 to vector<16xi32>
    %add3A_201 = arith.addi %add3A_200, %iota3A : vector<16xi32>
    %scan3A_202 = arith.constant 0 : i32
    %scan3A_203 = arith.constant 0 : i32
    %scan3A_204 = arith.constant 32 : i32
    %scan3A_205 = arith.addi %scan3A_203, %scan3A_204 : i32
    %scan3A_206 = arith.constant 1 : i32
    %scan3A_207 = scf.for %scan3A_209 = %scan3A_203 to %scan3A_205 step %scan3A_206 iter_args(%scan3A_210 = %scan3A_202) -> (i32)  : i32 {
      %mul3A_211 = arith.constant 4 : i32
      %mul3A_212 = arith.muli %scan3A_209, %mul3A_211 : i32
      %add3A_213 = arith.constant 0 : i32
      %add3A_214 = arith.addi %mul3A_212, %add3A_213 : i32
      %dma_wait3A_215 = arith.constant 0 : i32
      %dma_wait3A_216 = tpu.memref_slice %arg13[%add3A_214, %dma_wait3A_215] : memref<128x128xi32, #tpu.memory_space<vmem>> -> memref<1x128xi32, #tpu.memory_space<vmem>>
      %dma_wait3A_217 = tpu.memref_squeeze %dma_wait3A_216 : memref<1x128xi32, #tpu.memory_space<vmem>> -> memref<128xi32, #tpu.memory_space<vmem>>
      %dma_wait3A_218 = arith.constant 0 : i32
      %dma_wait3A_219 = arith.constant 0 : i32
      %dma_wait3A_220 = tpu.memref_slice %arg2[%dma_wait3A_218, %dma_wait3A_219] : memref<1000000x64xf32, #tpu.memory_space<hbm>> -> memref<1000000x64xf32, #tpu.memory_space<hbm>>
      tpu.wait_indirect_dma semaphore(%arg26 : memref<!tpu.dma_semaphore, #tpu.memory_space<semaphore_mem>>) src(%dma_wait3A_220 : memref<1000000x64xf32, #tpu.memory_space<hbm>>) dst(%arg17 : memref<128x64xf32, #tpu.memory_space<vmem>>)
      %broadcast_in_dim3A_221 = vector.broadcast %add3A_214 : i32 to vector<16xi32>
      %broadcast_in_dim3A_222 = arith.constant 0.000000e+00 : f32
      %broadcast_in_dim3A_223 = vector.broadcast %broadcast_in_dim3A_222 : f32 to vector<16xf32>
      %broadcast_in_dim3A_224 = arith.constant 0.000000e+00 : f32
      %broadcast_in_dim3A_225 = vector.broadcast %broadcast_in_dim3A_224 : f32 to vector<16xf32>
      %broadcast_in_dim3A_226 = arith.constant 0.000000e+00 : f32
      %broadcast_in_dim3A_227 = vector.broadcast %broadcast_in_dim3A_226 : f32 to vector<16xf32>
      %broadcast_in_dim3A_228 = arith.constant 0.000000e+00 : f32
      %broadcast_in_dim3A_229 = vector.broadcast %broadcast_in_dim3A_228 : f32 to vector<16xf32>
      %broadcast_in_dim3A_230 = arith.constant 0.000000e+00 : f32
      %broadcast_in_dim3A_231 = vector.broadcast %broadcast_in_dim3A_230 : f32 to vector<16xf32>
      %broadcast_in_dim3A_232 = arith.constant 0.000000e+00 : f32
      %broadcast_in_dim3A_233 = vector.broadcast %broadcast_in_dim3A_232 : f32 to vector<16xf32>
      %broadcast_in_dim3A_234 = arith.constant 0.000000e+00 : f32
      %broadcast_in_dim3A_235 = vector.broadcast %broadcast_in_dim3A_234 : f32 to vector<16xf32>
      %broadcast_in_dim3A_236 = arith.constant 0.000000e+00 : f32
      %broadcast_in_dim3A_237 = vector.broadcast %broadcast_in_dim3A_236 : f32 to vector<16xf32>
      %scan3A_238 = arith.constant 0 : i32
      %scan3A_239 = arith.constant 64 : i32
      %scan3A_240 = arith.addi %scan3A_238, %scan3A_239 : i32
      %scan3A_241 = arith.constant 2 : i32
      %scan3A_242:8 = scf.for %scan3A_561 = %scan3A_238 to %scan3A_240 step %scan3A_241 iter_args(%scan3A_562 = %broadcast_in_dim3A_223, %scan3A_563 = %broadcast_in_dim3A_225, %scan3A_564 = %broadcast_in_dim3A_227, %scan3A_565 = %broadcast_in_dim3A_229, %scan3A_566 = %broadcast_in_dim3A_231, %scan3A_567 = %broadcast_in_dim3A_233, %scan3A_568 = %broadcast_in_dim3A_235, %scan3A_569 = %broadcast_in_dim3A_237) -> (vector<16xf32>, vector<16xf32>, vector<16xf32>, vector<16xf32>, vector<16xf32>, vector<16xf32>, vector<16xf32>, vector<16xf32>)  : i32 {
        %add3A_570 = vector.broadcast %scan3A_561 : i32 to vector<16xi32>
        %add3A_571 = arith.addi %add3A_570, %iota3A : vector<16xi32>
        %and3A = arith.constant 63 : i32
        %and3A_572 = vector.broadcast %and3A : i32 to vector<16xi32>
        %and3A_573 = arith.andi %add3A_571, %and3A_572 : vector<16xi32>
        %gather3A = tpu.vector_load_idx %arg14[%broadcast_in_dim3A_221, %and3A_573] : memref<128x64xf32, #tpu.memory_space<vmem>>[vector<16xi32>, vector<16xi32>], vector<16xf32>,
        %gather3A_574 = tpu.vector_load_idx %arg17[%add3A_180, %and3A_573] : memref<128x64xf32, #tpu.memory_space<vmem>>[vector<16xi32>, vector<16xi32>], vector<16xf32>,
        %sub3A_575 = arith.subf %gather3A_574, %gather3A : vector<16xf32>
        %abs3A = math.absf %sub3A_575 : vector<16xf32>
        %add3A_576 = arith.addf %scan3A_562, %abs3A : vector<16xf32>
        %gather3A_577 = tpu.vector_load_idx %arg17[%add3A_183, %and3A_573] : memref<128x64xf32, #tpu.memory_space<vmem>>[vector<16xi32>, vector<16xi32>], vector<16xf32>,
        %sub3A_578 = arith.subf %gather3A_577, %gather3A : vector<16xf32>
        %abs3A_579 = math.absf %sub3A_578 : vector<16xf32>
        %add3A_580 = arith.addf %scan3A_563, %abs3A_579 : vector<16xf32>
        %gather3A_581 = tpu.vector_load_idx %arg17[%add3A_186, %and3A_573] : memref<128x64xf32, #tpu.memory_space<vmem>>[vector<16xi32>, vector<16xi32>], vector<16xf32>,
        %sub3A_582 = arith.subf %gather3A_581, %gather3A : vector<16xf32>
        %abs3A_583 = math.absf %sub3A_582 : vector<16xf32>
        %add3A_584 = arith.addf %scan3A_564, %abs3A_583 : vector<16xf32>
        %gather3A_585 = tpu.vector_load_idx %arg17[%add3A_189, %and3A_573] : memref<128x64xf32, #tpu.memory_space<vmem>>[vector<16xi32>, vector<16xi32>], vector<16xf32>,
        %sub3A_586 = arith.subf %gather3A_585, %gather3A : vector<16xf32>
        %abs3A_587 = math.absf %sub3A_586 : vector<16xf32>
        %add3A_588 = arith.addf %scan3A_565, %abs3A_587 : vector<16xf32>
        %gather3A_589 = tpu.vector_load_idx %arg17[%add3A_192, %and3A_573] : memref<128x64xf32, #tpu.memory_space<vmem>>[vector<16xi32>, vector<16xi32>], vector<16xf32>,
        %sub3A_590 = arith.subf %gather3A_589, %gather3A : vector<16xf32>
        %abs3A_591 = math.absf %sub3A_590 : vector<16xf32>
        %add3A_592 = arith.addf %scan3A_566, %abs3A_591 : vector<16xf32>
        %gather3A_593 = tpu.vector_load_idx %arg17[%add3A_195, %and3A_573] : memref<128x64xf32, #tpu.memory_space<vmem>>[vector<16xi32>, vector<16xi32>], vector<16xf32>,
        %sub3A_594 = arith.subf %gather3A_593, %gather3A : vector<16xf32>
        %abs3A_595 = math.absf %sub3A_594 : vector<16xf32>
        %add3A_596 = arith.addf %scan3A_567, %abs3A_595 : vector<16xf32>
        %gather3A_597 = tpu.vector_load_idx %arg17[%add3A_198, %and3A_573] : memref<128x64xf32, #tpu.memory_space<vmem>>[vector<16xi32>, vector<16xi32>], vector<16xf32>,
        %sub3A_598 = arith.subf %gather3A_597, %gather3A : vector<16xf32>
        %abs3A_599 = math.absf %sub3A_598 : vector<16xf32>
        %add3A_600 = arith.addf %scan3A_568, %abs3A_599 : vector<16xf32>
        %gather3A_601 = tpu.vector_load_idx %arg17[%add3A_201, %and3A_573] : memref<128x64xf32, #tpu.memory_space<vmem>>[vector<16xi32>, vector<16xi32>], vector<16xf32>,
        %sub3A_602 = arith.subf %gather3A_601, %gather3A : vector<16xf32>
        %abs3A_603 = math.absf %sub3A_602 : vector<16xf32>
        %add3A_604 = arith.addf %scan3A_569, %abs3A_603 : vector<16xf32>
        %scan3A_605 = arith.constant 1 : i32
        %scan3A_606 = arith.addi %scan3A_561, %scan3A_605 : i32
        %add3A_607 = vector.broadcast %scan3A_606 : i32 to vector<16xi32>
        %add3A_608 = arith.addi %add3A_607, %iota3A : vector<16xi32>
        %and3A_609 = arith.constant 63 : i32
        %and3A_610 = vector.broadcast %and3A_609 : i32 to vector<16xi32>
        %and3A_611 = arith.andi %add3A_608, %and3A_610 : vector<16xi32>
        %gather3A_612 = tpu.vector_load_idx %arg14[%broadcast_in_dim3A_221, %and3A_611] : memref<128x64xf32, #tpu.memory_space<vmem>>[vector<16xi32>, vector<16xi32>], vector<16xf32>,
        %gather3A_613 = tpu.vector_load_idx %arg17[%add3A_180, %and3A_611] : memref<128x64xf32, #tpu.memory_space<vmem>>[vector<16xi32>, vector<16xi32>], vector<16xf32>,
        %sub3A_614 = arith.subf %gather3A_613, %gather3A_612 : vector<16xf32>
        %abs3A_615 = math.absf %sub3A_614 : vector<16xf32>
        %add3A_616 = arith.addf %add3A_576, %abs3A_615 : vector<16xf32>
        %gather3A_617 = tpu.vector_load_idx %arg17[%add3A_183, %and3A_611] : memref<128x64xf32, #tpu.memory_space<vmem>>[vector<16xi32>, vector<16xi32>], vector<16xf32>,
        %sub3A_618 = arith.subf %gather3A_617, %gather3A_612 : vector<16xf32>
        %abs3A_619 = math.absf %sub3A_618 : vector<16xf32>
        %add3A_620 = arith.addf %add3A_580, %abs3A_619 : vector<16xf32>
        %gather3A_621 = tpu.vector_load_idx %arg17[%add3A_186, %and3A_611] : memref<128x64xf32, #tpu.memory_space<vmem>>[vector<16xi32>, vector<16xi32>], vector<16xf32>,
        %sub3A_622 = arith.subf %gather3A_621, %gather3A_612 : vector<16xf32>
        %abs3A_623 = math.absf %sub3A_622 : vector<16xf32>
        %add3A_624 = arith.addf %add3A_584, %abs3A_623 : vector<16xf32>
        %gather3A_625 = tpu.vector_load_idx %arg17[%add3A_189, %and3A_611] : memref<128x64xf32, #tpu.memory_space<vmem>>[vector<16xi32>, vector<16xi32>], vector<16xf32>,
        %sub3A_626 = arith.subf %gather3A_625, %gather3A_612 : vector<16xf32>
        %abs3A_627 = math.absf %sub3A_626 : vector<16xf32>
        %add3A_628 = arith.addf %add3A_588, %abs3A_627 : vector<16xf32>
        %gather3A_629 = tpu.vector_load_idx %arg17[%add3A_192, %and3A_611] : memref<128x64xf32, #tpu.memory_space<vmem>>[vector<16xi32>, vector<16xi32>], vector<16xf32>,
        %sub3A_630 = arith.subf %gather3A_629, %gather3A_612 : vector<16xf32>
        %abs3A_631 = math.absf %sub3A_630 : vector<16xf32>
        %add3A_632 = arith.addf %add3A_592, %abs3A_631 : vector<16xf32>
        %gather3A_633 = tpu.vector_load_idx %arg17[%add3A_195, %and3A_611] : memref<128x64xf32, #tpu.memory_space<vmem>>[vector<16xi32>, vector<16xi32>], vector<16xf32>,
        %sub3A_634 = arith.subf %gather3A_633, %gather3A_612 : vector<16xf32>
        %abs3A_635 = math.absf %sub3A_634 : vector<16xf32>
        %add3A_636 = arith.addf %add3A_596, %abs3A_635 : vector<16xf32>
        %gather3A_637 = tpu.vector_load_idx %arg17[%add3A_198, %and3A_611] : memref<128x64xf32, #tpu.memory_space<vmem>>[vector<16xi32>, vector<16xi32>], vector<16xf32>,
        %sub3A_638 = arith.subf %gather3A_637, %gather3A_612 : vector<16xf32>
        %abs3A_639 = math.absf %sub3A_638 : vector<16xf32>
        %add3A_640 = arith.addf %add3A_600, %abs3A_639 : vector<16xf32>
        %gather3A_641 = tpu.vector_load_idx %arg17[%add3A_201, %and3A_611] : memref<128x64xf32, #tpu.memory_space<vmem>>[vector<16xi32>, vector<16xi32>], vector<16xf32>,
        %sub3A_642 = arith.subf %gather3A_641, %gather3A_612 : vector<16xf32>
        %abs3A_643 = math.absf %sub3A_642 : vector<16xf32>
        %add3A_644 = arith.addf %add3A_604, %abs3A_643 : vector<16xf32>
        scf.yield %add3A_616, %add3A_620, %add3A_624, %add3A_628, %add3A_632, %add3A_636, %add3A_640, %add3A_644 : vector<16xf32>, vector<16xf32>, vector<16xf32>, vector<16xf32>, vector<16xf32>, vector<16xf32>, vector<16xf32>, vector<16xf32>
      }
      %scan3A_243 = arith.constant 64 : i32
      %sub3A_244 = arith.constant 2.400000e+01 : f32
      %sub3A_245 = vector.broadcast %sub3A_244 : f32 to vector<16xf32>
      %sub3A_246 = arith.subf %sub3A_245, %scan3A_242#0 : vector<16xf32>
      %swap3A_247 = arith.index_cast %add3A_214 : i32 to index
      %swap3A_248 = arith.constant 0 : index
      %swap3A_249 = tpu.vector_load %arg22[%swap3A_247, %swap3A_248] {strides = array<i32>} : memref<128x128xf32, #tpu.memory_space<vmem>>, vector<16xf32>,
      tpu.vector_store %arg22[%swap3A_247, %swap3A_248], %sub3A_246 {strides = array<i32>} : memref<128x128xf32, #tpu.memory_space<vmem>>, vector<16xf32>,
      %sub3A_250 = arith.constant 2.400000e+01 : f32
      %sub3A_251 = vector.broadcast %sub3A_250 : f32 to vector<16xf32>
      %sub3A_252 = arith.subf %sub3A_251, %scan3A_242#1 : vector<16xf32>
      %swap3A_253 = arith.index_cast %add3A_214 : i32 to index
      %swap3A_254 = arith.constant 16 : index
      %swap3A_255 = tpu.vector_load %arg22[%swap3A_253, %swap3A_254] {strides = array<i32>} : memref<128x128xf32, #tpu.memory_space<vmem>>, vector<16xf32>,
      tpu.vector_store %arg22[%swap3A_253, %swap3A_254], %sub3A_252 {strides = array<i32>} : memref<128x128xf32, #tpu.memory_space<vmem>>, vector<16xf32>,
      %sub3A_256 = arith.constant 2.400000e+01 : f32
      %sub3A_257 = vector.broadcast %sub3A_256 : f32 to vector<16xf32>
      %sub3A_258 = arith.subf %sub3A_257, %scan3A_242#2 : vector<16xf32>
      %swap3A_259 = arith.index_cast %add3A_214 : i32 to index
      %swap3A_260 = arith.constant 32 : index
      %swap3A_261 = tpu.vector_load %arg22[%swap3A_259, %swap3A_260] {strides = array<i32>} : memref<128x128xf32, #tpu.memory_space<vmem>>, vector<16xf32>,
      tpu.vector_store %arg22[%swap3A_259, %swap3A_260], %sub3A_258 {strides = array<i32>} : memref<128x128xf32, #tpu.memory_space<vmem>>, vector<16xf32>,
      %sub3A_262 = arith.constant 2.400000e+01 : f32
      %sub3A_263 = vector.broadcast %sub3A_262 : f32 to vector<16xf32>
      %sub3A_264 = arith.subf %sub3A_263, %scan3A_242#3 : vector<16xf32>
      %swap3A_265 = arith.index_cast %add3A_214 : i32 to index
      %swap3A_266 = arith.constant 48 : index
      %swap3A_267 = tpu.vector_load %arg22[%swap3A_265, %swap3A_266] {strides = array<i32>} : memref<128x128xf32, #tpu.memory_space<vmem>>, vector<16xf32>,
      tpu.vector_store %arg22[%swap3A_265, %swap3A_266], %sub3A_264 {strides = array<i32>} : memref<128x128xf32, #tpu.memory_space<vmem>>, vector<16xf32>,
      %sub3A_268 = arith.constant 2.400000e+01 : f32
      %sub3A_269 = vector.broadcast %sub3A_268 : f32 to vector<16xf32>
      %sub3A_270 = arith.subf %sub3A_269, %scan3A_242#4 : vector<16xf32>
      %swap3A_271 = arith.index_cast %add3A_214 : i32 to index
      %swap3A_272 = arith.constant 64 : index
      %swap3A_273 = tpu.vector_load %arg22[%swap3A_271, %swap3A_272] {strides = array<i32>} : memref<128x128xf32, #tpu.memory_space<vmem>>, vector<16xf32>,
      tpu.vector_store %arg22[%swap3A_271, %swap3A_272], %sub3A_270 {strides = array<i32>} : memref<128x128xf32, #tpu.memory_space<vmem>>, vector<16xf32>,
      %sub3A_274 = arith.constant 2.400000e+01 : f32
      %sub3A_275 = vector.broadcast %sub3A_274 : f32 to vector<16xf32>
      %sub3A_276 = arith.subf %sub3A_275, %scan3A_242#5 : vector<16xf32>
      %swap3A_277 = arith.index_cast %add3A_214 : i32 to index
      %swap3A_278 = arith.constant 80 : index
      %swap3A_279 = tpu.vector_load %arg22[%swap3A_277, %swap3A_278] {strides = array<i32>} : memref<128x128xf32, #tpu.memory_space<vmem>>, vector<16xf32>,
      tpu.vector_store %arg22[%swap3A_277, %swap3A_278], %sub3A_276 {strides = array<i32>} : memref<128x128xf32, #tpu.memory_space<vmem>>, vector<16xf32>,
      %sub3A_280 = arith.constant 2.400000e+01 : f32
      %sub3A_281 = vector.broadcast %sub3A_280 : f32 to vector<16xf32>
      %sub3A_282 = arith.subf %sub3A_281, %scan3A_242#6 : vector<16xf32>
      %swap3A_283 = arith.index_cast %add3A_214 : i32 to index
      %swap3A_284 = arith.constant 96 : index
      %swap3A_285 = tpu.vector_load %arg22[%swap3A_283, %swap3A_284] {strides = array<i32>} : memref<128x128xf32, #tpu.memory_space<vmem>>, vector<16xf32>,
      tpu.vector_store %arg22[%swap3A_283, %swap3A_284], %sub3A_282 {strides = array<i32>} : memref<128x128xf32, #tpu.memory_space<vmem>>, vector<16xf32>,
      %sub3A_286 = arith.constant 2.400000e+01 : f32
      %sub3A_287 = vector.broadcast %sub3A_286 : f32 to vector<16xf32>
      %sub3A_288 = arith.subf %sub3A_287, %scan3A_242#7 : vector<16xf32>
      %swap3A_289 = arith.index_cast %add3A_214 : i32 to index
      %swap3A_290 = arith.constant 112 : index
      %swap3A_291 = tpu.vector_load %arg22[%swap3A_289, %swap3A_290] {strides = array<i32>} : memref<128x128xf32, #tpu.memory_space<vmem>>, vector<16xf32>,
      tpu.vector_store %arg22[%swap3A_289, %swap3A_290], %sub3A_288 {strides = array<i32>} : memref<128x128xf32, #tpu.memory_space<vmem>>, vector<16xf32>,
      %add3A_292 = arith.constant 4 : i32
      %add3A_293 = arith.addi %add3A_214, %add3A_292 : i32
      %lt3A = arith.constant 128 : i32
      %lt3A_294 = arith.cmpi slt, %add3A_293, %lt3A : i32
      %convert_element_type3A = arith.extui %lt3A_294 : i1 to i32
      %cond3A = arith.constant 0 : i32
      %cond3A_295 = arith.cmpi ne, %convert_element_type3A, %cond3A : i32
      scf.if %cond3A_295 {
        %add3A_561 = arith.constant 4 : i32
        %add3A_562 = arith.addi %add3A_214, %add3A_561 : i32
        %dma_start3A_563 = arith.constant 0 : i32
        %dma_start3A_564 = tpu.memref_slice %arg13[%add3A_562, %dma_start3A_563] : memref<128x128xi32, #tpu.memory_space<vmem>> -> memref<1x128xi32, #tpu.memory_space<vmem>>
        %dma_start3A_565 = tpu.memref_squeeze %dma_start3A_564 : memref<1x128xi32, #tpu.memory_space<vmem>> -> memref<128xi32, #tpu.memory_space<vmem>>
        %dma_start3A_566 = arith.constant 0 : i32
        %dma_start3A_567 = arith.constant 0 : i32
        %dma_start3A_568 = tpu.memref_slice %arg2[%dma_start3A_566, %dma_start3A_567] : memref<1000000x64xf32, #tpu.memory_space<hbm>> -> memref<1000000x64xf32, #tpu.memory_space<hbm>>
        tpu.enqueue_indirect_dma source(%dma_start3A_568 : memref<1000000x64xf32, #tpu.memory_space<hbm>>) target(%arg17 : memref<128x64xf32, #tpu.memory_space<vmem>>) offsets(%dma_start3A_565 : memref<128xi32, #tpu.memory_space<vmem>>) semaphore(%arg26 : memref<!tpu.dma_semaphore, #tpu.memory_space<semaphore_mem>>)
      } else {
      }
      %mul3A_296 = arith.constant 4 : i32
      %mul3A_297 = arith.muli %scan3A_209, %mul3A_296 : i32
      %add3A_298 = arith.constant 1 : i32
      %add3A_299 = arith.addi %mul3A_297, %add3A_298 : i32
      %dma_wait3A_300 = arith.constant 0 : i32
      %dma_wait3A_301 = tpu.memref_slice %arg13[%add3A_299, %dma_wait3A_300] : memref<128x128xi32, #tpu.memory_space<vmem>> -> memref<1x128xi32, #tpu.memory_space<vmem>>
      %dma_wait3A_302 = tpu.memref_squeeze %dma_wait3A_301 : memref<1x128xi32, #tpu.memory_space<vmem>> -> memref<128xi32, #tpu.memory_space<vmem>>
      %dma_wait3A_303 = arith.constant 0 : i32
      %dma_wait3A_304 = arith.constant 0 : i32
      %dma_wait3A_305 = tpu.memref_slice %arg2[%dma_wait3A_303, %dma_wait3A_304] : memref<1000000x64xf32, #tpu.memory_space<hbm>> -> memref<1000000x64xf32, #tpu.memory_space<hbm>>
      tpu.wait_indirect_dma semaphore(%arg27 : memref<!tpu.dma_semaphore, #tpu.memory_space<semaphore_mem>>) src(%dma_wait3A_305 : memref<1000000x64xf32, #tpu.memory_space<hbm>>) dst(%arg18 : memref<128x64xf32, #tpu.memory_space<vmem>>)
      %broadcast_in_dim3A_306 = vector.broadcast %add3A_299 : i32 to vector<16xi32>
      %broadcast_in_dim3A_307 = arith.constant 0.000000e+00 : f32
      %broadcast_in_dim3A_308 = vector.broadcast %broadcast_in_dim3A_307 : f32 to vector<16xf32>
      %broadcast_in_dim3A_309 = arith.constant 0.000000e+00 : f32
      %broadcast_in_dim3A_310 = vector.broadcast %broadcast_in_dim3A_309 : f32 to vector<16xf32>
      %broadcast_in_dim3A_311 = arith.constant 0.000000e+00 : f32
      %broadcast_in_dim3A_312 = vector.broadcast %broadcast_in_dim3A_311 : f32 to vector<16xf32>
      %broadcast_in_dim3A_313 = arith.constant 0.000000e+00 : f32
      %broadcast_in_dim3A_314 = vector.broadcast %broadcast_in_dim3A_313 : f32 to vector<16xf32>
      %broadcast_in_dim3A_315 = arith.constant 0.000000e+00 : f32
      %broadcast_in_dim3A_316 = vector.broadcast %broadcast_in_dim3A_315 : f32 to vector<16xf32>
      %broadcast_in_dim3A_317 = arith.constant 0.000000e+00 : f32
      %broadcast_in_dim3A_318 = vector.broadcast %broadcast_in_dim3A_317 : f32 to vector<16xf32>
      %broadcast_in_dim3A_319 = arith.constant 0.000000e+00 : f32
      %broadcast_in_dim3A_320 = vector.broadcast %broadcast_in_dim3A_319 : f32 to vector<16xf32>
      %broadcast_in_dim3A_321 = arith.constant 0.000000e+00 : f32
      %broadcast_in_dim3A_322 = vector.broadcast %broadcast_in_dim3A_321 : f32 to vector<16xf32>
      %scan3A_323 = arith.constant 0 : i32
      %scan3A_324 = arith.constant 64 : i32
      %scan3A_325 = arith.addi %scan3A_323, %scan3A_324 : i32
      %scan3A_326 = arith.constant 2 : i32
      %scan3A_327:8 = scf.for %scan3A_561 = %scan3A_323 to %scan3A_325 step %scan3A_326 iter_args(%scan3A_562 = %broadcast_in_dim3A_308, %scan3A_563 = %broadcast_in_dim3A_310, %scan3A_564 = %broadcast_in_dim3A_312, %scan3A_565 = %broadcast_in_dim3A_314, %scan3A_566 = %broadcast_in_dim3A_316, %scan3A_567 = %broadcast_in_dim3A_318, %scan3A_568 = %broadcast_in_dim3A_320, %scan3A_569 = %broadcast_in_dim3A_322) -> (vector<16xf32>, vector<16xf32>, vector<16xf32>, vector<16xf32>, vector<16xf32>, vector<16xf32>, vector<16xf32>, vector<16xf32>)  : i32 {
        %add3A_570 = vector.broadcast %scan3A_561 : i32 to vector<16xi32>
        %add3A_571 = arith.addi %add3A_570, %iota3A : vector<16xi32>
        %and3A = arith.constant 63 : i32
        %and3A_572 = vector.broadcast %and3A : i32 to vector<16xi32>
        %and3A_573 = arith.andi %add3A_571, %and3A_572 : vector<16xi32>
        %gather3A = tpu.vector_load_idx %arg14[%broadcast_in_dim3A_306, %and3A_573] : memref<128x64xf32, #tpu.memory_space<vmem>>[vector<16xi32>, vector<16xi32>], vector<16xf32>,
        %gather3A_574 = tpu.vector_load_idx %arg18[%add3A_180, %and3A_573] : memref<128x64xf32, #tpu.memory_space<vmem>>[vector<16xi32>, vector<16xi32>], vector<16xf32>,
        %sub3A_575 = arith.subf %gather3A_574, %gather3A : vector<16xf32>
        %abs3A = math.absf %sub3A_575 : vector<16xf32>
        %add3A_576 = arith.addf %scan3A_562, %abs3A : vector<16xf32>
        %gather3A_577 = tpu.vector_load_idx %arg18[%add3A_183, %and3A_573] : memref<128x64xf32, #tpu.memory_space<vmem>>[vector<16xi32>, vector<16xi32>], vector<16xf32>,
        %sub3A_578 = arith.subf %gather3A_577, %gather3A : vector<16xf32>
        %abs3A_579 = math.absf %sub3A_578 : vector<16xf32>
        %add3A_580 = arith.addf %scan3A_563, %abs3A_579 : vector<16xf32>
        %gather3A_581 = tpu.vector_load_idx %arg18[%add3A_186, %and3A_573] : memref<128x64xf32, #tpu.memory_space<vmem>>[vector<16xi32>, vector<16xi32>], vector<16xf32>,
        %sub3A_582 = arith.subf %gather3A_581, %gather3A : vector<16xf32>
        %abs3A_583 = math.absf %sub3A_582 : vector<16xf32>
        %add3A_584 = arith.addf %scan3A_564, %abs3A_583 : vector<16xf32>
        %gather3A_585 = tpu.vector_load_idx %arg18[%add3A_189, %and3A_573] : memref<128x64xf32, #tpu.memory_space<vmem>>[vector<16xi32>, vector<16xi32>], vector<16xf32>,
        %sub3A_586 = arith.subf %gather3A_585, %gather3A : vector<16xf32>
        %abs3A_587 = math.absf %sub3A_586 : vector<16xf32>
        %add3A_588 = arith.addf %scan3A_565, %abs3A_587 : vector<16xf32>
        %gather3A_589 = tpu.vector_load_idx %arg18[%add3A_192, %and3A_573] : memref<128x64xf32, #tpu.memory_space<vmem>>[vector<16xi32>, vector<16xi32>], vector<16xf32>,
        %sub3A_590 = arith.subf %gather3A_589, %gather3A : vector<16xf32>
        %abs3A_591 = math.absf %sub3A_590 : vector<16xf32>
        %add3A_592 = arith.addf %scan3A_566, %abs3A_591 : vector<16xf32>
        %gather3A_593 = tpu.vector_load_idx %arg18[%add3A_195, %and3A_573] : memref<128x64xf32, #tpu.memory_space<vmem>>[vector<16xi32>, vector<16xi32>], vector<16xf32>,
        %sub3A_594 = arith.subf %gather3A_593, %gather3A : vector<16xf32>
        %abs3A_595 = math.absf %sub3A_594 : vector<16xf32>
        %add3A_596 = arith.addf %scan3A_567, %abs3A_595 : vector<16xf32>
        %gather3A_597 = tpu.vector_load_idx %arg18[%add3A_198, %and3A_573] : memref<128x64xf32, #tpu.memory_space<vmem>>[vector<16xi32>, vector<16xi32>], vector<16xf32>,
        %sub3A_598 = arith.subf %gather3A_597, %gather3A : vector<16xf32>
        %abs3A_599 = math.absf %sub3A_598 : vector<16xf32>
        %add3A_600 = arith.addf %scan3A_568, %abs3A_599 : vector<16xf32>
        %gather3A_601 = tpu.vector_load_idx %arg18[%add3A_201, %and3A_573] : memref<128x64xf32, #tpu.memory_space<vmem>>[vector<16xi32>, vector<16xi32>], vector<16xf32>,
        %sub3A_602 = arith.subf %gather3A_601, %gather3A : vector<16xf32>
        %abs3A_603 = math.absf %sub3A_602 : vector<16xf32>
        %add3A_604 = arith.addf %scan3A_569, %abs3A_603 : vector<16xf32>
        %scan3A_605 = arith.constant 1 : i32
        %scan3A_606 = arith.addi %scan3A_561, %scan3A_605 : i32
        %add3A_607 = vector.broadcast %scan3A_606 : i32 to vector<16xi32>
        %add3A_608 = arith.addi %add3A_607, %iota3A : vector<16xi32>
        %and3A_609 = arith.constant 63 : i32
        %and3A_610 = vector.broadcast %and3A_609 : i32 to vector<16xi32>
        %and3A_611 = arith.andi %add3A_608, %and3A_610 : vector<16xi32>
        %gather3A_612 = tpu.vector_load_idx %arg14[%broadcast_in_dim3A_306, %and3A_611] : memref<128x64xf32, #tpu.memory_space<vmem>>[vector<16xi32>, vector<16xi32>], vector<16xf32>,
        %gather3A_613 = tpu.vector_load_idx %arg18[%add3A_180, %and3A_611] : memref<128x64xf32, #tpu.memory_space<vmem>>[vector<16xi32>, vector<16xi32>], vector<16xf32>,
        %sub3A_614 = arith.subf %gather3A_613, %gather3A_612 : vector<16xf32>
        %abs3A_615 = math.absf %sub3A_614 : vector<16xf32>
        %add3A_616 = arith.addf %add3A_576, %abs3A_615 : vector<16xf32>
        %gather3A_617 = tpu.vector_load_idx %arg18[%add3A_183, %and3A_611] : memref<128x64xf32, #tpu.memory_space<vmem>>[vector<16xi32>, vector<16xi32>], vector<16xf32>,
        %sub3A_618 = arith.subf %gather3A_617, %gather3A_612 : vector<16xf32>
        %abs3A_619 = math.absf %sub3A_618 : vector<16xf32>
        %add3A_620 = arith.addf %add3A_580, %abs3A_619 : vector<16xf32>
        %gather3A_621 = tpu.vector_load_idx %arg18[%add3A_186, %and3A_611] : memref<128x64xf32, #tpu.memory_space<vmem>>[vector<16xi32>, vector<16xi32>], vector<16xf32>,
        %sub3A_622 = arith.subf %gather3A_621, %gather3A_612 : vector<16xf32>
        %abs3A_623 = math.absf %sub3A_622 : vector<16xf32>
        %add3A_624 = arith.addf %add3A_584, %abs3A_623 : vector<16xf32>
        %gather3A_625 = tpu.vector_load_idx %arg18[%add3A_189, %and3A_611] : memref<128x64xf32, #tpu.memory_space<vmem>>[vector<16xi32>, vector<16xi32>], vector<16xf32>,
        %sub3A_626 = arith.subf %gather3A_625, %gather3A_612 : vector<16xf32>
        %abs3A_627 = math.absf %sub3A_626 : vector<16xf32>
        %add3A_628 = arith.addf %add3A_588, %abs3A_627 : vector<16xf32>
        %gather3A_629 = tpu.vector_load_idx %arg18[%add3A_192, %and3A_611] : memref<128x64xf32, #tpu.memory_space<vmem>>[vector<16xi32>, vector<16xi32>], vector<16xf32>,
        %sub3A_630 = arith.subf %gather3A_629, %gather3A_612 : vector<16xf32>
        %abs3A_631 = math.absf %sub3A_630 : vector<16xf32>
        %add3A_632 = arith.addf %add3A_592, %abs3A_631 : vector<16xf32>
        %gather3A_633 = tpu.vector_load_idx %arg18[%add3A_195, %and3A_611] : memref<128x64xf32, #tpu.memory_space<vmem>>[vector<16xi32>, vector<16xi32>], vector<16xf32>,
        %sub3A_634 = arith.subf %gather3A_633, %gather3A_612 : vector<16xf32>
        %abs3A_635 = math.absf %sub3A_634 : vector<16xf32>
        %add3A_636 = arith.addf %add3A_596, %abs3A_635 : vector<16xf32>
        %gather3A_637 = tpu.vector_load_idx %arg18[%add3A_198, %and3A_611] : memref<128x64xf32, #tpu.memory_space<vmem>>[vector<16xi32>, vector<16xi32>], vector<16xf32>,
        %sub3A_638 = arith.subf %gather3A_637, %gather3A_612 : vector<16xf32>
        %abs3A_639 = math.absf %sub3A_638 : vector<16xf32>
        %add3A_640 = arith.addf %add3A_600, %abs3A_639 : vector<16xf32>
        %gather3A_641 = tpu.vector_load_idx %arg18[%add3A_201, %and3A_611] : memref<128x64xf32, #tpu.memory_space<vmem>>[vector<16xi32>, vector<16xi32>], vector<16xf32>,
        %sub3A_642 = arith.subf %gather3A_641, %gather3A_612 : vector<16xf32>
        %abs3A_643 = math.absf %sub3A_642 : vector<16xf32>
        %add3A_644 = arith.addf %add3A_604, %abs3A_643 : vector<16xf32>
        scf.yield %add3A_616, %add3A_620, %add3A_624, %add3A_628, %add3A_632, %add3A_636, %add3A_640, %add3A_644 : vector<16xf32>, vector<16xf32>, vector<16xf32>, vector<16xf32>, vector<16xf32>, vector<16xf32>, vector<16xf32>, vector<16xf32>
      }
      %scan3A_328 = arith.constant 64 : i32
      %sub3A_329 = arith.constant 2.400000e+01 : f32
      %sub3A_330 = vector.broadcast %sub3A_329 : f32 to vector<16xf32>
      %sub3A_331 = arith.subf %sub3A_330, %scan3A_327#0 : vector<16xf32>
      %swap3A_332 = arith.index_cast %add3A_299 : i32 to index
      %swap3A_333 = arith.constant 0 : index
      %swap3A_334 = tpu.vector_load %arg22[%swap3A_332, %swap3A_333] {strides = array<i32>} : memref<128x128xf32, #tpu.memory_space<vmem>>, vector<16xf32>,
      tpu.vector_store %arg22[%swap3A_332, %swap3A_333], %sub3A_331 {strides = array<i32>} : memref<128x128xf32, #tpu.memory_space<vmem>>, vector<16xf32>,
      %sub3A_335 = arith.constant 2.400000e+01 : f32
      %sub3A_336 = vector.broadcast %sub3A_335 : f32 to vector<16xf32>
      %sub3A_337 = arith.subf %sub3A_336, %scan3A_327#1 : vector<16xf32>
      %swap3A_338 = arith.index_cast %add3A_299 : i32 to index
      %swap3A_339 = arith.constant 16 : index
      %swap3A_340 = tpu.vector_load %arg22[%swap3A_338, %swap3A_339] {strides = array<i32>} : memref<128x128xf32, #tpu.memory_space<vmem>>, vector<16xf32>,
      tpu.vector_store %arg22[%swap3A_338, %swap3A_339], %sub3A_337 {strides = array<i32>} : memref<128x128xf32, #tpu.memory_space<vmem>>, vector<16xf32>,
      %sub3A_341 = arith.constant 2.400000e+01 : f32
      %sub3A_342 = vector.broadcast %sub3A_341 : f32 to vector<16xf32>
      %sub3A_343 = arith.subf %sub3A_342, %scan3A_327#2 : vector<16xf32>
      %swap3A_344 = arith.index_cast %add3A_299 : i32 to index
      %swap3A_345 = arith.constant 32 : index
      %swap3A_346 = tpu.vector_load %arg22[%swap3A_344, %swap3A_345] {strides = array<i32>} : memref<128x128xf32, #tpu.memory_space<vmem>>, vector<16xf32>,
      tpu.vector_store %arg22[%swap3A_344, %swap3A_345], %sub3A_343 {strides = array<i32>} : memref<128x128xf32, #tpu.memory_space<vmem>>, vector<16xf32>,
      %sub3A_347 = arith.constant 2.400000e+01 : f32
      %sub3A_348 = vector.broadcast %sub3A_347 : f32 to vector<16xf32>
      %sub3A_349 = arith.subf %sub3A_348, %scan3A_327#3 : vector<16xf32>
      %swap3A_350 = arith.index_cast %add3A_299 : i32 to index
      %swap3A_351 = arith.constant 48 : index
      %swap3A_352 = tpu.vector_load %arg22[%swap3A_350, %swap3A_351] {strides = array<i32>} : memref<128x128xf32, #tpu.memory_space<vmem>>, vector<16xf32>,
      tpu.vector_store %arg22[%swap3A_350, %swap3A_351], %sub3A_349 {strides = array<i32>} : memref<128x128xf32, #tpu.memory_space<vmem>>, vector<16xf32>,
      %sub3A_353 = arith.constant 2.400000e+01 : f32
      %sub3A_354 = vector.broadcast %sub3A_353 : f32 to vector<16xf32>
      %sub3A_355 = arith.subf %sub3A_354, %scan3A_327#4 : vector<16xf32>
      %swap3A_356 = arith.index_cast %add3A_299 : i32 to index
      %swap3A_357 = arith.constant 64 : index
      %swap3A_358 = tpu.vector_load %arg22[%swap3A_356, %swap3A_357] {strides = array<i32>} : memref<128x128xf32, #tpu.memory_space<vmem>>, vector<16xf32>,
      tpu.vector_store %arg22[%swap3A_356, %swap3A_357], %sub3A_355 {strides = array<i32>} : memref<128x128xf32, #tpu.memory_space<vmem>>, vector<16xf32>,
      %sub3A_359 = arith.constant 2.400000e+01 : f32
      %sub3A_360 = vector.broadcast %sub3A_359 : f32 to vector<16xf32>
      %sub3A_361 = arith.subf %sub3A_360, %scan3A_327#5 : vector<16xf32>
      %swap3A_362 = arith.index_cast %add3A_299 : i32 to index
      %swap3A_363 = arith.constant 80 : index
      %swap3A_364 = tpu.vector_load %arg22[%swap3A_362, %swap3A_363] {strides = array<i32>} : memref<128x128xf32, #tpu.memory_space<vmem>>, vector<16xf32>,
      tpu.vector_store %arg22[%swap3A_362, %swap3A_363], %sub3A_361 {strides = array<i32>} : memref<128x128xf32, #tpu.memory_space<vmem>>, vector<16xf32>,
      %sub3A_365 = arith.constant 2.400000e+01 : f32
      %sub3A_366 = vector.broadcast %sub3A_365 : f32 to vector<16xf32>
      %sub3A_367 = arith.subf %sub3A_366, %scan3A_327#6 : vector<16xf32>
      %swap3A_368 = arith.index_cast %add3A_299 : i32 to index
      %swap3A_369 = arith.constant 96 : index
      %swap3A_370 = tpu.vector_load %arg22[%swap3A_368, %swap3A_369] {strides = array<i32>} : memref<128x128xf32, #tpu.memory_space<vmem>>, vector<16xf32>,
      tpu.vector_store %arg22[%swap3A_368, %swap3A_369], %sub3A_367 {strides = array<i32>} : memref<128x128xf32, #tpu.memory_space<vmem>>, vector<16xf32>,
      %sub3A_371 = arith.constant 2.400000e+01 : f32
      %sub3A_372 = vector.broadcast %sub3A_371 : f32 to vector<16xf32>
      %sub3A_373 = arith.subf %sub3A_372, %scan3A_327#7 : vector<16xf32>
      %swap3A_374 = arith.index_cast %add3A_299 : i32 to index
      %swap3A_375 = arith.constant 112 : index
      %swap3A_376 = tpu.vector_load %arg22[%swap3A_374, %swap3A_375] {strides = array<i32>} : memref<128x128xf32, #tpu.memory_space<vmem>>, vector<16xf32>,
      tpu.vector_store %arg22[%swap3A_374, %swap3A_375], %sub3A_373 {strides = array<i32>} : memref<128x128xf32, #tpu.memory_space<vmem>>, vector<16xf32>,
      %add3A_377 = arith.constant 4 : i32
      %add3A_378 = arith.addi %add3A_299, %add3A_377 : i32
      %lt3A_379 = arith.constant 128 : i32
      %lt3A_380 = arith.cmpi slt, %add3A_378, %lt3A_379 : i32
      %convert_element_type3A_381 = arith.extui %lt3A_380 : i1 to i32
      %cond3A_382 = arith.constant 0 : i32
      %cond3A_383 = arith.cmpi ne, %convert_element_type3A_381, %cond3A_382 : i32
      scf.if %cond3A_383 {
        %add3A_561 = arith.constant 4 : i32
        %add3A_562 = arith.addi %add3A_299, %add3A_561 : i32
        %dma_start3A_563 = arith.constant 0 : i32
        %dma_start3A_564 = tpu.memref_slice %arg13[%add3A_562, %dma_start3A_563] : memref<128x128xi32, #tpu.memory_space<vmem>> -> memref<1x128xi32, #tpu.memory_space<vmem>>
        %dma_start3A_565 = tpu.memref_squeeze %dma_start3A_564 : memref<1x128xi32, #tpu.memory_space<vmem>> -> memref<128xi32, #tpu.memory_space<vmem>>
        %dma_start3A_566 = arith.constant 0 : i32
        %dma_start3A_567 = arith.constant 0 : i32
        %dma_start3A_568 = tpu.memref_slice %arg2[%dma_start3A_566, %dma_start3A_567] : memref<1000000x64xf32, #tpu.memory_space<hbm>> -> memref<1000000x64xf32, #tpu.memory_space<hbm>>
        tpu.enqueue_indirect_dma source(%dma_start3A_568 : memref<1000000x64xf32, #tpu.memory_space<hbm>>) target(%arg18 : memref<128x64xf32, #tpu.memory_space<vmem>>) offsets(%dma_start3A_565 : memref<128xi32, #tpu.memory_space<vmem>>) semaphore(%arg27 : memref<!tpu.dma_semaphore, #tpu.memory_space<semaphore_mem>>)
      } else {
      }
      %mul3A_384 = arith.constant 4 : i32
      %mul3A_385 = arith.muli %scan3A_209, %mul3A_384 : i32
      %add3A_386 = arith.constant 2 : i32
      %add3A_387 = arith.addi %mul3A_385, %add3A_386 : i32
      %dma_wait3A_388 = arith.constant 0 : i32
      %dma_wait3A_389 = tpu.memref_slice %arg13[%add3A_387, %dma_wait3A_388] : memref<128x128xi32, #tpu.memory_space<vmem>> -> memref<1x128xi32, #tpu.memory_space<vmem>>
      %dma_wait3A_390 = tpu.memref_squeeze %dma_wait3A_389 : memref<1x128xi32, #tpu.memory_space<vmem>> -> memref<128xi32, #tpu.memory_space<vmem>>
      %dma_wait3A_391 = arith.constant 0 : i32
      %dma_wait3A_392 = arith.constant 0 : i32
      %dma_wait3A_393 = tpu.memref_slice %arg2[%dma_wait3A_391, %dma_wait3A_392] : memref<1000000x64xf32, #tpu.memory_space<hbm>> -> memref<1000000x64xf32, #tpu.memory_space<hbm>>
      tpu.wait_indirect_dma semaphore(%arg28 : memref<!tpu.dma_semaphore, #tpu.memory_space<semaphore_mem>>) src(%dma_wait3A_393 : memref<1000000x64xf32, #tpu.memory_space<hbm>>) dst(%arg19 : memref<128x64xf32, #tpu.memory_space<vmem>>)
      %broadcast_in_dim3A_394 = vector.broadcast %add3A_387 : i32 to vector<16xi32>
      %broadcast_in_dim3A_395 = arith.constant 0.000000e+00 : f32
      %broadcast_in_dim3A_396 = vector.broadcast %broadcast_in_dim3A_395 : f32 to vector<16xf32>
      %broadcast_in_dim3A_397 = arith.constant 0.000000e+00 : f32
      %broadcast_in_dim3A_398 = vector.broadcast %broadcast_in_dim3A_397 : f32 to vector<16xf32>
      %broadcast_in_dim3A_399 = arith.constant 0.000000e+00 : f32
      %broadcast_in_dim3A_400 = vector.broadcast %broadcast_in_dim3A_399 : f32 to vector<16xf32>
      %broadcast_in_dim3A_401 = arith.constant 0.000000e+00 : f32
      %broadcast_in_dim3A_402 = vector.broadcast %broadcast_in_dim3A_401 : f32 to vector<16xf32>
      %broadcast_in_dim3A_403 = arith.constant 0.000000e+00 : f32
      %broadcast_in_dim3A_404 = vector.broadcast %broadcast_in_dim3A_403 : f32 to vector<16xf32>
      %broadcast_in_dim3A_405 = arith.constant 0.000000e+00 : f32
      %broadcast_in_dim3A_406 = vector.broadcast %broadcast_in_dim3A_405 : f32 to vector<16xf32>
      %broadcast_in_dim3A_407 = arith.constant 0.000000e+00 : f32
      %broadcast_in_dim3A_408 = vector.broadcast %broadcast_in_dim3A_407 : f32 to vector<16xf32>
      %broadcast_in_dim3A_409 = arith.constant 0.000000e+00 : f32
      %broadcast_in_dim3A_410 = vector.broadcast %broadcast_in_dim3A_409 : f32 to vector<16xf32>
      %scan3A_411 = arith.constant 0 : i32
      %scan3A_412 = arith.constant 64 : i32
      %scan3A_413 = arith.addi %scan3A_411, %scan3A_412 : i32
      %scan3A_414 = arith.constant 2 : i32
      %scan3A_415:8 = scf.for %scan3A_561 = %scan3A_411 to %scan3A_413 step %scan3A_414 iter_args(%scan3A_562 = %broadcast_in_dim3A_396, %scan3A_563 = %broadcast_in_dim3A_398, %scan3A_564 = %broadcast_in_dim3A_400, %scan3A_565 = %broadcast_in_dim3A_402, %scan3A_566 = %broadcast_in_dim3A_404, %scan3A_567 = %broadcast_in_dim3A_406, %scan3A_568 = %broadcast_in_dim3A_408, %scan3A_569 = %broadcast_in_dim3A_410) -> (vector<16xf32>, vector<16xf32>, vector<16xf32>, vector<16xf32>, vector<16xf32>, vector<16xf32>, vector<16xf32>, vector<16xf32>)  : i32 {
        %add3A_570 = vector.broadcast %scan3A_561 : i32 to vector<16xi32>
        %add3A_571 = arith.addi %add3A_570, %iota3A : vector<16xi32>
        %and3A = arith.constant 63 : i32
        %and3A_572 = vector.broadcast %and3A : i32 to vector<16xi32>
        %and3A_573 = arith.andi %add3A_571, %and3A_572 : vector<16xi32>
        %gather3A = tpu.vector_load_idx %arg14[%broadcast_in_dim3A_394, %and3A_573] : memref<128x64xf32, #tpu.memory_space<vmem>>[vector<16xi32>, vector<16xi32>], vector<16xf32>,
        %gather3A_574 = tpu.vector_load_idx %arg19[%add3A_180, %and3A_573] : memref<128x64xf32, #tpu.memory_space<vmem>>[vector<16xi32>, vector<16xi32>], vector<16xf32>,
        %sub3A_575 = arith.subf %gather3A_574, %gather3A : vector<16xf32>
        %abs3A = math.absf %sub3A_575 : vector<16xf32>
        %add3A_576 = arith.addf %scan3A_562, %abs3A : vector<16xf32>
        %gather3A_577 = tpu.vector_load_idx %arg19[%add3A_183, %and3A_573] : memref<128x64xf32, #tpu.memory_space<vmem>>[vector<16xi32>, vector<16xi32>], vector<16xf32>,
        %sub3A_578 = arith.subf %gather3A_577, %gather3A : vector<16xf32>
        %abs3A_579 = math.absf %sub3A_578 : vector<16xf32>
        %add3A_580 = arith.addf %scan3A_563, %abs3A_579 : vector<16xf32>
        %gather3A_581 = tpu.vector_load_idx %arg19[%add3A_186, %and3A_573] : memref<128x64xf32, #tpu.memory_space<vmem>>[vector<16xi32>, vector<16xi32>], vector<16xf32>,
        %sub3A_582 = arith.subf %gather3A_581, %gather3A : vector<16xf32>
        %abs3A_583 = math.absf %sub3A_582 : vector<16xf32>
        %add3A_584 = arith.addf %scan3A_564, %abs3A_583 : vector<16xf32>
        %gather3A_585 = tpu.vector_load_idx %arg19[%add3A_189, %and3A_573] : memref<128x64xf32, #tpu.memory_space<vmem>>[vector<16xi32>, vector<16xi32>], vector<16xf32>,
        %sub3A_586 = arith.subf %gather3A_585, %gather3A : vector<16xf32>
        %abs3A_587 = math.absf %sub3A_586 : vector<16xf32>
        %add3A_588 = arith.addf %scan3A_565, %abs3A_587 : vector<16xf32>
        %gather3A_589 = tpu.vector_load_idx %arg19[%add3A_192, %and3A_573] : memref<128x64xf32, #tpu.memory_space<vmem>>[vector<16xi32>, vector<16xi32>], vector<16xf32>,
        %sub3A_590 = arith.subf %gather3A_589, %gather3A : vector<16xf32>
        %abs3A_591 = math.absf %sub3A_590 : vector<16xf32>
        %add3A_592 = arith.addf %scan3A_566, %abs3A_591 : vector<16xf32>
        %gather3A_593 = tpu.vector_load_idx %arg19[%add3A_195, %and3A_573] : memref<128x64xf32, #tpu.memory_space<vmem>>[vector<16xi32>, vector<16xi32>], vector<16xf32>,
        %sub3A_594 = arith.subf %gather3A_593, %gather3A : vector<16xf32>
        %abs3A_595 = math.absf %sub3A_594 : vector<16xf32>
        %add3A_596 = arith.addf %scan3A_567, %abs3A_595 : vector<16xf32>
        %gather3A_597 = tpu.vector_load_idx %arg19[%add3A_198, %and3A_573] : memref<128x64xf32, #tpu.memory_space<vmem>>[vector<16xi32>, vector<16xi32>], vector<16xf32>,
        %sub3A_598 = arith.subf %gather3A_597, %gather3A : vector<16xf32>
        %abs3A_599 = math.absf %sub3A_598 : vector<16xf32>
        %add3A_600 = arith.addf %scan3A_568, %abs3A_599 : vector<16xf32>
        %gather3A_601 = tpu.vector_load_idx %arg19[%add3A_201, %and3A_573] : memref<128x64xf32, #tpu.memory_space<vmem>>[vector<16xi32>, vector<16xi32>], vector<16xf32>,
        %sub3A_602 = arith.subf %gather3A_601, %gather3A : vector<16xf32>
        %abs3A_603 = math.absf %sub3A_602 : vector<16xf32>
        %add3A_604 = arith.addf %scan3A_569, %abs3A_603 : vector<16xf32>
        %scan3A_605 = arith.constant 1 : i32
        %scan3A_606 = arith.addi %scan3A_561, %scan3A_605 : i32
        %add3A_607 = vector.broadcast %scan3A_606 : i32 to vector<16xi32>
        %add3A_608 = arith.addi %add3A_607, %iota3A : vector<16xi32>
        %and3A_609 = arith.constant 63 : i32
        %and3A_610 = vector.broadcast %and3A_609 : i32 to vector<16xi32>
        %and3A_611 = arith.andi %add3A_608, %and3A_610 : vector<16xi32>
        %gather3A_612 = tpu.vector_load_idx %arg14[%broadcast_in_dim3A_394, %and3A_611] : memref<128x64xf32, #tpu.memory_space<vmem>>[vector<16xi32>, vector<16xi32>], vector<16xf32>,
        %gather3A_613 = tpu.vector_load_idx %arg19[%add3A_180, %and3A_611] : memref<128x64xf32, #tpu.memory_space<vmem>>[vector<16xi32>, vector<16xi32>], vector<16xf32>,
        %sub3A_614 = arith.subf %gather3A_613, %gather3A_612 : vector<16xf32>
        %abs3A_615 = math.absf %sub3A_614 : vector<16xf32>
        %add3A_616 = arith.addf %add3A_576, %abs3A_615 : vector<16xf32>
        %gather3A_617 = tpu.vector_load_idx %arg19[%add3A_183, %and3A_611] : memref<128x64xf32, #tpu.memory_space<vmem>>[vector<16xi32>, vector<16xi32>], vector<16xf32>,
        %sub3A_618 = arith.subf %gather3A_617, %gather3A_612 : vector<16xf32>
        %abs3A_619 = math.absf %sub3A_618 : vector<16xf32>
        %add3A_620 = arith.addf %add3A_580, %abs3A_619 : vector<16xf32>
        %gather3A_621 = tpu.vector_load_idx %arg19[%add3A_186, %and3A_611] : memref<128x64xf32, #tpu.memory_space<vmem>>[vector<16xi32>, vector<16xi32>], vector<16xf32>,
        %sub3A_622 = arith.subf %gather3A_621, %gather3A_612 : vector<16xf32>
        %abs3A_623 = math.absf %sub3A_622 : vector<16xf32>
        %add3A_624 = arith.addf %add3A_584, %abs3A_623 : vector<16xf32>
        %gather3A_625 = tpu.vector_load_idx %arg19[%add3A_189, %and3A_611] : memref<128x64xf32, #tpu.memory_space<vmem>>[vector<16xi32>, vector<16xi32>], vector<16xf32>,
        %sub3A_626 = arith.subf %gather3A_625, %gather3A_612 : vector<16xf32>
        %abs3A_627 = math.absf %sub3A_626 : vector<16xf32>
        %add3A_628 = arith.addf %add3A_588, %abs3A_627 : vector<16xf32>
        %gather3A_629 = tpu.vector_load_idx %arg19[%add3A_192, %and3A_611] : memref<128x64xf32, #tpu.memory_space<vmem>>[vector<16xi32>, vector<16xi32>], vector<16xf32>,
        %sub3A_630 = arith.subf %gather3A_629, %gather3A_612 : vector<16xf32>
        %abs3A_631 = math.absf %sub3A_630 : vector<16xf32>
        %add3A_632 = arith.addf %add3A_592, %abs3A_631 : vector<16xf32>
        %gather3A_633 = tpu.vector_load_idx %arg19[%add3A_195, %and3A_611] : memref<128x64xf32, #tpu.memory_space<vmem>>[vector<16xi32>, vector<16xi32>], vector<16xf32>,
        %sub3A_634 = arith.subf %gather3A_633, %gather3A_612 : vector<16xf32>
        %abs3A_635 = math.absf %sub3A_634 : vector<16xf32>
        %add3A_636 = arith.addf %add3A_596, %abs3A_635 : vector<16xf32>
        %gather3A_637 = tpu.vector_load_idx %arg19[%add3A_198, %and3A_611] : memref<128x64xf32, #tpu.memory_space<vmem>>[vector<16xi32>, vector<16xi32>], vector<16xf32>,
        %sub3A_638 = arith.subf %gather3A_637, %gather3A_612 : vector<16xf32>
        %abs3A_639 = math.absf %sub3A_638 : vector<16xf32>
        %add3A_640 = arith.addf %add3A_600, %abs3A_639 : vector<16xf32>
        %gather3A_641 = tpu.vector_load_idx %arg19[%add3A_201, %and3A_611] : memref<128x64xf32, #tpu.memory_space<vmem>>[vector<16xi32>, vector<16xi32>], vector<16xf32>,
        %sub3A_642 = arith.subf %gather3A_641, %gather3A_612 : vector<16xf32>
        %abs3A_643 = math.absf %sub3A_642 : vector<16xf32>
        %add3A_644 = arith.addf %add3A_604, %abs3A_643 : vector<16xf32>
        scf.yield %add3A_616, %add3A_620, %add3A_624, %add3A_628, %add3A_632, %add3A_636, %add3A_640, %add3A_644 : vector<16xf32>, vector<16xf32>, vector<16xf32>, vector<16xf32>, vector<16xf32>, vector<16xf32>, vector<16xf32>, vector<16xf32>
      }
      %scan3A_416 = arith.constant 64 : i32
      %sub3A_417 = arith.constant 2.400000e+01 : f32
      %sub3A_418 = vector.broadcast %sub3A_417 : f32 to vector<16xf32>
      %sub3A_419 = arith.subf %sub3A_418, %scan3A_415#0 : vector<16xf32>
      %swap3A_420 = arith.index_cast %add3A_387 : i32 to index
      %swap3A_421 = arith.constant 0 : index
      %swap3A_422 = tpu.vector_load %arg22[%swap3A_420, %swap3A_421] {strides = array<i32>} : memref<128x128xf32, #tpu.memory_space<vmem>>, vector<16xf32>,
      tpu.vector_store %arg22[%swap3A_420, %swap3A_421], %sub3A_419 {strides = array<i32>} : memref<128x128xf32, #tpu.memory_space<vmem>>, vector<16xf32>,
      %sub3A_423 = arith.constant 2.400000e+01 : f32
      %sub3A_424 = vector.broadcast %sub3A_423 : f32 to vector<16xf32>
      %sub3A_425 = arith.subf %sub3A_424, %scan3A_415#1 : vector<16xf32>
      %swap3A_426 = arith.index_cast %add3A_387 : i32 to index
      %swap3A_427 = arith.constant 16 : index
      %swap3A_428 = tpu.vector_load %arg22[%swap3A_426, %swap3A_427] {strides = array<i32>} : memref<128x128xf32, #tpu.memory_space<vmem>>, vector<16xf32>,
      tpu.vector_store %arg22[%swap3A_426, %swap3A_427], %sub3A_425 {strides = array<i32>} : memref<128x128xf32, #tpu.memory_space<vmem>>, vector<16xf32>,
      %sub3A_429 = arith.constant 2.400000e+01 : f32
      %sub3A_430 = vector.broadcast %sub3A_429 : f32 to vector<16xf32>
      %sub3A_431 = arith.subf %sub3A_430, %scan3A_415#2 : vector<16xf32>
      %swap3A_432 = arith.index_cast %add3A_387 : i32 to index
      %swap3A_433 = arith.constant 32 : index
      %swap3A_434 = tpu.vector_load %arg22[%swap3A_432, %swap3A_433] {strides = array<i32>} : memref<128x128xf32, #tpu.memory_space<vmem>>, vector<16xf32>,
      tpu.vector_store %arg22[%swap3A_432, %swap3A_433], %sub3A_431 {strides = array<i32>} : memref<128x128xf32, #tpu.memory_space<vmem>>, vector<16xf32>,
      %sub3A_435 = arith.constant 2.400000e+01 : f32
      %sub3A_436 = vector.broadcast %sub3A_435 : f32 to vector<16xf32>
      %sub3A_437 = arith.subf %sub3A_436, %scan3A_415#3 : vector<16xf32>
      %swap3A_438 = arith.index_cast %add3A_387 : i32 to index
      %swap3A_439 = arith.constant 48 : index
      %swap3A_440 = tpu.vector_load %arg22[%swap3A_438, %swap3A_439] {strides = array<i32>} : memref<128x128xf32, #tpu.memory_space<vmem>>, vector<16xf32>,
      tpu.vector_store %arg22[%swap3A_438, %swap3A_439], %sub3A_437 {strides = array<i32>} : memref<128x128xf32, #tpu.memory_space<vmem>>, vector<16xf32>,
      %sub3A_441 = arith.constant 2.400000e+01 : f32
      %sub3A_442 = vector.broadcast %sub3A_441 : f32 to vector<16xf32>
      %sub3A_443 = arith.subf %sub3A_442, %scan3A_415#4 : vector<16xf32>
      %swap3A_444 = arith.index_cast %add3A_387 : i32 to index
      %swap3A_445 = arith.constant 64 : index
      %swap3A_446 = tpu.vector_load %arg22[%swap3A_444, %swap3A_445] {strides = array<i32>} : memref<128x128xf32, #tpu.memory_space<vmem>>, vector<16xf32>,
      tpu.vector_store %arg22[%swap3A_444, %swap3A_445], %sub3A_443 {strides = array<i32>} : memref<128x128xf32, #tpu.memory_space<vmem>>, vector<16xf32>,
      %sub3A_447 = arith.constant 2.400000e+01 : f32
      %sub3A_448 = vector.broadcast %sub3A_447 : f32 to vector<16xf32>
      %sub3A_449 = arith.subf %sub3A_448, %scan3A_415#5 : vector<16xf32>
      %swap3A_450 = arith.index_cast %add3A_387 : i32 to index
      %swap3A_451 = arith.constant 80 : index
      %swap3A_452 = tpu.vector_load %arg22[%swap3A_450, %swap3A_451] {strides = array<i32>} : memref<128x128xf32, #tpu.memory_space<vmem>>, vector<16xf32>,
      tpu.vector_store %arg22[%swap3A_450, %swap3A_451], %sub3A_449 {strides = array<i32>} : memref<128x128xf32, #tpu.memory_space<vmem>>, vector<16xf32>,
      %sub3A_453 = arith.constant 2.400000e+01 : f32
      %sub3A_454 = vector.broadcast %sub3A_453 : f32 to vector<16xf32>
      %sub3A_455 = arith.subf %sub3A_454, %scan3A_415#6 : vector<16xf32>
      %swap3A_456 = arith.index_cast %add3A_387 : i32 to index
      %swap3A_457 = arith.constant 96 : index
      %swap3A_458 = tpu.vector_load %arg22[%swap3A_456, %swap3A_457] {strides = array<i32>} : memref<128x128xf32, #tpu.memory_space<vmem>>, vector<16xf32>,
      tpu.vector_store %arg22[%swap3A_456, %swap3A_457], %sub3A_455 {strides = array<i32>} : memref<128x128xf32, #tpu.memory_space<vmem>>, vector<16xf32>,
      %sub3A_459 = arith.constant 2.400000e+01 : f32
      %sub3A_460 = vector.broadcast %sub3A_459 : f32 to vector<16xf32>
      %sub3A_461 = arith.subf %sub3A_460, %scan3A_415#7 : vector<16xf32>
      %swap3A_462 = arith.index_cast %add3A_387 : i32 to index
      %swap3A_463 = arith.constant 112 : index
      %swap3A_464 = tpu.vector_load %arg22[%swap3A_462, %swap3A_463] {strides = array<i32>} : memref<128x128xf32, #tpu.memory_space<vmem>>, vector<16xf32>,
      tpu.vector_store %arg22[%swap3A_462, %swap3A_463], %sub3A_461 {strides = array<i32>} : memref<128x128xf32, #tpu.memory_space<vmem>>, vector<16xf32>,
      %add3A_465 = arith.constant 4 : i32
      %add3A_466 = arith.addi %add3A_387, %add3A_465 : i32
      %lt3A_467 = arith.constant 128 : i32
      %lt3A_468 = arith.cmpi slt, %add3A_466, %lt3A_467 : i32
      %convert_element_type3A_469 = arith.extui %lt3A_468 : i1 to i32
      %cond3A_470 = arith.constant 0 : i32
      %cond3A_471 = arith.cmpi ne, %convert_element_type3A_469, %cond3A_470 : i32
      scf.if %cond3A_471 {
        %add3A_561 = arith.constant 4 : i32
        %add3A_562 = arith.addi %add3A_387, %add3A_561 : i32
        %dma_start3A_563 = arith.constant 0 : i32
        %dma_start3A_564 = tpu.memref_slice %arg13[%add3A_562, %dma_start3A_563] : memref<128x128xi32, #tpu.memory_space<vmem>> -> memref<1x128xi32, #tpu.memory_space<vmem>>
        %dma_start3A_565 = tpu.memref_squeeze %dma_start3A_564 : memref<1x128xi32, #tpu.memory_space<vmem>> -> memref<128xi32, #tpu.memory_space<vmem>>
        %dma_start3A_566 = arith.constant 0 : i32
        %dma_start3A_567 = arith.constant 0 : i32
        %dma_start3A_568 = tpu.memref_slice %arg2[%dma_start3A_566, %dma_start3A_567] : memref<1000000x64xf32, #tpu.memory_space<hbm>> -> memref<1000000x64xf32, #tpu.memory_space<hbm>>
        tpu.enqueue_indirect_dma source(%dma_start3A_568 : memref<1000000x64xf32, #tpu.memory_space<hbm>>) target(%arg19 : memref<128x64xf32, #tpu.memory_space<vmem>>) offsets(%dma_start3A_565 : memref<128xi32, #tpu.memory_space<vmem>>) semaphore(%arg28 : memref<!tpu.dma_semaphore, #tpu.memory_space<semaphore_mem>>)
      } else {
      }
      %mul3A_472 = arith.constant 4 : i32
      %mul3A_473 = arith.muli %scan3A_209, %mul3A_472 : i32
      %add3A_474 = arith.constant 3 : i32
      %add3A_475 = arith.addi %mul3A_473, %add3A_474 : i32
      %dma_wait3A_476 = arith.constant 0 : i32
      %dma_wait3A_477 = tpu.memref_slice %arg13[%add3A_475, %dma_wait3A_476] : memref<128x128xi32, #tpu.memory_space<vmem>> -> memref<1x128xi32, #tpu.memory_space<vmem>>
      %dma_wait3A_478 = tpu.memref_squeeze %dma_wait3A_477 : memref<1x128xi32, #tpu.memory_space<vmem>> -> memref<128xi32, #tpu.memory_space<vmem>>
      %dma_wait3A_479 = arith.constant 0 : i32
      %dma_wait3A_480 = arith.constant 0 : i32
      %dma_wait3A_481 = tpu.memref_slice %arg2[%dma_wait3A_479, %dma_wait3A_480] : memref<1000000x64xf32, #tpu.memory_space<hbm>> -> memref<1000000x64xf32, #tpu.memory_space<hbm>>
      tpu.wait_indirect_dma semaphore(%arg29 : memref<!tpu.dma_semaphore, #tpu.memory_space<semaphore_mem>>) src(%dma_wait3A_481 : memref<1000000x64xf32, #tpu.memory_space<hbm>>) dst(%arg20 : memref<128x64xf32, #tpu.memory_space<vmem>>)
      %broadcast_in_dim3A_482 = vector.broadcast %add3A_475 : i32 to vector<16xi32>
      %broadcast_in_dim3A_483 = arith.constant 0.000000e+00 : f32
      %broadcast_in_dim3A_484 = vector.broadcast %broadcast_in_dim3A_483 : f32 to vector<16xf32>
      %broadcast_in_dim3A_485 = arith.constant 0.000000e+00 : f32
      %broadcast_in_dim3A_486 = vector.broadcast %broadcast_in_dim3A_485 : f32 to vector<16xf32>
      %broadcast_in_dim3A_487 = arith.constant 0.000000e+00 : f32
      %broadcast_in_dim3A_488 = vector.broadcast %broadcast_in_dim3A_487 : f32 to vector<16xf32>
      %broadcast_in_dim3A_489 = arith.constant 0.000000e+00 : f32
      %broadcast_in_dim3A_490 = vector.broadcast %broadcast_in_dim3A_489 : f32 to vector<16xf32>
      %broadcast_in_dim3A_491 = arith.constant 0.000000e+00 : f32
      %broadcast_in_dim3A_492 = vector.broadcast %broadcast_in_dim3A_491 : f32 to vector<16xf32>
      %broadcast_in_dim3A_493 = arith.constant 0.000000e+00 : f32
      %broadcast_in_dim3A_494 = vector.broadcast %broadcast_in_dim3A_493 : f32 to vector<16xf32>
      %broadcast_in_dim3A_495 = arith.constant 0.000000e+00 : f32
      %broadcast_in_dim3A_496 = vector.broadcast %broadcast_in_dim3A_495 : f32 to vector<16xf32>
      %broadcast_in_dim3A_497 = arith.constant 0.000000e+00 : f32
      %broadcast_in_dim3A_498 = vector.broadcast %broadcast_in_dim3A_497 : f32 to vector<16xf32>
      %scan3A_499 = arith.constant 0 : i32
      %scan3A_500 = arith.constant 64 : i32
      %scan3A_501 = arith.addi %scan3A_499, %scan3A_500 : i32
      %scan3A_502 = arith.constant 2 : i32
      %scan3A_503:8 = scf.for %scan3A_561 = %scan3A_499 to %scan3A_501 step %scan3A_502 iter_args(%scan3A_562 = %broadcast_in_dim3A_484, %scan3A_563 = %broadcast_in_dim3A_486, %scan3A_564 = %broadcast_in_dim3A_488, %scan3A_565 = %broadcast_in_dim3A_490, %scan3A_566 = %broadcast_in_dim3A_492, %scan3A_567 = %broadcast_in_dim3A_494, %scan3A_568 = %broadcast_in_dim3A_496, %scan3A_569 = %broadcast_in_dim3A_498) -> (vector<16xf32>, vector<16xf32>, vector<16xf32>, vector<16xf32>, vector<16xf32>, vector<16xf32>, vector<16xf32>, vector<16xf32>)  : i32 {
        %add3A_570 = vector.broadcast %scan3A_561 : i32 to vector<16xi32>
        %add3A_571 = arith.addi %add3A_570, %iota3A : vector<16xi32>
        %and3A = arith.constant 63 : i32
        %and3A_572 = vector.broadcast %and3A : i32 to vector<16xi32>
        %and3A_573 = arith.andi %add3A_571, %and3A_572 : vector<16xi32>
        %gather3A = tpu.vector_load_idx %arg14[%broadcast_in_dim3A_482, %and3A_573] : memref<128x64xf32, #tpu.memory_space<vmem>>[vector<16xi32>, vector<16xi32>], vector<16xf32>,
        %gather3A_574 = tpu.vector_load_idx %arg20[%add3A_180, %and3A_573] : memref<128x64xf32, #tpu.memory_space<vmem>>[vector<16xi32>, vector<16xi32>], vector<16xf32>,
        %sub3A_575 = arith.subf %gather3A_574, %gather3A : vector<16xf32>
        %abs3A = math.absf %sub3A_575 : vector<16xf32>
        %add3A_576 = arith.addf %scan3A_562, %abs3A : vector<16xf32>
        %gather3A_577 = tpu.vector_load_idx %arg20[%add3A_183, %and3A_573] : memref<128x64xf32, #tpu.memory_space<vmem>>[vector<16xi32>, vector<16xi32>], vector<16xf32>,
        %sub3A_578 = arith.subf %gather3A_577, %gather3A : vector<16xf32>
        %abs3A_579 = math.absf %sub3A_578 : vector<16xf32>
        %add3A_580 = arith.addf %scan3A_563, %abs3A_579 : vector<16xf32>
        %gather3A_581 = tpu.vector_load_idx %arg20[%add3A_186, %and3A_573] : memref<128x64xf32, #tpu.memory_space<vmem>>[vector<16xi32>, vector<16xi32>], vector<16xf32>,
        %sub3A_582 = arith.subf %gather3A_581, %gather3A : vector<16xf32>
        %abs3A_583 = math.absf %sub3A_582 : vector<16xf32>
        %add3A_584 = arith.addf %scan3A_564, %abs3A_583 : vector<16xf32>
        %gather3A_585 = tpu.vector_load_idx %arg20[%add3A_189, %and3A_573] : memref<128x64xf32, #tpu.memory_space<vmem>>[vector<16xi32>, vector<16xi32>], vector<16xf32>,
        %sub3A_586 = arith.subf %gather3A_585, %gather3A : vector<16xf32>
        %abs3A_587 = math.absf %sub3A_586 : vector<16xf32>
        %add3A_588 = arith.addf %scan3A_565, %abs3A_587 : vector<16xf32>
        %gather3A_589 = tpu.vector_load_idx %arg20[%add3A_192, %and3A_573] : memref<128x64xf32, #tpu.memory_space<vmem>>[vector<16xi32>, vector<16xi32>], vector<16xf32>,
        %sub3A_590 = arith.subf %gather3A_589, %gather3A : vector<16xf32>
        %abs3A_591 = math.absf %sub3A_590 : vector<16xf32>
        %add3A_592 = arith.addf %scan3A_566, %abs3A_591 : vector<16xf32>
        %gather3A_593 = tpu.vector_load_idx %arg20[%add3A_195, %and3A_573] : memref<128x64xf32, #tpu.memory_space<vmem>>[vector<16xi32>, vector<16xi32>], vector<16xf32>,
        %sub3A_594 = arith.subf %gather3A_593, %gather3A : vector<16xf32>
        %abs3A_595 = math.absf %sub3A_594 : vector<16xf32>
        %add3A_596 = arith.addf %scan3A_567, %abs3A_595 : vector<16xf32>
        %gather3A_597 = tpu.vector_load_idx %arg20[%add3A_198, %and3A_573] : memref<128x64xf32, #tpu.memory_space<vmem>>[vector<16xi32>, vector<16xi32>], vector<16xf32>,
        %sub3A_598 = arith.subf %gather3A_597, %gather3A : vector<16xf32>
        %abs3A_599 = math.absf %sub3A_598 : vector<16xf32>
        %add3A_600 = arith.addf %scan3A_568, %abs3A_599 : vector<16xf32>
        %gather3A_601 = tpu.vector_load_idx %arg20[%add3A_201, %and3A_573] : memref<128x64xf32, #tpu.memory_space<vmem>>[vector<16xi32>, vector<16xi32>], vector<16xf32>,
        %sub3A_602 = arith.subf %gather3A_601, %gather3A : vector<16xf32>
        %abs3A_603 = math.absf %sub3A_602 : vector<16xf32>
        %add3A_604 = arith.addf %scan3A_569, %abs3A_603 : vector<16xf32>
        %scan3A_605 = arith.constant 1 : i32
        %scan3A_606 = arith.addi %scan3A_561, %scan3A_605 : i32
        %add3A_607 = vector.broadcast %scan3A_606 : i32 to vector<16xi32>
        %add3A_608 = arith.addi %add3A_607, %iota3A : vector<16xi32>
        %and3A_609 = arith.constant 63 : i32
        %and3A_610 = vector.broadcast %and3A_609 : i32 to vector<16xi32>
        %and3A_611 = arith.andi %add3A_608, %and3A_610 : vector<16xi32>
        %gather3A_612 = tpu.vector_load_idx %arg14[%broadcast_in_dim3A_482, %and3A_611] : memref<128x64xf32, #tpu.memory_space<vmem>>[vector<16xi32>, vector<16xi32>], vector<16xf32>,
        %gather3A_613 = tpu.vector_load_idx %arg20[%add3A_180, %and3A_611] : memref<128x64xf32, #tpu.memory_space<vmem>>[vector<16xi32>, vector<16xi32>], vector<16xf32>,
        %sub3A_614 = arith.subf %gather3A_613, %gather3A_612 : vector<16xf32>
        %abs3A_615 = math.absf %sub3A_614 : vector<16xf32>
        %add3A_616 = arith.addf %add3A_576, %abs3A_615 : vector<16xf32>
        %gather3A_617 = tpu.vector_load_idx %arg20[%add3A_183, %and3A_611] : memref<128x64xf32, #tpu.memory_space<vmem>>[vector<16xi32>, vector<16xi32>], vector<16xf32>,
        %sub3A_618 = arith.subf %gather3A_617, %gather3A_612 : vector<16xf32>
        %abs3A_619 = math.absf %sub3A_618 : vector<16xf32>
        %add3A_620 = arith.addf %add3A_580, %abs3A_619 : vector<16xf32>
        %gather3A_621 = tpu.vector_load_idx %arg20[%add3A_186, %and3A_611] : memref<128x64xf32, #tpu.memory_space<vmem>>[vector<16xi32>, vector<16xi32>], vector<16xf32>,
        %sub3A_622 = arith.subf %gather3A_621, %gather3A_612 : vector<16xf32>
        %abs3A_623 = math.absf %sub3A_622 : vector<16xf32>
        %add3A_624 = arith.addf %add3A_584, %abs3A_623 : vector<16xf32>
        %gather3A_625 = tpu.vector_load_idx %arg20[%add3A_189, %and3A_611] : memref<128x64xf32, #tpu.memory_space<vmem>>[vector<16xi32>, vector<16xi32>], vector<16xf32>,
        %sub3A_626 = arith.subf %gather3A_625, %gather3A_612 : vector<16xf32>
        %abs3A_627 = math.absf %sub3A_626 : vector<16xf32>
        %add3A_628 = arith.addf %add3A_588, %abs3A_627 : vector<16xf32>
        %gather3A_629 = tpu.vector_load_idx %arg20[%add3A_192, %and3A_611] : memref<128x64xf32, #tpu.memory_space<vmem>>[vector<16xi32>, vector<16xi32>], vector<16xf32>,
        %sub3A_630 = arith.subf %gather3A_629, %gather3A_612 : vector<16xf32>
        %abs3A_631 = math.absf %sub3A_630 : vector<16xf32>
        %add3A_632 = arith.addf %add3A_592, %abs3A_631 : vector<16xf32>
        %gather3A_633 = tpu.vector_load_idx %arg20[%add3A_195, %and3A_611] : memref<128x64xf32, #tpu.memory_space<vmem>>[vector<16xi32>, vector<16xi32>], vector<16xf32>,
        %sub3A_634 = arith.subf %gather3A_633, %gather3A_612 : vector<16xf32>
        %abs3A_635 = math.absf %sub3A_634 : vector<16xf32>
        %add3A_636 = arith.addf %add3A_596, %abs3A_635 : vector<16xf32>
        %gather3A_637 = tpu.vector_load_idx %arg20[%add3A_198, %and3A_611] : memref<128x64xf32, #tpu.memory_space<vmem>>[vector<16xi32>, vector<16xi32>], vector<16xf32>,
        %sub3A_638 = arith.subf %gather3A_637, %gather3A_612 : vector<16xf32>
        %abs3A_639 = math.absf %sub3A_638 : vector<16xf32>
        %add3A_640 = arith.addf %add3A_600, %abs3A_639 : vector<16xf32>
        %gather3A_641 = tpu.vector_load_idx %arg20[%add3A_201, %and3A_611] : memref<128x64xf32, #tpu.memory_space<vmem>>[vector<16xi32>, vector<16xi32>], vector<16xf32>,
        %sub3A_642 = arith.subf %gather3A_641, %gather3A_612 : vector<16xf32>
        %abs3A_643 = math.absf %sub3A_642 : vector<16xf32>
        %add3A_644 = arith.addf %add3A_604, %abs3A_643 : vector<16xf32>
        scf.yield %add3A_616, %add3A_620, %add3A_624, %add3A_628, %add3A_632, %add3A_636, %add3A_640, %add3A_644 : vector<16xf32>, vector<16xf32>, vector<16xf32>, vector<16xf32>, vector<16xf32>, vector<16xf32>, vector<16xf32>, vector<16xf32>
      }
      %scan3A_504 = arith.constant 64 : i32
      %sub3A_505 = arith.constant 2.400000e+01 : f32
      %sub3A_506 = vector.broadcast %sub3A_505 : f32 to vector<16xf32>
      %sub3A_507 = arith.subf %sub3A_506, %scan3A_503#0 : vector<16xf32>
      %swap3A_508 = arith.index_cast %add3A_475 : i32 to index
      %swap3A_509 = arith.constant 0 : index
      %swap3A_510 = tpu.vector_load %arg22[%swap3A_508, %swap3A_509] {strides = array<i32>} : memref<128x128xf32, #tpu.memory_space<vmem>>, vector<16xf32>,
      tpu.vector_store %arg22[%swap3A_508, %swap3A_509], %sub3A_507 {strides = array<i32>} : memref<128x128xf32, #tpu.memory_space<vmem>>, vector<16xf32>,
      %sub3A_511 = arith.constant 2.400000e+01 : f32
      %sub3A_512 = vector.broadcast %sub3A_511 : f32 to vector<16xf32>
      %sub3A_513 = arith.subf %sub3A_512, %scan3A_503#1 : vector<16xf32>
      %swap3A_514 = arith.index_cast %add3A_475 : i32 to index
      %swap3A_515 = arith.constant 16 : index
      %swap3A_516 = tpu.vector_load %arg22[%swap3A_514, %swap3A_515] {strides = array<i32>} : memref<128x128xf32, #tpu.memory_space<vmem>>, vector<16xf32>,
      tpu.vector_store %arg22[%swap3A_514, %swap3A_515], %sub3A_513 {strides = array<i32>} : memref<128x128xf32, #tpu.memory_space<vmem>>, vector<16xf32>,
      %sub3A_517 = arith.constant 2.400000e+01 : f32
      %sub3A_518 = vector.broadcast %sub3A_517 : f32 to vector<16xf32>
      %sub3A_519 = arith.subf %sub3A_518, %scan3A_503#2 : vector<16xf32>
      %swap3A_520 = arith.index_cast %add3A_475 : i32 to index
      %swap3A_521 = arith.constant 32 : index
      %swap3A_522 = tpu.vector_load %arg22[%swap3A_520, %swap3A_521] {strides = array<i32>} : memref<128x128xf32, #tpu.memory_space<vmem>>, vector<16xf32>,
      tpu.vector_store %arg22[%swap3A_520, %swap3A_521], %sub3A_519 {strides = array<i32>} : memref<128x128xf32, #tpu.memory_space<vmem>>, vector<16xf32>,
      %sub3A_523 = arith.constant 2.400000e+01 : f32
      %sub3A_524 = vector.broadcast %sub3A_523 : f32 to vector<16xf32>
      %sub3A_525 = arith.subf %sub3A_524, %scan3A_503#3 : vector<16xf32>
      %swap3A_526 = arith.index_cast %add3A_475 : i32 to index
      %swap3A_527 = arith.constant 48 : index
      %swap3A_528 = tpu.vector_load %arg22[%swap3A_526, %swap3A_527] {strides = array<i32>} : memref<128x128xf32, #tpu.memory_space<vmem>>, vector<16xf32>,
      tpu.vector_store %arg22[%swap3A_526, %swap3A_527], %sub3A_525 {strides = array<i32>} : memref<128x128xf32, #tpu.memory_space<vmem>>, vector<16xf32>,
      %sub3A_529 = arith.constant 2.400000e+01 : f32
      %sub3A_530 = vector.broadcast %sub3A_529 : f32 to vector<16xf32>
      %sub3A_531 = arith.subf %sub3A_530, %scan3A_503#4 : vector<16xf32>
      %swap3A_532 = arith.index_cast %add3A_475 : i32 to index
      %swap3A_533 = arith.constant 64 : index
      %swap3A_534 = tpu.vector_load %arg22[%swap3A_532, %swap3A_533] {strides = array<i32>} : memref<128x128xf32, #tpu.memory_space<vmem>>, vector<16xf32>,
      tpu.vector_store %arg22[%swap3A_532, %swap3A_533], %sub3A_531 {strides = array<i32>} : memref<128x128xf32, #tpu.memory_space<vmem>>, vector<16xf32>,
      %sub3A_535 = arith.constant 2.400000e+01 : f32
      %sub3A_536 = vector.broadcast %sub3A_535 : f32 to vector<16xf32>
      %sub3A_537 = arith.subf %sub3A_536, %scan3A_503#5 : vector<16xf32>
      %swap3A_538 = arith.index_cast %add3A_475 : i32 to index
      %swap3A_539 = arith.constant 80 : index
      %swap3A_540 = tpu.vector_load %arg22[%swap3A_538, %swap3A_539] {strides = array<i32>} : memref<128x128xf32, #tpu.memory_space<vmem>>, vector<16xf32>,
      tpu.vector_store %arg22[%swap3A_538, %swap3A_539], %sub3A_537 {strides = array<i32>} : memref<128x128xf32, #tpu.memory_space<vmem>>, vector<16xf32>,
      %sub3A_541 = arith.constant 2.400000e+01 : f32
      %sub3A_542 = vector.broadcast %sub3A_541 : f32 to vector<16xf32>
      %sub3A_543 = arith.subf %sub3A_542, %scan3A_503#6 : vector<16xf32>
      %swap3A_544 = arith.index_cast %add3A_475 : i32 to index
      %swap3A_545 = arith.constant 96 : index
      %swap3A_546 = tpu.vector_load %arg22[%swap3A_544, %swap3A_545] {strides = array<i32>} : memref<128x128xf32, #tpu.memory_space<vmem>>, vector<16xf32>,
      tpu.vector_store %arg22[%swap3A_544, %swap3A_545], %sub3A_543 {strides = array<i32>} : memref<128x128xf32, #tpu.memory_space<vmem>>, vector<16xf32>,
      %sub3A_547 = arith.constant 2.400000e+01 : f32
      %sub3A_548 = vector.broadcast %sub3A_547 : f32 to vector<16xf32>
      %sub3A_549 = arith.subf %sub3A_548, %scan3A_503#7 : vector<16xf32>
      %swap3A_550 = arith.index_cast %add3A_475 : i32 to index
      %swap3A_551 = arith.constant 112 : index
      %swap3A_552 = tpu.vector_load %arg22[%swap3A_550, %swap3A_551] {strides = array<i32>} : memref<128x128xf32, #tpu.memory_space<vmem>>, vector<16xf32>,
      tpu.vector_store %arg22[%swap3A_550, %swap3A_551], %sub3A_549 {strides = array<i32>} : memref<128x128xf32, #tpu.memory_space<vmem>>, vector<16xf32>,
      %add3A_553 = arith.constant 4 : i32
      %add3A_554 = arith.addi %add3A_475, %add3A_553 : i32
      %lt3A_555 = arith.constant 128 : i32
      %lt3A_556 = arith.cmpi slt, %add3A_554, %lt3A_555 : i32
      %convert_element_type3A_557 = arith.extui %lt3A_556 : i1 to i32
      %cond3A_558 = arith.constant 0 : i32
      %cond3A_559 = arith.cmpi ne, %convert_element_type3A_557, %cond3A_558 : i32
      scf.if %cond3A_559 {
        %add3A_561 = arith.constant 4 : i32
        %add3A_562 = arith.addi %add3A_475, %add3A_561 : i32
        %dma_start3A_563 = arith.constant 0 : i32
        %dma_start3A_564 = tpu.memref_slice %arg13[%add3A_562, %dma_start3A_563] : memref<128x128xi32, #tpu.memory_space<vmem>> -> memref<1x128xi32, #tpu.memory_space<vmem>>
        %dma_start3A_565 = tpu.memref_squeeze %dma_start3A_564 : memref<1x128xi32, #tpu.memory_space<vmem>> -> memref<128xi32, #tpu.memory_space<vmem>>
        %dma_start3A_566 = arith.constant 0 : i32
        %dma_start3A_567 = arith.constant 0 : i32
        %dma_start3A_568 = tpu.memref_slice %arg2[%dma_start3A_566, %dma_start3A_567] : memref<1000000x64xf32, #tpu.memory_space<hbm>> -> memref<1000000x64xf32, #tpu.memory_space<hbm>>
        tpu.enqueue_indirect_dma source(%dma_start3A_568 : memref<1000000x64xf32, #tpu.memory_space<hbm>>) target(%arg20 : memref<128x64xf32, #tpu.memory_space<vmem>>) offsets(%dma_start3A_565 : memref<128xi32, #tpu.memory_space<vmem>>) semaphore(%arg29 : memref<!tpu.dma_semaphore, #tpu.memory_space<semaphore_mem>>)
      } else {
      }
      %scan3A_560 = arith.constant 0 : i32
      scf.yield %scan3A_560 : i32
    }
    %scan3A_208 = arith.constant 32 : i32
    "tpu.region"() ({
      %run_scoped3A = tpu.sem_alloc : memref<!tpu.dma_semaphore, #tpu.memory_space<semaphore_mem>>
      %dma_start3A_209 = tpu.memref_slice %arg8[%mul3A_2] : memref<4096xf32, #tpu.memory_space<hbm>> -> memref<128xf32, #tpu.memory_space<hbm>>
      %dma_start3A_210 = tpu.memref_slice %arg8[%mul3A_2] : memref<4096xf32, #tpu.memory_space<hbm>> -> memref<128xf32, #tpu.memory_space<hbm>>
      tpu.enqueue_dma source(%arg21 : memref<128xf32, #tpu.memory_space<vmem>>) target(%dma_start3A_210 : memref<128xf32, #tpu.memory_space<hbm>>) target_semaphore(%run_scoped3A : memref<!tpu.dma_semaphore, #tpu.memory_space<semaphore_mem>>)
      %dma_wait3A_211 = tpu.memref_slice %arg8[%mul3A_2] : memref<4096xf32, #tpu.memory_space<hbm>> -> memref<128xf32, #tpu.memory_space<hbm>>
      %dma_wait3A_212 = tpu.memref_slice %arg8[%mul3A_2] : memref<4096xf32, #tpu.memory_space<hbm>> -> memref<128xf32, #tpu.memory_space<hbm>>
      tpu.wait_dma2 semaphore(%run_scoped3A : memref<!tpu.dma_semaphore, #tpu.memory_space<semaphore_mem>>) src(%arg21 : memref<128xf32, #tpu.memory_space<vmem>>) dst(%dma_wait3A_212 : memref<128xf32, #tpu.memory_space<hbm>>)
      tpu.yield
    }) : () -> ()
    "tpu.region"() ({
      %run_scoped3A = tpu.sem_alloc : memref<!tpu.dma_semaphore, #tpu.memory_space<semaphore_mem>>
      %dma_start3A_209 = arith.constant 0 : i32
      %dma_start3A_210 = tpu.memref_slice %arg9[%mul3A_2, %dma_start3A_209] : memref<4096x128xf32, #tpu.memory_space<hbm>> -> memref<128x128xf32, #tpu.memory_space<hbm>>
      %dma_start3A_211 = arith.constant 0 : i32
      %dma_start3A_212 = tpu.memref_slice %arg9[%mul3A_2, %dma_start3A_211] : memref<4096x128xf32, #tpu.memory_space<hbm>> -> memref<128x128xf32, #tpu.memory_space<hbm>>
      tpu.enqueue_dma source(%arg22 : memref<128x128xf32, #tpu.memory_space<vmem>>) target(%dma_start3A_212 : memref<128x128xf32, #tpu.memory_space<hbm>>) target_semaphore(%run_scoped3A : memref<!tpu.dma_semaphore, #tpu.memory_space<semaphore_mem>>)
      %dma_wait3A_213 = arith.constant 0 : i32
      %dma_wait3A_214 = tpu.memref_slice %arg9[%mul3A_2, %dma_wait3A_213] : memref<4096x128xf32, #tpu.memory_space<hbm>> -> memref<128x128xf32, #tpu.memory_space<hbm>>
      %dma_wait3A_215 = arith.constant 0 : i32
      %dma_wait3A_216 = tpu.memref_slice %arg9[%mul3A_2, %dma_wait3A_215] : memref<4096x128xf32, #tpu.memory_space<hbm>> -> memref<128x128xf32, #tpu.memory_space<hbm>>
      tpu.wait_dma2 semaphore(%run_scoped3A : memref<!tpu.dma_semaphore, #tpu.memory_space<semaphore_mem>>) src(%arg22 : memref<128x128xf32, #tpu.memory_space<vmem>>) dst(%dma_wait3A_216 : memref<128x128xf32, #tpu.memory_space<hbm>>)
      tpu.yield
    }) : () -> ()
    return
  }
}

</mosaic_0001>

<sc_bundles>
// kernel: kernel.4.cloned.1.call-start
scs
__scs_entry_jumppad:
0x0: {  	(pc) =	sbr.rel $0x88, $3  }
0x1: {  	(tag) =	ssettag $0x0;
	lr =	simm.s32 $0x1  }
0x2: {  	[smem:$0x3F9B] =	sst lr;
	_ =	strace $0xD0000000  }
0x3: {  	_ = 	snop  }
0x4: {  	_ = 	snop  }
0x5: {  	_ = 	snop  }
0x6: {  	_ = 	snop  }
0x7: {  	_ = 	snop  }
__scs_overlays_trampoline_lowered:
0x8: {  	[smem:$0x3FAA] =	sst s0  }
0x9: {  	[smem:$0x3FAB] =	sst s1  }
0xa: {  	[smem:$0x3FAC] =	sst s2  }
0xb: {  	[smem:$0x3FAD] =	sst s3  }
0xc: {  	[smem:$0x3FAE] =	sst s4  }
0xd: {  	[smem:$0x3FAF] =	sst s5  }
0xe: {  	[smem:$0x3FB0] =	sst s6  }
0xf: {  	[smem:$0x3FB1] =	sst s7  }
0x10: {  	[smem:$0x3FB2] =	sst s8  }
0x11: {  	[smem:$0x3FB3] =	sst s9;
	s0 =	simm.s32 @!p0 $0x0  }
0x12: {  	s1 =	sld [smem:$0x3F99];
	s0 =	simm.s32 @p0 $0x1  }
0x13: {  	[smem:$0x3FB4] =	sst s0;
	s0 =	simm.s32 @!p1 $0x0  }
0x14: {  	s2 =	sld [smem:$0x3F98];
	s0 =	simm.s32 @p1 $0x1  }
0x15: {  	[smem:$0x3FB5] =	sst s0;
	s0 =	simm.s32 @!p2 $0x0  }
0x16: {  	s3 =	sld [smem:$0x3FDB];
	s0 =	simm.s32 @p2 $0x1  }
0x17: {  	s4 =	simm.s32 $0x1BF5;
	[smem:$0x3FB7] =	sst s0  }
0x18: {  	s0 =	sld [smem:$0x3F9A];
	_ =	swait.ge [sflag:s4], $0x0  }
0x19: {  	s7 =	sld [smem:$0x3F9B]  }
0x1a: {  	s8 =	sadd.s32 $0xFFFFE003, lr  }
0x1b: {  	s9 =	sadd.s32 $0xFFFFFEF7, lr;
	s5 =	simm.s32 $0xFFFFFFFF;
	p2 =	slt.u32 s8, $0xFFFFF086  }
0x1c: {  	p1 =	slt.u32 s9, $0xF7A;
	s5 =	simm.s32 @!p2 $0x0  }
0x1d: {  	s5 =	simm.s32 @p1 $0x1;
	p0 =	seq.s32 s7, s2  }
0x1e: {  	s7 =	smul.u32 @!p0 $0xF7A, s2;
	p2 =	seq.s32 @!p0 s5, $0x0  }
0x1f: {  	s9 =	smul.u32 $0xF7A, s1;
	s8 =	simm.s32 @!p0 $0x1BF5;
	p2 =	por !p2, p0  }
0x20: {  	[sflag:s8] =	ssyncset.s32 @!p0 $0xFFFFF086;
	s6 =	sadd.s32 @!p0 s3, s7;
	s7 =	simm.s32 @!p0 $0x108  }
0x21: {  	s3 =	sadd.s32 s3, s9;
	s6 =	sadd.s32 @!p0 $0x88, s6;
	s7 =	simm.s32 @p2 $0x1082  }
0x22: {  	[simem:s7], [sflag:s8] =	dma.local @!p0 [hbm:s6], $0xF7A  }
0x23: {  	s9 =	sor.u32 $0xD0000000, s2;
	s6 =	simm.s32 $0x108;
	_ =	swait.ge @!p0 [sflag:s8], $0x0  }
0x24: {  	s3 =	sadd.s32 $0x88, s3;
	s6 =	simm.s32 @!p1 $0x1082;
	[sflag:s4] =	ssyncset.s32 $0xFFFFF086  }
0x25: {  	[simem:s6], [sflag:s4] =	dma.local [hbm:s3], $0xF7A  }
0x26: {  	[smem:$0x3F9B] =	sst s1;
	(tag) =	ssettag s2;
	_ =	strace s9  }
0x27: {  	s1 =	sld [smem:$0x3FAB]  }
0x28: {  	s2 =	sld [smem:$0x3FAC]  }
0x29: {  	s4 =	sld [smem:$0x3FAE]  }
0x2a: {  	p0 =	seq.s32 s5, $0x0;
	s5 =	sld [smem:$0x3FAF]  }
0x2b: {  	s6 =	sld [smem:$0x3FB0]  }
0x2c: {  	s7 =	sld [smem:$0x3FB1]  }
0x2d: {  	s3 =	simm.s32 $0x108;
	s8 =	sld [smem:$0x3FB2]  }
0x2e: {  	s3 =	simm.s32 @!p0 $0x1082;
	s9 =	sld [smem:$0x3FB3]  }
0x2f: {  	lr =	sadd.s32 s0, s3;
	s0 =	sld [smem:$0x3FAA]  }
0x30: {  	s3 =	sld [smem:$0x3FAD]  }
0x31: {  	[smem:$0x3FB6] =	sst s10  }
0x32: {  	s10 =	sld [smem:$0x3FB4];
	_ =	sdelay $0x3  }
0x33: {  	p0 =	seq.s32 s10, $0x1;
	s10 =	sld [smem:$0x3FB6];
	_ =	sdelay $0x3  }
0x34: {  	[smem:$0x3FB6] =	sst s10  }
0x35: {  	s10 =	sld [smem:$0x3FB5];
	_ =	sdelay $0x3  }
0x36: {  	p1 =	seq.s32 s10, $0x1;
	s10 =	sld [smem:$0x3FB6];
	_ =	sdelay $0x3  }
0x37: {  	[smem:$0x3FB6] =	sst s10  }
0x38: {  	s10 =	sld [smem:$0x3FB7]  }
0x39: {  	_ = 	snop;
	(pc) =	sbr.ind lr, $3  }
0x3a: {  	_ = 	snop  }
0x3b: {  	_ = 	snop  }
0x3c: {  	p2 =	seq.s32 s10, $0x1;
	s10 =	sld [smem:$0x3FB6]  }
0x3d: {  	_ =	shalt  }
0x3e: {  	_ =	shalt  }
0x3f: {  	_ =	shalt  }
0x40: {  	_ =	shalt  }
0x41: {  	_ =	shalt  }
0x42: {  	_ =	shalt  }
0x43: {  	_ =	shalt  }
0x44: {  	_ =	shalt  }
0x45: {  	_ =	shalt  }
0x46: {  	_ =	shalt  }
0x47: {  	_ =	shalt  }
0x48: {  	_ =	shalt  }
0x49: {  	_ =	shalt  }
0x4a: {  	_ =	shalt  }
0x4b: {  	_ =	shalt  }
0x4c: {  	_ =	shalt  }
0x4d: {  	_ =	shalt  }
0x4e: {  	_ =	shalt  }
0x4f: {  	_ =	shalt  }
0x50: {  	_ =	shalt  }
0x51: {  	_ =	shalt  }
0x52: {  	_ =	shalt  }
0x53: {  	_ =	shalt  }
0x54: {  	_ =	shalt  }
0x55: {  	_ =	shalt  }
0x56: {  	_ =	shalt  }
0x57: {  	_ =	shalt  }
0x58: {  	_ =	shalt  }
0x59: {  	_ =	shalt  }
0x5a: {  	_ =	shalt  }
0x5b: {  	_ =	shalt  }
0x5c: {  	_ =	shalt  }
0x5d: {  	_ =	shalt  }
0x5e: {  	_ =	shalt  }
0x5f: {  	_ =	shalt  }
0x60: {  	_ =	shalt  }
0x61: {  	_ =	shalt  }
0x62: {  	_ =	shalt  }
0x63: {  	_ =	shalt  }
0x64: {  	_ =	shalt  }
0x65: {  	_ =	shalt  }
0x66: {  	_ =	shalt  }
0x67: {  	_ =	shalt  }
0x68: {  	_ =	shalt  }
0x69: {  	_ =	shalt  }
0x6a: {  	_ =	shalt  }
0x6b: {  	_ =	shalt  }
0x6c: {  	_ =	shalt  }
0x6d: {  	_ =	shalt  }
0x6e: {  	_ =	shalt  }
0x6f: {  	_ =	shalt  }
0x70: {  	_ =	shalt  }
0x71: {  	_ =	shalt  }
0x72: {  	_ =	shalt  }
0x73: {  	_ =	shalt  }
0x74: {  	_ =	shalt  }
0x75: {  	_ =	shalt  }
0x76: {  	_ =	shalt  }
0x77: {  	_ =	shalt  }
0x78: {  	_ =	shalt  }
0x79: {  	_ =	shalt  }
0x7a: {  	_ =	shalt  }
0x7b: {  	_ =	shalt  }
0x7c: {  	_ =	shalt  }
0x7d: {  	_ =	shalt  }
0x7e: {  	_ =	shalt  }
0x7f: {  	_ =	shalt  }
0x80: {  	_ =	shalt  }
0x81: {  	_ =	shalt  }
0x82: {  	_ =	shalt  }
0x83: {  	_ =	shalt  }
0x84: {  	_ =	shalt  }
0x85: {  	_ =	shalt  }
0x86: {  	_ =	shalt  }
0x87: {  	_ =	shalt  }
.Lfunc_end0:
.L_simem_size_0:
called_computation_lowered:
.L_overlay_start_0:
0x88: {  	s2 =	sld [smem:$0x3FD9]  }
0x89: {  	s3 =	sld [smem:$0x3FFE];
	_ =	sdelay $0x1  }
0x8a: {  	s1 =	srdreg.scid  }
0x8b: {  	s0 =	sand.u32 $0x1, s1  }
0x8c: {  	s14 =	sshll.u32 s0, $0xA;
	s2 =	sadd.s32 s3, s2  }
0x8d: {  	s2 =	sadd.s32 s2, s14  }
0x8e: {  	[smem:$0x3FC2] =	sst s2  }
0x8f: {  	_ = 	snop  }
0x90: {  	s2 =	sld [smem:$0x3FD0];
	_ =	sdelay $0x2  }
0x91: {  	s4 =	simm.s32 $0xA;
	s5 =	simm.s32 $0x10;
	s15 =	sld [smem:$0x3FC9]  }
0x92: {  	[smem:s5], [sflag:s4] =	dma.local [hbm:s2], $0x1  }
0x93: {  	_ =	swait.eq [sflag:s4], $0x1  }
0x94: {  	[sflag:s4] =	ssyncset.done $0x0  }
0x95: {  	[sflag:s4] =	ssyncadd.s32 $0xFFFFFFFF  }
0x96: {  	s16 =	sld [smem:$0x10];
	(tm) =	ssettm $0x1  }
0x97: {  	s17 =	sld [smem:$0x3FFB];
	_ =	sdelay $0x3  }
0x98: {  	_ =	strace s17  }
0x99: {  	s4 =	sld [smem:$0x3FFC];
	_ =	sdelay $0x3  }
0x9a: {  	_ =	strace s4  }
0x9b: {  	s4 =	sld [smem:$0x3FFD];
	_ =	sdelay $0x3  }
0x9c: {  	_ =	strace s4  }
0x9d: {  	_ =	strace $0x8FFFFFFF  }
0x9e: {  	s18 =	sld [smem:$0x3FDB];
	_ =	sdelay $0x1  }
0x9f: {  	s19 =	simm.s32 $_scs_section_size  }
0xa0: {  	s6 =	simm.s32 $_size__tile_overlayer_lowered;
	s7 =	simm.s32 $_tile_overlayer_lowered  }
0xa1: {  	s22 =	simm.s32 $0x1BFF;
	s21 =	sshll.u32 s7, $0x1;
	s4 =	sadd.s32 s19, s18  }
0xa2: {  	s8 =	simm.s32 $0x0;
	s20 =	sshll.u32 s6, $0x1;
	s6 =	sadd.s32 s21, s4  }
0xa3: {  	[timem:s8], [sflag:s22] =	dma.local [hbm:s6], s20  }
0xa4: {  	_ =	swait.ge [sflag:s22], s20  }
0xa5: {  	s5 =	ssub.s32 $0x0, s20;
	[sflag:s22] =	ssyncset.done $0x0  }
0xa6: {  	[sflag:s22] =	ssyncadd.s32 s5;
	_ =	sdelay $0x1  }
0xa7: {  	s23 =	simm.s32 $0x1B8B  }
0xa8: {  	_ =	swait.ge [sflag:s23], $0x1  }
0xa9: {  	[sflag:s23] =	ssyncset.done $0x0  }
0xaa: {  	s25 =	simm.s32 $0x1B8E;
	s24 =	sld [smem:$0x3FFE];
	[sflag:s23] =	ssyncadd.s32 $0xFFFFFFFF  }
0xab: {  	s26 =	simm.s32 $execute0_lowered;
	[smem:$0x3FD2] =	sst s25  }
0xac: {  	s6 =	sshll.u32 s26, $0x1;
	_ =	strace $0x80000046;
	[dreg:$0x1] =	wrdreg $0xFFFFFFFF  }
0xad: {  	s28 =	simm.s32 $_size_execute0_lowered;
	s4 =	sadd.s32 s4, s6;
	[dreg:$0x0] =	wrdreg $0x0  }
0xae: {  	s6 =	sshll.u32 s28, $0x1;
	[dreg:$0x2] =	wrdreg s4  }
0xaf: {  	[dreg:$0x3] =	wrdreg s6  }
0xb0: {  	[dreg:$0x4] =	wrdreg $0xC0  }
0xb1: {  	_ =	task [dreg:s8], $0x5FFFF  }
0xb2: {  	[dreg:$0x1] =	wrdreg $0xFFFFFFFF  }
0xb3: {  	[dreg:$0x0] =	wrdreg $0x60  }
0xb4: {  	[dreg:$0x2] =	wrdreg s15  }
0xb5: {  	[dreg:$0x3] =	wrdreg s16  }
0xb6: {  	[dreg:$0x4] =	wrdreg s24  }
0xb7: {  	[dreg:$0x5] =	wrdreg $0x9  }
0xb8: {  	_ =	task.clear_ibuf [dreg:s8], $0x6FFFF;
	_ =	strace $0x90000046  }
0xb9: {  	s29 =	simm.s32 $0x9;
	_ =	strace $0x80000048  }
0xba: {  	_ =	swait.ge [sflag:s29], $0x1  }
0xbb: {  	[sflag:s29] =	ssyncadd.s32 $0xFFFFFFFF  }
0xbc: {  	_ =	strace $0x90000048  }
0xbd: {  	_ =	sfence  }
0xbe: {  	s30 =	sld [smem:$0x0];
	_ =	sdelay $0x2  }
0xbf: {  	s31 =	sshll.u32 s1, $0xD;
	s1 =	sshrl.u32 s1, $0x2  }
0xc0: {  	s3 =	sand.u32 $0x4000, s31;
	s1 =	sadd.s32 s1, s30  }
0xc1: {  	s0 =	sor.u32 s3, s0;
	s1 =	sshll.u32 s1, $0x11  }
0xc2: {  	s0 =	sor.u32 s1, s0  }
0xc3: {  	s0 =	sadd.s32 $0x8F2B, s0  }
0xc4: {  	[sflag:s0] =	ssyncadd.remote.s32 $0x1  }
0xc5: {  	_ =	sfence.sel $0xFFFF  }
0xc6: {  	[dreg:$0x0] =	wrdreg $0xFFFFFFFF;
	(pc) =	sbr.abs _section_cstart, $3  }
0xc7: {  	[dreg:$0x1] =	wrdreg $0xFFFFFFFF  }
0xc8: {  	_ =	task.clear_ibuf [dreg:s8], $0x2FFFF;
	_ =	strace $0x9FFFFFFF  }
0xc9: {  	(tm) =	ssettm $0x7FFFFFFF  }
tec
execute0_lowered:
.L_overlay_start_1:
0x0: {  	(tag) =	ssettag $0x1  }
0x1: {  	s1 =	rddreg [dreg:$0x0]  }
0x2: {  	s0 =	rddreg [dreg:$0x2]  }
0x3: {  	s2 =	srdreg.scid;
	s3 =	stileid.u32;
	s4 =	simm.s32 $0x0  }
0x4: {  	s16 =	simm.s32 $0x800;
	s18 =	simm.s32 $0x7A1400;
	s19 =	simm.s32 $0x4000  }
0x5: {  	v0 =	vlaneseq.u32;
	s20 =	simm.s32 $0x8000;
	s21 =	simm.s32 $0x1;
	s22 =	simm.s32 $0xC000  }
0x6: {  	s23 =	simm.s32 $0x2;
	s28 =	simm.s32 $0x4;
	s29 =	simm.s32 $0x5;
	v1 =	vmul.u32 $0x40, v0  }
0x7: {  	s30 =	simm.s32 $0x6;
	s31 =	simm.s32 $0x0;
	s2 =	sand.u32 $0x1, s2;
	v2 =	vor.u32 $0x10, v0;
	v4 =	vor.u32 $0x20, v0;
	v6 =	vor.u32 $0x30, v0  }
0x8: {  	s3 =	sshll.u32 s3, $0x1;
	[smem:$0x7FF] =	sst s4;
	s6 =	sadd.s32 $0xE00, s0;
	v8 =	vor.u32 $0x40, v0;
	v10 =	vor.u32 $0x50, v0;
	v12 =	vor.u32 $0x60, v0  }
0x9: {  	s0 =	sadd.s32 $0x7A1E00, s0;
	v14 =	vor.u32 $0x70, v0;
	v16 =	vor.u32 $0x400, v0;
	v18 =	vor.u32 $0x410, v0;
	s5 =	ssub.s32 $0x2, s2;
	s3 =	sor.u32 s2, s3  }
0xa: {  	v20 =	vor.u32 $0x420, v0;
	v22 =	vor.u32 $0x430, v0;
	v24 =	vor.u32 $0x440, v0;
	_ =	strace $0x80000047;
	[dreg:$0x6] =	wrdreg s0;
	s24 =	sshrl.u32 s5, $0x1  }
0xb: {  	v26 =	vor.u32 $0x450, v0;
	v28 =	vor.u32 $0x460, v0;
	v30 =	vor.u32 $0x470, v0;
	s7 =	sshll.u32 s3, $0x8;
	s10 =	sor.u32 $0x60, s3;
	s11 =	sor.u32 $0x20, s3  }
.Ltmp0:
0xc: {  	v3 =	vor.u32 $0x400, v1;
	v5 =	vor.u32 $0x800, v1;
	v7 =	vor.u32 $0xC00, v1;
	s12 =	sor.u32 $0x80, s3;
	s13 =	sor.u32 $0xA0, s3;
	(pc) =	sbr.rel .LBB2_1-.Ltmp0, $4  }
0xd: {  	v9 =	vor.u32 $0x1000, v1;
	v11 =	vor.u32 $0x1400, v1;
	v13 =	vor.u32 $0x1800, v1;
	s14 =	sor.u32 $0x40, s3;
	p0 =	sne.s32 s3, $0x0;
	s7 =	sadd.s32 s1, s7  }
0xe: {  	v15 =	vor.u32 $0x1C00, v1;
	v17 =	vor.u32 $0x2000, v1;
	v19 =	vor.u32 $0x2400, v1;
	s2 =	ssub.s32 s5, s24;
	s24 =	simm.s32 $0x10000;
	s25 =	sadd.s32 $0x2000, s7  }
0xf: {  	v21 =	vor.u32 $0x2800, v1;
	v23 =	vor.u32 $0x2C00, v1;
	v25 =	vor.u32 $0x3000, v1;
	s26 =	sadd.s32 $0x4000, s7;
	s17 =	smax.u32 s2, $0x1;
	[dreg:$0x4] =	wrdreg s25  }
0x10: {  	v27 =	vor.u32 $0x3400, v1;
	v29 =	vor.u32 $0x3800, v1;
	v31 =	vor.u32 $0x3C00, v1;
	[dreg:$0x5] =	wrdreg s26;
	s25 =	simm.s32 $0x3;
	s26 =	simm.s32 $0x14000  }
.LBB2_10:
0x11: {  	_ =	swait.ge [sflag:s28], $0x4000  }
0x12: {  	[sflag:s28] =	ssyncset.done $0x0  }
0x13: {  	[sflag:s28] =	ssyncadd.s32 $0xFFFFC000  }
0x14: {  	_ =	swait.ge [sflag:s29], $0x4000  }
0x15: {  	[sflag:s29] =	ssyncset.done $0x0  }
0x16: {  	[sflag:s29] =	ssyncadd.s32 $0xFFFFC000  }
0x17: {  	_ =	swait.ge [sflag:s30], $0x4000  }
0x18: {  	[sflag:s30] =	ssyncset.done $0x0  }
0x19: {  	[sflag:s30] =	ssyncadd.s32 $0xFFFFC000  }
0x1a: {  	s0 =	simm.s32 @!p0 $0x0;
	s2 =	simm.s32 @!p0 $0x18000;
	s5 =	rddreg [dreg:$0x1]  }
0x1b: {  	[tilespmem:s2], [sflag:$0x7] =	stream.linear.gather @!p0 [hbm4b:s5+s0], $0x1000, $0x38;
	[tilespmem:$0x19000] =	vst v63  }
0x1c: {  	s5 =	simm.s32 @!p0 $0x7  }
0x1d: {  	s31 =	sadd.s32 $0x1, s31;
	_ =	swait.ge @!p0 [sflag:s5], $0x1000  }
0x1e: {  	p1 =	sne.s32 s31, s17;
	[sflag:s5] =	ssyncset.done @!p0 $0x0  }
.Ltmp1:
0x1f: {  	s8 =	rddreg [dreg:$0x6];
	[sflag:s5] =	ssyncadd.s32 @!p0 $0xFFFFF000;
	(pc) =	sbr.rel @!p1 .LBB2_11-.Ltmp1, $4  }
0x20: {  	[hbm4b:s8+s0] =	stream.linear.scatter @!p0 [tilespmem:s2], [sflag:$0x7], $0x1000, $0x38;
	[tilespmem:$0x19000] =	vst v63  }
0x21: {  	_ =	swait.ge @!p0 [sflag:s5], $0x1000  }
0x22: {  	[sflag:s5] =	ssyncset.done @!p0 $0x0  }
0x23: {  	[sflag:s5] =	ssyncadd.s32 @!p0 $0xFFFFF000  }
.LBB2_1:
0x24: {  	[tilespmem:s4], [sflag:$0x1] =	stream.strided.gather [hbm4b:s7+s16], $0x4000, s18, s16, $0x38;
	[tilespmem:$0x19000] =	vst v63  }
0x25: {  	s0 =	rddreg [dreg:$0x4]  }
0x26: {  	[tilespmem:s19], [sflag:$0x2] =	stream.strided.gather [hbm4b:s0+s16], $0x4000, s18, s16, $0x38;
	[tilespmem:$0x19000] =	vst v63  }
0x27: {  	s15 =	rddreg [dreg:$0x5];
	s0 =	simm.s32 $0x0  }
0x28: {  	[tilespmem:s20], [sflag:$0x3] =	stream.strided.gather [hbm4b:s15+s16], $0x4000, s18, s16, $0x38;
	[tilespmem:$0x19000] =	vst v63  }
.LBB2_2:
0x29: {  	s2 =	simm.s32 $0x0  }
0x2a: {  	v32 =	vadd.s32 s2, v0  }
0x2b: {  	v33 =	vshll.u32 v32, $0x8;
	v34 =	vshll.u32 v32, $0x7  }
0x2c: {  	v33 =	vand.u32 $0x3800, v33;
	v34 =	vand.u32 $0x380, v34  }
0x2d: {  	_ =	swait.ge [sflag:s21], $0x4000;
	v33 =	vor.u32 v34, v33  }
0x2e: {  	p1 =	seq.s32 s0, $0x0;
	[sflag:s21] =	ssyncset.done $0x0;
	v34 =	vor.u32 v0, v33  }
0x2f: {  	s2 =	simm.s32 @!p1 $0x4;
	[sflag:s21] =	ssyncadd.s32 $0xFFFFC000  }
0x30: {  	_ =	swait.ge @!p1 [sflag:s2], $0x4000  }
0x31: {  	[sflag:s2] =	ssyncset.done @!p1 $0x0  }
0x32: {  	v32 =	vand.u32 $0x3F, v32;
	[sflag:s2] =	ssyncadd.s32 @!p1 $0xFFFFC000  }
0x33: {  	v35 =	vor.u32 v1, v32;
	v34 =	vld.idx.msk [tilespmem:v34+s4+$0x0], $0xffff  }
0x34: {  	v36 =	vor.u32 v2, v33;
	_ =	sdelay $0x3  }
0x35: {  	[tilespmem:v35+s22+$0x0] =	vst.idx.msk $0xffff, v34  }
0x36: {  	v54 =	vor.u32 v3, v32;
	v34 =	vld.idx.msk [tilespmem:v36+s4+$0x0], $0xffff  }
0x37: {  	v55 =	vor.u32 v4, v33;
	_ =	sdelay $0x3  }
0x38: {  	[tilespmem:v54+s22+$0x0] =	vst.idx.msk $0xffff, v34  }
0x39: {  	v56 =	vor.u32 v5, v32;
	v34 =	vld.idx.msk [tilespmem:v55+s4+$0x0], $0xffff  }
0x3a: {  	v57 =	vor.u32 v6, v33;
	_ =	sdelay $0x3  }
0x3b: {  	[tilespmem:v56+s22+$0x0] =	vst.idx.msk $0xffff, v34  }
0x3c: {  	v58 =	vor.u32 v7, v32;
	v34 =	vld.idx.msk [tilespmem:v57+s4+$0x0], $0xffff  }
0x3d: {  	v59 =	vor.u32 v8, v33;
	_ =	sdelay $0x3  }
0x3e: {  	[tilespmem:v58+s22+$0x0] =	vst.idx.msk $0xffff, v34  }
0x3f: {  	v60 =	vor.u32 v9, v32;
	v34 =	vld.idx.msk [tilespmem:v59+s4+$0x0], $0xffff  }
0x40: {  	v61 =	vor.u32 v10, v33;
	_ =	sdelay $0x3  }
0x41: {  	[tilespmem:v60+s22+$0x0] =	vst.idx.msk $0xffff, v34  }
0x42: {  	v62 =	vor.u32 v11, v32;
	v34 =	vld.idx.msk [tilespmem:v61+s4+$0x0], $0xffff  }
0x43: {  	v63 =	vor.u32 v12, v33;
	_ =	sdelay $0x3  }
0x44: {  	[tilespmem:v62+s22+$0x0] =	vst.idx.msk $0xffff, v34  }
0x45: {  	v40 =	vor.u32 v13, v32;
	v34 =	vld.idx.msk [tilespmem:v63+s4+$0x0], $0xffff  }
0x46: {  	v41 =	vor.u32 v14, v33;
	_ =	sdelay $0x3  }
0x47: {  	[tilespmem:v40+s22+$0x0] =	vst.idx.msk $0xffff, v34  }
0x48: {  	v42 =	vor.u32 v15, v32;
	v34 =	vld.idx.msk [tilespmem:v41+s4+$0x0], $0xffff  }
0x49: {  	v43 =	vor.u32 v16, v33;
	_ =	sdelay $0x3  }
0x4a: {  	[tilespmem:v42+s22+$0x0] =	vst.idx.msk $0xffff, v34  }
0x4b: {  	v44 =	vor.u32 v17, v32;
	v34 =	vld.idx.msk [tilespmem:v43+s4+$0x0], $0xffff  }
0x4c: {  	v45 =	vor.u32 v18, v33;
	_ =	sdelay $0x3  }
0x4d: {  	[tilespmem:v44+s22+$0x0] =	vst.idx.msk $0xffff, v34  }
0x4e: {  	v46 =	vor.u32 v19, v32;
	v34 =	vld.idx.msk [tilespmem:v45+s4+$0x0], $0xffff  }
0x4f: {  	v47 =	vor.u32 v20, v33;
	_ =	sdelay $0x3  }
0x50: {  	[tilespmem:v46+s22+$0x0] =	vst.idx.msk $0xffff, v34  }
0x51: {  	v48 =	vor.u32 v21, v32;
	v34 =	vld.idx.msk [tilespmem:v47+s4+$0x0], $0xffff  }
0x52: {  	v49 =	vor.u32 v22, v33;
	_ =	sdelay $0x3  }
0x53: {  	[tilespmem:v48+s22+$0x0] =	vst.idx.msk $0xffff, v34  }
0x54: {  	v50 =	vor.u32 v23, v32;
	v34 =	vld.idx.msk [tilespmem:v49+s4+$0x0], $0xffff  }
0x55: {  	v51 =	vor.u32 v24, v33;
	_ =	sdelay $0x3  }
0x56: {  	[tilespmem:v50+s22+$0x0] =	vst.idx.msk $0xffff, v34  }
0x57: {  	v52 =	vor.u32 v25, v32;
	v34 =	vld.idx.msk [tilespmem:v51+s4+$0x0], $0xffff  }
0x58: {  	v53 =	vor.u32 v26, v33;
	_ =	sdelay $0x3  }
0x59: {  	[tilespmem:v52+s22+$0x0] =	vst.idx.msk $0xffff, v34  }
0x5a: {  	v54 =	vor.u32 v27, v32;
	v34 =	vld.idx.msk [tilespmem:v53+s4+$0x0], $0xffff  }
0x5b: {  	v55 =	vor.u32 v28, v33;
	_ =	sdelay $0x3  }
0x5c: {  	[tilespmem:v54+s22+$0x0] =	vst.idx.msk $0xffff, v34  }
0x5d: {  	v56 =	vor.u32 v29, v32;
	v34 =	vld.idx.msk [tilespmem:v55+s4+$0x0], $0xffff  }
0x5e: {  	v33 =	vor.u32 v30, v33  }
0x5f: {  	s15 =	simm.s32 $0x1  }
0x60: {  	v57 =	vadd.s32 s15, v0  }
0x61: {  	v37 =	vshll.u32 v57, $0x8;
	v38 =	vshll.u32 v57, $0x7  }
0x62: {  	v58 =	vand.u32 $0x3800, v37;
	v59 =	vand.u32 $0x380, v38;
	[tilespmem:v56+s22+$0x0] =	vst.idx.msk $0xffff, v34  }
0x63: {  	v32 =	vor.u32 v31, v32;
	v34 =	vor.u32 v59, v58;
	v33 =	vld.idx.msk [tilespmem:v33+s4+$0x0], $0xffff  }
0x64: {  	v35 =	vor.u32 v0, v34;
	_ =	sdelay $0x3  }
0x65: {  	[tilespmem:v32+s22+$0x0] =	vst.idx.msk $0xffff, v33;
	v32 =	vand.u32 $0x3F, v57  }
0x66: {  	v33 =	vld.idx.msk [tilespmem:v35+s4+$0x0], $0xffff;
	v60 =	vor.u32 v1, v32  }
0x67: {  	v61 =	vor.u32 v2, v34;
	_ =	sdelay $0x3  }
0x68: {  	[tilespmem:v60+s22+$0x0] =	vst.idx.msk $0xffff, v33  }
0x69: {  	v62 =	vor.u32 v3, v32;
	v33 =	vld.idx.msk [tilespmem:v61+s4+$0x0], $0xffff  }
0x6a: {  	v63 =	vor.u32 v4, v34;
	_ =	sdelay $0x3  }
0x6b: {  	[tilespmem:v62+s22+$0x0] =	vst.idx.msk $0xffff, v33  }
0x6c: {  	v40 =	vor.u32 v5, v32;
	v33 =	vld.idx.msk [tilespmem:v63+s4+$0x0], $0xffff  }
0x6d: {  	v41 =	vor.u32 v6, v34;
	_ =	sdelay $0x3  }
0x6e: {  	[tilespmem:v40+s22+$0x0] =	vst.idx.msk $0xffff, v33  }
0x6f: {  	v42 =	vor.u32 v7, v32;
	v33 =	vld.idx.msk [tilespmem:v41+s4+$0x0], $0xffff  }
0x70: {  	v43 =	vor.u32 v8, v34;
	_ =	sdelay $0x3  }
0x71: {  	[tilespmem:v42+s22+$0x0] =	vst.idx.msk $0xffff, v33  }
0x72: {  	v44 =	vor.u32 v9, v32;
	v33 =	vld.idx.msk [tilespmem:v43+s4+$0x0], $0xffff  }
0x73: {  	v45 =	vor.u32 v10, v34;
	_ =	sdelay $0x3  }
0x74: {  	[tilespmem:v44+s22+$0x0] =	vst.idx.msk $0xffff, v33  }
0x75: {  	v46 =	vor.u32 v11, v32;
	v33 =	vld.idx.msk [tilespmem:v45+s4+$0x0], $0xffff  }
0x76: {  	v47 =	vor.u32 v12, v34;
	_ =	sdelay $0x3  }
0x77: {  	[tilespmem:v46+s22+$0x0] =	vst.idx.msk $0xffff, v33  }
0x78: {  	v48 =	vor.u32 v13, v32;
	v33 =	vld.idx.msk [tilespmem:v47+s4+$0x0], $0xffff  }
0x79: {  	v49 =	vor.u32 v14, v34;
	_ =	sdelay $0x3  }
0x7a: {  	[tilespmem:v48+s22+$0x0] =	vst.idx.msk $0xffff, v33  }
0x7b: {  	v50 =	vor.u32 v15, v32;
	v33 =	vld.idx.msk [tilespmem:v49+s4+$0x0], $0xffff  }
0x7c: {  	v51 =	vor.u32 v16, v34;
	_ =	sdelay $0x3  }
0x7d: {  	[tilespmem:v50+s22+$0x0] =	vst.idx.msk $0xffff, v33  }
0x7e: {  	v52 =	vor.u32 v17, v32;
	v33 =	vld.idx.msk [tilespmem:v51+s4+$0x0], $0xffff  }
0x7f: {  	v53 =	vor.u32 v18, v34;
	_ =	sdelay $0x3  }
0x80: {  	[tilespmem:v52+s22+$0x0] =	vst.idx.msk $0xffff, v33  }
0x81: {  	v54 =	vor.u32 v19, v32;
	v33 =	vld.idx.msk [tilespmem:v53+s4+$0x0], $0xffff  }
0x82: {  	v55 =	vor.u32 v20, v34;
	_ =	sdelay $0x3  }
0x83: {  	[tilespmem:v54+s22+$0x0] =	vst.idx.msk $0xffff, v33  }
0x84: {  	v56 =	vor.u32 v21, v32;
	v33 =	vld.idx.msk [tilespmem:v55+s4+$0x0], $0xffff  }
0x85: {  	v57 =	vor.u32 v22, v34;
	_ =	sdelay $0x3  }
0x86: {  	[tilespmem:v56+s22+$0x0] =	vst.idx.msk $0xffff, v33  }
0x87: {  	v58 =	vor.u32 v23, v32;
	v33 =	vld.idx.msk [tilespmem:v57+s4+$0x0], $0xffff  }
0x88: {  	v59 =	vor.u32 v24, v34;
	_ =	sdelay $0x3  }
0x89: {  	[tilespmem:v58+s22+$0x0] =	vst.idx.msk $0xffff, v33  }
0x8a: {  	v60 =	vor.u32 v25, v32;
	v33 =	vld.idx.msk [tilespmem:v59+s4+$0x0], $0xffff  }
0x8b: {  	v61 =	vor.u32 v26, v34;
	_ =	sdelay $0x3  }
0x8c: {  	[tilespmem:v60+s22+$0x0] =	vst.idx.msk $0xffff, v33  }
0x8d: {  	v62 =	vor.u32 v27, v32;
	v33 =	vld.idx.msk [tilespmem:v61+s4+$0x0], $0xffff  }
0x8e: {  	v63 =	vor.u32 v28, v34;
	_ =	sdelay $0x3  }
0x8f: {  	[tilespmem:v62+s22+$0x0] =	vst.idx.msk $0xffff, v33  }
0x90: {  	v36 =	vor.u32 v29, v32;
	v35 =	vld.idx.msk [tilespmem:v63+s4+$0x0], $0xffff  }
0x91: {  	v33 =	vor.u32 v30, v34  }
0x92: {  	s2 =	smul.u32 $0x60, s0  }
0x93: {  	s8 =	simm.s32 $0x2  }
0x94: {  	s9 =	simm.s32 $0x4;
	s5 =	sor.u32 s3, s2;
	v34 =	vadd.s32 s8, v0  }
.LBB2_3:
0x95: {  	p2 =	slt.u32 s9, $0x3E;
	v37 =	vshll.u32 v34, $0x8;
	v38 =	vshll.u32 v34, $0x7;
	[tilespmem:v36+s22+$0x0] =	vst.idx.msk $0xffff, v35  }
0x96: {  	v35 =	vand.u32 $0x3800, v37;
	v36 =	vand.u32 $0x380, v38;
	v37 =	vld.idx.msk [tilespmem:v33+s4+$0x0], $0xffff  }
0x97: {  	v32 =	vor.u32 v31, v32;
	v33 =	vor.u32 v36, v35  }
0x98: {  	v35 =	vor.u32 v0, v33;
	_ =	sdelay $0x3  }
0x99: {  	[tilespmem:v32+s22+$0x0] =	vst.idx.msk $0xffff, v37  }
0x9a: {  	v32 =	vand.u32 $0x3F, v34;
	v34 =	vld.idx.msk [tilespmem:v35+s4+$0x0], $0xffff  }
0x9b: {  	v35 =	vor.u32 v1, v32  }
0x9c: {  	v36 =	vor.u32 v2, v33;
	_ =	sdelay $0x3  }
0x9d: {  	[tilespmem:v35+s22+$0x0] =	vst.idx.msk $0xffff, v34  }
0x9e: {  	v34 =	vld.idx.msk [tilespmem:v36+s4+$0x0], $0xffff  }
0x9f: {  	v35 =	vor.u32 v3, v32  }
0xa0: {  	v36 =	vor.u32 v4, v33;
	_ =	sdelay $0x3  }
0xa1: {  	[tilespmem:v35+s22+$0x0] =	vst.idx.msk $0xffff, v34  }
0xa2: {  	v34 =	vld.idx.msk [tilespmem:v36+s4+$0x0], $0xffff  }
0xa3: {  	v35 =	vor.u32 v5, v32  }
0xa4: {  	v36 =	vor.u32 v6, v33;
	_ =	sdelay $0x3  }
0xa5: {  	[tilespmem:v35+s22+$0x0] =	vst.idx.msk $0xffff, v34  }
0xa6: {  	v34 =	vld.idx.msk [tilespmem:v36+s4+$0x0], $0xffff  }
0xa7: {  	v35 =	vor.u32 v7, v32  }
0xa8: {  	v36 =	vor.u32 v8, v33;
	_ =	sdelay $0x3  }
0xa9: {  	[tilespmem:v35+s22+$0x0] =	vst.idx.msk $0xffff, v34  }
0xaa: {  	v34 =	vld.idx.msk [tilespmem:v36+s4+$0x0], $0xffff  }
0xab: {  	v35 =	vor.u32 v9, v32  }
0xac: {  	v36 =	vor.u32 v10, v33;
	_ =	sdelay $0x3  }
0xad: {  	[tilespmem:v35+s22+$0x0] =	vst.idx.msk $0xffff, v34  }
0xae: {  	v34 =	vld.idx.msk [tilespmem:v36+s4+$0x0], $0xffff  }
0xaf: {  	v35 =	vor.u32 v11, v32  }
0xb0: {  	v36 =	vor.u32 v12, v33;
	_ =	sdelay $0x3  }
0xb1: {  	[tilespmem:v35+s22+$0x0] =	vst.idx.msk $0xffff, v34  }
0xb2: {  	v34 =	vld.idx.msk [tilespmem:v36+s4+$0x0], $0xffff  }
0xb3: {  	v35 =	vor.u32 v13, v32  }
0xb4: {  	v36 =	vor.u32 v14, v33;
	_ =	sdelay $0x3  }
0xb5: {  	[tilespmem:v35+s22+$0x0] =	vst.idx.msk $0xffff, v34  }
0xb6: {  	v34 =	vld.idx.msk [tilespmem:v36+s4+$0x0], $0xffff  }
0xb7: {  	v35 =	vor.u32 v15, v32  }
0xb8: {  	v36 =	vor.u32 v16, v33;
	_ =	sdelay $0x3  }
0xb9: {  	[tilespmem:v35+s22+$0x0] =	vst.idx.msk $0xffff, v34  }
0xba: {  	v34 =	vld.idx.msk [tilespmem:v36+s4+$0x0], $0xffff  }
0xbb: {  	v35 =	vor.u32 v17, v32  }
0xbc: {  	v36 =	vor.u32 v18, v33;
	_ =	sdelay $0x3  }
0xbd: {  	[tilespmem:v35+s22+$0x0] =	vst.idx.msk $0xffff, v34  }
0xbe: {  	v34 =	vld.idx.msk [tilespmem:v36+s4+$0x0], $0xffff  }
0xbf: {  	v35 =	vor.u32 v19, v32  }
0xc0: {  	v36 =	vor.u32 v20, v33;
	_ =	sdelay $0x3  }
0xc1: {  	[tilespmem:v35+s22+$0x0] =	vst.idx.msk $0xffff, v34  }
0xc2: {  	v34 =	vld.idx.msk [tilespmem:v36+s4+$0x0], $0xffff  }
0xc3: {  	v35 =	vor.u32 v21, v32  }
0xc4: {  	v36 =	vor.u32 v22, v33;
	_ =	sdelay $0x3  }
0xc5: {  	[tilespmem:v35+s22+$0x0] =	vst.idx.msk $0xffff, v34  }
0xc6: {  	v34 =	vld.idx.msk [tilespmem:v36+s4+$0x0], $0xffff  }
0xc7: {  	v35 =	vor.u32 v23, v32  }
0xc8: {  	v36 =	vor.u32 v24, v33;
	_ =	sdelay $0x3  }
0xc9: {  	[tilespmem:v35+s22+$0x0] =	vst.idx.msk $0xffff, v34  }
0xca: {  	v34 =	vld.idx.msk [tilespmem:v36+s4+$0x0], $0xffff  }
0xcb: {  	v35 =	vor.u32 v25, v32  }
0xcc: {  	v36 =	vor.u32 v26, v33;
	_ =	sdelay $0x3  }
0xcd: {  	[tilespmem:v35+s22+$0x0] =	vst.idx.msk $0xffff, v34  }
0xce: {  	v34 =	vld.idx.msk [tilespmem:v36+s4+$0x0], $0xffff  }
0xcf: {  	v35 =	vor.u32 v27, v32  }
0xd0: {  	v36 =	vor.u32 v28, v33;
	_ =	sdelay $0x3  }
0xd1: {  	[tilespmem:v35+s22+$0x0] =	vst.idx.msk $0xffff, v34  }
0xd2: {  	v34 =	vld.idx.msk [tilespmem:v36+s4+$0x0], $0xffff  }
0xd3: {  	v35 =	vor.u32 v29, v32  }
0xd4: {  	v33 =	vor.u32 v30, v33;
	_ =	sdelay $0x1  }
0xd5: {  	s15 =	sadd.s32 $0x1, s8;
	s8 =	smov.u32 s9  }
0xd6: {  	v36 =	vadd.s32 s15, v0  }
0xd7: {  	[tilespmem:v35+s22+$0x0] =	vst.idx.msk $0xffff, v34;
	v34 =	vshll.u32 v36, $0x8;
	v35 =	vshll.u32 v36, $0x7  }
0xd8: {  	v37 =	vld.idx.msk [tilespmem:v33+s4+$0x0], $0xffff;
	v33 =	vand.u32 $0x3800, v34;
	v34 =	vand.u32 $0x380, v35  }
0xd9: {  	v32 =	vor.u32 v31, v32;
	v33 =	vor.u32 v34, v33  }
0xda: {  	v34 =	vor.u32 v0, v33;
	_ =	sdelay $0x3  }
0xdb: {  	[tilespmem:v32+s22+$0x0] =	vst.idx.msk $0xffff, v37  }
0xdc: {  	v32 =	vand.u32 $0x3F, v36;
	v34 =	vld.idx.msk [tilespmem:v34+s4+$0x0], $0xffff  }
0xdd: {  	v35 =	vor.u32 v1, v32  }
0xde: {  	v36 =	vor.u32 v2, v33;
	_ =	sdelay $0x3  }
0xdf: {  	[tilespmem:v35+s22+$0x0] =	vst.idx.msk $0xffff, v34  }
0xe0: {  	v34 =	vld.idx.msk [tilespmem:v36+s4+$0x0], $0xffff  }
0xe1: {  	v35 =	vor.u32 v3, v32  }
0xe2: {  	v36 =	vor.u32 v4, v33;
	_ =	sdelay $0x3  }
0xe3: {  	[tilespmem:v35+s22+$0x0] =	vst.idx.msk $0xffff, v34  }
0xe4: {  	v34 =	vld.idx.msk [tilespmem:v36+s4+$0x0], $0xffff  }
0xe5: {  	v35 =	vor.u32 v5, v32  }
0xe6: {  	v36 =	vor.u32 v6, v33;
	_ =	sdelay $0x3  }
0xe7: {  	[tilespmem:v35+s22+$0x0] =	vst.idx.msk $0xffff, v34  }
0xe8: {  	v34 =	vld.idx.msk [tilespmem:v36+s4+$0x0], $0xffff  }
0xe9: {  	v35 =	vor.u32 v7, v32  }
0xea: {  	v36 =	vor.u32 v8, v33;
	_ =	sdelay $0x3  }
0xeb: {  	[tilespmem:v35+s22+$0x0] =	vst.idx.msk $0xffff, v34  }
0xec: {  	v34 =	vld.idx.msk [tilespmem:v36+s4+$0x0], $0xffff  }
0xed: {  	v35 =	vor.u32 v9, v32  }
0xee: {  	v36 =	vor.u32 v10, v33;
	_ =	sdelay $0x3  }
0xef: {  	[tilespmem:v35+s22+$0x0] =	vst.idx.msk $0xffff, v34  }
0xf0: {  	v34 =	vld.idx.msk [tilespmem:v36+s4+$0x0], $0xffff  }
0xf1: {  	v35 =	vor.u32 v11, v32  }
0xf2: {  	v36 =	vor.u32 v12, v33;
	_ =	sdelay $0x3  }
0xf3: {  	[tilespmem:v35+s22+$0x0] =	vst.idx.msk $0xffff, v34  }
0xf4: {  	v34 =	vld.idx.msk [tilespmem:v36+s4+$0x0], $0xffff  }
0xf5: {  	v35 =	vor.u32 v13, v32  }
0xf6: {  	v36 =	vor.u32 v14, v33;
	_ =	sdelay $0x3  }
0xf7: {  	[tilespmem:v35+s22+$0x0] =	vst.idx.msk $0xffff, v34  }
0xf8: {  	v34 =	vld.idx.msk [tilespmem:v36+s4+$0x0], $0xffff  }
0xf9: {  	v35 =	vor.u32 v15, v32  }
0xfa: {  	v36 =	vor.u32 v16, v33;
	_ =	sdelay $0x3  }
0xfb: {  	[tilespmem:v35+s22+$0x0] =	vst.idx.msk $0xffff, v34  }
0xfc: {  	v34 =	vld.idx.msk [tilespmem:v36+s4+$0x0], $0xffff  }
0xfd: {  	v35 =	vor.u32 v17, v32  }
0xfe: {  	v36 =	vor.u32 v18, v33;
	_ =	sdelay $0x3  }
0xff: {  	[tilespmem:v35+s22+$0x0] =	vst.idx.msk $0xffff, v34  }
0x100: {  	v34 =	vld.idx.msk [tilespmem:v36+s4+$0x0], $0xffff  }
0x101: {  	v35 =	vor.u32 v19, v32  }
0x102: {  	v36 =	vor.u32 v20, v33;
	_ =	sdelay $0x3  }
0x103: {  	[tilespmem:v35+s22+$0x0] =	vst.idx.msk $0xffff, v34  }
0x104: {  	v34 =	vld.idx.msk [tilespmem:v36+s4+$0x0], $0xffff  }
0x105: {  	v35 =	vor.u32 v21, v32  }
0x106: {  	v36 =	vor.u32 v22, v33;
	_ =	sdelay $0x3  }
0x107: {  	[tilespmem:v35+s22+$0x0] =	vst.idx.msk $0xffff, v34  }
0x108: {  	v34 =	vld.idx.msk [tilespmem:v36+s4+$0x0], $0xffff  }
0x109: {  	v35 =	vor.u32 v23, v32  }
0x10a: {  	v36 =	vor.u32 v24, v33;
	_ =	sdelay $0x3  }
0x10b: {  	[tilespmem:v35+s22+$0x0] =	vst.idx.msk $0xffff, v34  }
0x10c: {  	v34 =	vld.idx.msk [tilespmem:v36+s4+$0x0], $0xffff  }
0x10d: {  	v35 =	vor.u32 v25, v32  }
0x10e: {  	v36 =	vor.u32 v26, v33;
	_ =	sdelay $0x3  }
0x10f: {  	[tilespmem:v35+s22+$0x0] =	vst.idx.msk $0xffff, v34  }
0x110: {  	v34 =	vld.idx.msk [tilespmem:v36+s4+$0x0], $0xffff  }
0x111: {  	v35 =	vor.u32 v27, v32  }
0x112: {  	v36 =	vor.u32 v28, v33;
	_ =	sdelay $0x3  }
0x113: {  	[tilespmem:v35+s22+$0x0] =	vst.idx.msk $0xffff, v34  }
0x114: {  	v35 =	vld.idx.msk [tilespmem:v36+s4+$0x0], $0xffff  }
.Ltmp2:
0x115: {  	v36 =	vor.u32 v29, v32;
	(pc) =	sbr.rel @p2 .LBB2_3-.Ltmp2, $2  }
0x116: {  	v33 =	vor.u32 v30, v33;
	_ =	sdelay $0x2  }
0x117: {  	s9 =	sadd.s32 $0x2, s9;
	v34 =	vadd.s32 s8, v0  }
0x118: {  	_ =	sdelay $0x2  }
0x119: {  	v37 =	vshll.u32 v34, $0x8;
	v38 =	vshll.u32 v34, $0x7  }
0x11a: {  	[tilespmem:v36+s22+$0x0] =	vst.idx.msk $0xffff, v35;
	v55 =	vand.u32 $0x3800, v37;
	v56 =	vand.u32 $0x380, v38  }
0x11b: {  	v32 =	vor.u32 v31, v32;
	v33 =	vld.idx.msk [tilespmem:v33+s4+$0x0], $0xffff;
	v35 =	vor.u32 v56, v55  }
0x11c: {  	v36 =	vor.u32 v0, v35;
	_ =	sdelay $0x3  }
0x11d: {  	[tilespmem:v32+s22+$0x0] =	vst.idx.msk $0xffff, v33;
	v32 =	vand.u32 $0x3F, v34  }
0x11e: {  	v34 =	vor.u32 v1, v32;
	v33 =	vld.idx.msk [tilespmem:v36+s4+$0x0], $0xffff  }
0x11f: {  	v57 =	vor.u32 v2, v35;
	_ =	sdelay $0x3  }
0x120: {  	[tilespmem:v34+s22+$0x0] =	vst.idx.msk $0xffff, v33  }
0x121: {  	v58 =	vor.u32 v3, v32;
	v33 =	vld.idx.msk [tilespmem:v57+s4+$0x0], $0xffff  }
0x122: {  	v59 =	vor.u32 v4, v35;
	_ =	sdelay $0x3  }
0x123: {  	[tilespmem:v58+s22+$0x0] =	vst.idx.msk $0xffff, v33  }
0x124: {  	v60 =	vor.u32 v5, v32;
	v33 =	vld.idx.msk [tilespmem:v59+s4+$0x0], $0xffff  }
0x125: {  	v61 =	vor.u32 v6, v35;
	_ =	sdelay $0x3  }
0x126: {  	[tilespmem:v60+s22+$0x0] =	vst.idx.msk $0xffff, v33  }
0x127: {  	v62 =	vor.u32 v7, v32;
	v33 =	vld.idx.msk [tilespmem:v61+s4+$0x0], $0xffff  }
0x128: {  	v63 =	vor.u32 v8, v35;
	_ =	sdelay $0x3  }
0x129: {  	[tilespmem:v62+s22+$0x0] =	vst.idx.msk $0xffff, v33  }
0x12a: {  	v40 =	vor.u32 v9, v32;
	v33 =	vld.idx.msk [tilespmem:v63+s4+$0x0], $0xffff  }
0x12b: {  	v41 =	vor.u32 v10, v35;
	_ =	sdelay $0x3  }
0x12c: {  	[tilespmem:v40+s22+$0x0] =	vst.idx.msk $0xffff, v33  }
0x12d: {  	v42 =	vor.u32 v11, v32;
	v33 =	vld.idx.msk [tilespmem:v41+s4+$0x0], $0xffff  }
0x12e: {  	v43 =	vor.u32 v12, v35;
	_ =	sdelay $0x3  }
0x12f: {  	[tilespmem:v42+s22+$0x0] =	vst.idx.msk $0xffff, v33  }
0x130: {  	v44 =	vor.u32 v13, v32;
	v33 =	vld.idx.msk [tilespmem:v43+s4+$0x0], $0xffff  }
0x131: {  	v45 =	vor.u32 v14, v35;
	_ =	sdelay $0x3  }
0x132: {  	[tilespmem:v44+s22+$0x0] =	vst.idx.msk $0xffff, v33  }
0x133: {  	v46 =	vor.u32 v15, v32;
	v33 =	vld.idx.msk [tilespmem:v45+s4+$0x0], $0xffff  }
0x134: {  	v47 =	vor.u32 v16, v35;
	_ =	sdelay $0x3  }
0x135: {  	[tilespmem:v46+s22+$0x0] =	vst.idx.msk $0xffff, v33  }
0x136: {  	v48 =	vor.u32 v17, v32;
	v33 =	vld.idx.msk [tilespmem:v47+s4+$0x0], $0xffff  }
0x137: {  	v49 =	vor.u32 v18, v35;
	_ =	sdelay $0x3  }
0x138: {  	[tilespmem:v48+s22+$0x0] =	vst.idx.msk $0xffff, v33  }
0x139: {  	v50 =	vor.u32 v19, v32;
	v33 =	vld.idx.msk [tilespmem:v49+s4+$0x0], $0xffff  }
0x13a: {  	v51 =	vor.u32 v20, v35;
	_ =	sdelay $0x3  }
0x13b: {  	[tilespmem:v50+s22+$0x0] =	vst.idx.msk $0xffff, v33  }
0x13c: {  	v52 =	vor.u32 v21, v32;
	v33 =	vld.idx.msk [tilespmem:v51+s4+$0x0], $0xffff  }
0x13d: {  	v53 =	vor.u32 v22, v35;
	_ =	sdelay $0x3  }
0x13e: {  	[tilespmem:v52+s22+$0x0] =	vst.idx.msk $0xffff, v33  }
0x13f: {  	v54 =	vor.u32 v23, v32;
	v33 =	vld.idx.msk [tilespmem:v53+s4+$0x0], $0xffff  }
0x140: {  	v55 =	vor.u32 v24, v35;
	_ =	sdelay $0x3  }
0x141: {  	[tilespmem:v54+s22+$0x0] =	vst.idx.msk $0xffff, v33  }
0x142: {  	v56 =	vor.u32 v25, v32;
	v33 =	vld.idx.msk [tilespmem:v55+s4+$0x0], $0xffff  }
0x143: {  	v57 =	vor.u32 v26, v35;
	_ =	sdelay $0x3  }
0x144: {  	[tilespmem:v56+s22+$0x0] =	vst.idx.msk $0xffff, v33  }
0x145: {  	v58 =	vor.u32 v27, v32;
	v33 =	vld.idx.msk [tilespmem:v57+s4+$0x0], $0xffff  }
0x146: {  	v59 =	vor.u32 v28, v35;
	_ =	sdelay $0x3  }
0x147: {  	[tilespmem:v58+s22+$0x0] =	vst.idx.msk $0xffff, v33  }
0x148: {  	v60 =	vor.u32 v29, v32;
	v33 =	vld.idx.msk [tilespmem:v59+s4+$0x0], $0xffff  }
0x149: {  	v35 =	vor.u32 v30, v35  }
0x14a: {  	s8 =	sadd.s32 $0x1, s8  }
0x14b: {  	v61 =	vadd.s32 s8, v0  }
0x14c: {  	v62 =	vshll.u32 v61, $0x8;
	v63 =	vshll.u32 v61, $0x7  }
0x14d: {  	v40 =	vand.u32 $0x3800, v62;
	v41 =	vand.u32 $0x380, v63;
	[tilespmem:v60+s22+$0x0] =	vst.idx.msk $0xffff, v33  }
0x14e: {  	v32 =	vor.u32 v31, v32;
	v33 =	vor.u32 v41, v40;
	v35 =	vld.idx.msk [tilespmem:v35+s4+$0x0], $0xffff  }
0x14f: {  	v34 =	vor.u32 v0, v33;
	_ =	sdelay $0x3  }
0x150: {  	[tilespmem:v32+s22+$0x0] =	vst.idx.msk $0xffff, v35;
	v32 =	vand.u32 $0x3F, v61  }
0x151: {  	v34 =	vld.idx.msk [tilespmem:v34+s4+$0x0], $0xffff;
	v42 =	vor.u32 v1, v32  }
0x152: {  	v43 =	vor.u32 v2, v33;
	_ =	sdelay $0x3  }
0x153: {  	[tilespmem:v42+s22+$0x0] =	vst.idx.msk $0xffff, v34  }
0x154: {  	v44 =	vor.u32 v3, v32;
	v34 =	vld.idx.msk [tilespmem:v43+s4+$0x0], $0xffff  }
0x155: {  	v45 =	vor.u32 v4, v33;
	_ =	sdelay $0x3  }
0x156: {  	[tilespmem:v44+s22+$0x0] =	vst.idx.msk $0xffff, v34  }
0x157: {  	v46 =	vor.u32 v5, v32;
	v34 =	vld.idx.msk [tilespmem:v45+s4+$0x0], $0xffff  }
0x158: {  	v47 =	vor.u32 v6, v33;
	_ =	sdelay $0x3  }
0x159: {  	[tilespmem:v46+s22+$0x0] =	vst.idx.msk $0xffff, v34  }
0x15a: {  	v48 =	vor.u32 v7, v32;
	v34 =	vld.idx.msk [tilespmem:v47+s4+$0x0], $0xffff  }
0x15b: {  	v49 =	vor.u32 v8, v33;
	_ =	sdelay $0x3  }
0x15c: {  	[tilespmem:v48+s22+$0x0] =	vst.idx.msk $0xffff, v34  }
0x15d: {  	v50 =	vor.u32 v9, v32;
	v34 =	vld.idx.msk [tilespmem:v49+s4+$0x0], $0xffff  }
0x15e: {  	v51 =	vor.u32 v10, v33;
	_ =	sdelay $0x3  }
0x15f: {  	[tilespmem:v50+s22+$0x0] =	vst.idx.msk $0xffff, v34  }
0x160: {  	v52 =	vor.u32 v11, v32;
	v34 =	vld.idx.msk [tilespmem:v51+s4+$0x0], $0xffff  }
0x161: {  	v53 =	vor.u32 v12, v33;
	_ =	sdelay $0x3  }
0x162: {  	[tilespmem:v52+s22+$0x0] =	vst.idx.msk $0xffff, v34  }
0x163: {  	v54 =	vor.u32 v13, v32;
	v34 =	vld.idx.msk [tilespmem:v53+s4+$0x0], $0xffff  }
0x164: {  	v55 =	vor.u32 v14, v33;
	_ =	sdelay $0x3  }
0x165: {  	[tilespmem:v54+s22+$0x0] =	vst.idx.msk $0xffff, v34  }
0x166: {  	v56 =	vor.u32 v15, v32;
	v34 =	vld.idx.msk [tilespmem:v55+s4+$0x0], $0xffff  }
0x167: {  	v57 =	vor.u32 v16, v33;
	_ =	sdelay $0x3  }
0x168: {  	[tilespmem:v56+s22+$0x0] =	vst.idx.msk $0xffff, v34  }
0x169: {  	v58 =	vor.u32 v17, v32;
	v34 =	vld.idx.msk [tilespmem:v57+s4+$0x0], $0xffff  }
0x16a: {  	v59 =	vor.u32 v18, v33;
	_ =	sdelay $0x3  }
0x16b: {  	[tilespmem:v58+s22+$0x0] =	vst.idx.msk $0xffff, v34  }
0x16c: {  	v60 =	vor.u32 v19, v32;
	v34 =	vld.idx.msk [tilespmem:v59+s4+$0x0], $0xffff  }
0x16d: {  	v61 =	vor.u32 v20, v33;
	_ =	sdelay $0x3  }
0x16e: {  	[tilespmem:v60+s22+$0x0] =	vst.idx.msk $0xffff, v34  }
0x16f: {  	v62 =	vor.u32 v21, v32;
	v34 =	vld.idx.msk [tilespmem:v61+s4+$0x0], $0xffff  }
0x170: {  	v63 =	vor.u32 v22, v33;
	_ =	sdelay $0x3  }
0x171: {  	[tilespmem:v62+s22+$0x0] =	vst.idx.msk $0xffff, v34  }
0x172: {  	v40 =	vor.u32 v23, v32;
	v34 =	vld.idx.msk [tilespmem:v63+s4+$0x0], $0xffff  }
0x173: {  	v41 =	vor.u32 v24, v33;
	_ =	sdelay $0x3  }
0x174: {  	[tilespmem:v40+s22+$0x0] =	vst.idx.msk $0xffff, v34  }
0x175: {  	v42 =	vor.u32 v25, v32;
	v34 =	vld.idx.msk [tilespmem:v41+s4+$0x0], $0xffff  }
0x176: {  	v43 =	vor.u32 v26, v33;
	_ =	sdelay $0x3  }
0x177: {  	[tilespmem:v42+s22+$0x0] =	vst.idx.msk $0xffff, v34  }
0x178: {  	v44 =	vor.u32 v27, v32;
	v34 =	vld.idx.msk [tilespmem:v43+s4+$0x0], $0xffff  }
0x179: {  	v45 =	vor.u32 v28, v33;
	_ =	sdelay $0x3  }
0x17a: {  	[tilespmem:v44+s22+$0x0] =	vst.idx.msk $0xffff, v34  }
0x17b: {  	v46 =	vor.u32 v29, v32;
	v34 =	vld.idx.msk [tilespmem:v45+s4+$0x0], $0xffff  }
0x17c: {  	v33 =	vor.u32 v30, v33;
	_ =	sdelay $0x3  }
0x17d: {  	[tilespmem:v46+s22+$0x0] =	vst.idx.msk $0xffff, v34  }
0x17e: {  	v32 =	vor.u32 v31, v32;
	v33 =	vld.idx.msk [tilespmem:v33+s4+$0x0], $0xffff;
	_ =	sdelay $0x2  }
0x17f: {  	s5 =	sshll.u32 s5, $0xB  }
0x180: {  	s5 =	sand.u32 $0x1FFFF800, s5  }
0x181: {  	p2 =	seq.s32 s0, $0x28;
	s5 =	sadd.s32 s6, s5;
	[tilespmem:v32+s22+$0x0] =	vst.idx.msk $0xffff, v33  }
0x182: {  	[hbm4b:s5+s4] =	stream.linear.scatter [tilespmem:s22], [sflag:$0x4], $0x4000, $0x38;
	[tilespmem:$0x19000] =	vst v63  }
0x183: {  	s5 =	sadd.s32 @!p2 s10, s2  }
0x184: {  	p3 =	slt.u32 @!p2 s5, $0xF42  }
0x185: {  	p3 =	por !p3, p2  }
0x186: {  	s5 =	smov.u32 @p3 s3  }
0x187: {  	s9 =	simm.s32 $0x0;
	s5 =	sshll.u32 @!p2 s5, $0x8  }
0x188: {  	s15 =	simm.s32 @!p2 $0x0;
	v47 =	vadd.s32 s9, v0;
	s5 =	sand.u32 @!p2 $0x1FFFFF00, s5  }
0x189: {  	s8 =	simm.s32 @!p2 $0x800;
	s9 =	simm.s32 @!p2 $0x7A1400;
	v48 =	vshll.u32 v47, $0x8;
	v49 =	vshll.u32 v47, $0x7;
	s5 =	sadd.s32 @!p2 s1, s5  }
0x18a: {  	v34 =	vand.u32 $0x380, v49;
	v33 =	vand.u32 $0x3800, v48;
	[tilespmem:s15], [sflag:$0x1] =	stream.strided.gather @!p2 [hbm4b:s5+s8], $0x4000, s9, s8, $0x38;
	[tilespmem:$0x19000] =	vst v63  }
0x18b: {  	v33 =	vor.u32 v34, v33;
	_ =	swait.ge [sflag:s23], $0x4000  }
0x18c: {  	v34 =	vor.u32 v0, v33;
	[sflag:s23] =	ssyncset.done $0x0  }
0x18d: {  	s5 =	simm.s32 @!p1 $0x5;
	[sflag:s23] =	ssyncadd.s32 $0xFFFFC000  }
0x18e: {  	_ =	swait.ge @!p1 [sflag:s5], $0x4000  }
0x18f: {  	[sflag:s5] =	ssyncset.done @!p1 $0x0  }
0x190: {  	v32 =	vand.u32 $0x3F, v47;
	[sflag:s5] =	ssyncadd.s32 @!p1 $0xFFFFC000  }
0x191: {  	v50 =	vor.u32 v1, v32;
	v34 =	vld.idx.msk [tilespmem:v34+s19+$0x0], $0xffff  }
0x192: {  	v51 =	vor.u32 v2, v33;
	_ =	sdelay $0x3  }
0x193: {  	[tilespmem:v50+s24+$0x0] =	vst.idx.msk $0xffff, v34  }
0x194: {  	v52 =	vor.u32 v3, v32;
	v34 =	vld.idx.msk [tilespmem:v51+s19+$0x0], $0xffff  }
0x195: {  	v53 =	vor.u32 v4, v33;
	_ =	sdelay $0x3  }
0x196: {  	[tilespmem:v52+s24+$0x0] =	vst.idx.msk $0xffff, v34  }
0x197: {  	v54 =	vor.u32 v5, v32;
	v34 =	vld.idx.msk [tilespmem:v53+s19+$0x0], $0xffff  }
0x198: {  	v55 =	vor.u32 v6, v33;
	_ =	sdelay $0x3  }
0x199: {  	[tilespmem:v54+s24+$0x0] =	vst.idx.msk $0xffff, v34  }
0x19a: {  	v56 =	vor.u32 v7, v32;
	v34 =	vld.idx.msk [tilespmem:v55+s19+$0x0], $0xffff  }
0x19b: {  	v57 =	vor.u32 v8, v33;
	_ =	sdelay $0x3  }
0x19c: {  	[tilespmem:v56+s24+$0x0] =	vst.idx.msk $0xffff, v34  }
0x19d: {  	v58 =	vor.u32 v9, v32;
	v34 =	vld.idx.msk [tilespmem:v57+s19+$0x0], $0xffff  }
0x19e: {  	v59 =	vor.u32 v10, v33;
	_ =	sdelay $0x3  }
0x19f: {  	[tilespmem:v58+s24+$0x0] =	vst.idx.msk $0xffff, v34  }
0x1a0: {  	v60 =	vor.u32 v11, v32;
	v34 =	vld.idx.msk [tilespmem:v59+s19+$0x0], $0xffff  }
0x1a1: {  	v61 =	vor.u32 v12, v33;
	_ =	sdelay $0x3  }
0x1a2: {  	[tilespmem:v60+s24+$0x0] =	vst.idx.msk $0xffff, v34  }
0x1a3: {  	v62 =	vor.u32 v13, v32;
	v34 =	vld.idx.msk [tilespmem:v61+s19+$0x0], $0xffff  }
0x1a4: {  	v63 =	vor.u32 v14, v33;
	_ =	sdelay $0x3  }
0x1a5: {  	[tilespmem:v62+s24+$0x0] =	vst.idx.msk $0xffff, v34  }
0x1a6: {  	v40 =	vor.u32 v15, v32;
	v34 =	vld.idx.msk [tilespmem:v63+s19+$0x0], $0xffff  }
0x1a7: {  	v41 =	vor.u32 v16, v33;
	_ =	sdelay $0x3  }
0x1a8: {  	[tilespmem:v40+s24+$0x0] =	vst.idx.msk $0xffff, v34  }
0x1a9: {  	v42 =	vor.u32 v17, v32;
	v34 =	vld.idx.msk [tilespmem:v41+s19+$0x0], $0xffff  }
0x1aa: {  	v43 =	vor.u32 v18, v33;
	_ =	sdelay $0x3  }
0x1ab: {  	[tilespmem:v42+s24+$0x0] =	vst.idx.msk $0xffff, v34  }
0x1ac: {  	v44 =	vor.u32 v19, v32;
	v34 =	vld.idx.msk [tilespmem:v43+s19+$0x0], $0xffff  }
0x1ad: {  	v45 =	vor.u32 v20, v33;
	_ =	sdelay $0x3  }
0x1ae: {  	[tilespmem:v44+s24+$0x0] =	vst.idx.msk $0xffff, v34  }
0x1af: {  	v46 =	vor.u32 v21, v32;
	v34 =	vld.idx.msk [tilespmem:v45+s19+$0x0], $0xffff  }
0x1b0: {  	v47 =	vor.u32 v22, v33;
	_ =	sdelay $0x3  }
0x1b1: {  	[tilespmem:v46+s24+$0x0] =	vst.idx.msk $0xffff, v34  }
0x1b2: {  	v48 =	vor.u32 v23, v32;
	v34 =	vld.idx.msk [tilespmem:v47+s19+$0x0], $0xffff  }
0x1b3: {  	v49 =	vor.u32 v24, v33;
	_ =	sdelay $0x3  }
0x1b4: {  	[tilespmem:v48+s24+$0x0] =	vst.idx.msk $0xffff, v34  }
0x1b5: {  	v50 =	vor.u32 v25, v32;
	v34 =	vld.idx.msk [tilespmem:v49+s19+$0x0], $0xffff  }
0x1b6: {  	v51 =	vor.u32 v26, v33;
	_ =	sdelay $0x3  }
0x1b7: {  	[tilespmem:v50+s24+$0x0] =	vst.idx.msk $0xffff, v34  }
0x1b8: {  	v52 =	vor.u32 v27, v32;
	v34 =	vld.idx.msk [tilespmem:v51+s19+$0x0], $0xffff  }
0x1b9: {  	v53 =	vor.u32 v28, v33;
	_ =	sdelay $0x3  }
0x1ba: {  	[tilespmem:v52+s24+$0x0] =	vst.idx.msk $0xffff, v34  }
0x1bb: {  	v54 =	vor.u32 v29, v32;
	v34 =	vld.idx.msk [tilespmem:v53+s19+$0x0], $0xffff  }
0x1bc: {  	v33 =	vor.u32 v30, v33  }
0x1bd: {  	s15 =	simm.s32 $0x1  }
0x1be: {  	v55 =	vadd.s32 s15, v0  }
0x1bf: {  	v56 =	vshll.u32 v55, $0x8;
	v57 =	vshll.u32 v55, $0x7  }
0x1c0: {  	v58 =	vand.u32 $0x3800, v56;
	v59 =	vand.u32 $0x380, v57;
	[tilespmem:v54+s24+$0x0] =	vst.idx.msk $0xffff, v34  }
0x1c1: {  	v32 =	vor.u32 v31, v32;
	v34 =	vor.u32 v59, v58;
	v33 =	vld.idx.msk [tilespmem:v33+s19+$0x0], $0xffff  }
0x1c2: {  	v35 =	vor.u32 v0, v34;
	_ =	sdelay $0x3  }
0x1c3: {  	[tilespmem:v32+s24+$0x0] =	vst.idx.msk $0xffff, v33;
	v32 =	vand.u32 $0x3F, v55  }
0x1c4: {  	v33 =	vld.idx.msk [tilespmem:v35+s19+$0x0], $0xffff;
	v60 =	vor.u32 v1, v32  }
0x1c5: {  	v61 =	vor.u32 v2, v34;
	_ =	sdelay $0x3  }
0x1c6: {  	[tilespmem:v60+s24+$0x0] =	vst.idx.msk $0xffff, v33  }
0x1c7: {  	v62 =	vor.u32 v3, v32;
	v33 =	vld.idx.msk [tilespmem:v61+s19+$0x0], $0xffff  }
0x1c8: {  	v63 =	vor.u32 v4, v34;
	_ =	sdelay $0x3  }
0x1c9: {  	[tilespmem:v62+s24+$0x0] =	vst.idx.msk $0xffff, v33  }
0x1ca: {  	v40 =	vor.u32 v5, v32;
	v33 =	vld.idx.msk [tilespmem:v63+s19+$0x0], $0xffff  }
0x1cb: {  	v41 =	vor.u32 v6, v34;
	_ =	sdelay $0x3  }
0x1cc: {  	[tilespmem:v40+s24+$0x0] =	vst.idx.msk $0xffff, v33  }
0x1cd: {  	v42 =	vor.u32 v7, v32;
	v33 =	vld.idx.msk [tilespmem:v41+s19+$0x0], $0xffff  }
0x1ce: {  	v43 =	vor.u32 v8, v34;
	_ =	sdelay $0x3  }
0x1cf: {  	[tilespmem:v42+s24+$0x0] =	vst.idx.msk $0xffff, v33  }
0x1d0: {  	v44 =	vor.u32 v9, v32;
	v33 =	vld.idx.msk [tilespmem:v43+s19+$0x0], $0xffff  }
0x1d1: {  	v45 =	vor.u32 v10, v34;
	_ =	sdelay $0x3  }
0x1d2: {  	[tilespmem:v44+s24+$0x0] =	vst.idx.msk $0xffff, v33  }
0x1d3: {  	v46 =	vor.u32 v11, v32;
	v33 =	vld.idx.msk [tilespmem:v45+s19+$0x0], $0xffff  }
0x1d4: {  	v47 =	vor.u32 v12, v34;
	_ =	sdelay $0x3  }
0x1d5: {  	[tilespmem:v46+s24+$0x0] =	vst.idx.msk $0xffff, v33  }
0x1d6: {  	v48 =	vor.u32 v13, v32;
	v33 =	vld.idx.msk [tilespmem:v47+s19+$0x0], $0xffff  }
0x1d7: {  	v49 =	vor.u32 v14, v34;
	_ =	sdelay $0x3  }
0x1d8: {  	[tilespmem:v48+s24+$0x0] =	vst.idx.msk $0xffff, v33  }
0x1d9: {  	v50 =	vor.u32 v15, v32;
	v33 =	vld.idx.msk [tilespmem:v49+s19+$0x0], $0xffff  }
0x1da: {  	v51 =	vor.u32 v16, v34;
	_ =	sdelay $0x3  }
0x1db: {  	[tilespmem:v50+s24+$0x0] =	vst.idx.msk $0xffff, v33  }
0x1dc: {  	v52 =	vor.u32 v17, v32;
	v33 =	vld.idx.msk [tilespmem:v51+s19+$0x0], $0xffff  }
0x1dd: {  	v53 =	vor.u32 v18, v34;
	_ =	sdelay $0x3  }
0x1de: {  	[tilespmem:v52+s24+$0x0] =	vst.idx.msk $0xffff, v33  }
0x1df: {  	v54 =	vor.u32 v19, v32;
	v33 =	vld.idx.msk [tilespmem:v53+s19+$0x0], $0xffff  }
0x1e0: {  	v55 =	vor.u32 v20, v34;
	_ =	sdelay $0x3  }
0x1e1: {  	[tilespmem:v54+s24+$0x0] =	vst.idx.msk $0xffff, v33  }
0x1e2: {  	v56 =	vor.u32 v21, v32;
	v33 =	vld.idx.msk [tilespmem:v55+s19+$0x0], $0xffff  }
0x1e3: {  	v57 =	vor.u32 v22, v34;
	_ =	sdelay $0x3  }
0x1e4: {  	[tilespmem:v56+s24+$0x0] =	vst.idx.msk $0xffff, v33  }
0x1e5: {  	v58 =	vor.u32 v23, v32;
	v33 =	vld.idx.msk [tilespmem:v57+s19+$0x0], $0xffff  }
0x1e6: {  	v59 =	vor.u32 v24, v34;
	_ =	sdelay $0x3  }
0x1e7: {  	[tilespmem:v58+s24+$0x0] =	vst.idx.msk $0xffff, v33  }
0x1e8: {  	v60 =	vor.u32 v25, v32;
	v33 =	vld.idx.msk [tilespmem:v59+s19+$0x0], $0xffff  }
0x1e9: {  	v61 =	vor.u32 v26, v34;
	_ =	sdelay $0x3  }
0x1ea: {  	[tilespmem:v60+s24+$0x0] =	vst.idx.msk $0xffff, v33  }
0x1eb: {  	v62 =	vor.u32 v27, v32;
	v33 =	vld.idx.msk [tilespmem:v61+s19+$0x0], $0xffff  }
0x1ec: {  	v63 =	vor.u32 v28, v34;
	_ =	sdelay $0x3  }
0x1ed: {  	[tilespmem:v62+s24+$0x0] =	vst.idx.msk $0xffff, v33  }
0x1ee: {  	v36 =	vor.u32 v29, v32;
	v35 =	vld.idx.msk [tilespmem:v63+s19+$0x0], $0xffff  }
0x1ef: {  	v33 =	vor.u32 v30, v34;
	_ =	sdelay $0x1  }
0x1f0: {  	s8 =	simm.s32 $0x2  }
0x1f1: {  	s9 =	simm.s32 $0x4;
	s5 =	sadd.s32 s11, s2;
	v34 =	vadd.s32 s8, v0  }
.LBB2_5:
0x1f2: {  	p3 =	slt.u32 s9, $0x3E;
	v37 =	vshll.u32 v34, $0x8;
	v38 =	vshll.u32 v34, $0x7;
	[tilespmem:v36+s24+$0x0] =	vst.idx.msk $0xffff, v35  }
0x1f3: {  	v35 =	vand.u32 $0x3800, v37;
	v36 =	vand.u32 $0x380, v38;
	v37 =	vld.idx.msk [tilespmem:v33+s19+$0x0], $0xffff  }
0x1f4: {  	v32 =	vor.u32 v31, v32;
	v33 =	vor.u32 v36, v35  }
0x1f5: {  	v35 =	vor.u32 v0, v33;
	_ =	sdelay $0x3  }
0x1f6: {  	[tilespmem:v32+s24+$0x0] =	vst.idx.msk $0xffff, v37  }
0x1f7: {  	v32 =	vand.u32 $0x3F, v34;
	v34 =	vld.idx.msk [tilespmem:v35+s19+$0x0], $0xffff  }
0x1f8: {  	v35 =	vor.u32 v1, v32  }
0x1f9: {  	v36 =	vor.u32 v2, v33;
	_ =	sdelay $0x3  }
0x1fa: {  	[tilespmem:v35+s24+$0x0] =	vst.idx.msk $0xffff, v34  }
0x1fb: {  	v34 =	vld.idx.msk [tilespmem:v36+s19+$0x0], $0xffff  }
0x1fc: {  	v35 =	vor.u32 v3, v32  }
0x1fd: {  	v36 =	vor.u32 v4, v33;
	_ =	sdelay $0x3  }
0x1fe: {  	[tilespmem:v35+s24+$0x0] =	vst.idx.msk $0xffff, v34  }
0x1ff: {  	v34 =	vld.idx.msk [tilespmem:v36+s19+$0x0], $0xffff  }
0x200: {  	v35 =	vor.u32 v5, v32  }
0x201: {  	v36 =	vor.u32 v6, v33;
	_ =	sdelay $0x3  }
0x202: {  	[tilespmem:v35+s24+$0x0] =	vst.idx.msk $0xffff, v34  }
0x203: {  	v34 =	vld.idx.msk [tilespmem:v36+s19+$0x0], $0xffff  }
0x204: {  	v35 =	vor.u32 v7, v32  }
0x205: {  	v36 =	vor.u32 v8, v33;
	_ =	sdelay $0x3  }
0x206: {  	[tilespmem:v35+s24+$0x0] =	vst.idx.msk $0xffff, v34  }
0x207: {  	v34 =	vld.idx.msk [tilespmem:v36+s19+$0x0], $0xffff  }
0x208: {  	v35 =	vor.u32 v9, v32  }
0x209: {  	v36 =	vor.u32 v10, v33;
	_ =	sdelay $0x3  }
0x20a: {  	[tilespmem:v35+s24+$0x0] =	vst.idx.msk $0xffff, v34  }
0x20b: {  	v34 =	vld.idx.msk [tilespmem:v36+s19+$0x0], $0xffff  }
0x20c: {  	v35 =	vor.u32 v11, v32  }
0x20d: {  	v36 =	vor.u32 v12, v33;
	_ =	sdelay $0x3  }
0x20e: {  	[tilespmem:v35+s24+$0x0] =	vst.idx.msk $0xffff, v34  }
0x20f: {  	v34 =	vld.idx.msk [tilespmem:v36+s19+$0x0], $0xffff  }
0x210: {  	v35 =	vor.u32 v13, v32  }
0x211: {  	v36 =	vor.u32 v14, v33;
	_ =	sdelay $0x3  }
0x212: {  	[tilespmem:v35+s24+$0x0] =	vst.idx.msk $0xffff, v34  }
0x213: {  	v34 =	vld.idx.msk [tilespmem:v36+s19+$0x0], $0xffff  }
0x214: {  	v35 =	vor.u32 v15, v32  }
0x215: {  	v36 =	vor.u32 v16, v33;
	_ =	sdelay $0x3  }
0x216: {  	[tilespmem:v35+s24+$0x0] =	vst.idx.msk $0xffff, v34  }
0x217: {  	v34 =	vld.idx.msk [tilespmem:v36+s19+$0x0], $0xffff  }
0x218: {  	v35 =	vor.u32 v17, v32  }
0x219: {  	v36 =	vor.u32 v18, v33;
	_ =	sdelay $0x3  }
0x21a: {  	[tilespmem:v35+s24+$0x0] =	vst.idx.msk $0xffff, v34  }
0x21b: {  	v34 =	vld.idx.msk [tilespmem:v36+s19+$0x0], $0xffff  }
0x21c: {  	v35 =	vor.u32 v19, v32  }
0x21d: {  	v36 =	vor.u32 v20, v33;
	_ =	sdelay $0x3  }
0x21e: {  	[tilespmem:v35+s24+$0x0] =	vst.idx.msk $0xffff, v34  }
0x21f: {  	v34 =	vld.idx.msk [tilespmem:v36+s19+$0x0], $0xffff  }
0x220: {  	v35 =	vor.u32 v21, v32  }
0x221: {  	v36 =	vor.u32 v22, v33;
	_ =	sdelay $0x3  }
0x222: {  	[tilespmem:v35+s24+$0x0] =	vst.idx.msk $0xffff, v34  }
0x223: {  	v34 =	vld.idx.msk [tilespmem:v36+s19+$0x0], $0xffff  }
0x224: {  	v35 =	vor.u32 v23, v32  }
0x225: {  	v36 =	vor.u32 v24, v33;
	_ =	sdelay $0x3  }
0x226: {  	[tilespmem:v35+s24+$0x0] =	vst.idx.msk $0xffff, v34  }
0x227: {  	v34 =	vld.idx.msk [tilespmem:v36+s19+$0x0], $0xffff  }
0x228: {  	v35 =	vor.u32 v25, v32  }
0x229: {  	v36 =	vor.u32 v26, v33;
	_ =	sdelay $0x3  }
0x22a: {  	[tilespmem:v35+s24+$0x0] =	vst.idx.msk $0xffff, v34  }
0x22b: {  	v34 =	vld.idx.msk [tilespmem:v36+s19+$0x0], $0xffff  }
0x22c: {  	v35 =	vor.u32 v27, v32  }
0x22d: {  	v36 =	vor.u32 v28, v33;
	_ =	sdelay $0x3  }
0x22e: {  	[tilespmem:v35+s24+$0x0] =	vst.idx.msk $0xffff, v34  }
0x22f: {  	v34 =	vld.idx.msk [tilespmem:v36+s19+$0x0], $0xffff  }
0x230: {  	v35 =	vor.u32 v29, v32  }
0x231: {  	v33 =	vor.u32 v30, v33;
	_ =	sdelay $0x1  }
0x232: {  	s15 =	sadd.s32 $0x1, s8;
	s8 =	smov.u32 s9  }
0x233: {  	v36 =	vadd.s32 s15, v0  }
0x234: {  	[tilespmem:v35+s24+$0x0] =	vst.idx.msk $0xffff, v34;
	v34 =	vshll.u32 v36, $0x8;
	v35 =	vshll.u32 v36, $0x7  }
0x235: {  	v37 =	vld.idx.msk [tilespmem:v33+s19+$0x0], $0xffff;
	v33 =	vand.u32 $0x3800, v34;
	v34 =	vand.u32 $0x380, v35  }
0x236: {  	v32 =	vor.u32 v31, v32;
	v33 =	vor.u32 v34, v33  }
0x237: {  	v34 =	vor.u32 v0, v33;
	_ =	sdelay $0x3  }
0x238: {  	[tilespmem:v32+s24+$0x0] =	vst.idx.msk $0xffff, v37  }
0x239: {  	v32 =	vand.u32 $0x3F, v36;
	v34 =	vld.idx.msk [tilespmem:v34+s19+$0x0], $0xffff  }
0x23a: {  	v35 =	vor.u32 v1, v32  }
0x23b: {  	v36 =	vor.u32 v2, v33;
	_ =	sdelay $0x3  }
0x23c: {  	[tilespmem:v35+s24+$0x0] =	vst.idx.msk $0xffff, v34  }
0x23d: {  	v34 =	vld.idx.msk [tilespmem:v36+s19+$0x0], $0xffff  }
0x23e: {  	v35 =	vor.u32 v3, v32  }
0x23f: {  	v36 =	vor.u32 v4, v33;
	_ =	sdelay $0x3  }
0x240: {  	[tilespmem:v35+s24+$0x0] =	vst.idx.msk $0xffff, v34  }
0x241: {  	v34 =	vld.idx.msk [tilespmem:v36+s19+$0x0], $0xffff  }
0x242: {  	v35 =	vor.u32 v5, v32  }
0x243: {  	v36 =	vor.u32 v6, v33;
	_ =	sdelay $0x3  }
0x244: {  	[tilespmem:v35+s24+$0x0] =	vst.idx.msk $0xffff, v34  }
0x245: {  	v34 =	vld.idx.msk [tilespmem:v36+s19+$0x0], $0xffff  }
0x246: {  	v35 =	vor.u32 v7, v32  }
0x247: {  	v36 =	vor.u32 v8, v33;
	_ =	sdelay $0x3  }
0x248: {  	[tilespmem:v35+s24+$0x0] =	vst.idx.msk $0xffff, v34  }
0x249: {  	v34 =	vld.idx.msk [tilespmem:v36+s19+$0x0], $0xffff  }
0x24a: {  	v35 =	vor.u32 v9, v32  }
0x24b: {  	v36 =	vor.u32 v10, v33;
	_ =	sdelay $0x3  }
0x24c: {  	[tilespmem:v35+s24+$0x0] =	vst.idx.msk $0xffff, v34  }
0x24d: {  	v34 =	vld.idx.msk [tilespmem:v36+s19+$0x0], $0xffff  }
0x24e: {  	v35 =	vor.u32 v11, v32  }
0x24f: {  	v36 =	vor.u32 v12, v33;
	_ =	sdelay $0x3  }
0x250: {  	[tilespmem:v35+s24+$0x0] =	vst.idx.msk $0xffff, v34  }
0x251: {  	v34 =	vld.idx.msk [tilespmem:v36+s19+$0x0], $0xffff  }
0x252: {  	v35 =	vor.u32 v13, v32  }
0x253: {  	v36 =	vor.u32 v14, v33;
	_ =	sdelay $0x3  }
0x254: {  	[tilespmem:v35+s24+$0x0] =	vst.idx.msk $0xffff, v34  }
0x255: {  	v34 =	vld.idx.msk [tilespmem:v36+s19+$0x0], $0xffff  }
0x256: {  	v35 =	vor.u32 v15, v32  }
0x257: {  	v36 =	vor.u32 v16, v33;
	_ =	sdelay $0x3  }
0x258: {  	[tilespmem:v35+s24+$0x0] =	vst.idx.msk $0xffff, v34  }
0x259: {  	v34 =	vld.idx.msk [tilespmem:v36+s19+$0x0], $0xffff  }
0x25a: {  	v35 =	vor.u32 v17, v32  }
0x25b: {  	v36 =	vor.u32 v18, v33;
	_ =	sdelay $0x3  }
0x25c: {  	[tilespmem:v35+s24+$0x0] =	vst.idx.msk $0xffff, v34  }
0x25d: {  	v34 =	vld.idx.msk [tilespmem:v36+s19+$0x0], $0xffff  }
0x25e: {  	v35 =	vor.u32 v19, v32  }
0x25f: {  	v36 =	vor.u32 v20, v33;
	_ =	sdelay $0x3  }
0x260: {  	[tilespmem:v35+s24+$0x0] =	vst.idx.msk $0xffff, v34  }
0x261: {  	v34 =	vld.idx.msk [tilespmem:v36+s19+$0x0], $0xffff  }
0x262: {  	v35 =	vor.u32 v21, v32  }
0x263: {  	v36 =	vor.u32 v22, v33;
	_ =	sdelay $0x3  }
0x264: {  	[tilespmem:v35+s24+$0x0] =	vst.idx.msk $0xffff, v34  }
0x265: {  	v34 =	vld.idx.msk [tilespmem:v36+s19+$0x0], $0xffff  }
0x266: {  	v35 =	vor.u32 v23, v32  }
0x267: {  	v36 =	vor.u32 v24, v33;
	_ =	sdelay $0x3  }
0x268: {  	[tilespmem:v35+s24+$0x0] =	vst.idx.msk $0xffff, v34  }
0x269: {  	v34 =	vld.idx.msk [tilespmem:v36+s19+$0x0], $0xffff  }
0x26a: {  	v35 =	vor.u32 v25, v32  }
0x26b: {  	v36 =	vor.u32 v26, v33;
	_ =	sdelay $0x3  }
0x26c: {  	[tilespmem:v35+s24+$0x0] =	vst.idx.msk $0xffff, v34  }
0x26d: {  	v34 =	vld.idx.msk [tilespmem:v36+s19+$0x0], $0xffff  }
0x26e: {  	v35 =	vor.u32 v27, v32  }
0x26f: {  	v36 =	vor.u32 v28, v33;
	_ =	sdelay $0x3  }
0x270: {  	[tilespmem:v35+s24+$0x0] =	vst.idx.msk $0xffff, v34  }
0x271: {  	v35 =	vld.idx.msk [tilespmem:v36+s19+$0x0], $0xffff  }
.Ltmp3:
0x272: {  	v36 =	vor.u32 v29, v32;
	(pc) =	sbr.rel @p3 .LBB2_5-.Ltmp3, $2  }
0x273: {  	v33 =	vor.u32 v30, v33;
	_ =	sdelay $0x2  }
0x274: {  	s9 =	sadd.s32 $0x2, s9;
	v34 =	vadd.s32 s8, v0  }
0x275: {  	_ =	sdelay $0x2  }
0x276: {  	v37 =	vshll.u32 v34, $0x8;
	v38 =	vshll.u32 v34, $0x7  }
0x277: {  	[tilespmem:v36+s24+$0x0] =	vst.idx.msk $0xffff, v35;
	v55 =	vand.u32 $0x3800, v37;
	v56 =	vand.u32 $0x380, v38  }
0x278: {  	v32 =	vor.u32 v31, v32;
	v33 =	vld.idx.msk [tilespmem:v33+s19+$0x0], $0xffff;
	v35 =	vor.u32 v56, v55  }
0x279: {  	v36 =	vor.u32 v0, v35;
	_ =	sdelay $0x3  }
0x27a: {  	[tilespmem:v32+s24+$0x0] =	vst.idx.msk $0xffff, v33;
	v32 =	vand.u32 $0x3F, v34  }
0x27b: {  	v34 =	vor.u32 v1, v32;
	v33 =	vld.idx.msk [tilespmem:v36+s19+$0x0], $0xffff  }
0x27c: {  	v57 =	vor.u32 v2, v35;
	_ =	sdelay $0x3  }
0x27d: {  	[tilespmem:v34+s24+$0x0] =	vst.idx.msk $0xffff, v33  }
0x27e: {  	v58 =	vor.u32 v3, v32;
	v33 =	vld.idx.msk [tilespmem:v57+s19+$0x0], $0xffff  }
0x27f: {  	v59 =	vor.u32 v4, v35;
	_ =	sdelay $0x3  }
0x280: {  	[tilespmem:v58+s24+$0x0] =	vst.idx.msk $0xffff, v33  }
0x281: {  	v60 =	vor.u32 v5, v32;
	v33 =	vld.idx.msk [tilespmem:v59+s19+$0x0], $0xffff  }
0x282: {  	v61 =	vor.u32 v6, v35;
	_ =	sdelay $0x3  }
0x283: {  	[tilespmem:v60+s24+$0x0] =	vst.idx.msk $0xffff, v33  }
0x284: {  	v62 =	vor.u32 v7, v32;
	v33 =	vld.idx.msk [tilespmem:v61+s19+$0x0], $0xffff  }
0x285: {  	v63 =	vor.u32 v8, v35;
	_ =	sdelay $0x3  }
0x286: {  	[tilespmem:v62+s24+$0x0] =	vst.idx.msk $0xffff, v33  }
0x287: {  	v40 =	vor.u32 v9, v32;
	v33 =	vld.idx.msk [tilespmem:v63+s19+$0x0], $0xffff  }
0x288: {  	v41 =	vor.u32 v10, v35;
	_ =	sdelay $0x3  }
0x289: {  	[tilespmem:v40+s24+$0x0] =	vst.idx.msk $0xffff, v33  }
0x28a: {  	v42 =	vor.u32 v11, v32;
	v33 =	vld.idx.msk [tilespmem:v41+s19+$0x0], $0xffff  }
0x28b: {  	v43 =	vor.u32 v12, v35;
	_ =	sdelay $0x3  }
0x28c: {  	[tilespmem:v42+s24+$0x0] =	vst.idx.msk $0xffff, v33  }
0x28d: {  	v44 =	vor.u32 v13, v32;
	v33 =	vld.idx.msk [tilespmem:v43+s19+$0x0], $0xffff  }
0x28e: {  	v45 =	vor.u32 v14, v35;
	_ =	sdelay $0x3  }
0x28f: {  	[tilespmem:v44+s24+$0x0] =	vst.idx.msk $0xffff, v33  }
0x290: {  	v46 =	vor.u32 v15, v32;
	v33 =	vld.idx.msk [tilespmem:v45+s19+$0x0], $0xffff  }
0x291: {  	v47 =	vor.u32 v16, v35;
	_ =	sdelay $0x3  }
0x292: {  	[tilespmem:v46+s24+$0x0] =	vst.idx.msk $0xffff, v33  }
0x293: {  	v48 =	vor.u32 v17, v32;
	v33 =	vld.idx.msk [tilespmem:v47+s19+$0x0], $0xffff  }
0x294: {  	v49 =	vor.u32 v18, v35;
	_ =	sdelay $0x3  }
0x295: {  	[tilespmem:v48+s24+$0x0] =	vst.idx.msk $0xffff, v33  }
0x296: {  	v50 =	vor.u32 v19, v32;
	v33 =	vld.idx.msk [tilespmem:v49+s19+$0x0], $0xffff  }
0x297: {  	v51 =	vor.u32 v20, v35;
	_ =	sdelay $0x3  }
0x298: {  	[tilespmem:v50+s24+$0x0] =	vst.idx.msk $0xffff, v33  }
0x299: {  	v52 =	vor.u32 v21, v32;
	v33 =	vld.idx.msk [tilespmem:v51+s19+$0x0], $0xffff  }
0x29a: {  	v53 =	vor.u32 v22, v35;
	_ =	sdelay $0x3  }
0x29b: {  	[tilespmem:v52+s24+$0x0] =	vst.idx.msk $0xffff, v33  }
0x29c: {  	v54 =	vor.u32 v23, v32;
	v33 =	vld.idx.msk [tilespmem:v53+s19+$0x0], $0xffff  }
0x29d: {  	v55 =	vor.u32 v24, v35;
	_ =	sdelay $0x3  }
0x29e: {  	[tilespmem:v54+s24+$0x0] =	vst.idx.msk $0xffff, v33  }
0x29f: {  	v56 =	vor.u32 v25, v32;
	v33 =	vld.idx.msk [tilespmem:v55+s19+$0x0], $0xffff  }
0x2a0: {  	v57 =	vor.u32 v26, v35;
	_ =	sdelay $0x3  }
0x2a1: {  	[tilespmem:v56+s24+$0x0] =	vst.idx.msk $0xffff, v33  }
0x2a2: {  	v58 =	vor.u32 v27, v32;
	v33 =	vld.idx.msk [tilespmem:v57+s19+$0x0], $0xffff  }
0x2a3: {  	v59 =	vor.u32 v28, v35;
	_ =	sdelay $0x3  }
0x2a4: {  	[tilespmem:v58+s24+$0x0] =	vst.idx.msk $0xffff, v33  }
0x2a5: {  	v60 =	vor.u32 v29, v32;
	v33 =	vld.idx.msk [tilespmem:v59+s19+$0x0], $0xffff  }
0x2a6: {  	v35 =	vor.u32 v30, v35  }
0x2a7: {  	s8 =	sadd.s32 $0x1, s8  }
0x2a8: {  	v61 =	vadd.s32 s8, v0  }
0x2a9: {  	v62 =	vshll.u32 v61, $0x8;
	v63 =	vshll.u32 v61, $0x7  }
0x2aa: {  	v40 =	vand.u32 $0x3800, v62;
	v41 =	vand.u32 $0x380, v63;
	[tilespmem:v60+s24+$0x0] =	vst.idx.msk $0xffff, v33  }
0x2ab: {  	v32 =	vor.u32 v31, v32;
	v33 =	vor.u32 v41, v40;
	v35 =	vld.idx.msk [tilespmem:v35+s19+$0x0], $0xffff  }
0x2ac: {  	v34 =	vor.u32 v0, v33;
	_ =	sdelay $0x3  }
0x2ad: {  	[tilespmem:v32+s24+$0x0] =	vst.idx.msk $0xffff, v35;
	v32 =	vand.u32 $0x3F, v61  }
0x2ae: {  	v34 =	vld.idx.msk [tilespmem:v34+s19+$0x0], $0xffff;
	v42 =	vor.u32 v1, v32  }
0x2af: {  	v43 =	vor.u32 v2, v33;
	_ =	sdelay $0x3  }
0x2b0: {  	[tilespmem:v42+s24+$0x0] =	vst.idx.msk $0xffff, v34  }
0x2b1: {  	v44 =	vor.u32 v3, v32;
	v34 =	vld.idx.msk [tilespmem:v43+s19+$0x0], $0xffff  }
0x2b2: {  	v45 =	vor.u32 v4, v33;
	_ =	sdelay $0x3  }
0x2b3: {  	[tilespmem:v44+s24+$0x0] =	vst.idx.msk $0xffff, v34  }
0x2b4: {  	v46 =	vor.u32 v5, v32;
	v34 =	vld.idx.msk [tilespmem:v45+s19+$0x0], $0xffff  }
0x2b5: {  	v47 =	vor.u32 v6, v33;
	_ =	sdelay $0x3  }
0x2b6: {  	[tilespmem:v46+s24+$0x0] =	vst.idx.msk $0xffff, v34  }
0x2b7: {  	v48 =	vor.u32 v7, v32;
	v34 =	vld.idx.msk [tilespmem:v47+s19+$0x0], $0xffff  }
0x2b8: {  	v49 =	vor.u32 v8, v33;
	_ =	sdelay $0x3  }
0x2b9: {  	[tilespmem:v48+s24+$0x0] =	vst.idx.msk $0xffff, v34  }
0x2ba: {  	v50 =	vor.u32 v9, v32;
	v34 =	vld.idx.msk [tilespmem:v49+s19+$0x0], $0xffff  }
0x2bb: {  	v51 =	vor.u32 v10, v33;
	_ =	sdelay $0x3  }
0x2bc: {  	[tilespmem:v50+s24+$0x0] =	vst.idx.msk $0xffff, v34  }
0x2bd: {  	v52 =	vor.u32 v11, v32;
	v34 =	vld.idx.msk [tilespmem:v51+s19+$0x0], $0xffff  }
0x2be: {  	v53 =	vor.u32 v12, v33;
	_ =	sdelay $0x3  }
0x2bf: {  	[tilespmem:v52+s24+$0x0] =	vst.idx.msk $0xffff, v34  }
0x2c0: {  	v54 =	vor.u32 v13, v32;
	v34 =	vld.idx.msk [tilespmem:v53+s19+$0x0], $0xffff  }
0x2c1: {  	v55 =	vor.u32 v14, v33;
	_ =	sdelay $0x3  }
0x2c2: {  	[tilespmem:v54+s24+$0x0] =	vst.idx.msk $0xffff, v34  }
0x2c3: {  	v56 =	vor.u32 v15, v32;
	v34 =	vld.idx.msk [tilespmem:v55+s19+$0x0], $0xffff  }
0x2c4: {  	v57 =	vor.u32 v16, v33;
	_ =	sdelay $0x3  }
0x2c5: {  	[tilespmem:v56+s24+$0x0] =	vst.idx.msk $0xffff, v34  }
0x2c6: {  	v58 =	vor.u32 v17, v32;
	v34 =	vld.idx.msk [tilespmem:v57+s19+$0x0], $0xffff  }
0x2c7: {  	v59 =	vor.u32 v18, v33;
	_ =	sdelay $0x3  }
0x2c8: {  	[tilespmem:v58+s24+$0x0] =	vst.idx.msk $0xffff, v34  }
0x2c9: {  	v60 =	vor.u32 v19, v32;
	v34 =	vld.idx.msk [tilespmem:v59+s19+$0x0], $0xffff  }
0x2ca: {  	v61 =	vor.u32 v20, v33;
	_ =	sdelay $0x3  }
0x2cb: {  	[tilespmem:v60+s24+$0x0] =	vst.idx.msk $0xffff, v34  }
0x2cc: {  	v62 =	vor.u32 v21, v32;
	v34 =	vld.idx.msk [tilespmem:v61+s19+$0x0], $0xffff  }
0x2cd: {  	v63 =	vor.u32 v22, v33;
	_ =	sdelay $0x3  }
0x2ce: {  	[tilespmem:v62+s24+$0x0] =	vst.idx.msk $0xffff, v34  }
0x2cf: {  	v40 =	vor.u32 v23, v32;
	v34 =	vld.idx.msk [tilespmem:v63+s19+$0x0], $0xffff  }
0x2d0: {  	v41 =	vor.u32 v24, v33;
	_ =	sdelay $0x3  }
0x2d1: {  	[tilespmem:v40+s24+$0x0] =	vst.idx.msk $0xffff, v34  }
0x2d2: {  	v42 =	vor.u32 v25, v32;
	v34 =	vld.idx.msk [tilespmem:v41+s19+$0x0], $0xffff  }
0x2d3: {  	v43 =	vor.u32 v26, v33;
	_ =	sdelay $0x3  }
0x2d4: {  	[tilespmem:v42+s24+$0x0] =	vst.idx.msk $0xffff, v34  }
0x2d5: {  	v44 =	vor.u32 v27, v32;
	v34 =	vld.idx.msk [tilespmem:v43+s19+$0x0], $0xffff  }
0x2d6: {  	v45 =	vor.u32 v28, v33;
	_ =	sdelay $0x3  }
0x2d7: {  	[tilespmem:v44+s24+$0x0] =	vst.idx.msk $0xffff, v34  }
0x2d8: {  	v46 =	vor.u32 v29, v32;
	v34 =	vld.idx.msk [tilespmem:v45+s19+$0x0], $0xffff  }
0x2d9: {  	v33 =	vor.u32 v30, v33;
	_ =	sdelay $0x3  }
0x2da: {  	[tilespmem:v46+s24+$0x0] =	vst.idx.msk $0xffff, v34  }
0x2db: {  	v32 =	vor.u32 v31, v32;
	v33 =	vld.idx.msk [tilespmem:v33+s19+$0x0], $0xffff;
	_ =	sdelay $0x2  }
0x2dc: {  	s5 =	sshll.u32 s5, $0xB  }
0x2dd: {  	s5 =	sand.u32 $0x1FFFF800, s5  }
0x2de: {  	s5 =	sadd.s32 s6, s5;
	[tilespmem:v32+s24+$0x0] =	vst.idx.msk $0xffff, v33  }
0x2df: {  	[hbm4b:s5+s4] =	stream.linear.scatter [tilespmem:s24], [sflag:$0x5], $0x4000, $0x38;
	[tilespmem:$0x19000] =	vst v63  }
0x2e0: {  	s5 =	sadd.s32 @!p2 s12, s2  }
0x2e1: {  	p3 =	slt.u32 @!p2 s5, $0xF42  }
0x2e2: {  	p3 =	por !p3, p2  }
0x2e3: {  	s5 =	smov.u32 @p3 s3  }
0x2e4: {  	s9 =	simm.s32 $0x0;
	s5 =	sshll.u32 @!p2 s5, $0x8  }
0x2e5: {  	s15 =	simm.s32 @!p2 $0x4000;
	v47 =	vadd.s32 s9, v0;
	s5 =	sand.u32 @!p2 $0x1FFFFF00, s5  }
0x2e6: {  	s8 =	simm.s32 @!p2 $0x800;
	s9 =	simm.s32 @!p2 $0x7A1400;
	v48 =	vshll.u32 v47, $0x8;
	v49 =	vshll.u32 v47, $0x7;
	s5 =	sadd.s32 @!p2 s1, s5  }
0x2e7: {  	v34 =	vand.u32 $0x380, v49;
	v33 =	vand.u32 $0x3800, v48;
	[tilespmem:s15], [sflag:$0x2] =	stream.strided.gather @!p2 [hbm4b:s5+s8], $0x4000, s9, s8, $0x38;
	[tilespmem:$0x19000] =	vst v63  }
0x2e8: {  	v33 =	vor.u32 v34, v33;
	_ =	swait.ge [sflag:s25], $0x4000  }
0x2e9: {  	v34 =	vor.u32 v0, v33;
	[sflag:s25] =	ssyncset.done $0x0  }
0x2ea: {  	s5 =	simm.s32 @!p1 $0x6;
	[sflag:s25] =	ssyncadd.s32 $0xFFFFC000  }
0x2eb: {  	_ =	swait.ge @!p1 [sflag:s5], $0x4000  }
0x2ec: {  	[sflag:s5] =	ssyncset.done @!p1 $0x0  }
0x2ed: {  	v32 =	vand.u32 $0x3F, v47;
	[sflag:s5] =	ssyncadd.s32 @!p1 $0xFFFFC000  }
0x2ee: {  	v50 =	vor.u32 v1, v32;
	v34 =	vld.idx.msk [tilespmem:v34+s20+$0x0], $0xffff  }
0x2ef: {  	v51 =	vor.u32 v2, v33;
	_ =	sdelay $0x3  }
0x2f0: {  	[tilespmem:v50+s26+$0x0] =	vst.idx.msk $0xffff, v34  }
0x2f1: {  	v52 =	vor.u32 v3, v32;
	v34 =	vld.idx.msk [tilespmem:v51+s20+$0x0], $0xffff  }
0x2f2: {  	v53 =	vor.u32 v4, v33;
	_ =	sdelay $0x3  }
0x2f3: {  	[tilespmem:v52+s26+$0x0] =	vst.idx.msk $0xffff, v34  }
0x2f4: {  	v54 =	vor.u32 v5, v32;
	v34 =	vld.idx.msk [tilespmem:v53+s20+$0x0], $0xffff  }
0x2f5: {  	v55 =	vor.u32 v6, v33;
	_ =	sdelay $0x3  }
0x2f6: {  	[tilespmem:v54+s26+$0x0] =	vst.idx.msk $0xffff, v34  }
0x2f7: {  	v56 =	vor.u32 v7, v32;
	v34 =	vld.idx.msk [tilespmem:v55+s20+$0x0], $0xffff  }
0x2f8: {  	v57 =	vor.u32 v8, v33;
	_ =	sdelay $0x3  }
0x2f9: {  	[tilespmem:v56+s26+$0x0] =	vst.idx.msk $0xffff, v34  }
0x2fa: {  	v58 =	vor.u32 v9, v32;
	v34 =	vld.idx.msk [tilespmem:v57+s20+$0x0], $0xffff  }
0x2fb: {  	v59 =	vor.u32 v10, v33;
	_ =	sdelay $0x3  }
0x2fc: {  	[tilespmem:v58+s26+$0x0] =	vst.idx.msk $0xffff, v34  }
0x2fd: {  	v60 =	vor.u32 v11, v32;
	v34 =	vld.idx.msk [tilespmem:v59+s20+$0x0], $0xffff  }
0x2fe: {  	v61 =	vor.u32 v12, v33;
	_ =	sdelay $0x3  }
0x2ff: {  	[tilespmem:v60+s26+$0x0] =	vst.idx.msk $0xffff, v34  }
0x300: {  	v62 =	vor.u32 v13, v32;
	v34 =	vld.idx.msk [tilespmem:v61+s20+$0x0], $0xffff  }
0x301: {  	v63 =	vor.u32 v14, v33;
	_ =	sdelay $0x3  }
0x302: {  	[tilespmem:v62+s26+$0x0] =	vst.idx.msk $0xffff, v34  }
0x303: {  	v40 =	vor.u32 v15, v32;
	v34 =	vld.idx.msk [tilespmem:v63+s20+$0x0], $0xffff  }
0x304: {  	v41 =	vor.u32 v16, v33;
	_ =	sdelay $0x3  }
0x305: {  	[tilespmem:v40+s26+$0x0] =	vst.idx.msk $0xffff, v34  }
0x306: {  	v42 =	vor.u32 v17, v32;
	v34 =	vld.idx.msk [tilespmem:v41+s20+$0x0], $0xffff  }
0x307: {  	v43 =	vor.u32 v18, v33;
	_ =	sdelay $0x3  }
0x308: {  	[tilespmem:v42+s26+$0x0] =	vst.idx.msk $0xffff, v34  }
0x309: {  	v44 =	vor.u32 v19, v32;
	v34 =	vld.idx.msk [tilespmem:v43+s20+$0x0], $0xffff  }
0x30a: {  	v45 =	vor.u32 v20, v33;
	_ =	sdelay $0x3  }
0x30b: {  	[tilespmem:v44+s26+$0x0] =	vst.idx.msk $0xffff, v34  }
0x30c: {  	v46 =	vor.u32 v21, v32;
	v34 =	vld.idx.msk [tilespmem:v45+s20+$0x0], $0xffff  }
0x30d: {  	v47 =	vor.u32 v22, v33;
	_ =	sdelay $0x3  }
0x30e: {  	[tilespmem:v46+s26+$0x0] =	vst.idx.msk $0xffff, v34  }
0x30f: {  	v48 =	vor.u32 v23, v32;
	v34 =	vld.idx.msk [tilespmem:v47+s20+$0x0], $0xffff  }
0x310: {  	v49 =	vor.u32 v24, v33;
	_ =	sdelay $0x3  }
0x311: {  	[tilespmem:v48+s26+$0x0] =	vst.idx.msk $0xffff, v34  }
0x312: {  	v50 =	vor.u32 v25, v32;
	v34 =	vld.idx.msk [tilespmem:v49+s20+$0x0], $0xffff  }
0x313: {  	v51 =	vor.u32 v26, v33;
	_ =	sdelay $0x3  }
0x314: {  	[tilespmem:v50+s26+$0x0] =	vst.idx.msk $0xffff, v34  }
0x315: {  	v52 =	vor.u32 v27, v32;
	v34 =	vld.idx.msk [tilespmem:v51+s20+$0x0], $0xffff  }
0x316: {  	v53 =	vor.u32 v28, v33;
	_ =	sdelay $0x3  }
0x317: {  	[tilespmem:v52+s26+$0x0] =	vst.idx.msk $0xffff, v34  }
0x318: {  	v54 =	vor.u32 v29, v32;
	v34 =	vld.idx.msk [tilespmem:v53+s20+$0x0], $0xffff  }
0x319: {  	v33 =	vor.u32 v30, v33  }
0x31a: {  	s15 =	simm.s32 $0x1  }
0x31b: {  	v55 =	vadd.s32 s15, v0  }
0x31c: {  	v56 =	vshll.u32 v55, $0x8;
	v57 =	vshll.u32 v55, $0x7  }
0x31d: {  	v58 =	vand.u32 $0x3800, v56;
	v59 =	vand.u32 $0x380, v57;
	[tilespmem:v54+s26+$0x0] =	vst.idx.msk $0xffff, v34  }
0x31e: {  	v32 =	vor.u32 v31, v32;
	v34 =	vor.u32 v59, v58;
	v33 =	vld.idx.msk [tilespmem:v33+s20+$0x0], $0xffff  }
0x31f: {  	v35 =	vor.u32 v0, v34;
	_ =	sdelay $0x3  }
0x320: {  	[tilespmem:v32+s26+$0x0] =	vst.idx.msk $0xffff, v33;
	v32 =	vand.u32 $0x3F, v55  }
0x321: {  	v33 =	vld.idx.msk [tilespmem:v35+s20+$0x0], $0xffff;
	v60 =	vor.u32 v1, v32  }
0x322: {  	v61 =	vor.u32 v2, v34;
	_ =	sdelay $0x3  }
0x323: {  	[tilespmem:v60+s26+$0x0] =	vst.idx.msk $0xffff, v33  }
0x324: {  	v62 =	vor.u32 v3, v32;
	v33 =	vld.idx.msk [tilespmem:v61+s20+$0x0], $0xffff  }
0x325: {  	v63 =	vor.u32 v4, v34;
	_ =	sdelay $0x3  }
0x326: {  	[tilespmem:v62+s26+$0x0] =	vst.idx.msk $0xffff, v33  }
0x327: {  	v40 =	vor.u32 v5, v32;
	v33 =	vld.idx.msk [tilespmem:v63+s20+$0x0], $0xffff  }
0x328: {  	v41 =	vor.u32 v6, v34;
	_ =	sdelay $0x3  }
0x329: {  	[tilespmem:v40+s26+$0x0] =	vst.idx.msk $0xffff, v33  }
0x32a: {  	v42 =	vor.u32 v7, v32;
	v33 =	vld.idx.msk [tilespmem:v41+s20+$0x0], $0xffff  }
0x32b: {  	v43 =	vor.u32 v8, v34;
	_ =	sdelay $0x3  }
0x32c: {  	[tilespmem:v42+s26+$0x0] =	vst.idx.msk $0xffff, v33  }
0x32d: {  	v44 =	vor.u32 v9, v32;
	v33 =	vld.idx.msk [tilespmem:v43+s20+$0x0], $0xffff  }
0x32e: {  	v45 =	vor.u32 v10, v34;
	_ =	sdelay $0x3  }
0x32f: {  	[tilespmem:v44+s26+$0x0] =	vst.idx.msk $0xffff, v33  }
0x330: {  	v46 =	vor.u32 v11, v32;
	v33 =	vld.idx.msk [tilespmem:v45+s20+$0x0], $0xffff  }
0x331: {  	v47 =	vor.u32 v12, v34;
	_ =	sdelay $0x3  }
0x332: {  	[tilespmem:v46+s26+$0x0] =	vst.idx.msk $0xffff, v33  }
0x333: {  	v48 =	vor.u32 v13, v32;
	v33 =	vld.idx.msk [tilespmem:v47+s20+$0x0], $0xffff  }
0x334: {  	v49 =	vor.u32 v14, v34;
	_ =	sdelay $0x3  }
0x335: {  	[tilespmem:v48+s26+$0x0] =	vst.idx.msk $0xffff, v33  }
0x336: {  	v50 =	vor.u32 v15, v32;
	v33 =	vld.idx.msk [tilespmem:v49+s20+$0x0], $0xffff  }
0x337: {  	v51 =	vor.u32 v16, v34;
	_ =	sdelay $0x3  }
0x338: {  	[tilespmem:v50+s26+$0x0] =	vst.idx.msk $0xffff, v33  }
0x339: {  	v52 =	vor.u32 v17, v32;
	v33 =	vld.idx.msk [tilespmem:v51+s20+$0x0], $0xffff  }
0x33a: {  	v53 =	vor.u32 v18, v34;
	_ =	sdelay $0x3  }
0x33b: {  	[tilespmem:v52+s26+$0x0] =	vst.idx.msk $0xffff, v33  }
0x33c: {  	v54 =	vor.u32 v19, v32;
	v33 =	vld.idx.msk [tilespmem:v53+s20+$0x0], $0xffff  }
0x33d: {  	v55 =	vor.u32 v20, v34;
	_ =	sdelay $0x3  }
0x33e: {  	[tilespmem:v54+s26+$0x0] =	vst.idx.msk $0xffff, v33  }
0x33f: {  	v56 =	vor.u32 v21, v32;
	v33 =	vld.idx.msk [tilespmem:v55+s20+$0x0], $0xffff  }
0x340: {  	v57 =	vor.u32 v22, v34;
	_ =	sdelay $0x3  }
0x341: {  	[tilespmem:v56+s26+$0x0] =	vst.idx.msk $0xffff, v33  }
0x342: {  	v58 =	vor.u32 v23, v32;
	v33 =	vld.idx.msk [tilespmem:v57+s20+$0x0], $0xffff  }
0x343: {  	v59 =	vor.u32 v24, v34;
	_ =	sdelay $0x3  }
0x344: {  	[tilespmem:v58+s26+$0x0] =	vst.idx.msk $0xffff, v33  }
0x345: {  	v60 =	vor.u32 v25, v32;
	v33 =	vld.idx.msk [tilespmem:v59+s20+$0x0], $0xffff  }
0x346: {  	v61 =	vor.u32 v26, v34;
	_ =	sdelay $0x3  }
0x347: {  	[tilespmem:v60+s26+$0x0] =	vst.idx.msk $0xffff, v33  }
0x348: {  	v62 =	vor.u32 v27, v32;
	v33 =	vld.idx.msk [tilespmem:v61+s20+$0x0], $0xffff  }
0x349: {  	v63 =	vor.u32 v28, v34;
	_ =	sdelay $0x3  }
0x34a: {  	[tilespmem:v62+s26+$0x0] =	vst.idx.msk $0xffff, v33  }
0x34b: {  	v36 =	vor.u32 v29, v32;
	v35 =	vld.idx.msk [tilespmem:v63+s20+$0x0], $0xffff  }
0x34c: {  	v33 =	vor.u32 v30, v34  }
0x34d: {  	s9 =	sadd.s32 s14, s2  }
0x34e: {  	s8 =	simm.s32 $0x2;
	p1 =	slt.u32 s9, $0xF42;
	s5 =	smov.u32 s3  }
0x34f: {  	s5 =	smov.u32 @p1 s9;
	s9 =	simm.s32 $0x4;
	v34 =	vadd.s32 s8, v0  }
.LBB2_7:
0x350: {  	p1 =	slt.u32 s9, $0x3E;
	v37 =	vshll.u32 v34, $0x8;
	v38 =	vshll.u32 v34, $0x7;
	[tilespmem:v36+s26+$0x0] =	vst.idx.msk $0xffff, v35  }
0x351: {  	v35 =	vand.u32 $0x3800, v37;
	v36 =	vand.u32 $0x380, v38;
	v37 =	vld.idx.msk [tilespmem:v33+s20+$0x0], $0xffff  }
0x352: {  	v32 =	vor.u32 v31, v32;
	v33 =	vor.u32 v36, v35  }
0x353: {  	v35 =	vor.u32 v0, v33;
	_ =	sdelay $0x3  }
0x354: {  	[tilespmem:v32+s26+$0x0] =	vst.idx.msk $0xffff, v37  }
0x355: {  	v32 =	vand.u32 $0x3F, v34;
	v34 =	vld.idx.msk [tilespmem:v35+s20+$0x0], $0xffff  }
0x356: {  	v35 =	vor.u32 v1, v32  }
0x357: {  	v36 =	vor.u32 v2, v33;
	_ =	sdelay $0x3  }
0x358: {  	[tilespmem:v35+s26+$0x0] =	vst.idx.msk $0xffff, v34  }
0x359: {  	v34 =	vld.idx.msk [tilespmem:v36+s20+$0x0], $0xffff  }
0x35a: {  	v35 =	vor.u32 v3, v32  }
0x35b: {  	v36 =	vor.u32 v4, v33;
	_ =	sdelay $0x3  }
0x35c: {  	[tilespmem:v35+s26+$0x0] =	vst.idx.msk $0xffff, v34  }
0x35d: {  	v34 =	vld.idx.msk [tilespmem:v36+s20+$0x0], $0xffff  }
0x35e: {  	v35 =	vor.u32 v5, v32  }
0x35f: {  	v36 =	vor.u32 v6, v33;
	_ =	sdelay $0x3  }
0x360: {  	[tilespmem:v35+s26+$0x0] =	vst.idx.msk $0xffff, v34  }
0x361: {  	v34 =	vld.idx.msk [tilespmem:v36+s20+$0x0], $0xffff  }
0x362: {  	v35 =	vor.u32 v7, v32  }
0x363: {  	v36 =	vor.u32 v8, v33;
	_ =	sdelay $0x3  }
0x364: {  	[tilespmem:v35+s26+$0x0] =	vst.idx.msk $0xffff, v34  }
0x365: {  	v34 =	vld.idx.msk [tilespmem:v36+s20+$0x0], $0xffff  }
0x366: {  	v35 =	vor.u32 v9, v32  }
0x367: {  	v36 =	vor.u32 v10, v33;
	_ =	sdelay $0x3  }
0x368: {  	[tilespmem:v35+s26+$0x0] =	vst.idx.msk $0xffff, v34  }
0x369: {  	v34 =	vld.idx.msk [tilespmem:v36+s20+$0x0], $0xffff  }
0x36a: {  	v35 =	vor.u32 v11, v32  }
0x36b: {  	v36 =	vor.u32 v12, v33;
	_ =	sdelay $0x3  }
0x36c: {  	[tilespmem:v35+s26+$0x0] =	vst.idx.msk $0xffff, v34  }
0x36d: {  	v34 =	vld.idx.msk [tilespmem:v36+s20+$0x0], $0xffff  }
0x36e: {  	v35 =	vor.u32 v13, v32  }
0x36f: {  	v36 =	vor.u32 v14, v33;
	_ =	sdelay $0x3  }
0x370: {  	[tilespmem:v35+s26+$0x0] =	vst.idx.msk $0xffff, v34  }
0x371: {  	v34 =	vld.idx.msk [tilespmem:v36+s20+$0x0], $0xffff  }
0x372: {  	v35 =	vor.u32 v15, v32  }
0x373: {  	v36 =	vor.u32 v16, v33;
	_ =	sdelay $0x3  }
0x374: {  	[tilespmem:v35+s26+$0x0] =	vst.idx.msk $0xffff, v34  }
0x375: {  	v34 =	vld.idx.msk [tilespmem:v36+s20+$0x0], $0xffff  }
0x376: {  	v35 =	vor.u32 v17, v32  }
0x377: {  	v36 =	vor.u32 v18, v33;
	_ =	sdelay $0x3  }
0x378: {  	[tilespmem:v35+s26+$0x0] =	vst.idx.msk $0xffff, v34  }
0x379: {  	v34 =	vld.idx.msk [tilespmem:v36+s20+$0x0], $0xffff  }
0x37a: {  	v35 =	vor.u32 v19, v32  }
0x37b: {  	v36 =	vor.u32 v20, v33;
	_ =	sdelay $0x3  }
0x37c: {  	[tilespmem:v35+s26+$0x0] =	vst.idx.msk $0xffff, v34  }
0x37d: {  	v34 =	vld.idx.msk [tilespmem:v36+s20+$0x0], $0xffff  }
0x37e: {  	v35 =	vor.u32 v21, v32  }
0x37f: {  	v36 =	vor.u32 v22, v33;
	_ =	sdelay $0x3  }
0x380: {  	[tilespmem:v35+s26+$0x0] =	vst.idx.msk $0xffff, v34  }
0x381: {  	v34 =	vld.idx.msk [tilespmem:v36+s20+$0x0], $0xffff  }
0x382: {  	v35 =	vor.u32 v23, v32  }
0x383: {  	v36 =	vor.u32 v24, v33;
	_ =	sdelay $0x3  }
0x384: {  	[tilespmem:v35+s26+$0x0] =	vst.idx.msk $0xffff, v34  }
0x385: {  	v34 =	vld.idx.msk [tilespmem:v36+s20+$0x0], $0xffff  }
0x386: {  	v35 =	vor.u32 v25, v32  }
0x387: {  	v36 =	vor.u32 v26, v33;
	_ =	sdelay $0x3  }
0x388: {  	[tilespmem:v35+s26+$0x0] =	vst.idx.msk $0xffff, v34  }
0x389: {  	v34 =	vld.idx.msk [tilespmem:v36+s20+$0x0], $0xffff  }
0x38a: {  	v35 =	vor.u32 v27, v32  }
0x38b: {  	v36 =	vor.u32 v28, v33;
	_ =	sdelay $0x3  }
0x38c: {  	[tilespmem:v35+s26+$0x0] =	vst.idx.msk $0xffff, v34  }
0x38d: {  	v34 =	vld.idx.msk [tilespmem:v36+s20+$0x0], $0xffff  }
0x38e: {  	v35 =	vor.u32 v29, v32  }
0x38f: {  	v33 =	vor.u32 v30, v33;
	_ =	sdelay $0x1  }
0x390: {  	s15 =	sadd.s32 $0x1, s8;
	s8 =	smov.u32 s9  }
0x391: {  	v36 =	vadd.s32 s15, v0  }
0x392: {  	[tilespmem:v35+s26+$0x0] =	vst.idx.msk $0xffff, v34;
	v34 =	vshll.u32 v36, $0x8;
	v35 =	vshll.u32 v36, $0x7  }
0x393: {  	v37 =	vld.idx.msk [tilespmem:v33+s20+$0x0], $0xffff;
	v33 =	vand.u32 $0x3800, v34;
	v34 =	vand.u32 $0x380, v35  }
0x394: {  	v32 =	vor.u32 v31, v32;
	v33 =	vor.u32 v34, v33  }
0x395: {  	v34 =	vor.u32 v0, v33;
	_ =	sdelay $0x3  }
0x396: {  	[tilespmem:v32+s26+$0x0] =	vst.idx.msk $0xffff, v37  }
0x397: {  	v32 =	vand.u32 $0x3F, v36;
	v34 =	vld.idx.msk [tilespmem:v34+s20+$0x0], $0xffff  }
0x398: {  	v35 =	vor.u32 v1, v32  }
0x399: {  	v36 =	vor.u32 v2, v33;
	_ =	sdelay $0x3  }
0x39a: {  	[tilespmem:v35+s26+$0x0] =	vst.idx.msk $0xffff, v34  }
0x39b: {  	v34 =	vld.idx.msk [tilespmem:v36+s20+$0x0], $0xffff  }
0x39c: {  	v35 =	vor.u32 v3, v32  }
0x39d: {  	v36 =	vor.u32 v4, v33;
	_ =	sdelay $0x3  }
0x39e: {  	[tilespmem:v35+s26+$0x0] =	vst.idx.msk $0xffff, v34  }
0x39f: {  	v34 =	vld.idx.msk [tilespmem:v36+s20+$0x0], $0xffff  }
0x3a0: {  	v35 =	vor.u32 v5, v32  }
0x3a1: {  	v36 =	vor.u32 v6, v33;
	_ =	sdelay $0x3  }
0x3a2: {  	[tilespmem:v35+s26+$0x0] =	vst.idx.msk $0xffff, v34  }
0x3a3: {  	v34 =	vld.idx.msk [tilespmem:v36+s20+$0x0], $0xffff  }
0x3a4: {  	v35 =	vor.u32 v7, v32  }
0x3a5: {  	v36 =	vor.u32 v8, v33;
	_ =	sdelay $0x3  }
0x3a6: {  	[tilespmem:v35+s26+$0x0] =	vst.idx.msk $0xffff, v34  }
0x3a7: {  	v34 =	vld.idx.msk [tilespmem:v36+s20+$0x0], $0xffff  }
0x3a8: {  	v35 =	vor.u32 v9, v32  }
0x3a9: {  	v36 =	vor.u32 v10, v33;
	_ =	sdelay $0x3  }
0x3aa: {  	[tilespmem:v35+s26+$0x0] =	vst.idx.msk $0xffff, v34  }
0x3ab: {  	v34 =	vld.idx.msk [tilespmem:v36+s20+$0x0], $0xffff  }
0x3ac: {  	v35 =	vor.u32 v11, v32  }
0x3ad: {  	v36 =	vor.u32 v12, v33;
	_ =	sdelay $0x3  }
0x3ae: {  	[tilespmem:v35+s26+$0x0] =	vst.idx.msk $0xffff, v34  }
0x3af: {  	v34 =	vld.idx.msk [tilespmem:v36+s20+$0x0], $0xffff  }
0x3b0: {  	v35 =	vor.u32 v13, v32  }
0x3b1: {  	v36 =	vor.u32 v14, v33;
	_ =	sdelay $0x3  }
0x3b2: {  	[tilespmem:v35+s26+$0x0] =	vst.idx.msk $0xffff, v34  }
0x3b3: {  	v34 =	vld.idx.msk [tilespmem:v36+s20+$0x0], $0xffff  }
0x3b4: {  	v35 =	vor.u32 v15, v32  }
0x3b5: {  	v36 =	vor.u32 v16, v33;
	_ =	sdelay $0x3  }
0x3b6: {  	[tilespmem:v35+s26+$0x0] =	vst.idx.msk $0xffff, v34  }
0x3b7: {  	v34 =	vld.idx.msk [tilespmem:v36+s20+$0x0], $0xffff  }
0x3b8: {  	v35 =	vor.u32 v17, v32  }
0x3b9: {  	v36 =	vor.u32 v18, v33;
	_ =	sdelay $0x3  }
0x3ba: {  	[tilespmem:v35+s26+$0x0] =	vst.idx.msk $0xffff, v34  }
0x3bb: {  	v34 =	vld.idx.msk [tilespmem:v36+s20+$0x0], $0xffff  }
0x3bc: {  	v35 =	vor.u32 v19, v32  }
0x3bd: {  	v36 =	vor.u32 v20, v33;
	_ =	sdelay $0x3  }
0x3be: {  	[tilespmem:v35+s26+$0x0] =	vst.idx.msk $0xffff, v34  }
0x3bf: {  	v34 =	vld.idx.msk [tilespmem:v36+s20+$0x0], $0xffff  }
0x3c0: {  	v35 =	vor.u32 v21, v32  }
0x3c1: {  	v36 =	vor.u32 v22, v33;
	_ =	sdelay $0x3  }
0x3c2: {  	[tilespmem:v35+s26+$0x0] =	vst.idx.msk $0xffff, v34  }
0x3c3: {  	v34 =	vld.idx.msk [tilespmem:v36+s20+$0x0], $0xffff  }
0x3c4: {  	v35 =	vor.u32 v23, v32  }
0x3c5: {  	v36 =	vor.u32 v24, v33;
	_ =	sdelay $0x3  }
0x3c6: {  	[tilespmem:v35+s26+$0x0] =	vst.idx.msk $0xffff, v34  }
0x3c7: {  	v34 =	vld.idx.msk [tilespmem:v36+s20+$0x0], $0xffff  }
0x3c8: {  	v35 =	vor.u32 v25, v32  }
0x3c9: {  	v36 =	vor.u32 v26, v33;
	_ =	sdelay $0x3  }
0x3ca: {  	[tilespmem:v35+s26+$0x0] =	vst.idx.msk $0xffff, v34  }
0x3cb: {  	v34 =	vld.idx.msk [tilespmem:v36+s20+$0x0], $0xffff  }
0x3cc: {  	v35 =	vor.u32 v27, v32  }
0x3cd: {  	v36 =	vor.u32 v28, v33;
	_ =	sdelay $0x3  }
0x3ce: {  	[tilespmem:v35+s26+$0x0] =	vst.idx.msk $0xffff, v34  }
0x3cf: {  	v35 =	vld.idx.msk [tilespmem:v36+s20+$0x0], $0xffff  }
.Ltmp4:
0x3d0: {  	v36 =	vor.u32 v29, v32;
	(pc) =	sbr.rel @p1 .LBB2_7-.Ltmp4, $2  }
0x3d1: {  	v33 =	vor.u32 v30, v33;
	_ =	sdelay $0x2  }
0x3d2: {  	s9 =	sadd.s32 $0x2, s9;
	v34 =	vadd.s32 s8, v0  }
0x3d3: {  	_ =	sdelay $0x2  }
0x3d4: {  	v37 =	vshll.u32 v34, $0x8;
	v38 =	vshll.u32 v34, $0x7  }
0x3d5: {  	[tilespmem:v36+s26+$0x0] =	vst.idx.msk $0xffff, v35;
	v48 =	vand.u32 $0x3800, v37;
	v49 =	vand.u32 $0x380, v38  }
0x3d6: {  	v32 =	vor.u32 v31, v32;
	v33 =	vld.idx.msk [tilespmem:v33+s20+$0x0], $0xffff;
	v35 =	vor.u32 v49, v48  }
0x3d7: {  	v36 =	vor.u32 v0, v35;
	_ =	sdelay $0x3  }
0x3d8: {  	[tilespmem:v32+s26+$0x0] =	vst.idx.msk $0xffff, v33;
	v32 =	vand.u32 $0x3F, v34  }
0x3d9: {  	v34 =	vor.u32 v1, v32;
	v33 =	vld.idx.msk [tilespmem:v36+s20+$0x0], $0xffff  }
0x3da: {  	v50 =	vor.u32 v2, v35;
	_ =	sdelay $0x3  }
0x3db: {  	[tilespmem:v34+s26+$0x0] =	vst.idx.msk $0xffff, v33  }
0x3dc: {  	v51 =	vor.u32 v3, v32;
	v33 =	vld.idx.msk [tilespmem:v50+s20+$0x0], $0xffff  }
0x3dd: {  	v52 =	vor.u32 v4, v35;
	_ =	sdelay $0x3  }
0x3de: {  	[tilespmem:v51+s26+$0x0] =	vst.idx.msk $0xffff, v33  }
0x3df: {  	v53 =	vor.u32 v5, v32;
	v33 =	vld.idx.msk [tilespmem:v52+s20+$0x0], $0xffff  }
0x3e0: {  	v54 =	vor.u32 v6, v35;
	_ =	sdelay $0x3  }
0x3e1: {  	[tilespmem:v53+s26+$0x0] =	vst.idx.msk $0xffff, v33  }
0x3e2: {  	v55 =	vor.u32 v7, v32;
	v33 =	vld.idx.msk [tilespmem:v54+s20+$0x0], $0xffff  }
0x3e3: {  	v56 =	vor.u32 v8, v35;
	_ =	sdelay $0x3  }
0x3e4: {  	[tilespmem:v55+s26+$0x0] =	vst.idx.msk $0xffff, v33  }
0x3e5: {  	v57 =	vor.u32 v9, v32;
	v33 =	vld.idx.msk [tilespmem:v56+s20+$0x0], $0xffff  }
0x3e6: {  	v58 =	vor.u32 v10, v35;
	_ =	sdelay $0x3  }
0x3e7: {  	[tilespmem:v57+s26+$0x0] =	vst.idx.msk $0xffff, v33  }
0x3e8: {  	v59 =	vor.u32 v11, v32;
	v33 =	vld.idx.msk [tilespmem:v58+s20+$0x0], $0xffff  }
0x3e9: {  	v60 =	vor.u32 v12, v35;
	_ =	sdelay $0x3  }
0x3ea: {  	[tilespmem:v59+s26+$0x0] =	vst.idx.msk $0xffff, v33  }
0x3eb: {  	v61 =	vor.u32 v13, v32;
	v33 =	vld.idx.msk [tilespmem:v60+s20+$0x0], $0xffff  }
0x3ec: {  	v62 =	vor.u32 v14, v35;
	_ =	sdelay $0x3  }
0x3ed: {  	[tilespmem:v61+s26+$0x0] =	vst.idx.msk $0xffff, v33  }
0x3ee: {  	v63 =	vor.u32 v15, v32;
	v33 =	vld.idx.msk [tilespmem:v62+s20+$0x0], $0xffff  }
0x3ef: {  	v40 =	vor.u32 v16, v35;
	_ =	sdelay $0x3  }
0x3f0: {  	[tilespmem:v63+s26+$0x0] =	vst.idx.msk $0xffff, v33  }
0x3f1: {  	v41 =	vor.u32 v17, v32;
	v33 =	vld.idx.msk [tilespmem:v40+s20+$0x0], $0xffff  }
0x3f2: {  	v42 =	vor.u32 v18, v35;
	_ =	sdelay $0x3  }
0x3f3: {  	[tilespmem:v41+s26+$0x0] =	vst.idx.msk $0xffff, v33  }
0x3f4: {  	v43 =	vor.u32 v19, v32;
	v33 =	vld.idx.msk [tilespmem:v42+s20+$0x0], $0xffff  }
0x3f5: {  	v44 =	vor.u32 v20, v35;
	_ =	sdelay $0x3  }
0x3f6: {  	[tilespmem:v43+s26+$0x0] =	vst.idx.msk $0xffff, v33  }
0x3f7: {  	v45 =	vor.u32 v21, v32;
	v33 =	vld.idx.msk [tilespmem:v44+s20+$0x0], $0xffff  }
0x3f8: {  	v46 =	vor.u32 v22, v35;
	_ =	sdelay $0x3  }
0x3f9: {  	[tilespmem:v45+s26+$0x0] =	vst.idx.msk $0xffff, v33  }
0x3fa: {  	v47 =	vor.u32 v23, v32;
	v33 =	vld.idx.msk [tilespmem:v46+s20+$0x0], $0xffff  }
0x3fb: {  	v48 =	vor.u32 v24, v35;
	_ =	sdelay $0x3  }
0x3fc: {  	[tilespmem:v47+s26+$0x0] =	vst.idx.msk $0xffff, v33  }
0x3fd: {  	v49 =	vor.u32 v25, v32;
	v33 =	vld.idx.msk [tilespmem:v48+s20+$0x0], $0xffff  }
0x3fe: {  	v50 =	vor.u32 v26, v35;
	_ =	sdelay $0x3  }
0x3ff: {  	[tilespmem:v49+s26+$0x0] =	vst.idx.msk $0xffff, v33  }
0x400: {  	v51 =	vor.u32 v27, v32;
	v33 =	vld.idx.msk [tilespmem:v50+s20+$0x0], $0xffff  }
0x401: {  	v52 =	vor.u32 v28, v35;
	_ =	sdelay $0x3  }
0x402: {  	[tilespmem:v51+s26+$0x0] =	vst.idx.msk $0xffff, v33  }
0x403: {  	v53 =	vor.u32 v29, v32;
	v33 =	vld.idx.msk [tilespmem:v52+s20+$0x0], $0xffff  }
0x404: {  	v35 =	vor.u32 v30, v35  }
0x405: {  	s8 =	sadd.s32 $0x1, s8  }
0x406: {  	v54 =	vadd.s32 s8, v0  }
0x407: {  	v55 =	vshll.u32 v54, $0x8;
	v56 =	vshll.u32 v54, $0x7  }
0x408: {  	v57 =	vand.u32 $0x3800, v55;
	v58 =	vand.u32 $0x380, v56;
	[tilespmem:v53+s26+$0x0] =	vst.idx.msk $0xffff, v33  }
0x409: {  	v32 =	vor.u32 v31, v32;
	v33 =	vor.u32 v58, v57;
	v35 =	vld.idx.msk [tilespmem:v35+s20+$0x0], $0xffff  }
0x40a: {  	v34 =	vor.u32 v0, v33;
	_ =	sdelay $0x3  }
0x40b: {  	[tilespmem:v32+s26+$0x0] =	vst.idx.msk $0xffff, v35;
	v32 =	vand.u32 $0x3F, v54  }
0x40c: {  	v34 =	vld.idx.msk [tilespmem:v34+s20+$0x0], $0xffff;
	v59 =	vor.u32 v1, v32  }
0x40d: {  	v60 =	vor.u32 v2, v33;
	_ =	sdelay $0x3  }
0x40e: {  	[tilespmem:v59+s26+$0x0] =	vst.idx.msk $0xffff, v34  }
0x40f: {  	v61 =	vor.u32 v3, v32;
	v34 =	vld.idx.msk [tilespmem:v60+s20+$0x0], $0xffff  }
0x410: {  	v62 =	vor.u32 v4, v33;
	_ =	sdelay $0x3  }
0x411: {  	[tilespmem:v61+s26+$0x0] =	vst.idx.msk $0xffff, v34  }
0x412: {  	v63 =	vor.u32 v5, v32;
	v34 =	vld.idx.msk [tilespmem:v62+s20+$0x0], $0xffff  }
0x413: {  	v40 =	vor.u32 v6, v33;
	_ =	sdelay $0x3  }
0x414: {  	[tilespmem:v63+s26+$0x0] =	vst.idx.msk $0xffff, v34  }
0x415: {  	v41 =	vor.u32 v7, v32;
	v34 =	vld.idx.msk [tilespmem:v40+s20+$0x0], $0xffff  }
0x416: {  	v42 =	vor.u32 v8, v33;
	_ =	sdelay $0x3  }
0x417: {  	[tilespmem:v41+s26+$0x0] =	vst.idx.msk $0xffff, v34  }
0x418: {  	v43 =	vor.u32 v9, v32;
	v34 =	vld.idx.msk [tilespmem:v42+s20+$0x0], $0xffff  }
0x419: {  	v44 =	vor.u32 v10, v33;
	_ =	sdelay $0x3  }
0x41a: {  	[tilespmem:v43+s26+$0x0] =	vst.idx.msk $0xffff, v34  }
0x41b: {  	v45 =	vor.u32 v11, v32;
	v34 =	vld.idx.msk [tilespmem:v44+s20+$0x0], $0xffff  }
0x41c: {  	v46 =	vor.u32 v12, v33;
	_ =	sdelay $0x3  }
0x41d: {  	[tilespmem:v45+s26+$0x0] =	vst.idx.msk $0xffff, v34  }
0x41e: {  	v47 =	vor.u32 v13, v32;
	v34 =	vld.idx.msk [tilespmem:v46+s20+$0x0], $0xffff  }
0x41f: {  	v48 =	vor.u32 v14, v33;
	_ =	sdelay $0x3  }
0x420: {  	[tilespmem:v47+s26+$0x0] =	vst.idx.msk $0xffff, v34  }
0x421: {  	v49 =	vor.u32 v15, v32;
	v34 =	vld.idx.msk [tilespmem:v48+s20+$0x0], $0xffff  }
0x422: {  	v50 =	vor.u32 v16, v33;
	_ =	sdelay $0x3  }
0x423: {  	[tilespmem:v49+s26+$0x0] =	vst.idx.msk $0xffff, v34  }
0x424: {  	v51 =	vor.u32 v17, v32;
	v34 =	vld.idx.msk [tilespmem:v50+s20+$0x0], $0xffff  }
0x425: {  	v52 =	vor.u32 v18, v33;
	_ =	sdelay $0x3  }
0x426: {  	[tilespmem:v51+s26+$0x0] =	vst.idx.msk $0xffff, v34  }
0x427: {  	v53 =	vor.u32 v19, v32;
	v34 =	vld.idx.msk [tilespmem:v52+s20+$0x0], $0xffff  }
0x428: {  	v54 =	vor.u32 v20, v33;
	_ =	sdelay $0x3  }
0x429: {  	[tilespmem:v53+s26+$0x0] =	vst.idx.msk $0xffff, v34  }
0x42a: {  	v55 =	vor.u32 v21, v32;
	v34 =	vld.idx.msk [tilespmem:v54+s20+$0x0], $0xffff  }
0x42b: {  	v56 =	vor.u32 v22, v33;
	_ =	sdelay $0x3  }
0x42c: {  	[tilespmem:v55+s26+$0x0] =	vst.idx.msk $0xffff, v34  }
0x42d: {  	v57 =	vor.u32 v23, v32;
	v34 =	vld.idx.msk [tilespmem:v56+s20+$0x0], $0xffff  }
0x42e: {  	v58 =	vor.u32 v24, v33;
	_ =	sdelay $0x3  }
0x42f: {  	[tilespmem:v57+s26+$0x0] =	vst.idx.msk $0xffff, v34  }
0x430: {  	v59 =	vor.u32 v25, v32;
	v34 =	vld.idx.msk [tilespmem:v58+s20+$0x0], $0xffff  }
0x431: {  	v60 =	vor.u32 v26, v33;
	_ =	sdelay $0x3  }
0x432: {  	[tilespmem:v59+s26+$0x0] =	vst.idx.msk $0xffff, v34  }
0x433: {  	v61 =	vor.u32 v27, v32;
	v34 =	vld.idx.msk [tilespmem:v60+s20+$0x0], $0xffff  }
0x434: {  	v62 =	vor.u32 v28, v33;
	_ =	sdelay $0x3  }
0x435: {  	[tilespmem:v61+s26+$0x0] =	vst.idx.msk $0xffff, v34  }
0x436: {  	v63 =	vor.u32 v29, v32;
	v34 =	vld.idx.msk [tilespmem:v62+s20+$0x0], $0xffff  }
0x437: {  	v33 =	vor.u32 v30, v33;
	_ =	sdelay $0x3  }
0x438: {  	[tilespmem:v63+s26+$0x0] =	vst.idx.msk $0xffff, v34  }
0x439: {  	v32 =	vor.u32 v31, v32;
	v33 =	vld.idx.msk [tilespmem:v33+s20+$0x0], $0xffff;
	_ =	sdelay $0x1  }
.Ltmp5:
0x43a: {  	_ = 	snop;
	(pc) =	sbr.rel @p2 .LBB2_10-.Ltmp5, $4  }
0x43b: {  	s5 =	sshll.u32 s5, $0xB  }
0x43c: {  	s5 =	sand.u32 $0x1FFFF800, s5  }
0x43d: {  	s5 =	sadd.s32 s6, s5;
	[tilespmem:v32+s26+$0x0] =	vst.idx.msk $0xffff, v33  }
0x43e: {  	[hbm4b:s5+s4] =	stream.linear.scatter [tilespmem:s26], [sflag:$0x6], $0x4000, $0x38;
	[tilespmem:$0x19000] =	vst v63  }
0x43f: {  	s2 =	sadd.s32 s13, s2  }
0x440: {  	s5 =	smov.u32 s3;
	p1 =	slt.u32 s2, $0xF42  }
.Ltmp6:
0x441: {  	s5 =	smov.u32 @p1 s2;
	(pc) =	sbr.rel .LBB2_2-.Ltmp6, $4  }
0x442: {  	s2 =	sshll.u32 s5, $0x8  }
0x443: {  	s2 =	sand.u32 $0x1FFFFF00, s2  }
0x444: {  	s0 =	sadd.s32 $0x1, s0;
	s2 =	sadd.s32 s1, s2  }
0x445: {  	[tilespmem:s20], [sflag:$0x3] =	stream.strided.gather [hbm4b:s2+s16], $0x4000, s18, s16, $0x38;
	[tilespmem:$0x19000] =	vst v63  }
.LBB2_11:
0x446: {  	_ =	sfence.sel $0x180000  }
0x447: {  	[bflag:$0x0] =	sbarrier.arrive $0xFFFF  }
0x448: {  	_ =	strace $0x90000047  }
0x449: {  	s0 =	stileid.u32;
	[bflag:$0x2] =	sbarrier.arrive $0xFFFF  }
0x44a: {  	p0 =	sne.s32 s0, $0x0;
	s0 =	rddreg [dreg:$0x3]  }
0x44b: {  	s0 =	sadd.s32 @!p0 $0x100000, s0  }
0x44c: {  	[sflag:s0] =	ssyncadd.tile.s32 @!p0 $0x1;
	_ =	shalt  }
.Lfunc_end2:
_tile_overlayer_lowered:
.L_overlay_start_2:
0x44d: {  	(tag) =	ssettag $0x2  }
0x44e: {  	s0 =	rddreg [dreg:$0x0];
	s2 =	stileid.u32  }
0x44f: {  	s1 =	rddreg [dreg:$0x1];
	p0 =	sne.s32 s2, $0x0  }
0x450: {  	s3 =	rddreg [dreg:$0x2];
	[bflag:$0x3] =	sbarrier.arrive $0xFFFF;
	s2 =	simm.s32 @!p0 $0x1C07  }
0x451: {  	[timem:s3], [sflag:s2] =	dma.local @!p0 [hbm:s0], s1  }
0x452: {  	s0 =	simm.s32 @!p0 $0x7  }
0x453: {  	_ =	swait.ge @!p0 [sflag:s0], s1  }
0x454: {  	s1 =	ssub.s32 @!p0 $0x0, s1;
	[sflag:s0] =	ssyncset.done @!p0 $0x0  }
0x455: {  	[sflag:s0] =	ssyncadd.s32 @!p0 s1  }
0x456: {  	[bflag:$0x3] =	sbarrier.arrive $0xFFFF  }
0x457: {  	_ =	shalt  }

// kernel: kernel.7.cloned.1.call-start
scs
__scs_entry_jumppad:
0x0: {  	(pc) =	sbr.rel $0x88, $3  }
0x1: {  	(tag) =	ssettag $0x0;
	lr =	simm.s32 $0x1  }
0x2: {  	[smem:$0x3F9B] =	sst lr;
	_ =	strace $0xD0000000  }
0x3: {  	_ = 	snop  }
0x4: {  	_ = 	snop  }
0x5: {  	_ = 	snop  }
0x6: {  	_ = 	snop  }
0x7: {  	_ = 	snop  }
__scs_overlays_trampoline_lowered:
0x8: {  	[smem:$0x3FAA] =	sst s0  }
0x9: {  	[smem:$0x3FAB] =	sst s1  }
0xa: {  	[smem:$0x3FAC] =	sst s2  }
0xb: {  	[smem:$0x3FAD] =	sst s3  }
0xc: {  	[smem:$0x3FAE] =	sst s4  }
0xd: {  	[smem:$0x3FAF] =	sst s5  }
0xe: {  	[smem:$0x3FB0] =	sst s6  }
0xf: {  	[smem:$0x3FB1] =	sst s7  }
0x10: {  	[smem:$0x3FB2] =	sst s8  }
0x11: {  	[smem:$0x3FB3] =	sst s9;
	s0 =	simm.s32 @!p0 $0x0  }
0x12: {  	s1 =	sld [smem:$0x3F99];
	s0 =	simm.s32 @p0 $0x1  }
0x13: {  	[smem:$0x3FB4] =	sst s0;
	s0 =	simm.s32 @!p1 $0x0  }
0x14: {  	s2 =	sld [smem:$0x3F98];
	s0 =	simm.s32 @p1 $0x1  }
0x15: {  	[smem:$0x3FB5] =	sst s0;
	s0 =	simm.s32 @!p2 $0x0  }
0x16: {  	s3 =	sld [smem:$0x3FDB];
	s0 =	simm.s32 @p2 $0x1  }
0x17: {  	s4 =	simm.s32 $0x1BF5;
	[smem:$0x3FB7] =	sst s0  }
0x18: {  	s0 =	sld [smem:$0x3F9A];
	_ =	swait.ge [sflag:s4], $0x0  }
0x19: {  	s7 =	sld [smem:$0x3F9B]  }
0x1a: {  	s8 =	sadd.s32 $0xFFFFE003, lr  }
0x1b: {  	s9 =	sadd.s32 $0xFFFFFEF7, lr;
	s5 =	simm.s32 $0xFFFFFFFF;
	p2 =	slt.u32 s8, $0xFFFFF086  }
0x1c: {  	p1 =	slt.u32 s9, $0xF7A;
	s5 =	simm.s32 @!p2 $0x0  }
0x1d: {  	s5 =	simm.s32 @p1 $0x1;
	p0 =	seq.s32 s7, s2  }
0x1e: {  	s7 =	smul.u32 @!p0 $0xF7A, s2;
	p2 =	seq.s32 @!p0 s5, $0x0  }
0x1f: {  	s9 =	smul.u32 $0xF7A, s1;
	s8 =	simm.s32 @!p0 $0x1BF5;
	p2 =	por !p2, p0  }
0x20: {  	[sflag:s8] =	ssyncset.s32 @!p0 $0xFFFFF086;
	s6 =	sadd.s32 @!p0 s3, s7;
	s7 =	simm.s32 @!p0 $0x108  }
0x21: {  	s3 =	sadd.s32 s3, s9;
	s6 =	sadd.s32 @!p0 $0x88, s6;
	s7 =	simm.s32 @p2 $0x1082  }
0x22: {  	[simem:s7], [sflag:s8] =	dma.local @!p0 [hbm:s6], $0xF7A  }
0x23: {  	s9 =	sor.u32 $0xD0000000, s2;
	s6 =	simm.s32 $0x108;
	_ =	swait.ge @!p0 [sflag:s8], $0x0  }
0x24: {  	s3 =	sadd.s32 $0x88, s3;
	s6 =	simm.s32 @!p1 $0x1082;
	[sflag:s4] =	ssyncset.s32 $0xFFFFF086  }
0x25: {  	[simem:s6], [sflag:s4] =	dma.local [hbm:s3], $0xF7A  }
0x26: {  	[smem:$0x3F9B] =	sst s1;
	(tag) =	ssettag s2;
	_ =	strace s9  }
0x27: {  	s1 =	sld [smem:$0x3FAB]  }
0x28: {  	s2 =	sld [smem:$0x3FAC]  }
0x29: {  	s4 =	sld [smem:$0x3FAE]  }
0x2a: {  	p0 =	seq.s32 s5, $0x0;
	s5 =	sld [smem:$0x3FAF]  }
0x2b: {  	s6 =	sld [smem:$0x3FB0]  }
0x2c: {  	s7 =	sld [smem:$0x3FB1]  }
0x2d: {  	s3 =	simm.s32 $0x108;
	s8 =	sld [smem:$0x3FB2]  }
0x2e: {  	s3 =	simm.s32 @!p0 $0x1082;
	s9 =	sld [smem:$0x3FB3]  }
0x2f: {  	lr =	sadd.s32 s0, s3;
	s0 =	sld [smem:$0x3FAA]  }
0x30: {  	s3 =	sld [smem:$0x3FAD]  }
0x31: {  	[smem:$0x3FB6] =	sst s10  }
0x32: {  	s10 =	sld [smem:$0x3FB4];
	_ =	sdelay $0x3  }
0x33: {  	p0 =	seq.s32 s10, $0x1;
	s10 =	sld [smem:$0x3FB6];
	_ =	sdelay $0x3  }
0x34: {  	[smem:$0x3FB6] =	sst s10  }
0x35: {  	s10 =	sld [smem:$0x3FB5];
	_ =	sdelay $0x3  }
0x36: {  	p1 =	seq.s32 s10, $0x1;
	s10 =	sld [smem:$0x3FB6];
	_ =	sdelay $0x3  }
0x37: {  	[smem:$0x3FB6] =	sst s10  }
0x38: {  	s10 =	sld [smem:$0x3FB7]  }
0x39: {  	_ = 	snop;
	(pc) =	sbr.ind lr, $3  }
0x3a: {  	_ = 	snop  }
0x3b: {  	_ = 	snop  }
0x3c: {  	p2 =	seq.s32 s10, $0x1;
	s10 =	sld [smem:$0x3FB6]  }
0x3d: {  	_ =	shalt  }
0x3e: {  	_ =	shalt  }
0x3f: {  	_ =	shalt  }
0x40: {  	_ =	shalt  }
0x41: {  	_ =	shalt  }
0x42: {  	_ =	shalt  }
0x43: {  	_ =	shalt  }
0x44: {  	_ =	shalt  }
0x45: {  	_ =	shalt  }
0x46: {  	_ =	shalt  }
0x47: {  	_ =	shalt  }
0x48: {  	_ =	shalt  }
0x49: {  	_ =	shalt  }
0x4a: {  	_ =	shalt  }
0x4b: {  	_ =	shalt  }
0x4c: {  	_ =	shalt  }
0x4d: {  	_ =	shalt  }
0x4e: {  	_ =	shalt  }
0x4f: {  	_ =	shalt  }
0x50: {  	_ =	shalt  }
0x51: {  	_ =	shalt  }
0x52: {  	_ =	shalt  }
0x53: {  	_ =	shalt  }
0x54: {  	_ =	shalt  }
0x55: {  	_ =	shalt  }
0x56: {  	_ =	shalt  }
0x57: {  	_ =	shalt  }
0x58: {  	_ =	shalt  }
0x59: {  	_ =	shalt  }
0x5a: {  	_ =	shalt  }
0x5b: {  	_ =	shalt  }
0x5c: {  	_ =	shalt  }
0x5d: {  	_ =	shalt  }
0x5e: {  	_ =	shalt  }
0x5f: {  	_ =	shalt  }
0x60: {  	_ =	shalt  }
0x61: {  	_ =	shalt  }
0x62: {  	_ =	shalt  }
0x63: {  	_ =	shalt  }
0x64: {  	_ =	shalt  }
0x65: {  	_ =	shalt  }
0x66: {  	_ =	shalt  }
0x67: {  	_ =	shalt  }
0x68: {  	_ =	shalt  }
0x69: {  	_ =	shalt  }
0x6a: {  	_ =	shalt  }
0x6b: {  	_ =	shalt  }
0x6c: {  	_ =	shalt  }
0x6d: {  	_ =	shalt  }
0x6e: {  	_ =	shalt  }
0x6f: {  	_ =	shalt  }
0x70: {  	_ =	shalt  }
0x71: {  	_ =	shalt  }
0x72: {  	_ =	shalt  }
0x73: {  	_ =	shalt  }
0x74: {  	_ =	shalt  }
0x75: {  	_ =	shalt  }
0x76: {  	_ =	shalt  }
0x77: {  	_ =	shalt  }
0x78: {  	_ =	shalt  }
0x79: {  	_ =	shalt  }
0x7a: {  	_ =	shalt  }
0x7b: {  	_ =	shalt  }
0x7c: {  	_ =	shalt  }
0x7d: {  	_ =	shalt  }
0x7e: {  	_ =	shalt  }
0x7f: {  	_ =	shalt  }
0x80: {  	_ =	shalt  }
0x81: {  	_ =	shalt  }
0x82: {  	_ =	shalt  }
0x83: {  	_ =	shalt  }
0x84: {  	_ =	shalt  }
0x85: {  	_ =	shalt  }
0x86: {  	_ =	shalt  }
0x87: {  	_ =	shalt  }
.Lfunc_end0:
.L_simem_size_0:
called_computation.1_lowered:
.L_overlay_start_0:
0x88: {  	s2 =	sld [smem:$0x3FD9]  }
0x89: {  	s3 =	sld [smem:$0x3FFE];
	_ =	sdelay $0x1  }
0x8a: {  	s1 =	srdreg.scid  }
0x8b: {  	s0 =	sand.u32 $0x1, s1  }
0x8c: {  	s14 =	sshll.u32 s0, $0xA;
	s2 =	sadd.s32 s3, s2  }
0x8d: {  	s2 =	sadd.s32 s2, s14  }
0x8e: {  	[smem:$0x3FC2] =	sst s2  }
0x8f: {  	_ = 	snop  }
0x90: {  	s2 =	sld [smem:$0x3FC7]  }
0x91: {  	s15 =	sld [smem:$0x3FD0]  }
0x92: {  	s4 =	sld [smem:$0x3FC6]  }
0x93: {  	s5 =	sld [smem:$0x3FC5]  }
0x94: {  	s7 =	simm.s32 $0xA;
	s8 =	simm.s32 $0x10;
	s6 =	sld [smem:$0x3FC4]  }
0x95: {  	[smem:s8], [sflag:s7] =	dma.local [hbm:s15], $0x1  }
0x96: {  	_ =	swait.eq [sflag:s7], $0x1  }
0x97: {  	[sflag:s7] =	ssyncset.done $0x0  }
0x98: {  	s16 =	sld [smem:$0x10];
	[sflag:s7] =	ssyncadd.s32 $0xFFFFFFFF  }
0x99: {  	s17 =	sld [smem:$0x11];
	(tm) =	ssettm $0x1  }
0x9a: {  	s18 =	sld [smem:$0x3FFB];
	_ =	sdelay $0x3  }
0x9b: {  	_ =	strace s18  }
0x9c: {  	s8 =	sld [smem:$0x3FFC];
	_ =	sdelay $0x3  }
0x9d: {  	_ =	strace s8  }
0x9e: {  	s8 =	sld [smem:$0x3FFD];
	_ =	sdelay $0x3  }
0x9f: {  	_ =	strace s8  }
0xa0: {  	_ =	strace $0x8FFFFFFF  }
0xa1: {  	s19 =	sld [smem:$0x3FDB];
	_ =	sdelay $0x1  }
0xa2: {  	s9 =	simm.s32 $_scs_section_size  }
0xa3: {  	s10 =	simm.s32 $_size__tile_overlayer_lowered;
	s11 =	simm.s32 $_tile_overlayer_lowered  }
0xa4: {  	s22 =	simm.s32 $0x1BFF;
	s21 =	sshll.u32 s11, $0x1;
	s8 =	sadd.s32 s9, s19  }
0xa5: {  	s12 =	simm.s32 $0x0;
	s20 =	sshll.u32 s10, $0x1;
	s10 =	sadd.s32 s21, s8  }
0xa6: {  	[timem:s12], [sflag:s22] =	dma.local [hbm:s10], s20  }
0xa7: {  	_ =	swait.ge [sflag:s22], s20  }
0xa8: {  	s9 =	ssub.s32 $0x0, s20;
	[sflag:s22] =	ssyncset.done $0x0  }
0xa9: {  	[sflag:s22] =	ssyncadd.s32 s9;
	_ =	sdelay $0x1  }
0xaa: {  	s23 =	simm.s32 $0x1B8B  }
0xab: {  	_ =	swait.ge [sflag:s23], $0x1  }
0xac: {  	[sflag:s23] =	ssyncset.done $0x0  }
0xad: {  	s25 =	simm.s32 $0x1B8E;
	s24 =	sld [smem:$0x3FFE];
	[sflag:s23] =	ssyncadd.s32 $0xFFFFFFFF  }
0xae: {  	s26 =	simm.s32 $execute0_lowered;
	[smem:$0x3FD2] =	sst s25  }
0xaf: {  	s10 =	sshll.u32 s26, $0x1;
	_ =	strace $0x80000049;
	[dreg:$0x1] =	wrdreg $0xFFFFFFFF  }
0xb0: {  	s28 =	simm.s32 $_size_execute0_lowered;
	s8 =	sadd.s32 s8, s10;
	[dreg:$0x0] =	wrdreg $0x0  }
0xb1: {  	s10 =	sshll.u32 s28, $0x1;
	[dreg:$0x2] =	wrdreg s8  }
0xb2: {  	[dreg:$0x3] =	wrdreg s10  }
0xb3: {  	[dreg:$0x4] =	wrdreg $0xC0  }
0xb4: {  	_ =	task [dreg:s12], $0x5FFFF  }
0xb5: {  	[dreg:$0x1] =	wrdreg $0xFFFFFFFF  }
0xb6: {  	[dreg:$0x0] =	wrdreg $0x60  }
0xb7: {  	[dreg:$0x2] =	wrdreg s24  }
0xb8: {  	[dreg:$0x3] =	wrdreg s2  }
0xb9: {  	[dreg:$0x4] =	wrdreg s4  }
0xba: {  	[dreg:$0x5] =	wrdreg s5  }
0xbb: {  	[dreg:$0x6] =	wrdreg s6  }
0xbc: {  	[dreg:$0x7] =	wrdreg s16  }
0xbd: {  	[dreg:$0x8] =	wrdreg s17  }
0xbe: {  	[dreg:$0x9] =	wrdreg $0x9  }
0xbf: {  	_ =	task.clear_ibuf [dreg:s12], $0xAFFFF;
	_ =	strace $0x90000049  }
0xc0: {  	s29 =	simm.s32 $0x9;
	_ =	strace $0x8000004B  }
0xc1: {  	_ =	swait.ge [sflag:s29], $0x1  }
0xc2: {  	[sflag:s29] =	ssyncadd.s32 $0xFFFFFFFF  }
0xc3: {  	_ =	strace $0x9000004B  }
0xc4: {  	_ =	sfence  }
0xc5: {  	s30 =	sld [smem:$0x0];
	_ =	sdelay $0x2  }
0xc6: {  	s31 =	sshll.u32 s1, $0xD;
	s1 =	sshrl.u32 s1, $0x2  }
0xc7: {  	s3 =	sand.u32 $0x4000, s31;
	s1 =	sadd.s32 s1, s30  }
0xc8: {  	s0 =	sor.u32 s3, s0;
	s1 =	sshll.u32 s1, $0x11  }
0xc9: {  	s0 =	sor.u32 s1, s0  }
0xca: {  	s0 =	sadd.s32 $0x8F2B, s0  }
0xcb: {  	[sflag:s0] =	ssyncadd.remote.s32 $0x1  }
0xcc: {  	_ =	sfence.sel $0xFFFF  }
0xcd: {  	[dreg:$0x0] =	wrdreg $0xFFFFFFFF;
	(pc) =	sbr.abs _section_cstart, $3  }
0xce: {  	[dreg:$0x1] =	wrdreg $0xFFFFFFFF  }
0xcf: {  	_ =	task.clear_ibuf [dreg:s12], $0x2FFFF;
	_ =	strace $0x9FFFFFFF  }
0xd0: {  	(tm) =	ssettm $0x7FFFFFFF  }
0xd1: {  	_ =	shalt  }
tec
execute0_lowered:
.L_overlay_start_1:
0x0: {  	(tag) =	ssettag $0x1  }
0x1: {  	s0 =	rddreg [dreg:$0x0]  }
0x2: {  	s1 =	rddreg [dreg:$0x1]  }
0x3: {  	s4 =	rddreg [dreg:$0x2]  }
0x4: {  	s5 =	rddreg [dreg:$0x3]  }
0x5: {  	s6 =	rddreg [dreg:$0x4]  }
0x6: {  	s9 =	rddreg [dreg:$0x5]  }
0x7: {  	s10 =	rddreg [dreg:$0x6];
	s2 =	simm.s32 $0x0  }
0x8: {  	s3 =	srdreg.scid;
	s8 =	stileid.u32;
	s12 =	simm.s32 $0x8  }
0x9: {  	s13 =	simm.s32 $0x80;
	s16 =	simm.s32 $0x4180;
	s18 =	simm.s32 $0x8180  }
0xa: {  	s19 =	simm.s32 $0xA180;
	s21 =	simm.s32 $0xC180;
	s23 =	simm.s32 $0xE180  }
0xb: {  	s28 =	simm.s32 $0x2;
	s29 =	simm.s32 $0x3;
	s30 =	simm.s32 $0x4  }
0xc: {  	s31 =	simm.s32 $0x5;
	s22 =	simm.s32 $0x0;
	[smem:$0x7FF] =	sst s2  }
0xd: {  	s7 =	sand.u32 $0x1, s3;
	s8 =	sshll.u32 s8, $0x8;
	s3 =	sadd.s32 $0xE00, s0  }
0xe: {  	s0 =	sadd.s32 $0x7A2000, s0;
	s11 =	sshll.u32 s7, $0x7;
	s7 =	ssub.s32 $0x2, s7  }
0xf: {  	_ =	strace $0x8000004A;
	s8 =	sor.u32 s11, s8;
	s24 =	sshrl.u32 s7, $0x1  }
0x10: {  	[dreg:$0x8] =	wrdreg s0;
	s11 =	sshrl.u32 s8, $0x3;
	s0 =	ssub.s32 s7, s24  }
0x11: {  	v0 =	vlaneseq.u32;
	s25 =	sshll.u32 s8, $0x4;
	s24 =	simm.s32 $0x0;
	s5 =	sadd.s32 s5, s11  }
.Ltmp0:
0x12: {  	v1 =	vmul.u32 $0x40, v0;
	s6 =	sadd.s32 s6, s11;
	s1 =	sadd.s32 s1, s11;
	(pc) =	sbr.rel .LBB2_1-.Ltmp0, $4  }
0x13: {  	s26 =	sadd.s32 s4, s25;
	s9 =	sadd.s32 s9, s11;
	[dreg:$0x9] =	wrdreg s5  }
0x14: {  	v2 =	vor.u32 $0x400, v1;
	s10 =	sadd.s32 s10, s25;
	s11 =	smax.u32 s0, $0x1;
	[dreg:$0xa] =	wrdreg s6  }
0x15: {  	v3 =	vor.u32 $0x800, v1;
	v4 =	vor.u32 $0xC00, v1;
	v5 =	vor.u32 $0x1000, v1;
	s25 =	simm.s32 $0x10180;
	s0 =	simm.s32 $0x6;
	[dreg:$0xb] =	wrdreg s1  }
0x16: {  	v6 =	vor.u32 $0x1400, v1;
	v7 =	vor.u32 $0x1800, v1;
	v8 =	vor.u32 $0x1C00, v1;
	[dreg:$0xc] =	wrdreg s26;
	s26 =	simm.s32 $0x1;
	s1 =	simm.s32 $0x7  }
.LBB2_30:
0x17: {  	s4 =	simm.s32 $0x12180  }
0x18: {  	[hbm4b:s9+s2] =	stream.linear.scatter [tilespmem:s4], [sflag:$0x8], $0x80, $0x38;
	[tilespmem:$0x16200] =	vst v63  }
0x19: {  	s22 =	sadd.s32 $0x1, s22;
	_ =	swait.ge [sflag:s12], $0x80  }
0x1a: {  	p0 =	sne.s32 s22, s11;
	[sflag:s12] =	ssyncset.done $0x0  }
.Ltmp1:
0x1b: {  	s20 =	simm.s32 $0x12200;
	[sflag:s12] =	ssyncadd.s32 $0xFFFFFF80;
	(pc) =	sbr.rel @!p0 .LBB2_31-.Ltmp1, $4  }
0x1c: {  	[hbm4b:s10+s2] =	stream.linear.scatter [tilespmem:s20], [sflag:$0x8], $0x4000, $0x38;
	[tilespmem:$0x16200] =	vst v63  }
0x1d: {  	_ =	swait.ge [sflag:s12], $0x4000  }
0x1e: {  	[sflag:s12] =	ssyncset.done $0x0  }
0x1f: {  	[sflag:s12] =	ssyncadd.s32 $0xFFFFC000  }
.LBB2_1:
0x20: {  	s4 =	rddreg [dreg:$0x9]  }
0x21: {  	[tilespmem:s2], [sflag:$0x8] =	stream.linear.gather [hbm4b:s4+s2], $0x80, $0x38;
	[tilespmem:$0x16200] =	vst v63  }
0x22: {  	_ =	swait.ge [sflag:s12], $0x80  }
0x23: {  	[sflag:s12] =	ssyncset.done $0x0  }
0x24: {  	s6 =	rddreg [dreg:$0xa];
	[sflag:s12] =	ssyncadd.s32 $0xFFFFFF80  }
0x25: {  	[tilespmem:s13], [sflag:$0x8] =	stream.linear.gather [hbm4b:s6+s2], $0x80, $0x38;
	[tilespmem:$0x16200] =	vst v63  }
0x26: {  	_ =	swait.ge [sflag:s12], $0x80  }
0x27: {  	[sflag:s12] =	ssyncset.done $0x0  }
0x28: {  	s5 =	simm.s32 $0x100;
	s7 =	rddreg [dreg:$0xb];
	[sflag:s12] =	ssyncadd.s32 $0xFFFFFF80  }
0x29: {  	[tilespmem:s5], [sflag:$0x8] =	stream.linear.gather [hbm4b:s7+s2], $0x80, $0x38;
	[tilespmem:$0x16200] =	vst v63  }
0x2a: {  	_ =	swait.ge [sflag:s12], $0x80  }
0x2b: {  	[sflag:s12] =	ssyncset.done $0x0  }
0x2c: {  	s6 =	simm.s32 $0x180;
	s8 =	rddreg [dreg:$0xc];
	[sflag:s12] =	ssyncadd.s32 $0xFFFFFF80  }
0x2d: {  	[tilespmem:s6], [sflag:$0x8] =	stream.linear.gather [hbm4b:s8+s2], $0x4000, $0x38;
	[tilespmem:$0x16200] =	vst v63  }
0x2e: {  	_ =	swait.ge [sflag:s12], $0x4000  }
0x2f: {  	[sflag:s12] =	ssyncset.done $0x0  }
0x30: {  	[sflag:s12] =	ssyncadd.s32 $0xFFFFC000  }
0x31: {  	[tilespmem:s16], [sflag:$0x1] =	stream.indirect.gather [hbm4b:s3+s13], $0x40, s2, s13, $0xb8;
	[tilespmem:$0x16200] =	vst v63  }
0x32: {  	s7 =	simm.s32 $0x6180;
	s14 =	rddreg [dreg:$0x8]  }
0x33: {  	[tilespmem:s7], [sflag:$0x2] =	stream.indirect.gather [hbm4b:s14+s13], $0x40, s13, s13, $0xb8;
	[tilespmem:$0x16200] =	vst v63  }
0x34: {  	_ = 	snop  }
0x35: {  	[tilespmem:s18], [sflag:$0x3] =	stream.indirect.gather [hbm4b:s3+s13], $0x40, s5, s13, $0xb8;
	[tilespmem:$0x16200] =	vst v63  }
0x36: {  	_ = 	snop  }
0x37: {  	[tilespmem:s19], [sflag:$0x4] =	stream.indirect.gather [hbm4b:s3+s13], $0x40, s6, s13, $0xb8;
	[tilespmem:$0x16200] =	vst v63  }
0x38: {  	s15 =	simm.s32 $0x200  }
0x39: {  	[tilespmem:s21], [sflag:$0x5] =	stream.indirect.gather [hbm4b:s3+s13], $0x40, s15, s13, $0xb8;
	[tilespmem:$0x16200] =	vst v63  }
0x3a: {  	s17 =	simm.s32 $0x280  }
0x3b: {  	[tilespmem:s23], [sflag:$0x6] =	stream.indirect.gather [hbm4b:s3+s13], $0x40, s17, s13, $0xb8;
	[tilespmem:$0x16200] =	vst v63  }
0x3c: {  	s20 =	simm.s32 $0x300  }
0x3d: {  	[tilespmem:s25], [sflag:$0x7] =	stream.indirect.gather [hbm4b:s3+s13], $0x40, s20, s13, $0xb8;
	[tilespmem:$0x16200] =	vst v63  }
0x3e: {  	_ =	swait.ge [sflag:s26], $0x2000  }
0x3f: {  	[sflag:s26] =	ssyncset.done $0x0  }
0x40: {  	[sflag:s26] =	ssyncadd.s32 $0xFFFFE000  }
0x41: {  	_ =	swait.ge [sflag:s28], $0x2000  }
0x42: {  	[sflag:s28] =	ssyncset.done $0x0  }
0x43: {  	[sflag:s28] =	ssyncadd.s32 $0xFFFFE000  }
0x44: {  	_ =	swait.ge [sflag:s29], $0x2000  }
0x45: {  	[sflag:s29] =	ssyncset.done $0x0  }
0x46: {  	s4 =	simm.s32 $0x0;
	[sflag:s29] =	ssyncadd.s32 $0xFFFFE000  }
0x47: {  	v14 =	vld [tilespmem:s4+$0x6180]  }
0x48: {  	v15 =	vld [tilespmem:s4+$0x6190]  }
0x49: {  	v10 =	vld [tilespmem:s4+$0x61A0]  }
0x4a: {  	v9 =	vld [tilespmem:s4+$0x61B0]  }
0x4b: {  	v13 =	vld [tilespmem:s4+$0x4180]  }
0x4c: {  	v12 =	vld [tilespmem:s4+$0x4190]  }
0x4d: {  	s5 =	simm.s32 $0x100;
	v11 =	vld [tilespmem:s4+$0x41A0]  }
.LBB2_2:
0x4e: {  	s14 =	sshra.s32 s5, $0x2;
	p0 =	sne.s32 s5, $0x7F00;
	v16 =	vld [tilespmem:s4+$0x41B0];
	v17 =	vmov v10  }
0x4f: {  	v18 =	vld [tilespmem:s14+$0x6180];
	v19 =	vmov v9  }
0x50: {  	v20 =	vld [tilespmem:s14+$0x6190];
	v13 =	vadd.f32 v14, v13  }
.Ltmp2:
0x51: {  	v10 =	vld [tilespmem:s14+$0x61A0];
	v12 =	vadd.f32 v15, v12;
	(pc) =	sbr.rel @p0 .LBB2_2-.Ltmp2, $4  }
0x52: {  	v9 =	vld [tilespmem:s14+$0x61B0];
	[tilespmem:s4+$0x4180] =	vst v13;
	v11 =	vadd.f32 v17, v11  }
0x53: {  	v13 =	vld [tilespmem:s14+$0x4180];
	[tilespmem:s4+$0x4190] =	vst v12;
	v16 =	vadd.f32 v19, v16  }
0x54: {  	v12 =	vld [tilespmem:s14+$0x4190];
	[tilespmem:s4+$0x41A0] =	vst v11;
	v14 =	vmov v18  }
0x55: {  	s5 =	sadd.s32 $0x100, s5;
	v11 =	vld [tilespmem:s14+$0x41A0];
	[tilespmem:s4+$0x41B0] =	vst v16;
	v15 =	vmov v20;
	s4 =	smov.u32 s14  }
0x56: {  	v16 =	vld [tilespmem:s4+$0x41B0];
	s5 =	simm.s32 $0x0  }
0x57: {  	v17 =	vadd.s32 s5, v0  }
0x58: {  	s20 =	simm.s32 $0x1;
	v13 =	vadd.f32 v14, v13;
	v14 =	vand.u32 $0x3F, v17  }
0x59: {  	v12 =	vadd.f32 v15, v12;
	v15 =	vadd.s32 s20, v0;
	v14 =	vor.u32 v1, v14  }
0x5a: {  	s6 =	simm.s32 $0x2;
	[tilespmem:s4+$0x4180] =	vst v13;
	v10 =	vadd.f32 v10, v11;
	v11 =	vand.u32 $0x3F, v15  }
0x5b: {  	[tilespmem:s4+$0x4190] =	vst v12;
	v9 =	vadd.f32 v9, v16;
	v12 =	vadd.s32 s6, v0;
	v11 =	vor.u32 v1, v11  }
0x5c: {  	s7 =	simm.s32 $0x3;
	[tilespmem:s4+$0x41A0] =	vst v10;
	v10 =	vand.u32 $0x3F, v12  }
0x5d: {  	[tilespmem:s4+$0x41B0] =	vst v9;
	v9 =	vadd.s32 s7, v0;
	v10 =	vor.u32 v1, v10  }
0x5e: {  	s8 =	simm.s32 $0x4;
	v12 =	vld.idx.msk [tilespmem:v14+s18+$0x0], $0xffff;
	v9 =	vand.u32 $0x3F, v9  }
0x5f: {  	v13 =	vadd.s32 s8, v0;
	v14 =	vld.idx.msk [tilespmem:v14+s16+$0x0], $0xffff;
	v16 =	vor.u32 v1, v9  }
0x60: {  	s14 =	simm.s32 $0x5;
	v9 =	vand.u32 $0x3F, v13;
	v19 =	vld.idx.msk [tilespmem:v11+s18+$0x0], $0xffff  }
0x61: {  	v13 =	vadd.s32 s14, v0;
	v17 =	vor.u32 v1, v9;
	v20 =	vld.idx.msk [tilespmem:v11+s16+$0x0], $0xffff  }
0x62: {  	s15 =	simm.s32 $0x6;
	v11 =	vand.u32 $0x3F, v13;
	v9 =	vld.idx.msk [tilespmem:v10+s18+$0x0], $0xffff  }
0x63: {  	v13 =	vor.u32 v1, v11;
	v11 =	vadd.s32 s15, v0;
	v15 =	vld.idx.msk [tilespmem:v10+s16+$0x0], $0xffff  }
0x64: {  	s17 =	simm.s32 $0x7;
	v11 =	vand.u32 $0x3F, v11;
	v10 =	vld.idx.msk [tilespmem:v16+s18+$0x0], $0xffff  }
0x65: {  	v22 =	vadd.s32 s17, v0;
	s4 =	simm.s32 $0x8;
	v12 =	vsub.f32 v12, v14;
	v18 =	vld.idx.msk [tilespmem:v16+s16+$0x0], $0xffff;
	v16 =	vor.u32 v1, v11  }
0x66: {  	v21 =	vimm.f32 $0.0e+00;
	v23 =	vadd.s32 s4, v0;
	v14 =	vand.u32 $0x3F, v22;
	v11 =	vld.idx.msk [tilespmem:v17+s18+$0x0], $0xffff  }
0x67: {  	s20 =	simm.s32 $0x9;
	v14 =	vor.u32 v1, v14;
	v17 =	vld.idx.msk [tilespmem:v17+s16+$0x0], $0xffff;
	v24 =	vand.u32 $0x7FFFFFFF, v12;
	v20 =	vsub.f32 v19, v20  }
0x68: {  	s5 =	simm.s32 $0xC;
	v22 =	vand.u32 $0x3F, v23;
	v19 =	vadd.s32 s20, v0;
	v12 =	vld.idx.msk [tilespmem:v13+s18+$0x0], $0xffff;
	v21 =	vadd.f32 v24, v21  }
.LBB2_4:
0x69: {  	p0 =	slt.u32 s5, $0x3C;
	v22 =	vor.u32 v1, v22;
	s14 =	sadd.s32 $0x2, s4;
	v23 =	vld.idx.msk [tilespmem:v13+s16+$0x0], $0xffff;
	v13 =	vand.u32 $0x7FFFFFFF, v20;
	v20 =	vsub.f32 v9, v15  }
0x6a: {  	v15 =	vand.u32 $0x3F, v19;
	v19 =	vadd.s32 s14, v0;
	v9 =	vld.idx.msk [tilespmem:v16+s18+$0x0], $0xffff;
	v21 =	vadd.f32 v13, v21  }
0x6b: {  	v13 =	vor.u32 v1, v15;
	s14 =	sadd.s32 $0x3, s4;
	s4 =	smov.u32 s5;
	v15 =	vld.idx.msk [tilespmem:v16+s16+$0x0], $0xffff;
	v16 =	vand.u32 $0x7FFFFFFF, v20;
	v20 =	vsub.f32 v10, v18  }
.Ltmp3:
0x6c: {  	v18 =	vand.u32 $0x3F, v19;
	v19 =	vadd.s32 s14, v0;
	v10 =	vld.idx.msk [tilespmem:v14+s18+$0x0], $0xffff;
	v21 =	vadd.f32 v16, v21;
	(pc) =	sbr.rel @p0 .LBB2_4-.Ltmp3, $4  }
0x6d: {  	v16 =	vor.u32 v1, v18;
	v24 =	vsub.f32 v11, v17;
	v18 =	vld.idx.msk [tilespmem:v14+s16+$0x0], $0xffff;
	v14 =	vand.u32 $0x7FFFFFFF, v20  }
0x6e: {  	v25 =	vadd.s32 s5, v0;
	v19 =	vand.u32 $0x3F, v19;
	v11 =	vld.idx.msk [tilespmem:v22+s18+$0x0], $0xffff;
	v21 =	vadd.f32 v14, v21  }
0x6f: {  	s14 =	sadd.s32 $0x1, s5;
	v14 =	vor.u32 v1, v19;
	v24 =	vand.u32 $0x7FFFFFFF, v24;
	v20 =	vsub.f32 v12, v23;
	v17 =	vld.idx.msk [tilespmem:v22+s16+$0x0], $0xffff  }
0x70: {  	s5 =	sadd.s32 $0x4, s5;
	v19 =	vadd.s32 s14, v0;
	v22 =	vand.u32 $0x3F, v25;
	v12 =	vld.idx.msk [tilespmem:v13+s18+$0x0], $0xffff;
	v21 =	vadd.f32 v24, v21  }
0x71: {  	_ =	sdelay $0x2  }
0x72: {  	v20 =	vand.u32 $0x7FFFFFFF, v20;
	v9 =	vsub.f32 v9, v15  }
0x73: {  	v15 =	vor.u32 v1, v22;
	v13 =	vld.idx.msk [tilespmem:v13+s16+$0x0], $0xffff;
	v20 =	vadd.f32 v20, v21  }
0x74: {  	s5 =	sadd.s32 $0x2, s4;
	v19 =	vand.u32 $0x3F, v19;
	v21 =	vld.idx.msk [tilespmem:v16+s18+$0x0], $0xffff;
	v10 =	vsub.f32 v10, v18;
	v9 =	vand.u32 $0x7FFFFFFF, v9  }
0x75: {  	v18 =	vadd.s32 s5, v0;
	v19 =	vor.u32 v1, v19;
	v16 =	vld.idx.msk [tilespmem:v16+s16+$0x0], $0xffff;
	v9 =	vadd.f32 v9, v20  }
0x76: {  	s17 =	sadd.s32 $0x3, s4;
	v18 =	vand.u32 $0x3F, v18;
	v20 =	vld.idx.msk [tilespmem:v14+s18+$0x0], $0xffff;
	v11 =	vsub.f32 v11, v17;
	v10 =	vand.u32 $0x7FFFFFFF, v10  }
0x77: {  	v17 =	vadd.s32 s17, v0;
	v18 =	vor.u32 v1, v18;
	v14 =	vld.idx.msk [tilespmem:v14+s16+$0x0], $0xffff;
	v9 =	vadd.f32 v10, v9  }
0x78: {  	v17 =	vand.u32 $0x3F, v17;
	v10 =	vld.idx.msk [tilespmem:v15+s18+$0x0], $0xffff;
	v11 =	vand.u32 $0x7FFFFFFF, v11;
	v12 =	vsub.f32 v12, v13  }
0x79: {  	v13 =	vld.idx.msk [tilespmem:v15+s16+$0x0], $0xffff;
	v15 =	vor.u32 v1, v17;
	v9 =	vadd.f32 v11, v9  }
0x7a: {  	v16 =	vsub.f32 v21, v16;
	v17 =	vld.idx.msk [tilespmem:v19+s16+$0x0], $0xffff;
	v12 =	vand.u32 $0x7FFFFFFF, v12  }
0x7b: {  	v11 =	vld.idx.msk [tilespmem:v19+s18+$0x0], $0xffff;
	v9 =	vadd.f32 v12, v9  }
0x7c: {  	v16 =	vand.u32 $0x7FFFFFFF, v16;
	v14 =	vsub.f32 v20, v14;
	v12 =	vld.idx.msk [tilespmem:v18+s18+$0x0], $0xffff  }
0x7d: {  	v18 =	vld.idx.msk [tilespmem:v18+s16+$0x0], $0xffff;
	v9 =	vadd.f32 v16, v9  }
0x7e: {  	v10 =	vsub.f32 v10, v13;
	v13 =	vand.u32 $0x7FFFFFFF, v14;
	v14 =	vld.idx.msk [tilespmem:v15+s16+$0x0], $0xffff  }
0x7f: {  	v16 =	vld.idx.msk [tilespmem:v15+s18+$0x0], $0xffff;
	v9 =	vadd.f32 v13, v9  }
0x80: {  	v10 =	vand.u32 $0x7FFFFFFF, v10;
	v11 =	vsub.f32 v11, v17  }
0x81: {  	v9 =	vadd.f32 v10, v9  }
0x82: {  	v10 =	vand.u32 $0x7FFFFFFF, v11;
	v11 =	vsub.f32 v12, v18  }
0x83: {  	v9 =	vadd.f32 v10, v9  }
0x84: {  	s20 =	simm.s32 $0x0;
	v10 =	vand.u32 $0x7FFFFFFF, v11;
	v11 =	vsub.f32 v16, v14  }
0x85: {  	v9 =	vadd.f32 v10, v9;
	v10 =	vadd.s32 s20, v0  }
0x86: {  	s6 =	simm.s32 $0x2;
	v11 =	vand.u32 $0x7FFFFFFF, v11;
	v10 =	vand.u32 $0x3F, v10  }
0x87: {  	s5 =	simm.s32 $0x1;
	v12 =	vadd.s32 s6, v0;
	v9 =	vadd.f32 v11, v9;
	v10 =	vor.u32 v2, v10  }
0x88: {  	v12 =	vand.u32 $0x3F, v12;
	v11 =	vadd.s32 s5, v0  }
0x89: {  	v12 =	vor.u32 v2, v12;
	v11 =	vand.u32 $0x3F, v11;
	v9 =	vsub.f32 $2.400000000e+01, v9  }
0x8a: {  	s7 =	simm.s32 $0x3;
	v11 =	vor.u32 v2, v11  }
0x8b: {  	[tilespmem:$0x12180] =	vst v9;
	v9 =	vadd.s32 s7, v0  }
0x8c: {  	s8 =	simm.s32 $0x4;
	v14 =	vld.idx.msk [tilespmem:v10+s18+$0x0], $0xffff;
	v9 =	vand.u32 $0x3F, v9  }
0x8d: {  	v13 =	vadd.s32 s8, v0;
	v16 =	vld.idx.msk [tilespmem:v10+s16+$0x0], $0xffff;
	v17 =	vor.u32 v2, v9  }
0x8e: {  	s14 =	simm.s32 $0x5;
	v15 =	vld.idx.msk [tilespmem:v12+s16+$0x0], $0xffff;
	v9 =	vand.u32 $0x3F, v13  }
0x8f: {  	v10 =	vadd.s32 s14, v0;
	v19 =	vld.idx.msk [tilespmem:v11+s18+$0x0], $0xffff;
	v20 =	vor.u32 v2, v9  }
0x90: {  	s15 =	simm.s32 $0x6;
	v10 =	vand.u32 $0x3F, v10;
	v21 =	vld.idx.msk [tilespmem:v11+s16+$0x0], $0xffff  }
0x91: {  	v9 =	vld.idx.msk [tilespmem:v12+s18+$0x0], $0xffff;
	v13 =	vor.u32 v2, v10;
	v11 =	vadd.s32 s15, v0  }
0x92: {  	s17 =	simm.s32 $0x7;
	v11 =	vand.u32 $0x3F, v11;
	v10 =	vld.idx.msk [tilespmem:v17+s18+$0x0], $0xffff  }
0x93: {  	s4 =	simm.s32 $0x8;
	v12 =	vadd.s32 s17, v0;
	v22 =	vsub.f32 v14, v16;
	v16 =	vor.u32 v2, v11;
	v18 =	vld.idx.msk [tilespmem:v17+s16+$0x0], $0xffff  }
0x94: {  	v23 =	vimm.f32 $0.0e+00;
	v24 =	vadd.s32 s4, v0;
	v12 =	vand.u32 $0x3F, v12;
	v11 =	vld.idx.msk [tilespmem:v20+s18+$0x0], $0xffff  }
0x95: {  	s20 =	simm.s32 $0x9;
	v14 =	vor.u32 v2, v12;
	v17 =	vld.idx.msk [tilespmem:v20+s16+$0x0], $0xffff;
	v25 =	vand.u32 $0x7FFFFFFF, v22;
	v20 =	vsub.f32 v19, v21  }
0x96: {  	s5 =	simm.s32 $0xC;
	v22 =	vand.u32 $0x3F, v24;
	v19 =	vadd.s32 s20, v0;
	v12 =	vld.idx.msk [tilespmem:v13+s18+$0x0], $0xffff;
	v21 =	vadd.f32 v25, v23  }
.LBB2_6:
0x97: {  	p0 =	slt.u32 s5, $0x3C;
	v22 =	vor.u32 v2, v22;
	s14 =	sadd.s32 $0x2, s4;
	v23 =	vld.idx.msk [tilespmem:v13+s16+$0x0], $0xffff;
	v13 =	vand.u32 $0x7FFFFFFF, v20;
	v20 =	vsub.f32 v9, v15  }
0x98: {  	v15 =	vand.u32 $0x3F, v19;
	v19 =	vadd.s32 s14, v0;
	v9 =	vld.idx.msk [tilespmem:v16+s18+$0x0], $0xffff;
	v21 =	vadd.f32 v13, v21  }
0x99: {  	v13 =	vor.u32 v2, v15;
	s14 =	sadd.s32 $0x3, s4;
	s4 =	smov.u32 s5;
	v15 =	vld.idx.msk [tilespmem:v16+s16+$0x0], $0xffff;
	v16 =	vand.u32 $0x7FFFFFFF, v20;
	v20 =	vsub.f32 v10, v18  }
.Ltmp4:
0x9a: {  	v18 =	vand.u32 $0x3F, v19;
	v19 =	vadd.s32 s14, v0;
	v10 =	vld.idx.msk [tilespmem:v14+s18+$0x0], $0xffff;
	v21 =	vadd.f32 v16, v21;
	(pc) =	sbr.rel @p0 .LBB2_6-.Ltmp4, $4  }
0x9b: {  	v16 =	vor.u32 v2, v18;
	v24 =	vsub.f32 v11, v17;
	v18 =	vld.idx.msk [tilespmem:v14+s16+$0x0], $0xffff;
	v14 =	vand.u32 $0x7FFFFFFF, v20  }
0x9c: {  	v25 =	vadd.s32 s5, v0;
	v19 =	vand.u32 $0x3F, v19;
	v11 =	vld.idx.msk [tilespmem:v22+s18+$0x0], $0xffff;
	v21 =	vadd.f32 v14, v21  }
0x9d: {  	s14 =	sadd.s32 $0x1, s5;
	v14 =	vor.u32 v2, v19;
	v24 =	vand.u32 $0x7FFFFFFF, v24;
	v20 =	vsub.f32 v12, v23;
	v17 =	vld.idx.msk [tilespmem:v22+s16+$0x0], $0xffff  }
0x9e: {  	s5 =	sadd.s32 $0x4, s5;
	v19 =	vadd.s32 s14, v0;
	v22 =	vand.u32 $0x3F, v25;
	v12 =	vld.idx.msk [tilespmem:v13+s18+$0x0], $0xffff;
	v21 =	vadd.f32 v24, v21  }
0x9f: {  	_ =	sdelay $0x2  }
0xa0: {  	v20 =	vand.u32 $0x7FFFFFFF, v20;
	v9 =	vsub.f32 v9, v15  }
0xa1: {  	v15 =	vor.u32 v2, v22;
	v13 =	vld.idx.msk [tilespmem:v13+s16+$0x0], $0xffff;
	v20 =	vadd.f32 v20, v21  }
0xa2: {  	s5 =	sadd.s32 $0x2, s4;
	v19 =	vand.u32 $0x3F, v19;
	v21 =	vld.idx.msk [tilespmem:v16+s18+$0x0], $0xffff;
	v10 =	vsub.f32 v10, v18;
	v9 =	vand.u32 $0x7FFFFFFF, v9  }
0xa3: {  	v18 =	vadd.s32 s5, v0;
	v19 =	vor.u32 v2, v19;
	v16 =	vld.idx.msk [tilespmem:v16+s16+$0x0], $0xffff;
	v9 =	vadd.f32 v9, v20  }
0xa4: {  	s17 =	sadd.s32 $0x3, s4;
	v18 =	vand.u32 $0x3F, v18;
	v20 =	vld.idx.msk [tilespmem:v14+s18+$0x0], $0xffff;
	v11 =	vsub.f32 v11, v17;
	v10 =	vand.u32 $0x7FFFFFFF, v10  }
0xa5: {  	v17 =	vadd.s32 s17, v0;
	v18 =	vor.u32 v2, v18;
	v14 =	vld.idx.msk [tilespmem:v14+s16+$0x0], $0xffff;
	v9 =	vadd.f32 v10, v9  }
0xa6: {  	v17 =	vand.u32 $0x3F, v17;
	v10 =	vld.idx.msk [tilespmem:v15+s18+$0x0], $0xffff;
	v11 =	vand.u32 $0x7FFFFFFF, v11;
	v12 =	vsub.f32 v12, v13  }
0xa7: {  	v13 =	vld.idx.msk [tilespmem:v15+s16+$0x0], $0xffff;
	v15 =	vor.u32 v2, v17;
	v9 =	vadd.f32 v11, v9  }
0xa8: {  	v16 =	vsub.f32 v21, v16;
	v17 =	vld.idx.msk [tilespmem:v19+s16+$0x0], $0xffff;
	v12 =	vand.u32 $0x7FFFFFFF, v12  }
0xa9: {  	v11 =	vld.idx.msk [tilespmem:v19+s18+$0x0], $0xffff;
	v9 =	vadd.f32 v12, v9  }
0xaa: {  	v16 =	vand.u32 $0x7FFFFFFF, v16;
	v14 =	vsub.f32 v20, v14;
	v12 =	vld.idx.msk [tilespmem:v18+s18+$0x0], $0xffff  }
0xab: {  	v18 =	vld.idx.msk [tilespmem:v18+s16+$0x0], $0xffff;
	v9 =	vadd.f32 v16, v9  }
0xac: {  	v10 =	vsub.f32 v10, v13;
	v13 =	vand.u32 $0x7FFFFFFF, v14;
	v14 =	vld.idx.msk [tilespmem:v15+s16+$0x0], $0xffff  }
0xad: {  	v16 =	vld.idx.msk [tilespmem:v15+s18+$0x0], $0xffff;
	v9 =	vadd.f32 v13, v9  }
0xae: {  	v10 =	vand.u32 $0x7FFFFFFF, v10;
	v11 =	vsub.f32 v11, v17  }
0xaf: {  	v9 =	vadd.f32 v10, v9  }
0xb0: {  	v10 =	vand.u32 $0x7FFFFFFF, v11;
	v11 =	vsub.f32 v12, v18  }
0xb1: {  	v9 =	vadd.f32 v10, v9  }
0xb2: {  	s20 =	simm.s32 $0x0;
	v10 =	vand.u32 $0x7FFFFFFF, v11;
	v11 =	vsub.f32 v16, v14  }
0xb3: {  	v9 =	vadd.f32 v10, v9;
	v10 =	vadd.s32 s20, v0  }
0xb4: {  	s6 =	simm.s32 $0x2;
	v11 =	vand.u32 $0x7FFFFFFF, v11;
	v10 =	vand.u32 $0x3F, v10  }
0xb5: {  	s5 =	simm.s32 $0x1;
	v12 =	vadd.s32 s6, v0;
	v9 =	vadd.f32 v11, v9;
	v10 =	vor.u32 v3, v10  }
0xb6: {  	v12 =	vand.u32 $0x3F, v12;
	v11 =	vadd.s32 s5, v0  }
0xb7: {  	v12 =	vor.u32 v3, v12;
	v11 =	vand.u32 $0x3F, v11;
	v9 =	vsub.f32 $2.400000000e+01, v9  }
0xb8: {  	s7 =	simm.s32 $0x3;
	v11 =	vor.u32 v3, v11  }
0xb9: {  	[tilespmem:$0x12190] =	vst v9;
	v9 =	vadd.s32 s7, v0  }
0xba: {  	s8 =	simm.s32 $0x4;
	v14 =	vld.idx.msk [tilespmem:v10+s18+$0x0], $0xffff;
	v9 =	vand.u32 $0x3F, v9  }
0xbb: {  	v13 =	vadd.s32 s8, v0;
	v16 =	vld.idx.msk [tilespmem:v10+s16+$0x0], $0xffff;
	v17 =	vor.u32 v3, v9  }
0xbc: {  	s14 =	simm.s32 $0x5;
	v15 =	vld.idx.msk [tilespmem:v12+s16+$0x0], $0xffff;
	v9 =	vand.u32 $0x3F, v13  }
0xbd: {  	v10 =	vadd.s32 s14, v0;
	v19 =	vld.idx.msk [tilespmem:v11+s18+$0x0], $0xffff;
	v20 =	vor.u32 v3, v9  }
0xbe: {  	s15 =	simm.s32 $0x6;
	v10 =	vand.u32 $0x3F, v10;
	v21 =	vld.idx.msk [tilespmem:v11+s16+$0x0], $0xffff  }
0xbf: {  	v9 =	vld.idx.msk [tilespmem:v12+s18+$0x0], $0xffff;
	v13 =	vor.u32 v3, v10;
	v11 =	vadd.s32 s15, v0  }
0xc0: {  	s17 =	simm.s32 $0x7;
	v11 =	vand.u32 $0x3F, v11;
	v10 =	vld.idx.msk [tilespmem:v17+s18+$0x0], $0xffff  }
0xc1: {  	s4 =	simm.s32 $0x8;
	v12 =	vadd.s32 s17, v0;
	v22 =	vsub.f32 v14, v16;
	v16 =	vor.u32 v3, v11;
	v18 =	vld.idx.msk [tilespmem:v17+s16+$0x0], $0xffff  }
0xc2: {  	v23 =	vimm.f32 $0.0e+00;
	v24 =	vadd.s32 s4, v0;
	v12 =	vand.u32 $0x3F, v12;
	v11 =	vld.idx.msk [tilespmem:v20+s18+$0x0], $0xffff  }
0xc3: {  	s20 =	simm.s32 $0x9;
	v14 =	vor.u32 v3, v12;
	v17 =	vld.idx.msk [tilespmem:v20+s16+$0x0], $0xffff;
	v25 =	vand.u32 $0x7FFFFFFF, v22;
	v20 =	vsub.f32 v19, v21  }
0xc4: {  	s5 =	simm.s32 $0xC;
	v22 =	vand.u32 $0x3F, v24;
	v19 =	vadd.s32 s20, v0;
	v12 =	vld.idx.msk [tilespmem:v13+s18+$0x0], $0xffff;
	v21 =	vadd.f32 v25, v23  }
.LBB2_8:
0xc5: {  	p0 =	slt.u32 s5, $0x3C;
	v22 =	vor.u32 v3, v22;
	s14 =	sadd.s32 $0x2, s4;
	v23 =	vld.idx.msk [tilespmem:v13+s16+$0x0], $0xffff;
	v13 =	vand.u32 $0x7FFFFFFF, v20;
	v20 =	vsub.f32 v9, v15  }
0xc6: {  	v15 =	vand.u32 $0x3F, v19;
	v19 =	vadd.s32 s14, v0;
	v9 =	vld.idx.msk [tilespmem:v16+s18+$0x0], $0xffff;
	v21 =	vadd.f32 v13, v21  }
0xc7: {  	v13 =	vor.u32 v3, v15;
	s14 =	sadd.s32 $0x3, s4;
	s4 =	smov.u32 s5;
	v15 =	vld.idx.msk [tilespmem:v16+s16+$0x0], $0xffff;
	v16 =	vand.u32 $0x7FFFFFFF, v20;
	v20 =	vsub.f32 v10, v18  }
.Ltmp5:
0xc8: {  	v18 =	vand.u32 $0x3F, v19;
	v19 =	vadd.s32 s14, v0;
	v10 =	vld.idx.msk [tilespmem:v14+s18+$0x0], $0xffff;
	v21 =	vadd.f32 v16, v21;
	(pc) =	sbr.rel @p0 .LBB2_8-.Ltmp5, $4  }
0xc9: {  	v16 =	vor.u32 v3, v18;
	v24 =	vsub.f32 v11, v17;
	v18 =	vld.idx.msk [tilespmem:v14+s16+$0x0], $0xffff;
	v14 =	vand.u32 $0x7FFFFFFF, v20  }
0xca: {  	v25 =	vadd.s32 s5, v0;
	v19 =	vand.u32 $0x3F, v19;
	v11 =	vld.idx.msk [tilespmem:v22+s18+$0x0], $0xffff;
	v21 =	vadd.f32 v14, v21  }
0xcb: {  	s14 =	sadd.s32 $0x1, s5;
	v14 =	vor.u32 v3, v19;
	v24 =	vand.u32 $0x7FFFFFFF, v24;
	v20 =	vsub.f32 v12, v23;
	v17 =	vld.idx.msk [tilespmem:v22+s16+$0x0], $0xffff  }
0xcc: {  	s5 =	sadd.s32 $0x4, s5;
	v19 =	vadd.s32 s14, v0;
	v22 =	vand.u32 $0x3F, v25;
	v12 =	vld.idx.msk [tilespmem:v13+s18+$0x0], $0xffff;
	v21 =	vadd.f32 v24, v21  }
0xcd: {  	_ =	sdelay $0x2  }
0xce: {  	v20 =	vand.u32 $0x7FFFFFFF, v20;
	v9 =	vsub.f32 v9, v15  }
0xcf: {  	v15 =	vor.u32 v3, v22;
	v13 =	vld.idx.msk [tilespmem:v13+s16+$0x0], $0xffff;
	v20 =	vadd.f32 v20, v21  }
0xd0: {  	s5 =	sadd.s32 $0x2, s4;
	v19 =	vand.u32 $0x3F, v19;
	v21 =	vld.idx.msk [tilespmem:v16+s18+$0x0], $0xffff;
	v10 =	vsub.f32 v10, v18;
	v9 =	vand.u32 $0x7FFFFFFF, v9  }
0xd1: {  	v18 =	vadd.s32 s5, v0;
	v19 =	vor.u32 v3, v19;
	v16 =	vld.idx.msk [tilespmem:v16+s16+$0x0], $0xffff;
	v9 =	vadd.f32 v9, v20  }
0xd2: {  	s17 =	sadd.s32 $0x3, s4;
	v18 =	vand.u32 $0x3F, v18;
	v20 =	vld.idx.msk [tilespmem:v14+s18+$0x0], $0xffff;
	v11 =	vsub.f32 v11, v17;
	v10 =	vand.u32 $0x7FFFFFFF, v10  }
0xd3: {  	v17 =	vadd.s32 s17, v0;
	v18 =	vor.u32 v3, v18;
	v14 =	vld.idx.msk [tilespmem:v14+s16+$0x0], $0xffff;
	v9 =	vadd.f32 v10, v9  }
0xd4: {  	v17 =	vand.u32 $0x3F, v17;
	v10 =	vld.idx.msk [tilespmem:v15+s18+$0x0], $0xffff;
	v11 =	vand.u32 $0x7FFFFFFF, v11;
	v12 =	vsub.f32 v12, v13  }
0xd5: {  	v13 =	vld.idx.msk [tilespmem:v15+s16+$0x0], $0xffff;
	v15 =	vor.u32 v3, v17;
	v9 =	vadd.f32 v11, v9  }
0xd6: {  	v16 =	vsub.f32 v21, v16;
	v17 =	vld.idx.msk [tilespmem:v19+s16+$0x0], $0xffff;
	v12 =	vand.u32 $0x7FFFFFFF, v12  }
0xd7: {  	v11 =	vld.idx.msk [tilespmem:v19+s18+$0x0], $0xffff;
	v9 =	vadd.f32 v12, v9  }
0xd8: {  	v16 =	vand.u32 $0x7FFFFFFF, v16;
	v14 =	vsub.f32 v20, v14;
	v12 =	vld.idx.msk [tilespmem:v18+s18+$0x0], $0xffff  }
0xd9: {  	v18 =	vld.idx.msk [tilespmem:v18+s16+$0x0], $0xffff;
	v9 =	vadd.f32 v16, v9  }
0xda: {  	v10 =	vsub.f32 v10, v13;
	v13 =	vand.u32 $0x7FFFFFFF, v14;
	v14 =	vld.idx.msk [tilespmem:v15+s16+$0x0], $0xffff  }
0xdb: {  	v16 =	vld.idx.msk [tilespmem:v15+s18+$0x0], $0xffff;
	v9 =	vadd.f32 v13, v9  }
0xdc: {  	v10 =	vand.u32 $0x7FFFFFFF, v10;
	v11 =	vsub.f32 v11, v17  }
0xdd: {  	v9 =	vadd.f32 v10, v9  }
0xde: {  	v10 =	vand.u32 $0x7FFFFFFF, v11;
	v11 =	vsub.f32 v12, v18  }
0xdf: {  	v9 =	vadd.f32 v10, v9  }
0xe0: {  	s20 =	simm.s32 $0x0;
	v10 =	vand.u32 $0x7FFFFFFF, v11;
	v11 =	vsub.f32 v16, v14  }
0xe1: {  	v9 =	vadd.f32 v10, v9;
	v10 =	vadd.s32 s20, v0  }
0xe2: {  	s6 =	simm.s32 $0x2;
	v11 =	vand.u32 $0x7FFFFFFF, v11;
	v10 =	vand.u32 $0x3F, v10  }
0xe3: {  	s5 =	simm.s32 $0x1;
	v12 =	vadd.s32 s6, v0;
	v9 =	vadd.f32 v11, v9;
	v10 =	vor.u32 v4, v10  }
0xe4: {  	v12 =	vand.u32 $0x3F, v12;
	v11 =	vadd.s32 s5, v0  }
0xe5: {  	v12 =	vor.u32 v4, v12;
	v11 =	vand.u32 $0x3F, v11;
	v9 =	vsub.f32 $2.400000000e+01, v9  }
0xe6: {  	s7 =	simm.s32 $0x3;
	v11 =	vor.u32 v4, v11  }
0xe7: {  	[tilespmem:$0x121A0] =	vst v9;
	v9 =	vadd.s32 s7, v0  }
0xe8: {  	s8 =	simm.s32 $0x4;
	v14 =	vld.idx.msk [tilespmem:v10+s18+$0x0], $0xffff;
	v9 =	vand.u32 $0x3F, v9  }
0xe9: {  	v13 =	vadd.s32 s8, v0;
	v16 =	vld.idx.msk [tilespmem:v10+s16+$0x0], $0xffff;
	v17 =	vor.u32 v4, v9  }
0xea: {  	s14 =	simm.s32 $0x5;
	v15 =	vld.idx.msk [tilespmem:v12+s16+$0x0], $0xffff;
	v9 =	vand.u32 $0x3F, v13  }
0xeb: {  	v10 =	vadd.s32 s14, v0;
	v19 =	vld.idx.msk [tilespmem:v11+s18+$0x0], $0xffff;
	v20 =	vor.u32 v4, v9  }
0xec: {  	s15 =	simm.s32 $0x6;
	v10 =	vand.u32 $0x3F, v10;
	v21 =	vld.idx.msk [tilespmem:v11+s16+$0x0], $0xffff  }
0xed: {  	v9 =	vld.idx.msk [tilespmem:v12+s18+$0x0], $0xffff;
	v13 =	vor.u32 v4, v10;
	v11 =	vadd.s32 s15, v0  }
0xee: {  	s17 =	simm.s32 $0x7;
	v11 =	vand.u32 $0x3F, v11;
	v10 =	vld.idx.msk [tilespmem:v17+s18+$0x0], $0xffff  }
0xef: {  	s4 =	simm.s32 $0x8;
	v12 =	vadd.s32 s17, v0;
	v22 =	vsub.f32 v14, v16;
	v16 =	vor.u32 v4, v11;
	v18 =	vld.idx.msk [tilespmem:v17+s16+$0x0], $0xffff  }
0xf0: {  	v23 =	vimm.f32 $0.0e+00;
	v24 =	vadd.s32 s4, v0;
	v12 =	vand.u32 $0x3F, v12;
	v11 =	vld.idx.msk [tilespmem:v20+s18+$0x0], $0xffff  }
0xf1: {  	s20 =	simm.s32 $0x9;
	v14 =	vor.u32 v4, v12;
	v17 =	vld.idx.msk [tilespmem:v20+s16+$0x0], $0xffff;
	v25 =	vand.u32 $0x7FFFFFFF, v22;
	v20 =	vsub.f32 v19, v21  }
0xf2: {  	s5 =	simm.s32 $0xC;
	v22 =	vand.u32 $0x3F, v24;
	v19 =	vadd.s32 s20, v0;
	v12 =	vld.idx.msk [tilespmem:v13+s18+$0x0], $0xffff;
	v21 =	vadd.f32 v25, v23  }
.LBB2_10:
0xf3: {  	p0 =	slt.u32 s5, $0x3C;
	v22 =	vor.u32 v4, v22;
	s14 =	sadd.s32 $0x2, s4;
	v23 =	vld.idx.msk [tilespmem:v13+s16+$0x0], $0xffff;
	v13 =	vand.u32 $0x7FFFFFFF, v20;
	v20 =	vsub.f32 v9, v15  }
0xf4: {  	v15 =	vand.u32 $0x3F, v19;
	v19 =	vadd.s32 s14, v0;
	v9 =	vld.idx.msk [tilespmem:v16+s18+$0x0], $0xffff;
	v21 =	vadd.f32 v13, v21  }
0xf5: {  	v13 =	vor.u32 v4, v15;
	s14 =	sadd.s32 $0x3, s4;
	s4 =	smov.u32 s5;
	v15 =	vld.idx.msk [tilespmem:v16+s16+$0x0], $0xffff;
	v16 =	vand.u32 $0x7FFFFFFF, v20;
	v20 =	vsub.f32 v10, v18  }
.Ltmp6:
0xf6: {  	v18 =	vand.u32 $0x3F, v19;
	v19 =	vadd.s32 s14, v0;
	v10 =	vld.idx.msk [tilespmem:v14+s18+$0x0], $0xffff;
	v21 =	vadd.f32 v16, v21;
	(pc) =	sbr.rel @p0 .LBB2_10-.Ltmp6, $4  }
0xf7: {  	v16 =	vor.u32 v4, v18;
	v24 =	vsub.f32 v11, v17;
	v18 =	vld.idx.msk [tilespmem:v14+s16+$0x0], $0xffff;
	v14 =	vand.u32 $0x7FFFFFFF, v20  }
0xf8: {  	v25 =	vadd.s32 s5, v0;
	v19 =	vand.u32 $0x3F, v19;
	v11 =	vld.idx.msk [tilespmem:v22+s18+$0x0], $0xffff;
	v21 =	vadd.f32 v14, v21  }
0xf9: {  	s14 =	sadd.s32 $0x1, s5;
	v14 =	vor.u32 v4, v19;
	v24 =	vand.u32 $0x7FFFFFFF, v24;
	v20 =	vsub.f32 v12, v23;
	v17 =	vld.idx.msk [tilespmem:v22+s16+$0x0], $0xffff  }
0xfa: {  	s5 =	sadd.s32 $0x4, s5;
	v19 =	vadd.s32 s14, v0;
	v22 =	vand.u32 $0x3F, v25;
	v12 =	vld.idx.msk [tilespmem:v13+s18+$0x0], $0xffff;
	v21 =	vadd.f32 v24, v21  }
0xfb: {  	_ =	sdelay $0x2  }
0xfc: {  	v20 =	vand.u32 $0x7FFFFFFF, v20;
	v9 =	vsub.f32 v9, v15  }
0xfd: {  	v15 =	vor.u32 v4, v22;
	v13 =	vld.idx.msk [tilespmem:v13+s16+$0x0], $0xffff;
	v20 =	vadd.f32 v20, v21  }
0xfe: {  	s5 =	sadd.s32 $0x2, s4;
	v19 =	vand.u32 $0x3F, v19;
	v21 =	vld.idx.msk [tilespmem:v16+s18+$0x0], $0xffff;
	v10 =	vsub.f32 v10, v18;
	v9 =	vand.u32 $0x7FFFFFFF, v9  }
0xff: {  	v18 =	vadd.s32 s5, v0;
	v19 =	vor.u32 v4, v19;
	v16 =	vld.idx.msk [tilespmem:v16+s16+$0x0], $0xffff;
	v9 =	vadd.f32 v9, v20  }
0x100: {  	s17 =	sadd.s32 $0x3, s4;
	v18 =	vand.u32 $0x3F, v18;
	v20 =	vld.idx.msk [tilespmem:v14+s18+$0x0], $0xffff;
	v11 =	vsub.f32 v11, v17;
	v10 =	vand.u32 $0x7FFFFFFF, v10  }
0x101: {  	v17 =	vadd.s32 s17, v0;
	v18 =	vor.u32 v4, v18;
	v14 =	vld.idx.msk [tilespmem:v14+s16+$0x0], $0xffff;
	v9 =	vadd.f32 v10, v9  }
0x102: {  	v17 =	vand.u32 $0x3F, v17;
	v10 =	vld.idx.msk [tilespmem:v15+s18+$0x0], $0xffff;
	v11 =	vand.u32 $0x7FFFFFFF, v11;
	v12 =	vsub.f32 v12, v13  }
0x103: {  	v13 =	vld.idx.msk [tilespmem:v15+s16+$0x0], $0xffff;
	v15 =	vor.u32 v4, v17;
	v9 =	vadd.f32 v11, v9  }
0x104: {  	v16 =	vsub.f32 v21, v16;
	v17 =	vld.idx.msk [tilespmem:v19+s16+$0x0], $0xffff;
	v12 =	vand.u32 $0x7FFFFFFF, v12  }
0x105: {  	v11 =	vld.idx.msk [tilespmem:v19+s18+$0x0], $0xffff;
	v9 =	vadd.f32 v12, v9  }
0x106: {  	v16 =	vand.u32 $0x7FFFFFFF, v16;
	v14 =	vsub.f32 v20, v14;
	v12 =	vld.idx.msk [tilespmem:v18+s18+$0x0], $0xffff  }
0x107: {  	v18 =	vld.idx.msk [tilespmem:v18+s16+$0x0], $0xffff;
	v9 =	vadd.f32 v16, v9  }
0x108: {  	v10 =	vsub.f32 v10, v13;
	v13 =	vand.u32 $0x7FFFFFFF, v14;
	v14 =	vld.idx.msk [tilespmem:v15+s16+$0x0], $0xffff  }
0x109: {  	v16 =	vld.idx.msk [tilespmem:v15+s18+$0x0], $0xffff;
	v9 =	vadd.f32 v13, v9  }
0x10a: {  	v10 =	vand.u32 $0x7FFFFFFF, v10;
	v11 =	vsub.f32 v11, v17  }
0x10b: {  	v9 =	vadd.f32 v10, v9  }
0x10c: {  	v10 =	vand.u32 $0x7FFFFFFF, v11;
	v11 =	vsub.f32 v12, v18  }
0x10d: {  	v9 =	vadd.f32 v10, v9  }
0x10e: {  	s20 =	simm.s32 $0x0;
	v10 =	vand.u32 $0x7FFFFFFF, v11;
	v11 =	vsub.f32 v16, v14  }
0x10f: {  	v9 =	vadd.f32 v10, v9;
	v10 =	vadd.s32 s20, v0  }
0x110: {  	s6 =	simm.s32 $0x2;
	v11 =	vand.u32 $0x7FFFFFFF, v11;
	v10 =	vand.u32 $0x3F, v10  }
0x111: {  	s5 =	simm.s32 $0x1;
	v12 =	vadd.s32 s6, v0;
	v9 =	vadd.f32 v11, v9;
	v10 =	vor.u32 v5, v10  }
0x112: {  	v12 =	vand.u32 $0x3F, v12;
	v11 =	vadd.s32 s5, v0  }
0x113: {  	v12 =	vor.u32 v5, v12;
	v11 =	vand.u32 $0x3F, v11;
	v9 =	vsub.f32 $2.400000000e+01, v9  }
0x114: {  	s7 =	simm.s32 $0x3;
	v11 =	vor.u32 v5, v11  }
0x115: {  	[tilespmem:$0x121B0] =	vst v9;
	v9 =	vadd.s32 s7, v0  }
0x116: {  	s8 =	simm.s32 $0x4;
	v14 =	vld.idx.msk [tilespmem:v10+s18+$0x0], $0xffff;
	v9 =	vand.u32 $0x3F, v9  }
0x117: {  	v13 =	vadd.s32 s8, v0;
	v16 =	vld.idx.msk [tilespmem:v10+s16+$0x0], $0xffff;
	v17 =	vor.u32 v5, v9  }
0x118: {  	s14 =	simm.s32 $0x5;
	v15 =	vld.idx.msk [tilespmem:v12+s16+$0x0], $0xffff;
	v9 =	vand.u32 $0x3F, v13  }
0x119: {  	v10 =	vadd.s32 s14, v0;
	v19 =	vld.idx.msk [tilespmem:v11+s18+$0x0], $0xffff;
	v20 =	vor.u32 v5, v9  }
0x11a: {  	s15 =	simm.s32 $0x6;
	v10 =	vand.u32 $0x3F, v10;
	v21 =	vld.idx.msk [tilespmem:v11+s16+$0x0], $0xffff  }
0x11b: {  	v9 =	vld.idx.msk [tilespmem:v12+s18+$0x0], $0xffff;
	v13 =	vor.u32 v5, v10;
	v11 =	vadd.s32 s15, v0  }
0x11c: {  	s17 =	simm.s32 $0x7;
	v11 =	vand.u32 $0x3F, v11;
	v10 =	vld.idx.msk [tilespmem:v17+s18+$0x0], $0xffff  }
0x11d: {  	s4 =	simm.s32 $0x8;
	v12 =	vadd.s32 s17, v0;
	v22 =	vsub.f32 v14, v16;
	v16 =	vor.u32 v5, v11;
	v18 =	vld.idx.msk [tilespmem:v17+s16+$0x0], $0xffff  }
0x11e: {  	v23 =	vimm.f32 $0.0e+00;
	v24 =	vadd.s32 s4, v0;
	v12 =	vand.u32 $0x3F, v12;
	v11 =	vld.idx.msk [tilespmem:v20+s18+$0x0], $0xffff  }
0x11f: {  	s20 =	simm.s32 $0x9;
	v14 =	vor.u32 v5, v12;
	v17 =	vld.idx.msk [tilespmem:v20+s16+$0x0], $0xffff;
	v25 =	vand.u32 $0x7FFFFFFF, v22;
	v20 =	vsub.f32 v19, v21  }
0x120: {  	s5 =	simm.s32 $0xC;
	v22 =	vand.u32 $0x3F, v24;
	v19 =	vadd.s32 s20, v0;
	v12 =	vld.idx.msk [tilespmem:v13+s18+$0x0], $0xffff;
	v21 =	vadd.f32 v25, v23  }
.LBB2_12:
0x121: {  	p0 =	slt.u32 s5, $0x3C;
	v22 =	vor.u32 v5, v22;
	s14 =	sadd.s32 $0x2, s4;
	v23 =	vld.idx.msk [tilespmem:v13+s16+$0x0], $0xffff;
	v13 =	vand.u32 $0x7FFFFFFF, v20;
	v20 =	vsub.f32 v9, v15  }
0x122: {  	v15 =	vand.u32 $0x3F, v19;
	v19 =	vadd.s32 s14, v0;
	v9 =	vld.idx.msk [tilespmem:v16+s18+$0x0], $0xffff;
	v21 =	vadd.f32 v13, v21  }
0x123: {  	v13 =	vor.u32 v5, v15;
	s14 =	sadd.s32 $0x3, s4;
	s4 =	smov.u32 s5;
	v15 =	vld.idx.msk [tilespmem:v16+s16+$0x0], $0xffff;
	v16 =	vand.u32 $0x7FFFFFFF, v20;
	v20 =	vsub.f32 v10, v18  }
.Ltmp7:
0x124: {  	v18 =	vand.u32 $0x3F, v19;
	v19 =	vadd.s32 s14, v0;
	v10 =	vld.idx.msk [tilespmem:v14+s18+$0x0], $0xffff;
	v21 =	vadd.f32 v16, v21;
	(pc) =	sbr.rel @p0 .LBB2_12-.Ltmp7, $4  }
0x125: {  	v16 =	vor.u32 v5, v18;
	v24 =	vsub.f32 v11, v17;
	v18 =	vld.idx.msk [tilespmem:v14+s16+$0x0], $0xffff;
	v14 =	vand.u32 $0x7FFFFFFF, v20  }
0x126: {  	v25 =	vadd.s32 s5, v0;
	v19 =	vand.u32 $0x3F, v19;
	v11 =	vld.idx.msk [tilespmem:v22+s18+$0x0], $0xffff;
	v21 =	vadd.f32 v14, v21  }
0x127: {  	s14 =	sadd.s32 $0x1, s5;
	v14 =	vor.u32 v5, v19;
	v24 =	vand.u32 $0x7FFFFFFF, v24;
	v20 =	vsub.f32 v12, v23;
	v17 =	vld.idx.msk [tilespmem:v22+s16+$0x0], $0xffff  }
0x128: {  	s5 =	sadd.s32 $0x4, s5;
	v19 =	vadd.s32 s14, v0;
	v22 =	vand.u32 $0x3F, v25;
	v12 =	vld.idx.msk [tilespmem:v13+s18+$0x0], $0xffff;
	v21 =	vadd.f32 v24, v21  }
0x129: {  	_ =	sdelay $0x2  }
0x12a: {  	v20 =	vand.u32 $0x7FFFFFFF, v20;
	v9 =	vsub.f32 v9, v15  }
0x12b: {  	v15 =	vor.u32 v5, v22;
	v13 =	vld.idx.msk [tilespmem:v13+s16+$0x0], $0xffff;
	v20 =	vadd.f32 v20, v21  }
0x12c: {  	s5 =	sadd.s32 $0x2, s4;
	v19 =	vand.u32 $0x3F, v19;
	v21 =	vld.idx.msk [tilespmem:v16+s18+$0x0], $0xffff;
	v10 =	vsub.f32 v10, v18;
	v9 =	vand.u32 $0x7FFFFFFF, v9  }
0x12d: {  	v18 =	vadd.s32 s5, v0;
	v19 =	vor.u32 v5, v19;
	v16 =	vld.idx.msk [tilespmem:v16+s16+$0x0], $0xffff;
	v9 =	vadd.f32 v9, v20  }
0x12e: {  	s17 =	sadd.s32 $0x3, s4;
	v18 =	vand.u32 $0x3F, v18;
	v20 =	vld.idx.msk [tilespmem:v14+s18+$0x0], $0xffff;
	v11 =	vsub.f32 v11, v17;
	v10 =	vand.u32 $0x7FFFFFFF, v10  }
0x12f: {  	v17 =	vadd.s32 s17, v0;
	v18 =	vor.u32 v5, v18;
	v14 =	vld.idx.msk [tilespmem:v14+s16+$0x0], $0xffff;
	v9 =	vadd.f32 v10, v9  }
0x130: {  	v17 =	vand.u32 $0x3F, v17;
	v10 =	vld.idx.msk [tilespmem:v15+s18+$0x0], $0xffff;
	v11 =	vand.u32 $0x7FFFFFFF, v11;
	v12 =	vsub.f32 v12, v13  }
0x131: {  	v13 =	vld.idx.msk [tilespmem:v15+s16+$0x0], $0xffff;
	v15 =	vor.u32 v5, v17;
	v9 =	vadd.f32 v11, v9  }
0x132: {  	v16 =	vsub.f32 v21, v16;
	v17 =	vld.idx.msk [tilespmem:v19+s16+$0x0], $0xffff;
	v12 =	vand.u32 $0x7FFFFFFF, v12  }
0x133: {  	v11 =	vld.idx.msk [tilespmem:v19+s18+$0x0], $0xffff;
	v9 =	vadd.f32 v12, v9  }
0x134: {  	v16 =	vand.u32 $0x7FFFFFFF, v16;
	v14 =	vsub.f32 v20, v14;
	v12 =	vld.idx.msk [tilespmem:v18+s18+$0x0], $0xffff  }
0x135: {  	v18 =	vld.idx.msk [tilespmem:v18+s16+$0x0], $0xffff;
	v9 =	vadd.f32 v16, v9  }
0x136: {  	v10 =	vsub.f32 v10, v13;
	v13 =	vand.u32 $0x7FFFFFFF, v14;
	v14 =	vld.idx.msk [tilespmem:v15+s16+$0x0], $0xffff  }
0x137: {  	v16 =	vld.idx.msk [tilespmem:v15+s18+$0x0], $0xffff;
	v9 =	vadd.f32 v13, v9  }
0x138: {  	v10 =	vand.u32 $0x7FFFFFFF, v10;
	v11 =	vsub.f32 v11, v17  }
0x139: {  	v9 =	vadd.f32 v10, v9  }
0x13a: {  	v10 =	vand.u32 $0x7FFFFFFF, v11;
	v11 =	vsub.f32 v12, v18  }
0x13b: {  	v9 =	vadd.f32 v10, v9  }
0x13c: {  	s20 =	simm.s32 $0x0;
	v10 =	vand.u32 $0x7FFFFFFF, v11;
	v11 =	vsub.f32 v16, v14  }
0x13d: {  	v9 =	vadd.f32 v10, v9;
	v10 =	vadd.s32 s20, v0  }
0x13e: {  	s6 =	simm.s32 $0x2;
	v11 =	vand.u32 $0x7FFFFFFF, v11;
	v10 =	vand.u32 $0x3F, v10  }
0x13f: {  	s5 =	simm.s32 $0x1;
	v12 =	vadd.s32 s6, v0;
	v9 =	vadd.f32 v11, v9;
	v10 =	vor.u32 v6, v10  }
0x140: {  	v12 =	vand.u32 $0x3F, v12;
	v11 =	vadd.s32 s5, v0  }
0x141: {  	v12 =	vor.u32 v6, v12;
	v11 =	vand.u32 $0x3F, v11;
	v9 =	vsub.f32 $2.400000000e+01, v9  }
0x142: {  	s7 =	simm.s32 $0x3;
	v11 =	vor.u32 v6, v11  }
0x143: {  	[tilespmem:$0x121C0] =	vst v9;
	v9 =	vadd.s32 s7, v0  }
0x144: {  	s8 =	simm.s32 $0x4;
	v14 =	vld.idx.msk [tilespmem:v10+s18+$0x0], $0xffff;
	v9 =	vand.u32 $0x3F, v9  }
0x145: {  	v13 =	vadd.s32 s8, v0;
	v16 =	vld.idx.msk [tilespmem:v10+s16+$0x0], $0xffff;
	v17 =	vor.u32 v6, v9  }
0x146: {  	s14 =	simm.s32 $0x5;
	v15 =	vld.idx.msk [tilespmem:v12+s16+$0x0], $0xffff;
	v9 =	vand.u32 $0x3F, v13  }
0x147: {  	v10 =	vadd.s32 s14, v0;
	v19 =	vld.idx.msk [tilespmem:v11+s18+$0x0], $0xffff;
	v20 =	vor.u32 v6, v9  }
0x148: {  	s15 =	simm.s32 $0x6;
	v10 =	vand.u32 $0x3F, v10;
	v21 =	vld.idx.msk [tilespmem:v11+s16+$0x0], $0xffff  }
0x149: {  	v9 =	vld.idx.msk [tilespmem:v12+s18+$0x0], $0xffff;
	v13 =	vor.u32 v6, v10;
	v11 =	vadd.s32 s15, v0  }
0x14a: {  	s17 =	simm.s32 $0x7;
	v11 =	vand.u32 $0x3F, v11;
	v10 =	vld.idx.msk [tilespmem:v17+s18+$0x0], $0xffff  }
0x14b: {  	s4 =	simm.s32 $0x8;
	v12 =	vadd.s32 s17, v0;
	v22 =	vsub.f32 v14, v16;
	v16 =	vor.u32 v6, v11;
	v18 =	vld.idx.msk [tilespmem:v17+s16+$0x0], $0xffff  }
0x14c: {  	v23 =	vimm.f32 $0.0e+00;
	v24 =	vadd.s32 s4, v0;
	v12 =	vand.u32 $0x3F, v12;
	v11 =	vld.idx.msk [tilespmem:v20+s18+$0x0], $0xffff  }
0x14d: {  	s20 =	simm.s32 $0x9;
	v14 =	vor.u32 v6, v12;
	v17 =	vld.idx.msk [tilespmem:v20+s16+$0x0], $0xffff;
	v25 =	vand.u32 $0x7FFFFFFF, v22;
	v20 =	vsub.f32 v19, v21  }
0x14e: {  	s5 =	simm.s32 $0xC;
	v22 =	vand.u32 $0x3F, v24;
	v19 =	vadd.s32 s20, v0;
	v12 =	vld.idx.msk [tilespmem:v13+s18+$0x0], $0xffff;
	v21 =	vadd.f32 v25, v23  }
.LBB2_14:
0x14f: {  	p0 =	slt.u32 s5, $0x3C;
	v22 =	vor.u32 v6, v22;
	s14 =	sadd.s32 $0x2, s4;
	v23 =	vld.idx.msk [tilespmem:v13+s16+$0x0], $0xffff;
	v13 =	vand.u32 $0x7FFFFFFF, v20;
	v20 =	vsub.f32 v9, v15  }
0x150: {  	v15 =	vand.u32 $0x3F, v19;
	v19 =	vadd.s32 s14, v0;
	v9 =	vld.idx.msk [tilespmem:v16+s18+$0x0], $0xffff;
	v21 =	vadd.f32 v13, v21  }
0x151: {  	v13 =	vor.u32 v6, v15;
	s14 =	sadd.s32 $0x3, s4;
	s4 =	smov.u32 s5;
	v15 =	vld.idx.msk [tilespmem:v16+s16+$0x0], $0xffff;
	v16 =	vand.u32 $0x7FFFFFFF, v20;
	v20 =	vsub.f32 v10, v18  }
.Ltmp8:
0x152: {  	v18 =	vand.u32 $0x3F, v19;
	v19 =	vadd.s32 s14, v0;
	v10 =	vld.idx.msk [tilespmem:v14+s18+$0x0], $0xffff;
	v21 =	vadd.f32 v16, v21;
	(pc) =	sbr.rel @p0 .LBB2_14-.Ltmp8, $4  }
0x153: {  	v16 =	vor.u32 v6, v18;
	v24 =	vsub.f32 v11, v17;
	v18 =	vld.idx.msk [tilespmem:v14+s16+$0x0], $0xffff;
	v14 =	vand.u32 $0x7FFFFFFF, v20  }
0x154: {  	v25 =	vadd.s32 s5, v0;
	v19 =	vand.u32 $0x3F, v19;
	v11 =	vld.idx.msk [tilespmem:v22+s18+$0x0], $0xffff;
	v21 =	vadd.f32 v14, v21  }
0x155: {  	s14 =	sadd.s32 $0x1, s5;
	v14 =	vor.u32 v6, v19;
	v24 =	vand.u32 $0x7FFFFFFF, v24;
	v20 =	vsub.f32 v12, v23;
	v17 =	vld.idx.msk [tilespmem:v22+s16+$0x0], $0xffff  }
0x156: {  	s5 =	sadd.s32 $0x4, s5;
	v19 =	vadd.s32 s14, v0;
	v22 =	vand.u32 $0x3F, v25;
	v12 =	vld.idx.msk [tilespmem:v13+s18+$0x0], $0xffff;
	v21 =	vadd.f32 v24, v21  }
0x157: {  	_ =	sdelay $0x2  }
0x158: {  	v20 =	vand.u32 $0x7FFFFFFF, v20;
	v9 =	vsub.f32 v9, v15  }
0x159: {  	v15 =	vor.u32 v6, v22;
	v13 =	vld.idx.msk [tilespmem:v13+s16+$0x0], $0xffff;
	v20 =	vadd.f32 v20, v21  }
0x15a: {  	s5 =	sadd.s32 $0x2, s4;
	v19 =	vand.u32 $0x3F, v19;
	v21 =	vld.idx.msk [tilespmem:v16+s18+$0x0], $0xffff;
	v10 =	vsub.f32 v10, v18;
	v9 =	vand.u32 $0x7FFFFFFF, v9  }
0x15b: {  	v18 =	vadd.s32 s5, v0;
	v19 =	vor.u32 v6, v19;
	v16 =	vld.idx.msk [tilespmem:v16+s16+$0x0], $0xffff;
	v9 =	vadd.f32 v9, v20  }
0x15c: {  	s17 =	sadd.s32 $0x3, s4;
	v18 =	vand.u32 $0x3F, v18;
	v20 =	vld.idx.msk [tilespmem:v14+s18+$0x0], $0xffff;
	v11 =	vsub.f32 v11, v17;
	v10 =	vand.u32 $0x7FFFFFFF, v10  }
0x15d: {  	v17 =	vadd.s32 s17, v0;
	v18 =	vor.u32 v6, v18;
	v14 =	vld.idx.msk [tilespmem:v14+s16+$0x0], $0xffff;
	v9 =	vadd.f32 v10, v9  }
0x15e: {  	v17 =	vand.u32 $0x3F, v17;
	v10 =	vld.idx.msk [tilespmem:v15+s18+$0x0], $0xffff;
	v11 =	vand.u32 $0x7FFFFFFF, v11;
	v12 =	vsub.f32 v12, v13  }
0x15f: {  	v13 =	vld.idx.msk [tilespmem:v15+s16+$0x0], $0xffff;
	v15 =	vor.u32 v6, v17;
	v9 =	vadd.f32 v11, v9  }
0x160: {  	v16 =	vsub.f32 v21, v16;
	v17 =	vld.idx.msk [tilespmem:v19+s16+$0x0], $0xffff;
	v12 =	vand.u32 $0x7FFFFFFF, v12  }
0x161: {  	v11 =	vld.idx.msk [tilespmem:v19+s18+$0x0], $0xffff;
	v9 =	vadd.f32 v12, v9  }
0x162: {  	v16 =	vand.u32 $0x7FFFFFFF, v16;
	v14 =	vsub.f32 v20, v14;
	v12 =	vld.idx.msk [tilespmem:v18+s18+$0x0], $0xffff  }
0x163: {  	v18 =	vld.idx.msk [tilespmem:v18+s16+$0x0], $0xffff;
	v9 =	vadd.f32 v16, v9  }
0x164: {  	v10 =	vsub.f32 v10, v13;
	v13 =	vand.u32 $0x7FFFFFFF, v14;
	v14 =	vld.idx.msk [tilespmem:v15+s16+$0x0], $0xffff  }
0x165: {  	v16 =	vld.idx.msk [tilespmem:v15+s18+$0x0], $0xffff;
	v9 =	vadd.f32 v13, v9  }
0x166: {  	v10 =	vand.u32 $0x7FFFFFFF, v10;
	v11 =	vsub.f32 v11, v17  }
0x167: {  	v9 =	vadd.f32 v10, v9  }
0x168: {  	v10 =	vand.u32 $0x7FFFFFFF, v11;
	v11 =	vsub.f32 v12, v18  }
0x169: {  	v9 =	vadd.f32 v10, v9  }
0x16a: {  	s20 =	simm.s32 $0x0;
	v10 =	vand.u32 $0x7FFFFFFF, v11;
	v11 =	vsub.f32 v16, v14  }
0x16b: {  	v9 =	vadd.f32 v10, v9;
	v10 =	vadd.s32 s20, v0  }
0x16c: {  	s6 =	simm.s32 $0x2;
	v11 =	vand.u32 $0x7FFFFFFF, v11;
	v10 =	vand.u32 $0x3F, v10  }
0x16d: {  	s5 =	simm.s32 $0x1;
	v12 =	vadd.s32 s6, v0;
	v9 =	vadd.f32 v11, v9;
	v10 =	vor.u32 v7, v10  }
0x16e: {  	v12 =	vand.u32 $0x3F, v12;
	v11 =	vadd.s32 s5, v0  }
0x16f: {  	v12 =	vor.u32 v7, v12;
	v11 =	vand.u32 $0x3F, v11;
	v9 =	vsub.f32 $2.400000000e+01, v9  }
0x170: {  	s7 =	simm.s32 $0x3;
	v11 =	vor.u32 v7, v11  }
0x171: {  	[tilespmem:$0x121D0] =	vst v9;
	v9 =	vadd.s32 s7, v0  }
0x172: {  	s8 =	simm.s32 $0x4;
	v14 =	vld.idx.msk [tilespmem:v10+s18+$0x0], $0xffff;
	v9 =	vand.u32 $0x3F, v9  }
0x173: {  	v13 =	vadd.s32 s8, v0;
	v16 =	vld.idx.msk [tilespmem:v10+s16+$0x0], $0xffff;
	v17 =	vor.u32 v7, v9  }
0x174: {  	s14 =	simm.s32 $0x5;
	v15 =	vld.idx.msk [tilespmem:v12+s16+$0x0], $0xffff;
	v9 =	vand.u32 $0x3F, v13  }
0x175: {  	v10 =	vadd.s32 s14, v0;
	v19 =	vld.idx.msk [tilespmem:v11+s18+$0x0], $0xffff;
	v20 =	vor.u32 v7, v9  }
0x176: {  	s15 =	simm.s32 $0x6;
	v10 =	vand.u32 $0x3F, v10;
	v21 =	vld.idx.msk [tilespmem:v11+s16+$0x0], $0xffff  }
0x177: {  	v9 =	vld.idx.msk [tilespmem:v12+s18+$0x0], $0xffff;
	v13 =	vor.u32 v7, v10;
	v11 =	vadd.s32 s15, v0  }
0x178: {  	s17 =	simm.s32 $0x7;
	v11 =	vand.u32 $0x3F, v11;
	v10 =	vld.idx.msk [tilespmem:v17+s18+$0x0], $0xffff  }
0x179: {  	s4 =	simm.s32 $0x8;
	v12 =	vadd.s32 s17, v0;
	v22 =	vsub.f32 v14, v16;
	v16 =	vor.u32 v7, v11;
	v18 =	vld.idx.msk [tilespmem:v17+s16+$0x0], $0xffff  }
0x17a: {  	v23 =	vimm.f32 $0.0e+00;
	v24 =	vadd.s32 s4, v0;
	v12 =	vand.u32 $0x3F, v12;
	v11 =	vld.idx.msk [tilespmem:v20+s18+$0x0], $0xffff  }
0x17b: {  	s20 =	simm.s32 $0x9;
	v14 =	vor.u32 v7, v12;
	v17 =	vld.idx.msk [tilespmem:v20+s16+$0x0], $0xffff;
	v25 =	vand.u32 $0x7FFFFFFF, v22;
	v20 =	vsub.f32 v19, v21  }
0x17c: {  	s5 =	simm.s32 $0xC;
	v22 =	vand.u32 $0x3F, v24;
	v19 =	vadd.s32 s20, v0;
	v12 =	vld.idx.msk [tilespmem:v13+s18+$0x0], $0xffff;
	v21 =	vadd.f32 v25, v23  }
.LBB2_16:
0x17d: {  	p0 =	slt.u32 s5, $0x3C;
	v22 =	vor.u32 v7, v22;
	s14 =	sadd.s32 $0x2, s4;
	v23 =	vld.idx.msk [tilespmem:v13+s16+$0x0], $0xffff;
	v13 =	vand.u32 $0x7FFFFFFF, v20;
	v20 =	vsub.f32 v9, v15  }
0x17e: {  	v15 =	vand.u32 $0x3F, v19;
	v19 =	vadd.s32 s14, v0;
	v9 =	vld.idx.msk [tilespmem:v16+s18+$0x0], $0xffff;
	v21 =	vadd.f32 v13, v21  }
0x17f: {  	v13 =	vor.u32 v7, v15;
	s14 =	sadd.s32 $0x3, s4;
	s4 =	smov.u32 s5;
	v15 =	vld.idx.msk [tilespmem:v16+s16+$0x0], $0xffff;
	v16 =	vand.u32 $0x7FFFFFFF, v20;
	v20 =	vsub.f32 v10, v18  }
.Ltmp9:
0x180: {  	v18 =	vand.u32 $0x3F, v19;
	v19 =	vadd.s32 s14, v0;
	v10 =	vld.idx.msk [tilespmem:v14+s18+$0x0], $0xffff;
	v21 =	vadd.f32 v16, v21;
	(pc) =	sbr.rel @p0 .LBB2_16-.Ltmp9, $4  }
0x181: {  	v16 =	vor.u32 v7, v18;
	v24 =	vsub.f32 v11, v17;
	v18 =	vld.idx.msk [tilespmem:v14+s16+$0x0], $0xffff;
	v14 =	vand.u32 $0x7FFFFFFF, v20  }
0x182: {  	v25 =	vadd.s32 s5, v0;
	v19 =	vand.u32 $0x3F, v19;
	v11 =	vld.idx.msk [tilespmem:v22+s18+$0x0], $0xffff;
	v21 =	vadd.f32 v14, v21  }
0x183: {  	s14 =	sadd.s32 $0x1, s5;
	v14 =	vor.u32 v7, v19;
	v24 =	vand.u32 $0x7FFFFFFF, v24;
	v20 =	vsub.f32 v12, v23;
	v17 =	vld.idx.msk [tilespmem:v22+s16+$0x0], $0xffff  }
0x184: {  	s5 =	sadd.s32 $0x4, s5;
	v19 =	vadd.s32 s14, v0;
	v22 =	vand.u32 $0x3F, v25;
	v12 =	vld.idx.msk [tilespmem:v13+s18+$0x0], $0xffff;
	v21 =	vadd.f32 v24, v21  }
0x185: {  	_ =	sdelay $0x2  }
0x186: {  	v20 =	vand.u32 $0x7FFFFFFF, v20;
	v9 =	vsub.f32 v9, v15  }
0x187: {  	v15 =	vor.u32 v7, v22;
	v13 =	vld.idx.msk [tilespmem:v13+s16+$0x0], $0xffff;
	v20 =	vadd.f32 v20, v21  }
0x188: {  	s5 =	sadd.s32 $0x2, s4;
	v19 =	vand.u32 $0x3F, v19;
	v21 =	vld.idx.msk [tilespmem:v16+s18+$0x0], $0xffff;
	v10 =	vsub.f32 v10, v18;
	v9 =	vand.u32 $0x7FFFFFFF, v9  }
0x189: {  	v18 =	vadd.s32 s5, v0;
	v19 =	vor.u32 v7, v19;
	v16 =	vld.idx.msk [tilespmem:v16+s16+$0x0], $0xffff;
	v9 =	vadd.f32 v9, v20  }
0x18a: {  	s17 =	sadd.s32 $0x3, s4;
	v18 =	vand.u32 $0x3F, v18;
	v20 =	vld.idx.msk [tilespmem:v14+s18+$0x0], $0xffff;
	v11 =	vsub.f32 v11, v17;
	v10 =	vand.u32 $0x7FFFFFFF, v10  }
0x18b: {  	v17 =	vadd.s32 s17, v0;
	v18 =	vor.u32 v7, v18;
	v14 =	vld.idx.msk [tilespmem:v14+s16+$0x0], $0xffff;
	v9 =	vadd.f32 v10, v9  }
0x18c: {  	v17 =	vand.u32 $0x3F, v17;
	v10 =	vld.idx.msk [tilespmem:v15+s18+$0x0], $0xffff;
	v11 =	vand.u32 $0x7FFFFFFF, v11;
	v12 =	vsub.f32 v12, v13  }
0x18d: {  	v13 =	vld.idx.msk [tilespmem:v15+s16+$0x0], $0xffff;
	v15 =	vor.u32 v7, v17;
	v9 =	vadd.f32 v11, v9  }
0x18e: {  	v16 =	vsub.f32 v21, v16;
	v17 =	vld.idx.msk [tilespmem:v19+s16+$0x0], $0xffff;
	v12 =	vand.u32 $0x7FFFFFFF, v12  }
0x18f: {  	v11 =	vld.idx.msk [tilespmem:v19+s18+$0x0], $0xffff;
	v9 =	vadd.f32 v12, v9  }
0x190: {  	v16 =	vand.u32 $0x7FFFFFFF, v16;
	v14 =	vsub.f32 v20, v14;
	v12 =	vld.idx.msk [tilespmem:v18+s18+$0x0], $0xffff  }
0x191: {  	v18 =	vld.idx.msk [tilespmem:v18+s16+$0x0], $0xffff;
	v9 =	vadd.f32 v16, v9  }
0x192: {  	v10 =	vsub.f32 v10, v13;
	v13 =	vand.u32 $0x7FFFFFFF, v14;
	v14 =	vld.idx.msk [tilespmem:v15+s16+$0x0], $0xffff  }
0x193: {  	v16 =	vld.idx.msk [tilespmem:v15+s18+$0x0], $0xffff;
	v9 =	vadd.f32 v13, v9  }
0x194: {  	v10 =	vand.u32 $0x7FFFFFFF, v10;
	v11 =	vsub.f32 v11, v17  }
0x195: {  	v9 =	vadd.f32 v10, v9  }
0x196: {  	v10 =	vand.u32 $0x7FFFFFFF, v11;
	v11 =	vsub.f32 v12, v18  }
0x197: {  	v9 =	vadd.f32 v10, v9  }
0x198: {  	s20 =	simm.s32 $0x0;
	v10 =	vand.u32 $0x7FFFFFFF, v11;
	v11 =	vsub.f32 v16, v14  }
0x199: {  	v9 =	vadd.f32 v10, v9;
	v10 =	vadd.s32 s20, v0  }
0x19a: {  	s6 =	simm.s32 $0x2;
	v11 =	vand.u32 $0x7FFFFFFF, v11;
	v10 =	vand.u32 $0x3F, v10  }
0x19b: {  	s5 =	simm.s32 $0x1;
	v12 =	vadd.s32 s6, v0;
	v9 =	vadd.f32 v11, v9;
	v10 =	vor.u32 v8, v10  }
0x19c: {  	v12 =	vand.u32 $0x3F, v12;
	v11 =	vadd.s32 s5, v0  }
0x19d: {  	v12 =	vor.u32 v8, v12;
	v11 =	vand.u32 $0x3F, v11;
	v9 =	vsub.f32 $2.400000000e+01, v9  }
0x19e: {  	s7 =	simm.s32 $0x3;
	v11 =	vor.u32 v8, v11  }
0x19f: {  	[tilespmem:$0x121E0] =	vst v9;
	v9 =	vadd.s32 s7, v0  }
0x1a0: {  	s8 =	simm.s32 $0x4;
	v14 =	vld.idx.msk [tilespmem:v10+s18+$0x0], $0xffff;
	v9 =	vand.u32 $0x3F, v9  }
0x1a1: {  	v13 =	vadd.s32 s8, v0;
	v16 =	vld.idx.msk [tilespmem:v10+s16+$0x0], $0xffff;
	v17 =	vor.u32 v8, v9  }
0x1a2: {  	s14 =	simm.s32 $0x5;
	v15 =	vld.idx.msk [tilespmem:v12+s16+$0x0], $0xffff;
	v9 =	vand.u32 $0x3F, v13  }
0x1a3: {  	v10 =	vadd.s32 s14, v0;
	v19 =	vld.idx.msk [tilespmem:v11+s18+$0x0], $0xffff;
	v20 =	vor.u32 v8, v9  }
0x1a4: {  	s15 =	simm.s32 $0x6;
	v10 =	vand.u32 $0x3F, v10;
	v21 =	vld.idx.msk [tilespmem:v11+s16+$0x0], $0xffff  }
0x1a5: {  	v9 =	vld.idx.msk [tilespmem:v12+s18+$0x0], $0xffff;
	v13 =	vor.u32 v8, v10;
	v11 =	vadd.s32 s15, v0  }
0x1a6: {  	s17 =	simm.s32 $0x7;
	v11 =	vand.u32 $0x3F, v11;
	v10 =	vld.idx.msk [tilespmem:v17+s18+$0x0], $0xffff  }
0x1a7: {  	s4 =	simm.s32 $0x8;
	v12 =	vadd.s32 s17, v0;
	v22 =	vsub.f32 v14, v16;
	v16 =	vor.u32 v8, v11;
	v18 =	vld.idx.msk [tilespmem:v17+s16+$0x0], $0xffff  }
0x1a8: {  	v23 =	vimm.f32 $0.0e+00;
	v24 =	vadd.s32 s4, v0;
	v12 =	vand.u32 $0x3F, v12;
	v11 =	vld.idx.msk [tilespmem:v20+s18+$0x0], $0xffff  }
0x1a9: {  	s20 =	simm.s32 $0x9;
	v14 =	vor.u32 v8, v12;
	v17 =	vld.idx.msk [tilespmem:v20+s16+$0x0], $0xffff;
	v25 =	vand.u32 $0x7FFFFFFF, v22;
	v20 =	vsub.f32 v19, v21  }
0x1aa: {  	s5 =	simm.s32 $0xC;
	v22 =	vand.u32 $0x3F, v24;
	v19 =	vadd.s32 s20, v0;
	v12 =	vld.idx.msk [tilespmem:v13+s18+$0x0], $0xffff;
	v21 =	vadd.f32 v25, v23  }
.LBB2_18:
0x1ab: {  	p0 =	slt.u32 s5, $0x3C;
	v22 =	vor.u32 v8, v22;
	s14 =	sadd.s32 $0x2, s4;
	v23 =	vld.idx.msk [tilespmem:v13+s16+$0x0], $0xffff;
	v13 =	vand.u32 $0x7FFFFFFF, v20;
	v20 =	vsub.f32 v9, v15  }
0x1ac: {  	v15 =	vand.u32 $0x3F, v19;
	v19 =	vadd.s32 s14, v0;
	v9 =	vld.idx.msk [tilespmem:v16+s18+$0x0], $0xffff;
	v21 =	vadd.f32 v13, v21  }
0x1ad: {  	v13 =	vor.u32 v8, v15;
	s14 =	sadd.s32 $0x3, s4;
	s4 =	smov.u32 s5;
	v15 =	vld.idx.msk [tilespmem:v16+s16+$0x0], $0xffff;
	v16 =	vand.u32 $0x7FFFFFFF, v20;
	v20 =	vsub.f32 v10, v18  }
.Ltmp10:
0x1ae: {  	v18 =	vand.u32 $0x3F, v19;
	v19 =	vadd.s32 s14, v0;
	v10 =	vld.idx.msk [tilespmem:v14+s18+$0x0], $0xffff;
	v21 =	vadd.f32 v16, v21;
	(pc) =	sbr.rel @p0 .LBB2_18-.Ltmp10, $4  }
0x1af: {  	v16 =	vor.u32 v8, v18;
	v24 =	vsub.f32 v11, v17;
	v18 =	vld.idx.msk [tilespmem:v14+s16+$0x0], $0xffff;
	v14 =	vand.u32 $0x7FFFFFFF, v20  }
0x1b0: {  	v25 =	vadd.s32 s5, v0;
	v19 =	vand.u32 $0x3F, v19;
	v11 =	vld.idx.msk [tilespmem:v22+s18+$0x0], $0xffff;
	v21 =	vadd.f32 v14, v21  }
0x1b1: {  	s14 =	sadd.s32 $0x1, s5;
	v14 =	vor.u32 v8, v19;
	v24 =	vand.u32 $0x7FFFFFFF, v24;
	v20 =	vsub.f32 v12, v23;
	v17 =	vld.idx.msk [tilespmem:v22+s16+$0x0], $0xffff  }
0x1b2: {  	s5 =	sadd.s32 $0x4, s5;
	v19 =	vadd.s32 s14, v0;
	v22 =	vand.u32 $0x3F, v25;
	v12 =	vld.idx.msk [tilespmem:v13+s18+$0x0], $0xffff;
	v21 =	vadd.f32 v24, v21  }
0x1b3: {  	_ =	sdelay $0x2  }
0x1b4: {  	v20 =	vand.u32 $0x7FFFFFFF, v20;
	v9 =	vsub.f32 v9, v15  }
0x1b5: {  	v50 =	vor.u32 v8, v22;
	v13 =	vld.idx.msk [tilespmem:v13+s16+$0x0], $0xffff;
	v20 =	vadd.f32 v20, v21  }
0x1b6: {  	s5 =	sadd.s32 $0x2, s4;
	v19 =	vand.u32 $0x3F, v19;
	v51 =	vld.idx.msk [tilespmem:v16+s18+$0x0], $0xffff;
	v10 =	vsub.f32 v10, v18;
	v9 =	vand.u32 $0x7FFFFFFF, v9  }
0x1b7: {  	v53 =	vld.idx.msk [tilespmem:v16+s16+$0x0], $0xffff;
	v52 =	vadd.s32 s5, v0;
	v19 =	vor.u32 v8, v19;
	v9 =	vadd.f32 v9, v20  }
0x1b8: {  	s20 =	sadd.s32 $0x3, s4;
	v54 =	vld.idx.msk [tilespmem:v14+s18+$0x0], $0xffff;
	v18 =	vand.u32 $0x3F, v52;
	v11 =	vsub.f32 v11, v17;
	v10 =	vand.u32 $0x7FFFFFFF, v10  }
0x1b9: {  	v56 =	vld.idx.msk [tilespmem:v14+s16+$0x0], $0xffff;
	v55 =	vadd.s32 s20, v0;
	v18 =	vor.u32 v8, v18;
	v9 =	vadd.f32 v10, v9  }
0x1ba: {  	v17 =	vand.u32 $0x3F, v55;
	v10 =	vld.idx.msk [tilespmem:v50+s18+$0x0], $0xffff;
	v11 =	vand.u32 $0x7FFFFFFF, v11;
	v12 =	vsub.f32 v12, v13  }
0x1bb: {  	v58 =	vor.u32 v8, v17;
	v57 =	vld.idx.msk [tilespmem:v50+s16+$0x0], $0xffff;
	v9 =	vadd.f32 v11, v9  }
0x1bc: {  	v16 =	vsub.f32 v51, v53;
	v59 =	vld.idx.msk [tilespmem:v19+s16+$0x0], $0xffff;
	v12 =	vand.u32 $0x7FFFFFFF, v12  }
0x1bd: {  	v11 =	vld.idx.msk [tilespmem:v19+s18+$0x0], $0xffff;
	v9 =	vadd.f32 v12, v9  }
0x1be: {  	v14 =	vsub.f32 v54, v56;
	v16 =	vand.u32 $0x7FFFFFFF, v16;
	v60 =	vld.idx.msk [tilespmem:v18+s18+$0x0], $0xffff  }
0x1bf: {  	v18 =	vld.idx.msk [tilespmem:v18+s16+$0x0], $0xffff;
	v9 =	vadd.f32 v16, v9  }
0x1c0: {  	v62 =	vand.u32 $0x7FFFFFFF, v14;
	v61 =	vld.idx.msk [tilespmem:v58+s18+$0x0], $0xffff;
	v10 =	vsub.f32 v10, v57  }
0x1c1: {  	v63 =	vld.idx.msk [tilespmem:v58+s16+$0x0], $0xffff;
	v9 =	vadd.f32 v62, v9  }
0x1c2: {  	v10 =	vand.u32 $0x7FFFFFFF, v10;
	v11 =	vsub.f32 v11, v59  }
0x1c3: {  	v9 =	vadd.f32 v10, v9  }
0x1c4: {  	v10 =	vand.u32 $0x7FFFFFFF, v11;
	v11 =	vsub.f32 v60, v18  }
0x1c5: {  	v9 =	vadd.f32 v10, v9  }
0x1c6: {  	v10 =	vand.u32 $0x7FFFFFFF, v11;
	v11 =	vsub.f32 v61, v63  }
0x1c7: {  	v9 =	vadd.f32 v10, v9  }
0x1c8: {  	v10 =	vand.u32 $0x7FFFFFFF, v11  }
0x1c9: {  	v9 =	vadd.f32 v10, v9;
	_ =	sdelay $0x1  }
0x1ca: {  	v9 =	vsub.f32 $2.400000000e+01, v9;
	_ =	sdelay $0x1  }
0x1cb: {  	s17 =	simm.s32 $0x0;
	[tilespmem:$0x121F0] =	vst v9  }
.LBB2_20:
0x1cc: {  	v13 =	vadd.s32 s24, v0  }
0x1cd: {  	s4 =	simm.s32 $0x1;
	v13 =	vand.u32 $0x3F, v13  }
0x1ce: {  	s5 =	sshll.u32 s17, $0x8;
	v9 =	vadd.s32 s4, v0;
	v17 =	vor.u32 v1, v13  }
0x1cf: {  	v10 =	vmov s5;
	v11 =	vand.u32 $0x3F, v9;
	v18 =	vor.u32 v3, v13  }
0x1d0: {  	_ =	swait.ge [sflag:s30], $0x2000;
	v9 =	vor.u32 v10, v11  }
0x1d1: {  	[sflag:s30] =	ssyncset.done $0x0;
	v12 =	vor.u32 v4, v11  }
0x1d2: {  	[sflag:s30] =	ssyncadd.s32 $0xFFFFE000;
	v14 =	vor.u32 v8, v11  }
0x1d3: {  	v15 =	vor.u32 v10, v13;
	v17 =	vld.idx.msk [tilespmem:v17+s19+$0x0], $0xffff  }
0x1d4: {  	v16 =	vor.u32 v7, v11;
	v28 =	vld.idx.msk [tilespmem:v18+s19+$0x0], $0xffff  }
0x1d5: {  	v20 =	vor.u32 v2, v13;
	v9 =	vld.idx.msk [tilespmem:v9+s16+$0x0], $0xffff  }
0x1d6: {  	v19 =	vld.idx.msk [tilespmem:v12+s19+$0x0], $0xffff  }
0x1d7: {  	v26 =	vor.u32 v4, v13;
	v14 =	vld.idx.msk [tilespmem:v14+s19+$0x0], $0xffff  }
0x1d8: {  	v27 =	vor.u32 v1, v11;
	v12 =	vld.idx.msk [tilespmem:v15+s16+$0x0], $0xffff  }
0x1d9: {  	v31 =	vor.u32 v7, v13;
	v16 =	vld.idx.msk [tilespmem:v16+s19+$0x0], $0xffff  }
0x1da: {  	v34 =	vld.idx.msk [tilespmem:v20+s19+$0x0], $0xffff;
	v15 =	vor.u32 v8, v13  }
0x1db: {  	v22 =	vimm.f32 $0.0e+00;
	v36 =	vor.u32 v6, v13;
	v37 =	vor.u32 v3, v11  }
0x1dc: {  	v24 =	vor.u32 v2, v11;
	v32 =	vor.u32 v5, v11;
	v18 =	vor.u32 v5, v13;
	v29 =	vld.idx.msk [tilespmem:v26+s19+$0x0], $0xffff  }
0x1dd: {  	v20 =	vor.u32 v6, v11;
	v30 =	vld.idx.msk [tilespmem:v27+s19+$0x0], $0xffff;
	v25 =	vsub.f32 v19, v9;
	v21 =	vsub.f32 v14, v9  }
0x1de: {  	v26 =	vimm.f32 $0.0e+00;
	v27 =	vld.idx.msk [tilespmem:v31+s19+$0x0], $0xffff;
	v13 =	vsub.f32 v16, v9;
	v35 =	vsub.f32 v17, v12  }
0x1df: {  	v11 =	vimm.f32 $0.0e+00;
	v23 =	vld.idx.msk [tilespmem:v15+s19+$0x0], $0xffff;
	v33 =	vsub.f32 v28, v12;
	v31 =	vsub.f32 v34, v12  }
0x1e0: {  	v28 =	vld.idx.msk [tilespmem:v36+s19+$0x0], $0xffff;
	v19 =	vimm.f32 $0.0e+00;
	v17 =	vimm.f32 $0.0e+00;
	v14 =	vimm.f32 $0.0e+00  }
0x1e1: {  	s14 =	sshll.u32 s17, $0x2;
	s4 =	simm.s32 $0x2;
	v34 =	vld.idx.msk [tilespmem:v37+s19+$0x0], $0xffff;
	v16 =	vimm.f32 $0.0e+00;
	v15 =	vimm.f32 $0.0e+00;
	v13 =	vand.u32 $0x7FFFFFFF, v13  }
.LBB2_21:
0x1e2: {  	s5 =	sadd.s32 $0x1, s4  }
0x1e3: {  	p0 =	slt.u32 s4, $0x3E;
	v35 =	vand.u32 $0x7FFFFFFF, v35;
	v25 =	vand.u32 $0x7FFFFFFF, v25;
	v32 =	vld.idx.msk [tilespmem:v32+s19+$0x0], $0xffff;
	v36 =	vand.u32 $0x7FFFFFFF, v21;
	s15 =	smov.u32 s4;
	s4 =	sadd.s32 $0x2, s4  }
0x1e4: {  	v29 =	vsub.f32 v29, v12;
	v21 =	vadd.s32 s5, v0;
	v22 =	vadd.f32 v35, v22;
	v35 =	vld.idx.msk [tilespmem:v18+s19+$0x0], $0xffff  }
0x1e5: {  	v18 =	vand.u32 $0x7FFFFFFF, v33;
	v37 =	vand.u32 $0x3F, v21;
	v21 =	vsub.f32 v30, v9;
	v24 =	vld.idx.msk [tilespmem:v24+s19+$0x0], $0xffff  }
0x1e6: {  	v30 =	vor.u32 v10, v37;
	v33 =	vor.u32 v4, v37;
	v38 =	vor.u32 v7, v37  }
0x1e7: {  	v31 =	vand.u32 $0x7FFFFFFF, v31;
	v29 =	vand.u32 $0x7FFFFFFF, v29;
	v39 =	vor.u32 v8, v37  }
0x1e8: {  	v27 =	vsub.f32 v27, v12;
	v21 =	vand.u32 $0x7FFFFFFF, v21;
	v34 =	vsub.f32 v34, v9  }
0x1e9: {  	v41 =	vsub.f32 v23, v12;
	v40 =	vadd.s32 s15, v0;
	v28 =	vsub.f32 v28, v12  }
0x1ea: {  	v23 =	vand.u32 $0x3F, v40;
	v26 =	vadd.f32 v18, v26;
	v18 =	vsub.f32 v32, v9;
	v20 =	vld.idx.msk [tilespmem:v20+s19+$0x0], $0xffff  }
0x1eb: {  	v40 =	vor.u32 v1, v23;
	v32 =	vor.u32 v10, v23;
	v42 =	vsub.f32 v24, v9;
	v30 =	vld.idx.msk [tilespmem:v30+s16+$0x0], $0xffff  }
0x1ec: {  	v43 =	vor.u32 v2, v23;
	v24 =	vor.u32 v3, v23;
	v44 =	vand.u32 $0x7FFFFFFF, v18;
	v33 =	vld.idx.msk [tilespmem:v33+s19+$0x0], $0xffff  }
0x1ed: {  	v45 =	vor.u32 v4, v23;
	v34 =	vand.u32 $0x7FFFFFFF, v34;
	v18 =	vor.u32 v5, v23  }
0x1ee: {  	v46 =	vor.u32 v6, v23;
	v27 =	vand.u32 $0x7FFFFFFF, v27;
	v22 =	vadd.f32 v21, v22  }
0x1ef: {  	v19 =	vadd.f32 v31, v19;
	v47 =	vor.u32 v7, v23;
	v28 =	vand.u32 $0x7FFFFFFF, v28;
	v21 =	vld.idx.msk [tilespmem:v39+s19+$0x0], $0xffff  }
0x1f0: {  	v17 =	vadd.f32 v28, v17;
	v23 =	vor.u32 v8, v23;
	v31 =	vld.idx.msk [tilespmem:v32+s16+$0x0], $0xffff;
	v32 =	vsub.f32 v20, v9  }
0x1f1: {  	v14 =	vadd.f32 v29, v14;
	v16 =	vadd.f32 v27, v16;
	v28 =	vor.u32 v1, v37;
	v38 =	vld.idx.msk [tilespmem:v38+s19+$0x0], $0xffff  }
0x1f2: {  	v12 =	vsub.f32 v35, v12;
	v39 =	vor.u32 v3, v37;
	v9 =	vmovc v30;
	v27 =	vld.idx.msk [tilespmem:v40+s19+$0x0], $0xffff;
	v20 =	vand.u32 $0x7FFFFFFF, v32  }
0x1f3: {  	v14 =	vadd.f32 v25, v14;
	v40 =	vld.idx.msk [tilespmem:v24+s19+$0x0], $0xffff;
	v24 =	vor.u32 v2, v37;
	v17 =	vadd.f32 v20, v17  }
0x1f4: {  	v16 =	vadd.f32 v13, v16;
	v12 =	vand.u32 $0x7FFFFFFF, v12;
	v20 =	vor.u32 v6, v37;
	v43 =	vld.idx.msk [tilespmem:v43+s19+$0x0], $0xffff  }
0x1f5: {  	v13 =	vand.u32 $0x7FFFFFFF, v42;
	v25 =	vsub.f32 v33, v9;
	v21 =	vsub.f32 v21, v9;
	v23 =	vld.idx.msk [tilespmem:v23+s19+$0x0], $0xffff  }
.Ltmp11:
0x1f6: {  	v15 =	vadd.f32 v12, v15;
	v19 =	vadd.f32 v13, v19;
	v32 =	vor.u32 v5, v37;
	v29 =	vld.idx.msk [tilespmem:v45+s19+$0x0], $0xffff;
	(pc) =	sbr.rel @p0 .LBB2_21-.Ltmp11, $4  }
0x1f7: {  	v26 =	vadd.f32 v34, v26;
	v12 =	vmovc v31;
	v13 =	vsub.f32 v38, v9;
	v30 =	vld.idx.msk [tilespmem:v28+s19+$0x0], $0xffff;
	v28 =	vand.u32 $0x7FFFFFFF, v41  }
0x1f8: {  	v35 =	vsub.f32 v27, v12;
	v27 =	vld.idx.msk [tilespmem:v47+s19+$0x0], $0xffff;
	v11 =	vadd.f32 v28, v11  }
0x1f9: {  	v15 =	vadd.f32 v44, v15;
	v33 =	vsub.f32 v40, v12;
	v28 =	vld.idx.msk [tilespmem:v46+s19+$0x0], $0xffff  }
0x1fa: {  	v13 =	vand.u32 $0x7FFFFFFF, v13;
	v31 =	vsub.f32 v43, v12;
	v34 =	vld.idx.msk [tilespmem:v39+s19+$0x0], $0xffff;
	v11 =	vadd.f32 v36, v11  }
0x1fb: {  	_ =	sdelay $0x3  }
0x1fc: {  	v10 =	vand.u32 $0x7FFFFFFF, v35;
	v32 =	vld.idx.msk [tilespmem:v32+s19+$0x0], $0xffff  }
0x1fd: {  	v18 =	vld.idx.msk [tilespmem:v18+s19+$0x0], $0xffff;
	v23 =	vsub.f32 v23, v12;
	v10 =	vadd.f32 v10, v22  }
0x1fe: {  	v22 =	vld.idx.msk [tilespmem:v24+s19+$0x0], $0xffff;
	v24 =	vsub.f32 v29, v12;
	v29 =	vsub.f32 v30, v9;
	v30 =	vand.u32 $0x7FFFFFFF, v33  }
0x1ff: {  	v31 =	vand.u32 $0x7FFFFFFF, v31;
	v27 =	vsub.f32 v27, v12;
	v26 =	vadd.f32 v30, v26  }
0x200: {  	v20 =	vld.idx.msk [tilespmem:v20+s19+$0x0], $0xffff;
	v19 =	vadd.f32 v31, v19;
	v28 =	vsub.f32 v28, v12  }
0x201: {  	v29 =	vand.u32 $0x7FFFFFFF, v29;
	v24 =	vand.u32 $0x7FFFFFFF, v24;
	v62 =	vsub.f32 v34, v9  }
0x202: {  	v10 =	vadd.f32 v29, v10;
	v14 =	vadd.f32 v24, v14  }
0x203: {  	v27 =	vand.u32 $0x7FFFFFFF, v27;
	v30 =	vsub.f32 v32, v9;
	v12 =	vsub.f32 v18, v12  }
0x204: {  	v28 =	vand.u32 $0x7FFFFFFF, v28;
	v16 =	vadd.f32 v27, v16;
	v22 =	vsub.f32 v22, v9  }
0x205: {  	v18 =	vand.u32 $0x7FFFFFFF, v25;
	v17 =	vadd.f32 v28, v17;
	v9 =	vsub.f32 v20, v9  }
0x206: {  	v14 =	vadd.f32 v18, v14;
	v12 =	vand.u32 $0x7FFFFFFF, v12;
	v18 =	vand.u32 $0x7FFFFFFF, v22  }
0x207: {  	v20 =	vand.u32 $0x7FFFFFFF, v62;
	v12 =	vadd.f32 v12, v15;
	v15 =	vadd.f32 v18, v19  }
0x208: {  	s5 =	sshll.u32 s17, $0xB;
	v10 =	vsub.f32 $2.400000000e+01, v10;
	v9 =	vand.u32 $0x7FFFFFFF, v9;
	v18 =	vadd.f32 v20, v26  }
0x209: {  	s20 =	sshrl.u32 s5, $0x2;
	v19 =	vand.u32 $0x7FFFFFFF, v30;
	v9 =	vadd.f32 v9, v17;
	v15 =	vsub.f32 $2.400000000e+01, v15  }
0x20a: {  	[tilespmem:s20+$0x12200] =	vst v10;
	v17 =	vand.u32 $0x7FFFFFFF, v23;
	v12 =	vadd.f32 v19, v12;
	v10 =	vsub.f32 $2.400000000e+01, v18  }
0x20b: {  	v14 =	vsub.f32 $2.400000000e+01, v14;
	v11 =	vadd.f32 v17, v11;
	[tilespmem:s20+$0x12210] =	vst v15  }
0x20c: {  	v13 =	vadd.f32 v13, v16;
	v15 =	vand.u32 $0x7FFFFFFF, v21;
	[tilespmem:s20+$0x12220] =	vst v10;
	v10 =	vsub.f32 $2.400000000e+01, v12  }
0x20d: {  	[tilespmem:s20+$0x12230] =	vst v14;
	v9 =	vsub.f32 $2.400000000e+01, v9;
	v11 =	vadd.f32 v15, v11  }
0x20e: {  	s4 =	sor.u32 $0x1, s14;
	s6 =	simm.s32 $0x1;
	[tilespmem:s20+$0x12240] =	vst v10;
	v10 =	vsub.f32 $2.400000000e+01, v13  }
0x20f: {  	p0 =	seq.s32 s17, $0x1F;
	s8 =	sshll.u32 s4, $0x6;
	[tilespmem:s20+$0x12250] =	vst v9;
	v12 =	vadd.s32 s6, v0;
	v11 =	vsub.f32 $2.400000000e+01, v11  }
0x210: {  	s15 =	sshrl.u32 @!p0 s5, $0x2;
	s5 =	simm.s32 @!p0 $0x80;
	v9 =	vmov s8;
	v13 =	vand.u32 $0x3F, v12;
	[tilespmem:s20+$0x12260] =	vst v10  }
0x211: {  	s7 =	simm.s32 @!p0 $0xA180;
	s6 =	sadd.s32 @!p0 $0x380, s15;
	s8 =	simm.s32 $0x0;
	v10 =	vor.u32 v9, v13;
	[tilespmem:s20+$0x12270] =	vst v11  }
0x212: {  	v12 =	vadd.s32 s8, v0;
	v11 =	vor.u32 v4, v13;
	[tilespmem:s7], [sflag:$0x4] =	stream.indirect.gather @!p0 [hbm4b:s3+s5], $0x40, s6, s5, $0xb8;
	[tilespmem:$0x16200] =	vst v63  }
0x213: {  	v14 =	vor.u32 v8, v13;
	v15 =	vand.u32 $0x3F, v12;
	_ =	swait.ge [sflag:s31], $0x2000  }
0x214: {  	v12 =	vor.u32 v9, v15;
	[sflag:s31] =	ssyncset.done $0x0  }
0x215: {  	v16 =	vor.u32 v7, v13;
	[sflag:s31] =	ssyncadd.s32 $0xFFFFE000  }
0x216: {  	v17 =	vor.u32 v1, v15;
	v10 =	vld.idx.msk [tilespmem:v10+s16+$0x0], $0xffff  }
0x217: {  	v18 =	vor.u32 v3, v15;
	v11 =	vld.idx.msk [tilespmem:v11+s21+$0x0], $0xffff  }
0x218: {  	v19 =	vor.u32 v2, v15;
	v14 =	vld.idx.msk [tilespmem:v14+s21+$0x0], $0xffff  }
0x219: {  	v12 =	vld.idx.msk [tilespmem:v12+s16+$0x0], $0xffff  }
0x21a: {  	v20 =	vor.u32 v8, v15;
	v16 =	vld.idx.msk [tilespmem:v16+s21+$0x0], $0xffff  }
0x21b: {  	v26 =	vor.u32 v4, v15;
	v17 =	vld.idx.msk [tilespmem:v17+s21+$0x0], $0xffff  }
0x21c: {  	v27 =	vor.u32 v1, v13;
	v28 =	vld.idx.msk [tilespmem:v18+s21+$0x0], $0xffff  }
0x21d: {  	v31 =	vor.u32 v7, v15;
	v19 =	vld.idx.msk [tilespmem:v19+s21+$0x0], $0xffff  }
0x21e: {  	v22 =	vimm.f32 $0.0e+00;
	v18 =	vor.u32 v5, v15;
	v15 =	vor.u32 v6, v15  }
0x21f: {  	v63 =	vor.u32 v3, v13;
	v24 =	vor.u32 v2, v13;
	v33 =	vor.u32 v5, v13;
	v23 =	vld.idx.msk [tilespmem:v20+s21+$0x0], $0xffff  }
0x220: {  	v20 =	vor.u32 v6, v13;
	v29 =	vld.idx.msk [tilespmem:v26+s21+$0x0], $0xffff;
	v25 =	vsub.f32 v11, v10;
	v21 =	vsub.f32 v14, v10  }
0x221: {  	v30 =	vld.idx.msk [tilespmem:v27+s21+$0x0], $0xffff;
	v26 =	vimm.f32 $0.0e+00;
	v11 =	vsub.f32 v16, v10;
	v35 =	vsub.f32 v17, v12  }
0x222: {  	v27 =	vld.idx.msk [tilespmem:v31+s21+$0x0], $0xffff;
	v34 =	vsub.f32 v28, v12;
	v31 =	vsub.f32 v19, v12;
	v19 =	vimm.f32 $0.0e+00  }
0x223: {  	v28 =	vld.idx.msk [tilespmem:v15+s21+$0x0], $0xffff;
	v17 =	vimm.f32 $0.0e+00;
	v15 =	vimm.f32 $0.0e+00;
	v16 =	vimm.f32 $0.0e+00  }
0x224: {  	s5 =	simm.s32 $0x2;
	v32 =	vld.idx.msk [tilespmem:v63+s21+$0x0], $0xffff;
	v14 =	vimm.f32 $0.0e+00;
	v13 =	vand.u32 $0x7FFFFFFF, v11;
	v11 =	vimm.f32 $0.0e+00  }
.LBB2_23:
0x225: {  	s6 =	sadd.s32 $0x1, s5  }
0x226: {  	p1 =	slt.u32 s5, $0x3E;
	v35 =	vand.u32 $0x7FFFFFFF, v35;
	v25 =	vand.u32 $0x7FFFFFFF, v25;
	v33 =	vld.idx.msk [tilespmem:v33+s21+$0x0], $0xffff;
	v36 =	vand.u32 $0x7FFFFFFF, v21;
	s7 =	smov.u32 s5;
	s5 =	sadd.s32 $0x2, s5  }
0x227: {  	v29 =	vsub.f32 v29, v12;
	v21 =	vadd.s32 s6, v0;
	v22 =	vadd.f32 v35, v22;
	v35 =	vld.idx.msk [tilespmem:v18+s21+$0x0], $0xffff  }
0x228: {  	v18 =	vand.u32 $0x7FFFFFFF, v34;
	v37 =	vand.u32 $0x3F, v21;
	v21 =	vsub.f32 v30, v10;
	v24 =	vld.idx.msk [tilespmem:v24+s21+$0x0], $0xffff  }
0x229: {  	v30 =	vor.u32 v9, v37;
	v34 =	vor.u32 v4, v37;
	v38 =	vor.u32 v7, v37  }
0x22a: {  	v31 =	vand.u32 $0x7FFFFFFF, v31;
	v29 =	vand.u32 $0x7FFFFFFF, v29;
	v39 =	vor.u32 v8, v37  }
0x22b: {  	v27 =	vsub.f32 v27, v12;
	v21 =	vand.u32 $0x7FFFFFFF, v21;
	v32 =	vsub.f32 v32, v10  }
0x22c: {  	v41 =	vsub.f32 v23, v12;
	v40 =	vadd.s32 s7, v0;
	v28 =	vsub.f32 v28, v12  }
0x22d: {  	v23 =	vand.u32 $0x3F, v40;
	v26 =	vadd.f32 v18, v26;
	v18 =	vsub.f32 v33, v10;
	v20 =	vld.idx.msk [tilespmem:v20+s21+$0x0], $0xffff  }
0x22e: {  	v40 =	vor.u32 v1, v23;
	v33 =	vor.u32 v9, v23;
	v42 =	vsub.f32 v24, v10;
	v30 =	vld.idx.msk [tilespmem:v30+s16+$0x0], $0xffff  }
0x22f: {  	v43 =	vor.u32 v2, v23;
	v24 =	vor.u32 v3, v23;
	v44 =	vand.u32 $0x7FFFFFFF, v18;
	v34 =	vld.idx.msk [tilespmem:v34+s21+$0x0], $0xffff  }
0x230: {  	v45 =	vor.u32 v4, v23;
	v32 =	vand.u32 $0x7FFFFFFF, v32;
	v18 =	vor.u32 v5, v23  }
0x231: {  	v46 =	vor.u32 v6, v23;
	v27 =	vand.u32 $0x7FFFFFFF, v27;
	v22 =	vadd.f32 v21, v22  }
0x232: {  	v19 =	vadd.f32 v31, v19;
	v47 =	vor.u32 v7, v23;
	v28 =	vand.u32 $0x7FFFFFFF, v28;
	v21 =	vld.idx.msk [tilespmem:v39+s21+$0x0], $0xffff  }
0x233: {  	v17 =	vadd.f32 v28, v17;
	v23 =	vor.u32 v8, v23;
	v31 =	vld.idx.msk [tilespmem:v33+s16+$0x0], $0xffff;
	v33 =	vsub.f32 v20, v10  }
0x234: {  	v15 =	vadd.f32 v29, v15;
	v16 =	vadd.f32 v27, v16;
	v28 =	vor.u32 v1, v37;
	v38 =	vld.idx.msk [tilespmem:v38+s21+$0x0], $0xffff  }
0x235: {  	v12 =	vsub.f32 v35, v12;
	v39 =	vor.u32 v3, v37;
	v10 =	vmovc v30;
	v27 =	vld.idx.msk [tilespmem:v40+s21+$0x0], $0xffff;
	v20 =	vand.u32 $0x7FFFFFFF, v33  }
0x236: {  	v15 =	vadd.f32 v25, v15;
	v40 =	vld.idx.msk [tilespmem:v24+s21+$0x0], $0xffff;
	v24 =	vor.u32 v2, v37;
	v17 =	vadd.f32 v20, v17  }
0x237: {  	v16 =	vadd.f32 v13, v16;
	v12 =	vand.u32 $0x7FFFFFFF, v12;
	v20 =	vor.u32 v6, v37;
	v43 =	vld.idx.msk [tilespmem:v43+s21+$0x0], $0xffff  }
0x238: {  	v13 =	vand.u32 $0x7FFFFFFF, v42;
	v25 =	vsub.f32 v34, v10;
	v21 =	vsub.f32 v21, v10;
	v23 =	vld.idx.msk [tilespmem:v23+s21+$0x0], $0xffff  }
.Ltmp12:
0x239: {  	v14 =	vadd.f32 v12, v14;
	v19 =	vadd.f32 v13, v19;
	v33 =	vor.u32 v5, v37;
	v29 =	vld.idx.msk [tilespmem:v45+s21+$0x0], $0xffff;
	(pc) =	sbr.rel @p1 .LBB2_23-.Ltmp12, $4  }
0x23a: {  	v26 =	vadd.f32 v32, v26;
	v12 =	vmovc v31;
	v13 =	vsub.f32 v38, v10;
	v30 =	vld.idx.msk [tilespmem:v28+s21+$0x0], $0xffff;
	v28 =	vand.u32 $0x7FFFFFFF, v41  }
0x23b: {  	v35 =	vsub.f32 v27, v12;
	v27 =	vld.idx.msk [tilespmem:v47+s21+$0x0], $0xffff;
	v11 =	vadd.f32 v28, v11  }
0x23c: {  	v14 =	vadd.f32 v44, v14;
	v34 =	vsub.f32 v40, v12;
	v28 =	vld.idx.msk [tilespmem:v46+s21+$0x0], $0xffff  }
0x23d: {  	v13 =	vand.u32 $0x7FFFFFFF, v13;
	v31 =	vsub.f32 v43, v12;
	v32 =	vld.idx.msk [tilespmem:v39+s21+$0x0], $0xffff;
	v11 =	vadd.f32 v36, v11  }
0x23e: {  	_ =	sdelay $0x3  }
0x23f: {  	v9 =	vand.u32 $0x7FFFFFFF, v35;
	v33 =	vld.idx.msk [tilespmem:v33+s21+$0x0], $0xffff  }
0x240: {  	v18 =	vld.idx.msk [tilespmem:v18+s21+$0x0], $0xffff;
	v23 =	vsub.f32 v23, v12;
	v9 =	vadd.f32 v9, v22  }
0x241: {  	v22 =	vld.idx.msk [tilespmem:v24+s21+$0x0], $0xffff;
	v24 =	vsub.f32 v29, v12;
	v29 =	vsub.f32 v30, v10;
	v30 =	vand.u32 $0x7FFFFFFF, v34  }
0x242: {  	v31 =	vand.u32 $0x7FFFFFFF, v31;
	v27 =	vsub.f32 v27, v12;
	v26 =	vadd.f32 v30, v26  }
0x243: {  	v20 =	vld.idx.msk [tilespmem:v20+s21+$0x0], $0xffff;
	v19 =	vadd.f32 v31, v19;
	v28 =	vsub.f32 v28, v12;
	v29 =	vand.u32 $0x7FFFFFFF, v29  }
0x244: {  	v24 =	vand.u32 $0x7FFFFFFF, v24;
	v32 =	vsub.f32 v32, v10;
	v9 =	vadd.f32 v29, v9  }
0x245: {  	v27 =	vand.u32 $0x7FFFFFFF, v27;
	v15 =	vadd.f32 v24, v15;
	v30 =	vsub.f32 v33, v10  }
0x246: {  	v28 =	vand.u32 $0x7FFFFFFF, v28;
	v12 =	vsub.f32 v18, v12;
	v16 =	vadd.f32 v27, v16  }
0x247: {  	v18 =	vand.u32 $0x7FFFFFFF, v25;
	v22 =	vsub.f32 v22, v10;
	v17 =	vadd.f32 v28, v17  }
0x248: {  	v10 =	vsub.f32 v20, v10;
	v15 =	vadd.f32 v18, v15  }
0x249: {  	v9 =	vsub.f32 $2.400000000e+01, v9;
	v12 =	vand.u32 $0x7FFFFFFF, v12;
	v18 =	vand.u32 $0x7FFFFFFF, v22  }
0x24a: {  	v20 =	vand.u32 $0x7FFFFFFF, v32;
	v12 =	vadd.f32 v12, v14;
	v14 =	vadd.f32 v18, v19  }
0x24b: {  	s4 =	sshll.u32 s4, $0x7;
	v13 =	vadd.f32 v13, v16;
	v10 =	vand.u32 $0x7FFFFFFF, v10;
	v18 =	vadd.f32 v20, v26  }
0x24c: {  	s5 =	sand.u32 $0x3FFFFF80, s4;
	v19 =	vand.u32 $0x7FFFFFFF, v30;
	v10 =	vadd.f32 v10, v17;
	v14 =	vsub.f32 $2.400000000e+01, v14  }
0x24d: {  	[tilespmem:s5+$0x12200] =	vst v9;
	v17 =	vand.u32 $0x7FFFFFFF, v23;
	v12 =	vadd.f32 v19, v12;
	v9 =	vsub.f32 $2.400000000e+01, v18  }
0x24e: {  	v11 =	vadd.f32 v17, v11;
	v10 =	vsub.f32 $2.400000000e+01, v10;
	[tilespmem:s5+$0x12210] =	vst v14  }
0x24f: {  	v14 =	vsub.f32 $2.400000000e+01, v15;
	v15 =	vand.u32 $0x7FFFFFFF, v21;
	[tilespmem:s5+$0x12220] =	vst v9;
	v9 =	vsub.f32 $2.400000000e+01, v12  }
0x250: {  	[tilespmem:s5+$0x12250] =	vst v10;
	v11 =	vadd.f32 v15, v11  }
0x251: {  	s6 =	simm.s32 $0x1;
	s4 =	sor.u32 $0x2, s14;
	[tilespmem:s5+$0x12240] =	vst v9;
	v9 =	vsub.f32 $2.400000000e+01, v13  }
0x252: {  	s7 =	sshll.u32 s4, $0x6;
	[tilespmem:s5+$0x12230] =	vst v14;
	v10 =	vsub.f32 $2.400000000e+01, v11;
	v11 =	vadd.s32 s6, v0  }
0x253: {  	s8 =	simm.s32 $0x0;
	[tilespmem:s5+$0x12260] =	vst v9;
	v9 =	vmov s7;
	v11 =	vand.u32 $0x3F, v11  }
0x254: {  	s6 =	sadd.s32 @!p0 $0x400, s15;
	s7 =	simm.s32 @!p0 $0xC180;
	[tilespmem:s5+$0x12270] =	vst v10;
	s5 =	simm.s32 @!p0 $0x80;
	v10 =	vor.u32 v9, v11  }
0x255: {  	v13 =	vadd.s32 s8, v0;
	v12 =	vor.u32 v4, v11;
	[tilespmem:s7], [sflag:$0x5] =	stream.indirect.gather @!p0 [hbm4b:s3+s5], $0x40, s6, s5, $0xb8;
	[tilespmem:$0x16200] =	vst v63  }
0x256: {  	v13 =	vand.u32 $0x3F, v13;
	v14 =	vor.u32 v8, v11;
	_ =	swait.ge [sflag:s0], $0x2000  }
0x257: {  	v15 =	vor.u32 v9, v13;
	[sflag:s0] =	ssyncset.done $0x0  }
0x258: {  	v16 =	vor.u32 v7, v11;
	[sflag:s0] =	ssyncadd.s32 $0xFFFFE000  }
0x259: {  	v17 =	vor.u32 v1, v13;
	v10 =	vld.idx.msk [tilespmem:v10+s16+$0x0], $0xffff  }
0x25a: {  	v18 =	vor.u32 v3, v13;
	v19 =	vld.idx.msk [tilespmem:v12+s23+$0x0], $0xffff  }
0x25b: {  	v20 =	vor.u32 v2, v13;
	v14 =	vld.idx.msk [tilespmem:v14+s23+$0x0], $0xffff  }
0x25c: {  	v12 =	vld.idx.msk [tilespmem:v15+s16+$0x0], $0xffff  }
0x25d: {  	v26 =	vor.u32 v4, v13;
	v16 =	vld.idx.msk [tilespmem:v16+s23+$0x0], $0xffff  }
0x25e: {  	v27 =	vor.u32 v1, v11;
	v17 =	vld.idx.msk [tilespmem:v17+s23+$0x0], $0xffff  }
0x25f: {  	v31 =	vor.u32 v7, v13;
	v28 =	vld.idx.msk [tilespmem:v18+s23+$0x0], $0xffff  }
0x260: {  	v37 =	vor.u32 v3, v11;
	v63 =	vld.idx.msk [tilespmem:v20+s23+$0x0], $0xffff  }
0x261: {  	v22 =	vimm.f32 $0.0e+00;
	v36 =	vor.u32 v6, v13;
	v15 =	vor.u32 v8, v13  }
0x262: {  	v24 =	vor.u32 v2, v11;
	v33 =	vor.u32 v5, v11;
	v18 =	vor.u32 v5, v13;
	v29 =	vld.idx.msk [tilespmem:v26+s23+$0x0], $0xffff  }
0x263: {  	v20 =	vor.u32 v6, v11;
	v30 =	vld.idx.msk [tilespmem:v27+s23+$0x0], $0xffff;
	v25 =	vsub.f32 v19, v10;
	v21 =	vsub.f32 v14, v10  }
0x264: {  	v27 =	vld.idx.msk [tilespmem:v31+s23+$0x0], $0xffff;
	v26 =	vimm.f32 $0.0e+00;
	v13 =	vsub.f32 v16, v10;
	v35 =	vsub.f32 v17, v12  }
0x265: {  	v32 =	vld.idx.msk [tilespmem:v37+s23+$0x0], $0xffff;
	v11 =	vimm.f32 $0.0e+00;
	v34 =	vsub.f32 v28, v12;
	v31 =	vsub.f32 v63, v12  }
0x266: {  	v23 =	vld.idx.msk [tilespmem:v15+s23+$0x0], $0xffff;
	v19 =	vimm.f32 $0.0e+00;
	v17 =	vimm.f32 $0.0e+00;
	v15 =	vimm.f32 $0.0e+00  }
0x267: {  	s5 =	simm.s32 $0x2;
	v28 =	vld.idx.msk [tilespmem:v36+s23+$0x0], $0xffff;
	v16 =	vimm.f32 $0.0e+00;
	v14 =	vimm.f32 $0.0e+00;
	v13 =	vand.u32 $0x7FFFFFFF, v13  }
.LBB2_25:
0x268: {  	s6 =	sadd.s32 $0x1, s5  }
0x269: {  	p1 =	slt.u32 s5, $0x3E;
	v35 =	vand.u32 $0x7FFFFFFF, v35;
	v25 =	vand.u32 $0x7FFFFFFF, v25;
	v33 =	vld.idx.msk [tilespmem:v33+s23+$0x0], $0xffff;
	v36 =	vand.u32 $0x7FFFFFFF, v21;
	s7 =	smov.u32 s5;
	s5 =	sadd.s32 $0x2, s5  }
0x26a: {  	v29 =	vsub.f32 v29, v12;
	v21 =	vadd.s32 s6, v0;
	v22 =	vadd.f32 v35, v22;
	v35 =	vld.idx.msk [tilespmem:v18+s23+$0x0], $0xffff  }
0x26b: {  	v18 =	vand.u32 $0x7FFFFFFF, v34;
	v37 =	vand.u32 $0x3F, v21;
	v21 =	vsub.f32 v30, v10;
	v24 =	vld.idx.msk [tilespmem:v24+s23+$0x0], $0xffff  }
0x26c: {  	v30 =	vor.u32 v9, v37;
	v34 =	vor.u32 v4, v37;
	v38 =	vor.u32 v7, v37  }
0x26d: {  	v31 =	vand.u32 $0x7FFFFFFF, v31;
	v29 =	vand.u32 $0x7FFFFFFF, v29;
	v39 =	vor.u32 v8, v37  }
0x26e: {  	v27 =	vsub.f32 v27, v12;
	v21 =	vand.u32 $0x7FFFFFFF, v21;
	v32 =	vsub.f32 v32, v10  }
0x26f: {  	v41 =	vsub.f32 v23, v12;
	v40 =	vadd.s32 s7, v0;
	v28 =	vsub.f32 v28, v12  }
0x270: {  	v23 =	vand.u32 $0x3F, v40;
	v26 =	vadd.f32 v18, v26;
	v18 =	vsub.f32 v33, v10;
	v20 =	vld.idx.msk [tilespmem:v20+s23+$0x0], $0xffff  }
0x271: {  	v40 =	vor.u32 v1, v23;
	v33 =	vor.u32 v9, v23;
	v42 =	vsub.f32 v24, v10;
	v30 =	vld.idx.msk [tilespmem:v30+s16+$0x0], $0xffff  }
0x272: {  	v43 =	vor.u32 v2, v23;
	v24 =	vor.u32 v3, v23;
	v44 =	vand.u32 $0x7FFFFFFF, v18;
	v34 =	vld.idx.msk [tilespmem:v34+s23+$0x0], $0xffff  }
0x273: {  	v45 =	vor.u32 v4, v23;
	v32 =	vand.u32 $0x7FFFFFFF, v32;
	v18 =	vor.u32 v5, v23  }
0x274: {  	v46 =	vor.u32 v6, v23;
	v27 =	vand.u32 $0x7FFFFFFF, v27;
	v22 =	vadd.f32 v21, v22  }
0x275: {  	v19 =	vadd.f32 v31, v19;
	v47 =	vor.u32 v7, v23;
	v28 =	vand.u32 $0x7FFFFFFF, v28;
	v21 =	vld.idx.msk [tilespmem:v39+s23+$0x0], $0xffff  }
0x276: {  	v17 =	vadd.f32 v28, v17;
	v23 =	vor.u32 v8, v23;
	v31 =	vld.idx.msk [tilespmem:v33+s16+$0x0], $0xffff;
	v33 =	vsub.f32 v20, v10  }
0x277: {  	v15 =	vadd.f32 v29, v15;
	v16 =	vadd.f32 v27, v16;
	v28 =	vor.u32 v1, v37;
	v38 =	vld.idx.msk [tilespmem:v38+s23+$0x0], $0xffff  }
0x278: {  	v12 =	vsub.f32 v35, v12;
	v39 =	vor.u32 v3, v37;
	v10 =	vmovc v30;
	v27 =	vld.idx.msk [tilespmem:v40+s23+$0x0], $0xffff;
	v20 =	vand.u32 $0x7FFFFFFF, v33  }
0x279: {  	v15 =	vadd.f32 v25, v15;
	v40 =	vld.idx.msk [tilespmem:v24+s23+$0x0], $0xffff;
	v24 =	vor.u32 v2, v37;
	v17 =	vadd.f32 v20, v17  }
0x27a: {  	v16 =	vadd.f32 v13, v16;
	v12 =	vand.u32 $0x7FFFFFFF, v12;
	v20 =	vor.u32 v6, v37;
	v43 =	vld.idx.msk [tilespmem:v43+s23+$0x0], $0xffff  }
0x27b: {  	v13 =	vand.u32 $0x7FFFFFFF, v42;
	v25 =	vsub.f32 v34, v10;
	v21 =	vsub.f32 v21, v10;
	v23 =	vld.idx.msk [tilespmem:v23+s23+$0x0], $0xffff  }
.Ltmp13:
0x27c: {  	v14 =	vadd.f32 v12, v14;
	v19 =	vadd.f32 v13, v19;
	v33 =	vor.u32 v5, v37;
	v29 =	vld.idx.msk [tilespmem:v45+s23+$0x0], $0xffff;
	(pc) =	sbr.rel @p1 .LBB2_25-.Ltmp13, $4  }
0x27d: {  	v26 =	vadd.f32 v32, v26;
	v12 =	vmovc v31;
	v13 =	vsub.f32 v38, v10;
	v30 =	vld.idx.msk [tilespmem:v28+s23+$0x0], $0xffff;
	v28 =	vand.u32 $0x7FFFFFFF, v41  }
0x27e: {  	v35 =	vsub.f32 v27, v12;
	v27 =	vld.idx.msk [tilespmem:v47+s23+$0x0], $0xffff;
	v11 =	vadd.f32 v28, v11  }
0x27f: {  	v14 =	vadd.f32 v44, v14;
	v34 =	vsub.f32 v40, v12;
	v28 =	vld.idx.msk [tilespmem:v46+s23+$0x0], $0xffff  }
0x280: {  	v13 =	vand.u32 $0x7FFFFFFF, v13;
	v31 =	vsub.f32 v43, v12;
	v32 =	vld.idx.msk [tilespmem:v39+s23+$0x0], $0xffff;
	v11 =	vadd.f32 v36, v11  }
0x281: {  	_ =	sdelay $0x3  }
0x282: {  	v9 =	vand.u32 $0x7FFFFFFF, v35;
	v33 =	vld.idx.msk [tilespmem:v33+s23+$0x0], $0xffff  }
0x283: {  	v18 =	vld.idx.msk [tilespmem:v18+s23+$0x0], $0xffff;
	v23 =	vsub.f32 v23, v12;
	v9 =	vadd.f32 v9, v22  }
0x284: {  	v22 =	vld.idx.msk [tilespmem:v24+s23+$0x0], $0xffff;
	v24 =	vsub.f32 v29, v12;
	v29 =	vsub.f32 v30, v10;
	v30 =	vand.u32 $0x7FFFFFFF, v34  }
0x285: {  	v31 =	vand.u32 $0x7FFFFFFF, v31;
	v27 =	vsub.f32 v27, v12;
	v26 =	vadd.f32 v30, v26  }
0x286: {  	v20 =	vld.idx.msk [tilespmem:v20+s23+$0x0], $0xffff;
	v19 =	vadd.f32 v31, v19;
	v28 =	vsub.f32 v28, v12;
	v29 =	vand.u32 $0x7FFFFFFF, v29  }
0x287: {  	v24 =	vand.u32 $0x7FFFFFFF, v24;
	v32 =	vsub.f32 v32, v10;
	v9 =	vadd.f32 v29, v9  }
0x288: {  	v27 =	vand.u32 $0x7FFFFFFF, v27;
	v15 =	vadd.f32 v24, v15;
	v30 =	vsub.f32 v33, v10  }
0x289: {  	v28 =	vand.u32 $0x7FFFFFFF, v28;
	v12 =	vsub.f32 v18, v12;
	v16 =	vadd.f32 v27, v16  }
0x28a: {  	v18 =	vand.u32 $0x7FFFFFFF, v25;
	v22 =	vsub.f32 v22, v10;
	v17 =	vadd.f32 v28, v17  }
0x28b: {  	v10 =	vsub.f32 v20, v10;
	v15 =	vadd.f32 v18, v15  }
0x28c: {  	v9 =	vsub.f32 $2.400000000e+01, v9;
	v12 =	vand.u32 $0x7FFFFFFF, v12;
	v18 =	vand.u32 $0x7FFFFFFF, v22  }
0x28d: {  	v20 =	vand.u32 $0x7FFFFFFF, v32;
	v12 =	vadd.f32 v12, v14;
	v14 =	vadd.f32 v18, v19  }
0x28e: {  	s4 =	sshll.u32 s4, $0x7;
	v13 =	vadd.f32 v13, v16;
	v10 =	vand.u32 $0x7FFFFFFF, v10;
	v18 =	vadd.f32 v20, v26  }
0x28f: {  	s5 =	sand.u32 $0x3FFFFF80, s4;
	v19 =	vand.u32 $0x7FFFFFFF, v30;
	v10 =	vadd.f32 v10, v17;
	v14 =	vsub.f32 $2.400000000e+01, v14  }
0x290: {  	[tilespmem:s5+$0x12200] =	vst v9;
	v17 =	vand.u32 $0x7FFFFFFF, v23;
	v12 =	vadd.f32 v19, v12;
	v9 =	vsub.f32 $2.400000000e+01, v18  }
0x291: {  	v11 =	vadd.f32 v17, v11;
	v10 =	vsub.f32 $2.400000000e+01, v10;
	[tilespmem:s5+$0x12210] =	vst v14  }
0x292: {  	v14 =	vsub.f32 $2.400000000e+01, v15;
	v15 =	vand.u32 $0x7FFFFFFF, v21;
	[tilespmem:s5+$0x12220] =	vst v9;
	v9 =	vsub.f32 $2.400000000e+01, v12  }
0x293: {  	[tilespmem:s5+$0x12250] =	vst v10;
	v11 =	vadd.f32 v15, v11  }
0x294: {  	s6 =	simm.s32 $0x1;
	s4 =	sor.u32 $0x3, s14;
	[tilespmem:s5+$0x12240] =	vst v9;
	v9 =	vsub.f32 $2.400000000e+01, v13  }
0x295: {  	s7 =	sshll.u32 s4, $0x6;
	[tilespmem:s5+$0x12230] =	vst v14;
	v10 =	vsub.f32 $2.400000000e+01, v11;
	v11 =	vadd.s32 s6, v0  }
0x296: {  	s8 =	simm.s32 $0x0;
	[tilespmem:s5+$0x12260] =	vst v9;
	v9 =	vmov s7;
	v11 =	vand.u32 $0x3F, v11  }
0x297: {  	s6 =	sadd.s32 @!p0 $0x480, s15;
	s7 =	simm.s32 @!p0 $0xE180;
	[tilespmem:s5+$0x12270] =	vst v10;
	s5 =	simm.s32 @!p0 $0x80;
	v10 =	vor.u32 v9, v11  }
0x298: {  	v13 =	vadd.s32 s8, v0;
	v12 =	vor.u32 v4, v11;
	[tilespmem:s7], [sflag:$0x6] =	stream.indirect.gather @!p0 [hbm4b:s3+s5], $0x40, s6, s5, $0xb8;
	[tilespmem:$0x16200] =	vst v63  }
0x299: {  	v13 =	vand.u32 $0x3F, v13;
	v14 =	vor.u32 v8, v11;
	_ =	swait.ge [sflag:s1], $0x2000  }
0x29a: {  	v15 =	vor.u32 v9, v13;
	[sflag:s1] =	ssyncset.done $0x0  }
0x29b: {  	v16 =	vor.u32 v7, v11;
	[sflag:s1] =	ssyncadd.s32 $0xFFFFE000  }
0x29c: {  	v17 =	vor.u32 v1, v13;
	v10 =	vld.idx.msk [tilespmem:v10+s16+$0x0], $0xffff  }
0x29d: {  	v18 =	vor.u32 v3, v13;
	v19 =	vld.idx.msk [tilespmem:v12+s25+$0x0], $0xffff  }
0x29e: {  	v20 =	vor.u32 v2, v13;
	v14 =	vld.idx.msk [tilespmem:v14+s25+$0x0], $0xffff  }
0x29f: {  	v12 =	vld.idx.msk [tilespmem:v15+s16+$0x0], $0xffff  }
0x2a0: {  	v26 =	vor.u32 v4, v13;
	v16 =	vld.idx.msk [tilespmem:v16+s25+$0x0], $0xffff  }
0x2a1: {  	v27 =	vor.u32 v1, v11;
	v17 =	vld.idx.msk [tilespmem:v17+s25+$0x0], $0xffff  }
0x2a2: {  	v31 =	vor.u32 v7, v13;
	v28 =	vld.idx.msk [tilespmem:v18+s25+$0x0], $0xffff  }
0x2a3: {  	v37 =	vor.u32 v3, v11;
	v63 =	vld.idx.msk [tilespmem:v20+s25+$0x0], $0xffff  }
0x2a4: {  	v22 =	vimm.f32 $0.0e+00;
	v36 =	vor.u32 v6, v13;
	v15 =	vor.u32 v8, v13  }
0x2a5: {  	v24 =	vor.u32 v2, v11;
	v33 =	vor.u32 v5, v11;
	v18 =	vor.u32 v5, v13;
	v29 =	vld.idx.msk [tilespmem:v26+s25+$0x0], $0xffff  }
0x2a6: {  	v20 =	vor.u32 v6, v11;
	v30 =	vld.idx.msk [tilespmem:v27+s25+$0x0], $0xffff;
	v25 =	vsub.f32 v19, v10;
	v21 =	vsub.f32 v14, v10  }
0x2a7: {  	v27 =	vld.idx.msk [tilespmem:v31+s25+$0x0], $0xffff;
	v26 =	vimm.f32 $0.0e+00;
	v13 =	vsub.f32 v16, v10;
	v35 =	vsub.f32 v17, v12  }
0x2a8: {  	v32 =	vld.idx.msk [tilespmem:v37+s25+$0x0], $0xffff;
	v11 =	vimm.f32 $0.0e+00;
	v34 =	vsub.f32 v28, v12;
	v31 =	vsub.f32 v63, v12  }
0x2a9: {  	v23 =	vld.idx.msk [tilespmem:v15+s25+$0x0], $0xffff;
	v19 =	vimm.f32 $0.0e+00;
	v17 =	vimm.f32 $0.0e+00;
	v15 =	vimm.f32 $0.0e+00  }
0x2aa: {  	s5 =	simm.s32 $0x2;
	v28 =	vld.idx.msk [tilespmem:v36+s25+$0x0], $0xffff;
	v16 =	vimm.f32 $0.0e+00;
	v14 =	vimm.f32 $0.0e+00;
	v13 =	vand.u32 $0x7FFFFFFF, v13  }
.LBB2_27:
0x2ab: {  	s6 =	sadd.s32 $0x1, s5  }
0x2ac: {  	p1 =	slt.u32 s5, $0x3E;
	v35 =	vand.u32 $0x7FFFFFFF, v35;
	v25 =	vand.u32 $0x7FFFFFFF, v25;
	v33 =	vld.idx.msk [tilespmem:v33+s25+$0x0], $0xffff;
	v36 =	vand.u32 $0x7FFFFFFF, v21;
	s7 =	smov.u32 s5;
	s5 =	sadd.s32 $0x2, s5  }
0x2ad: {  	v29 =	vsub.f32 v29, v12;
	v21 =	vadd.s32 s6, v0;
	v22 =	vadd.f32 v35, v22;
	v35 =	vld.idx.msk [tilespmem:v18+s25+$0x0], $0xffff  }
0x2ae: {  	v18 =	vand.u32 $0x7FFFFFFF, v34;
	v37 =	vand.u32 $0x3F, v21;
	v21 =	vsub.f32 v30, v10;
	v24 =	vld.idx.msk [tilespmem:v24+s25+$0x0], $0xffff  }
0x2af: {  	v30 =	vor.u32 v9, v37;
	v34 =	vor.u32 v4, v37;
	v38 =	vor.u32 v7, v37  }
0x2b0: {  	v31 =	vand.u32 $0x7FFFFFFF, v31;
	v29 =	vand.u32 $0x7FFFFFFF, v29;
	v39 =	vor.u32 v8, v37  }
0x2b1: {  	v27 =	vsub.f32 v27, v12;
	v21 =	vand.u32 $0x7FFFFFFF, v21;
	v32 =	vsub.f32 v32, v10  }
0x2b2: {  	v41 =	vsub.f32 v23, v12;
	v40 =	vadd.s32 s7, v0;
	v28 =	vsub.f32 v28, v12  }
0x2b3: {  	v23 =	vand.u32 $0x3F, v40;
	v26 =	vadd.f32 v18, v26;
	v18 =	vsub.f32 v33, v10;
	v20 =	vld.idx.msk [tilespmem:v20+s25+$0x0], $0xffff  }
0x2b4: {  	v40 =	vor.u32 v1, v23;
	v33 =	vor.u32 v9, v23;
	v42 =	vsub.f32 v24, v10;
	v30 =	vld.idx.msk [tilespmem:v30+s16+$0x0], $0xffff  }
0x2b5: {  	v43 =	vor.u32 v2, v23;
	v24 =	vor.u32 v3, v23;
	v44 =	vand.u32 $0x7FFFFFFF, v18;
	v34 =	vld.idx.msk [tilespmem:v34+s25+$0x0], $0xffff  }
0x2b6: {  	v45 =	vor.u32 v4, v23;
	v32 =	vand.u32 $0x7FFFFFFF, v32;
	v18 =	vor.u32 v5, v23  }
0x2b7: {  	v46 =	vor.u32 v6, v23;
	v27 =	vand.u32 $0x7FFFFFFF, v27;
	v22 =	vadd.f32 v21, v22  }
0x2b8: {  	v19 =	vadd.f32 v31, v19;
	v47 =	vor.u32 v7, v23;
	v28 =	vand.u32 $0x7FFFFFFF, v28;
	v21 =	vld.idx.msk [tilespmem:v39+s25+$0x0], $0xffff  }
0x2b9: {  	v17 =	vadd.f32 v28, v17;
	v23 =	vor.u32 v8, v23;
	v31 =	vld.idx.msk [tilespmem:v33+s16+$0x0], $0xffff;
	v33 =	vsub.f32 v20, v10  }
0x2ba: {  	v15 =	vadd.f32 v29, v15;
	v16 =	vadd.f32 v27, v16;
	v28 =	vor.u32 v1, v37;
	v38 =	vld.idx.msk [tilespmem:v38+s25+$0x0], $0xffff  }
0x2bb: {  	v12 =	vsub.f32 v35, v12;
	v39 =	vor.u32 v3, v37;
	v10 =	vmovc v30;
	v27 =	vld.idx.msk [tilespmem:v40+s25+$0x0], $0xffff;
	v20 =	vand.u32 $0x7FFFFFFF, v33  }
0x2bc: {  	v15 =	vadd.f32 v25, v15;
	v40 =	vld.idx.msk [tilespmem:v24+s25+$0x0], $0xffff;
	v24 =	vor.u32 v2, v37;
	v17 =	vadd.f32 v20, v17  }
0x2bd: {  	v16 =	vadd.f32 v13, v16;
	v12 =	vand.u32 $0x7FFFFFFF, v12;
	v20 =	vor.u32 v6, v37;
	v43 =	vld.idx.msk [tilespmem:v43+s25+$0x0], $0xffff  }
0x2be: {  	v13 =	vand.u32 $0x7FFFFFFF, v42;
	v25 =	vsub.f32 v34, v10;
	v21 =	vsub.f32 v21, v10;
	v23 =	vld.idx.msk [tilespmem:v23+s25+$0x0], $0xffff  }
.Ltmp14:
0x2bf: {  	v14 =	vadd.f32 v12, v14;
	v19 =	vadd.f32 v13, v19;
	v33 =	vor.u32 v5, v37;
	v29 =	vld.idx.msk [tilespmem:v45+s25+$0x0], $0xffff;
	(pc) =	sbr.rel @p1 .LBB2_27-.Ltmp14, $4  }
0x2c0: {  	v26 =	vadd.f32 v32, v26;
	v12 =	vmovc v31;
	v13 =	vsub.f32 v38, v10;
	v30 =	vld.idx.msk [tilespmem:v28+s25+$0x0], $0xffff;
	v28 =	vand.u32 $0x7FFFFFFF, v41  }
0x2c1: {  	v35 =	vsub.f32 v27, v12;
	v27 =	vld.idx.msk [tilespmem:v47+s25+$0x0], $0xffff;
	v11 =	vadd.f32 v28, v11  }
0x2c2: {  	v14 =	vadd.f32 v44, v14;
	v34 =	vsub.f32 v40, v12;
	v28 =	vld.idx.msk [tilespmem:v46+s25+$0x0], $0xffff  }
0x2c3: {  	v13 =	vand.u32 $0x7FFFFFFF, v13;
	v31 =	vsub.f32 v43, v12;
	v32 =	vld.idx.msk [tilespmem:v39+s25+$0x0], $0xffff;
	v11 =	vadd.f32 v36, v11  }
0x2c4: {  	_ =	sdelay $0x3  }
0x2c5: {  	v9 =	vand.u32 $0x7FFFFFFF, v35;
	v33 =	vld.idx.msk [tilespmem:v33+s25+$0x0], $0xffff;
	v50 =	vsub.f32 v29, v12  }
0x2c6: {  	v49 =	vld.idx.msk [tilespmem:v24+s25+$0x0], $0xffff;
	v52 =	vand.u32 $0x7FFFFFFF, v34;
	v23 =	vsub.f32 v23, v12;
	v9 =	vadd.f32 v9, v22  }
0x2c7: {  	v18 =	vld.idx.msk [tilespmem:v18+s25+$0x0], $0xffff;
	v51 =	vsub.f32 v30, v10;
	v31 =	vand.u32 $0x7FFFFFFF, v31;
	v26 =	vadd.f32 v52, v26  }
0x2c8: {  	v20 =	vld.idx.msk [tilespmem:v20+s25+$0x0], $0xffff;
	v27 =	vsub.f32 v27, v12;
	v24 =	vand.u32 $0x7FFFFFFF, v50;
	v19 =	vadd.f32 v31, v19  }
0x2c9: {  	v61 =	vand.u32 $0x7FFFFFFF, v23;
	v28 =	vsub.f32 v28, v12;
	v15 =	vadd.f32 v24, v15  }
0x2ca: {  	v29 =	vand.u32 $0x7FFFFFFF, v51;
	v11 =	vadd.f32 v61, v11;
	v32 =	vsub.f32 v32, v10  }
0x2cb: {  	v55 =	vand.u32 $0x7FFFFFFF, v25;
	v9 =	vadd.f32 v29, v9;
	v53 =	vsub.f32 v33, v10  }
0x2cc: {  	v27 =	vand.u32 $0x7FFFFFFF, v27;
	v22 =	vsub.f32 v49, v10;
	v54 =	vsub.f32 v18, v12  }
0x2cd: {  	v28 =	vand.u32 $0x7FFFFFFF, v28;
	v10 =	vsub.f32 v20, v10;
	v16 =	vadd.f32 v27, v16  }
0x2ce: {  	v15 =	vadd.f32 v55, v15;
	v17 =	vadd.f32 v28, v17  }
0x2cf: {  	v57 =	vand.u32 $0x7FFFFFFF, v32;
	v9 =	vsub.f32 $2.400000000e+01, v9;
	v12 =	vand.u32 $0x7FFFFFFF, v54  }
0x2d0: {  	s4 =	sshll.u32 s4, $0x7;
	v56 =	vand.u32 $0x7FFFFFFF, v22;
	v59 =	vadd.f32 v57, v26;
	v62 =	vsub.f32 $2.400000000e+01, v15  }
0x2d1: {  	s4 =	sand.u32 $0x3FFFFF80, s4;
	v10 =	vand.u32 $0x7FFFFFFF, v10;
	v12 =	vadd.f32 v12, v14;
	v58 =	vadd.f32 v56, v19  }
0x2d2: {  	v60 =	vand.u32 $0x7FFFFFFF, v53;
	v10 =	vadd.f32 v10, v17;
	[tilespmem:s4+$0x12200] =	vst v9;
	v9 =	vsub.f32 $2.400000000e+01, v59  }
0x2d3: {  	v63 =	vand.u32 $0x7FFFFFFF, v21;
	[tilespmem:s4+$0x12230] =	vst v62;
	v14 =	vsub.f32 $2.400000000e+01, v58;
	v12 =	vadd.f32 v60, v12  }
0x2d4: {  	v11 =	vadd.f32 v63, v11;
	v10 =	vsub.f32 $2.400000000e+01, v10;
	[tilespmem:s4+$0x12220] =	vst v9  }
.Ltmp15:
0x2d5: {  	v13 =	vadd.f32 v13, v16;
	[tilespmem:s4+$0x12210] =	vst v14;
	v9 =	vsub.f32 $2.400000000e+01, v12;
	(pc) =	sbr.rel @p0 .LBB2_30-.Ltmp15, $4  }
0x2d6: {  	[tilespmem:s4+$0x12250] =	vst v10;
	v10 =	vsub.f32 $2.400000000e+01, v11  }
0x2d7: {  	[tilespmem:s4+$0x12240] =	vst v9;
	v9 =	vsub.f32 $2.400000000e+01, v13  }
0x2d8: {  	[tilespmem:s4+$0x12270] =	vst v10  }
0x2d9: {  	[tilespmem:s4+$0x12260] =	vst v9  }
.Ltmp16:
0x2da: {  	(pc) =	sbr.rel .LBB2_20-.Ltmp16, $3  }
0x2db: {  	_ =	sdelay $0x1  }
0x2dc: {  	s4 =	sadd.s32 $0x500, s20;
	s17 =	sadd.s32 $0x1, s17  }
0x2dd: {  	[tilespmem:s25], [sflag:$0x7] =	stream.indirect.gather [hbm4b:s3+s13], $0x40, s4, s13, $0xb8;
	[tilespmem:$0x16200] =	vst v63  }
.LBB2_31:
0x2de: {  	_ =	sfence.sel $0x180000  }
0x2df: {  	[bflag:$0x0] =	sbarrier.arrive $0xFFFF  }
0x2e0: {  	_ =	strace $0x9000004A  }
0x2e1: {  	s0 =	stileid.u32;
	[bflag:$0x2] =	sbarrier.arrive $0xFFFF  }
0x2e2: {  	p0 =	sne.s32 s0, $0x0;
	s0 =	rddreg [dreg:$0x7]  }
0x2e3: {  	s0 =	sadd.s32 @!p0 $0x100000, s0  }
0x2e4: {  	[sflag:s0] =	ssyncadd.tile.s32 @!p0 $0x1;
	_ =	shalt  }
.Lfunc_end2:
_tile_overlayer_lowered:
.L_overlay_start_2:
0x2e5: {  	(tag) =	ssettag $0x2  }
0x2e6: {  	s0 =	rddreg [dreg:$0x0];
	s2 =	stileid.u32  }
0x2e7: {  	s1 =	rddreg [dreg:$0x1];
	p0 =	sne.s32 s2, $0x0  }
0x2e8: {  	s3 =	rddreg [dreg:$0x2];
	[bflag:$0x3] =	sbarrier.arrive $0xFFFF;
	s2 =	simm.s32 @!p0 $0x1C08  }
0x2e9: {  	[timem:s3], [sflag:s2] =	dma.local @!p0 [hbm:s0], s1  }
0x2ea: {  	s0 =	simm.s32 @!p0 $0x8  }
0x2eb: {  	_ =	swait.ge @!p0 [sflag:s0], s1  }
0x2ec: {  	s1 =	ssub.s32 @!p0 $0x0, s1;
	[sflag:s0] =	ssyncset.done @!p0 $0x0  }
0x2ed: {  	[sflag:s0] =	ssyncadd.s32 @!p0 s1  }
0x2ee: {  	[bflag:$0x3] =	sbarrier.arrive $0xFFFF  }
0x2ef: {  	_ =	shalt  }

</sc_bundles>
